<compile_context>
chip_gen: v7x
topology: tpu7x:2x2x1
jax: 0.10.2.dev20260603
libtpu: 0.0.44.dev20260713+nightly
codegen_flags: <defaults>
</compile_context>

<pallas_src>
import functools

import jax
import jax.numpy as jnp
from jax import lax
from jax.experimental import pallas as pl
from jax.experimental.pallas import tpu as pltpu
from jax.experimental.pallas import tpu_sc as plsc

E_TOTAL = 320000
C_FEAT = 128
K_KEEP = 160000
ROWS2D = E_TOTAL // 128
ROWS_PAD = 2560
BLK_ROWS = 80
N_BLK = ROWS_PAD // BLK_ROWS


def _score_body(x_ref, o_ref):
    w = pl.program_id(0)
    xb = x_ref[...]
    s = jnp.sum(xb * xb, axis=-1)
    rows = w * BLK_ROWS + lax.broadcasted_iota(jnp.int32, (BLK_ROWS, 128), 0)
    o_ref[...] = jnp.where(rows < ROWS2D, jnp.sqrt(s), jnp.float32(-1.0))


def _scores(x):
    x3 = x.reshape(ROWS2D, 128, C_FEAT)
    sc = pl.pallas_call(
        _score_body,
        grid=(N_BLK,),
        in_specs=[pl.BlockSpec((BLK_ROWS, 128, C_FEAT), lambda i: (i, 0, 0))],
        out_specs=pl.BlockSpec((BLK_ROWS, 128), lambda i: (i, 0)),
        out_shape=jax.ShapeDtypeStruct((ROWS2D, 128), jnp.float32),
    )(x3)
    return jnp.pad(sc, ((0, ROWS_PAD - ROWS2D), (0, 0)), constant_values=-1.0)


def _select_body(sf_ref, sb_ref, remap_ref, base_ref, sm):
    w = pl.program_id(0)

    @pl.when(w == 0)
    def _search():
        u = sf_ref[...].view(jnp.int32)

        def step(i, v):
            cand = v | lax.shift_left(1, 30 - i)
            cnt = jnp.sum((u >= cand).astype(jnp.int32))
            return jnp.where(cnt >= K_KEEP, cand, v)

        thr = lax.fori_loop(0, 31, step, jnp.int32(0))
        n_gt = jnp.sum((u > thr).astype(jnp.int32))
        sm[0] = thr
        sm[1] = K_KEEP - n_gt
        sm[2] = 0
        sm[3] = 0

    thr = sm[0]
    quota = sm[2] * 0 + sm[1]
    eqc = sm[2]
    kc = sm[3]

    u = sb_ref[...].view(jnp.int32)
    gt = u > thr
    eq = u == thr

    rr = lax.broadcasted_iota(jnp.int32, (BLK_ROWS, BLK_ROWS), 0)
    cc = lax.broadcasted_iota(jnp.int32, (BLK_ROWS, BLK_ROWS), 1)
    sl80 = (cc < rr).astype(jnp.float32)
    r2 = lax.broadcasted_iota(jnp.int32, (128, 128), 0)
    c2 = lax.broadcasted_iota(jnp.int32, (128, 128), 1)
    su = (r2 < c2).astype(jnp.float32)
    ones = jnp.ones((128, 128), jnp.float32)

    def excl_prefix(m_f32, carry_f32):
        within = jnp.dot(m_f32, su, preferred_element_type=jnp.float32)
        rowtot = jnp.dot(m_f32, ones, preferred_element_type=jnp.float32)
        above = jnp.dot(sl80, rowtot, preferred_element_type=jnp.float32)
        return within + above + carry_f32

    eqf = eq.astype(jnp.float32)
    eq_excl = excl_prefix(eqf, eqc.astype(jnp.float32))
    kept = gt | (eq & (eq_excl < quota.astype(jnp.float32)))
    keptf = kept.astype(jnp.float32)
    nid = excl_prefix(keptf, kc.astype(jnp.float32))

    remap_ref[...] = jnp.where(kept, nid.astype(jnp.int32), jnp.int32(-1))
    base_ref[0, 0, 0] = kc
    sm[2] = eqc + jnp.sum(eqf).astype(jnp.int32)
    sm[3] = kc + jnp.sum(keptf).astype(jnp.int32)


def _select(sp):
    remap2d, base = pl.pallas_call(
        _select_body,
        grid=(N_BLK,),
        in_specs=[
            pl.BlockSpec((ROWS_PAD, 128), lambda w: (0, 0)),
            pl.BlockSpec((BLK_ROWS, 128), lambda w: (w, 0)),
        ],
        out_specs=[
            pl.BlockSpec((BLK_ROWS, 128), lambda w: (w, 0)),
            pl.BlockSpec(memory_space=pltpu.SMEM, block_shape=(1, 1, 1),
                         index_map=lambda w: (w, 0, 0)),
        ],
        out_shape=[
            jax.ShapeDtypeStruct((ROWS_PAD, 128), jnp.int32),
            jax.ShapeDtypeStruct((N_BLK, 1, 1), jnp.int32),
        ],
        scratch_shapes=[pltpu.SMEM((4,), jnp.int32)],
    )(sp, sp)
    return remap2d, base


CHUNK = BLK_ROWS * 128
GRPS = CHUNK // 128
_IOTA16 = functools.partial(lax.broadcasted_iota, jnp.int32, (16,), 0)


def _extract(vec16, lane):
    return jnp.sum(jnp.where(_IOTA16() == lane, vec16, 0))


def _sc_pool(x, nbr_flat, remap_pad, base32):
    info = plsc.get_sparse_core_info()
    nc = info.num_cores

    mesh = plsc.VectorSubcoreMesh(core_axis_name="c", subcore_axis_name="s")

    @functools.partial(
        pl.kernel,
        mesh=mesh,
        compiler_params=pltpu.CompilerParams(needs_layout_passes=False, use_tc_tiling_on_sc=True),
        out_type=[
            jax.ShapeDtypeStruct((K_KEEP, C_FEAT), jnp.float32),
            jax.ShapeDtypeStruct((K_KEEP,), jnp.int32),
            jax.ShapeDtypeStruct((K_KEEP,), jnp.int32),
            jax.ShapeDtypeStruct((K_KEEP,), jnp.int32),
            jax.ShapeDtypeStruct((K_KEEP,), jnp.int32),
        ],
        scratch_types=[
            pltpu.VMEM((CHUNK,), jnp.int32),
            pltpu.VMEM((40, 128), jnp.int32),
            pltpu.VMEM((32,), jnp.int32),
            pltpu.VMEM((2, 128, C_FEAT), jnp.float32),
            pltpu.VMEM((1024,), jnp.int32),
            pltpu.VMEM((1024,), jnp.int32),
            pltpu.VMEM((1024,), jnp.int32),
            pltpu.VMEM((8, 128), jnp.int32),
            pltpu.SemaphoreType.DMA((2,)),
            pltpu.SemaphoreType.DMA((2,)),
            pltpu.SemaphoreType.DMA((2,)),
        ],
    )
    def k(x_hbm, nbr_hbm, remap_hbm, base_hbm,
          outx, o0, o1, o2, o3, remap_v, olist, base_v, xbuf,
          eidx, nv, rv, fv, sa, sb, sc):
        wid = lax.axis_index("s") * nc + lax.axis_index("c")
        t0 = wid * 5120
        q = jnp.where(wid == 31, jnp.int32(K_KEEP - 31 * 5120), jnp.int32(5120))
        tend = t0 + q
        ng = q >> 7

        pltpu.sync_copy(base_hbm, base_v)
        iota = _IOTA16()
        b0 = base_v[pl.ds(0, 16)]
        b1 = base_v[pl.ds(16, 16)]
        c_start = (jnp.sum((b0 <= t0).astype(jnp.int32))
                   + jnp.sum((b1 <= t0).astype(jnp.int32)) - 1)
        c_end = (jnp.sum((b0 < tend).astype(jnp.int32))
                 + jnp.sum((b1 < tend).astype(jnp.int32)) - 1)

        def chunk_step(cc, _):
            pltpu.sync_copy(remap_hbm.at[pl.ds(cc * CHUNK, CHUNK)], remap_v)

            def comp(j, _):
                v = remap_v[pl.ds(j * 16, 16)]
                ids = cc * CHUNK + j * 16 + iota
                mask = (v >= t0) & (v < tend)
                d = jnp.clip(v - t0, 0, q - 1)
                plsc.store_scatter(olist, [d >> 7, d & 127], ids, mask=mask)
                return 0

            lax.fori_loop(0, CHUNK // 16, comp, 0)
            return 0

        lax.fori_loop(c_start, c_end + 1, chunk_step, 0)

        outs = (o0, o1, o2, o3)

        def a_copies(g):
            b = g & 1
            yield x_hbm.at[olist.at[g]], xbuf.at[b], sa.at[b]
            yield (nbr_hbm.at[eidx.at[pl.ds(b * 512, 512)]],
                   nv.at[pl.ds(b * 512, 512)], sa.at[b])

        def build_eidx(g):
            b = g & 1
            for kk in range(32):
                pp = kk * 16 + iota
                v = plsc.load_gather(olist, [jnp.broadcast_to(g, (16,)),
                                             pp >> 2])
                eidx[pl.ds(b * 512 + kk * 16, 16)] = v * 4 + (pp & 3)

        def b_copies(g):
            b = g & 1
            yield (xbuf.at[b],
                   outx.at[pl.ds(t0 + g * 128, 128), :], sb.at[b])
            yield (remap_hbm.at[nv.at[pl.ds(b * 512, 512)]],
                   rv.at[pl.ds(b * 512, 512)], sb.at[b])

        def c_copies(g):
            b = g & 1
            for t in range(4):
                yield (fv.at[b * 4 + t],
                       outs[t].at[pl.ds(t0 + g * 128, 128)], sc.at[b])

        def fire(copies):
            for s, d, sm_ in copies:
                pltpu.async_copy(s, d, sm_)

        def drain(copies):
            for s, d, sm_ in copies:
                pltpu.make_async_copy(s, d, sm_).wait()

        def fix(g):
            b = g & 1
            for t in range(4):
                for rr in range(8):
                    rows = rr * 16 + iota
                    r = plsc.load_gather(rv, [b * 512 + rows * 4 + t])
                    self_id = t0 + g * 128 + rows
                    plsc.store_scatter(
                        fv, [jnp.broadcast_to(b * 4 + t, (16,)), rows],
                        jnp.where(r < 0, self_id, r))

        def pipe(i, _):
            j2 = i - 2
            j1 = i - 1

            @pl.when((j2 >= 0) & (j2 < ng))
            def _complete():
                drain(b_copies(j2))

                @pl.when(j2 >= 2)
                def _():
                    drain(c_copies(j2 - 2))

                fix(j2)
                fire(c_copies(j2))

            @pl.when((j1 >= 0) & (j1 < ng))
            def _mid():
                drain(a_copies(j1))
                fire(b_copies(j1))

            @pl.when(i < ng)
            def _head():
                build_eidx(i)
                fire(a_copies(i))

            return 0

        lax.fori_loop(0, ng + 2, pipe, 0)

        @pl.when(ng >= 2)
        def _():
            drain(c_copies(ng - 2))

        @pl.when(ng >= 1)
        def _():
            drain(c_copies(ng - 1))

    return k(x, nbr_flat, remap_pad, base32)


@jax.jit
def kernel(x, neighbor_idx):
    scores2d = _scores(x)
    remap2d, base = _select(scores2d)
    remap_pad = remap2d.reshape(-1)
    outx, o0, o1, o2, o3 = _sc_pool(x, neighbor_idx.reshape(-1), remap_pad,
                                    base.reshape(N_BLK))
    nbr = jnp.stack([o0, o1, o2, o3], axis=1)
    return (outx, nbr)

# --- scband reference (transcript-rebuilt; emitter-appended) ---
"""Pipeline reference for scband-mesh-pool-28570122453855 (READ-ONLY COPY).

The authoritative reference and input builder live on the scoring server;
editing this copy changes nothing except your own understanding.
"""

import jax, jax.numpy as jnp
import numpy as np

E = 320000
C = 128
TARGET_EDGES = 160000


def setup_inputs(seed: int = 0) -> dict:
    key = jax.random.key(seed)
    k1, k2 = jax.random.split(key)
    x = jax.random.normal(k1, (E, C), dtype=jnp.float32)
    neighbor_idx = jax.random.randint(k2, (E, 4), 0, E, dtype=jnp.int32)
    return {"x": x, "neighbor_idx": neighbor_idx}


def reference(x, neighbor_idx):
    E_ = x.shape[0]
    if E_ <= TARGET_EDGES:
        return (x, neighbor_idx)
    # edge importance scores: L2 norm of features
    scores = jnp.linalg.norm(x, axis=1)
    # keep the TARGET_EDGES highest-scoring edges (argsort descending)
    keep_idx = jnp.argsort(-scores)[:TARGET_EDGES]
    keep_idx_sorted = jnp.sort(keep_idx)
    # gather pooled features
    x_pooled = jnp.take(x, keep_idx_sorted, axis=0)
    # build remap table: old edge id -> new edge id, -1 for collapsed edges
    remap = jnp.full((E_,), -1, dtype=jnp.int32)
    remap = remap.at[keep_idx_sorted].set(jnp.arange(TARGET_EDGES, dtype=jnp.int32))
    # remap neighbor indices of kept edges (clamp like torch .clamp(0, E-1))
    gathered_nbrs = jnp.take(neighbor_idx, keep_idx_sorted, axis=0)
    neighbors_remapped = jnp.take(remap, jnp.clip(gathered_nbrs, 0, E_ - 1), axis=0)
    # replace references to collapsed edges with self-loops
    self_idx = jnp.broadcast_to(
        jnp.arange(TARGET_EDGES, dtype=jnp.int32)[:, None], neighbors_remapped.shape
    )
    neighbors_remapped = jnp.where(neighbors_remapped < 0, self_idx, neighbors_remapped)
    return (x_pooled, neighbors_remapped)

if __name__ == "__main__":
    import jax
    _d = setup_inputs()
    print(jax.jit(kernel)(*tuple(_d.values())))

</pallas_src>

<mosaic_0001>
#map = affine_map<(d0, d1) -> (0, 0)>
#map1 = affine_map<(d0, d1) -> (0)>
module attributes {stable_mosaic.version = 14 : i64} {
  func.func @k(%arg0: i32, %arg1: i32, %arg2: memref<320000x128xf32, #tpu.memory_space<hbm>>, %arg3: memref<1280000xi32, #tpu.memory_space<hbm>>, %arg4: memref<327680xi32, #tpu.memory_space<hbm>>, %arg5: memref<32xi32, #tpu.memory_space<hbm>>, %arg6: memref<160000x128xf32, #tpu.memory_space<hbm>>, %arg7: memref<160000xi32, #tpu.memory_space<hbm>>, %arg8: memref<160000xi32, #tpu.memory_space<hbm>>, %arg9: memref<160000xi32, #tpu.memory_space<hbm>>, %arg10: memref<160000xi32, #tpu.memory_space<hbm>>, %arg11: memref<10240xi32, #tpu.memory_space<vmem>>, %arg12: memref<40x128xi32, #tpu.memory_space<vmem>>, %arg13: memref<32xi32, #tpu.memory_space<vmem>>, %arg14: memref<2x128x128xf32, #tpu.memory_space<vmem>>, %arg15: memref<1024xi32, #tpu.memory_space<vmem>>, %arg16: memref<1024xi32, #tpu.memory_space<vmem>>, %arg17: memref<1024xi32, #tpu.memory_space<vmem>>, %arg18: memref<8x128xi32, #tpu.memory_space<vmem>>, %arg19: memref<2x!tpu.dma_semaphore, #tpu.memory_space<semaphore_mem>>, %arg20: memref<2x!tpu.dma_semaphore, #tpu.memory_space<semaphore_mem>>, %arg21: memref<2x!tpu.dma_semaphore, #tpu.memory_space<semaphore_mem>>) attributes {dimension_semantics = [#tpu.dimension_semantics<core_parallel>, #tpu.dimension_semantics<subcore_parallel>], iteration_bounds = array<i64: 2, 16>, scalar_prefetch = 0 : i64, scratch_operands = 11 : i64, tpu.core_type = #tpu.core_type<sc_vector_subcore>, window_params = [{transform_indices = #map}, {transform_indices = #map1}, {transform_indices = #map1}, {transform_indices = #map1}, {transform_indices = #map}, {transform_indices = #map1}, {transform_indices = #map1}, {transform_indices = #map1}, {transform_indices = #map1}]} {
    %mul3A = arith.constant 2 : i32
    %mul3A_0 = arith.muli %arg1, %mul3A : i32
    %add3A = arith.addi %mul3A_0, %arg0 : i32
    %mul3A_1 = arith.constant 5120 : i32
    %mul3A_2 = arith.muli %add3A, %mul3A_1 : i32
    %eq3A = arith.constant 31 : i32
    %eq3A_3 = arith.cmpi eq, %add3A, %eq3A : i32
    %jit3A = arith.constant 1280 : i32
    %jit3A_4 = arith.constant 5120 : i32
    %select_n3A = arith.select %eq3A_3, %jit3A, %jit3A_4 : i32
    %add3A_5 = arith.addi %mul3A_2, %select_n3A : i32
    %shift_right_arithmetic3A = arith.constant 7 : i32
    %shift_right_arithmetic3A_6 = arith.shrsi %select_n3A, %shift_right_arithmetic3A : i32
    "tpu.region"() ({
      %run_scoped3A = tpu.sem_alloc : memref<!tpu.dma_semaphore, #tpu.memory_space<semaphore_mem>>
      tpu.enqueue_dma source(%arg5 : memref<32xi32, #tpu.memory_space<hbm>>) target(%arg13 : memref<32xi32, #tpu.memory_space<vmem>>) target_semaphore(%run_scoped3A : memref<!tpu.dma_semaphore, #tpu.memory_space<semaphore_mem>>)
      tpu.wait_dma2 semaphore(%run_scoped3A : memref<!tpu.dma_semaphore, #tpu.memory_space<semaphore_mem>>) src(%arg5 : memref<32xi32, #tpu.memory_space<hbm>>) dst(%arg13 : memref<32xi32, #tpu.memory_space<vmem>>)
      tpu.yield
    }) : () -> ()
    %iota3A = tpu.iota {dimensions = array<i32: 0>} : vector<16xi32>
    %get3A = arith.constant 0 : index
    %get3A_7 = tpu.vector_load %arg13[%get3A] {strides = array<i32>} : memref<32xi32, #tpu.memory_space<vmem>>, vector<16xi32>,
    %get3A_8 = arith.constant 16 : index
    %get3A_9 = tpu.vector_load %arg13[%get3A_8] {strides = array<i32>} : memref<32xi32, #tpu.memory_space<vmem>>, vector<16xi32>,
    %le3A = vector.broadcast %mul3A_2 : i32 to vector<16xi32>
    %le3A_10 = arith.cmpi sle, %get3A_7, %le3A : vector<16xi32>
    %convert_element_type3A = arith.extui %le3A_10 : vector<16xi1> to vector<16xi32>
    %reduce_sum3A = arith.constant true
    %reduce_sum3A_11 = vector.broadcast %reduce_sum3A : i1 to vector<16xi1>
    %reduce_sum3A_12 = tpu.scan <sum>, %convert_element_type3A masked %reduce_sum3A_11 : vector<16xi32>, vector<16xi1> -> vector<16xi32>
    %reduce_sum3A_13 = vector.extract %reduce_sum3A_12[15] : i32 from vector<16xi32>
    %le3A_14 = vector.broadcast %mul3A_2 : i32 to vector<16xi32>
    %le3A_15 = arith.cmpi sle, %get3A_9, %le3A_14 : vector<16xi32>
    %convert_element_type3A_16 = arith.extui %le3A_15 : vector<16xi1> to vector<16xi32>
    %reduce_sum3A_17 = arith.constant true
    %reduce_sum3A_18 = vector.broadcast %reduce_sum3A_17 : i1 to vector<16xi1>
    %reduce_sum3A_19 = tpu.scan <sum>, %convert_element_type3A_16 masked %reduce_sum3A_18 : vector<16xi32>, vector<16xi1> -> vector<16xi32>
    %reduce_sum3A_20 = vector.extract %reduce_sum3A_19[15] : i32 from vector<16xi32>
    %add3A_21 = arith.addi %reduce_sum3A_13, %reduce_sum3A_20 : i32
    %sub3A = arith.constant 1 : i32
    %sub3A_22 = arith.subi %add3A_21, %sub3A : i32
    %lt3A = vector.broadcast %add3A_5 : i32 to vector<16xi32>
    %lt3A_23 = arith.cmpi slt, %get3A_7, %lt3A : vector<16xi32>
    %convert_element_type3A_24 = arith.extui %lt3A_23 : vector<16xi1> to vector<16xi32>
    %reduce_sum3A_25 = arith.constant true
    %reduce_sum3A_26 = vector.broadcast %reduce_sum3A_25 : i1 to vector<16xi1>
    %reduce_sum3A_27 = tpu.scan <sum>, %convert_element_type3A_24 masked %reduce_sum3A_26 : vector<16xi32>, vector<16xi1> -> vector<16xi32>
    %reduce_sum3A_28 = vector.extract %reduce_sum3A_27[15] : i32 from vector<16xi32>
    %lt3A_29 = vector.broadcast %add3A_5 : i32 to vector<16xi32>
    %lt3A_30 = arith.cmpi slt, %get3A_9, %lt3A_29 : vector<16xi32>
    %convert_element_type3A_31 = arith.extui %lt3A_30 : vector<16xi1> to vector<16xi32>
    %reduce_sum3A_32 = arith.constant true
    %reduce_sum3A_33 = vector.broadcast %reduce_sum3A_32 : i1 to vector<16xi1>
    %reduce_sum3A_34 = tpu.scan <sum>, %convert_element_type3A_31 masked %reduce_sum3A_33 : vector<16xi32>, vector<16xi1> -> vector<16xi32>
    %reduce_sum3A_35 = vector.extract %reduce_sum3A_34[15] : i32 from vector<16xi32>
    %add3A_36 = arith.addi %reduce_sum3A_28, %reduce_sum3A_35 : i32
    %sub3A_37 = arith.constant 1 : i32
    %sub3A_38 = arith.subi %add3A_36, %sub3A_37 : i32
    %add3A_39 = arith.constant 1 : i32
    %add3A_40 = arith.addi %sub3A_38, %add3A_39 : i32
    %while3A = arith.constant 0 : i32
    %while3A_41 = arith.subi %add3A_40, %sub3A_22 : i32
    %while3A_42 = arith.addi %sub3A_22, %while3A_41 : i32
    %while3A_43 = arith.constant 1 : i32
    %while3A_44 = arith.divsi %while3A_41, %while3A_43 : i32
    %while3A_45 = arith.muli %while3A_44, %while3A_43 : i32
    %while3A_46 = arith.addi %sub3A_22, %while3A_45 : i32
    %while3A_47 = arith.constant 1 : i32
    %while3A_48 = scf.for %while3A_73 = %sub3A_22 to %while3A_46 step %while3A_47 iter_args(%while3A_74 = %while3A) -> (i32)  : i32 {
      %mul3A_75 = arith.constant 10240 : i32
      %mul3A_76 = arith.muli %while3A_73, %mul3A_75 : i32
      "tpu.region"() ({
        %run_scoped3A = tpu.sem_alloc : memref<!tpu.dma_semaphore, #tpu.memory_space<semaphore_mem>>
        %dma_start3A = tpu.memref_slice %arg4[%mul3A_76] : memref<327680xi32, #tpu.memory_space<hbm>> -> memref<10240xi32, #tpu.memory_space<hbm>>
        %dma_start3A_84 = tpu.memref_slice %arg4[%mul3A_76] : memref<327680xi32, #tpu.memory_space<hbm>> -> memref<10240xi32, #tpu.memory_space<hbm>>
        tpu.enqueue_dma source(%dma_start3A_84 : memref<10240xi32, #tpu.memory_space<hbm>>) target(%arg11 : memref<10240xi32, #tpu.memory_space<vmem>>) target_semaphore(%run_scoped3A : memref<!tpu.dma_semaphore, #tpu.memory_space<semaphore_mem>>)
        %dma_wait3A = tpu.memref_slice %arg4[%mul3A_76] : memref<327680xi32, #tpu.memory_space<hbm>> -> memref<10240xi32, #tpu.memory_space<hbm>>
        %dma_wait3A_85 = tpu.memref_slice %arg4[%mul3A_76] : memref<327680xi32, #tpu.memory_space<hbm>> -> memref<10240xi32, #tpu.memory_space<hbm>>
        tpu.wait_dma2 semaphore(%run_scoped3A : memref<!tpu.dma_semaphore, #tpu.memory_space<semaphore_mem>>) src(%dma_wait3A_85 : memref<10240xi32, #tpu.memory_space<hbm>>) dst(%arg11 : memref<10240xi32, #tpu.memory_space<vmem>>)
        tpu.yield
      }) : () -> ()
      %scan3A = arith.constant 0 : i32
      %scan3A_77 = arith.constant 0 : i32
      %scan3A_78 = arith.constant 640 : i32
      %scan3A_79 = arith.addi %scan3A_77, %scan3A_78 : i32
      %scan3A_80 = arith.constant 1 : i32
      %scan3A_81 = scf.for %scan3A_84 = %scan3A_77 to %scan3A_79 step %scan3A_80 iter_args(%scan3A_85 = %scan3A) -> (i32)  : i32 {
        %mul3A_86 = arith.constant 16 : i32
        %mul3A_87 = arith.muli %scan3A_84, %mul3A_86 : i32
        %get3A_88 = arith.index_cast %mul3A_87 : i32 to index
        %get3A_89 = tpu.vector_load %arg11[%get3A_88] {strides = array<i32>} : memref<10240xi32, #tpu.memory_space<vmem>>, vector<16xi32>,
        %mul3A_90 = arith.constant 10240 : i32
        %mul3A_91 = arith.muli %while3A_73, %mul3A_90 : i32
        %mul3A_92 = arith.constant 16 : i32
        %mul3A_93 = arith.muli %scan3A_84, %mul3A_92 : i32
        %add3A_94 = arith.addi %mul3A_91, %mul3A_93 : i32
        %add3A_95 = vector.broadcast %add3A_94 : i32 to vector<16xi32>
        %add3A_96 = arith.addi %add3A_95, %iota3A : vector<16xi32>
        %ge3A_97 = vector.broadcast %mul3A_2 : i32 to vector<16xi32>
        %ge3A_98 = arith.cmpi sge, %get3A_89, %ge3A_97 : vector<16xi32>
        %lt3A_99 = vector.broadcast %add3A_5 : i32 to vector<16xi32>
        %lt3A_100 = arith.cmpi slt, %get3A_89, %lt3A_99 : vector<16xi32>
        %and3A = arith.andi %ge3A_98, %lt3A_100 : vector<16xi1>
        %sub3A_101 = vector.broadcast %mul3A_2 : i32 to vector<16xi32>
        %sub3A_102 = arith.subi %get3A_89, %sub3A_101 : vector<16xi32>
        %sub3A_103 = arith.constant 1 : i32
        %sub3A_104 = arith.subi %select_n3A, %sub3A_103 : i32
        %jit3A_105 = arith.constant 0 : i32
        %max3A = vector.broadcast %jit3A_105 : i32 to vector<16xi32>
        %max3A_106 = arith.maxsi %max3A, %sub3A_102 : vector<16xi32>
        %min3A = vector.broadcast %sub3A_104 : i32 to vector<16xi32>
        %min3A_107 = arith.minsi %min3A, %max3A_106 : vector<16xi32>
        %shift_right_arithmetic3A_108 = arith.constant 7 : i32
        %shift_right_arithmetic3A_109 = vector.broadcast %shift_right_arithmetic3A_108 : i32 to vector<16xi32>
        %shift_right_arithmetic3A_110 = arith.shrsi %min3A_107, %shift_right_arithmetic3A_109 : vector<16xi32>
        %and3A_111 = arith.constant 127 : i32
        %and3A_112 = vector.broadcast %and3A_111 : i32 to vector<16xi32>
        %and3A_113 = arith.andi %min3A_107, %and3A_112 : vector<16xi32>
        tpu.vector_store_idx %arg12[%shift_right_arithmetic3A_110, %and3A_113], %add3A_96 masked %and3A : memref<40x128xi32, #tpu.memory_space<vmem>>[vector<16xi32>, vector<16xi32>], vector<16xi32>, vector<16xi1>
        %scan3A_114 = arith.constant 0 : i32
        scf.yield %scan3A_114 : i32
      }
      %scan3A_82 = arith.constant 640 : i32
      %while3A_83 = arith.constant 0 : i32
      scf.yield %while3A_83 : i32
    }
    %while3A_49 = arith.constant 1 : i32
    %while3A_50 = scf.for %while3A_73 = %while3A_46 to %while3A_42 step %while3A_49 iter_args(%while3A_74 = %while3A_48) -> (i32)  : i32 {
      %mul3A_75 = arith.constant 10240 : i32
      %mul3A_76 = arith.muli %while3A_73, %mul3A_75 : i32
      "tpu.region"() ({
        %run_scoped3A = tpu.sem_alloc : memref<!tpu.dma_semaphore, #tpu.memory_space<semaphore_mem>>
        %dma_start3A = tpu.memref_slice %arg4[%mul3A_76] : memref<327680xi32, #tpu.memory_space<hbm>> -> memref<10240xi32, #tpu.memory_space<hbm>>
        %dma_start3A_84 = tpu.memref_slice %arg4[%mul3A_76] : memref<327680xi32, #tpu.memory_space<hbm>> -> memref<10240xi32, #tpu.memory_space<hbm>>
        tpu.enqueue_dma source(%dma_start3A_84 : memref<10240xi32, #tpu.memory_space<hbm>>) target(%arg11 : memref<10240xi32, #tpu.memory_space<vmem>>) target_semaphore(%run_scoped3A : memref<!tpu.dma_semaphore, #tpu.memory_space<semaphore_mem>>)
        %dma_wait3A = tpu.memref_slice %arg4[%mul3A_76] : memref<327680xi32, #tpu.memory_space<hbm>> -> memref<10240xi32, #tpu.memory_space<hbm>>
        %dma_wait3A_85 = tpu.memref_slice %arg4[%mul3A_76] : memref<327680xi32, #tpu.memory_space<hbm>> -> memref<10240xi32, #tpu.memory_space<hbm>>
        tpu.wait_dma2 semaphore(%run_scoped3A : memref<!tpu.dma_semaphore, #tpu.memory_space<semaphore_mem>>) src(%dma_wait3A_85 : memref<10240xi32, #tpu.memory_space<hbm>>) dst(%arg11 : memref<10240xi32, #tpu.memory_space<vmem>>)
        tpu.yield
      }) : () -> ()
      %scan3A = arith.constant 0 : i32
      %scan3A_77 = arith.constant 0 : i32
      %scan3A_78 = arith.constant 640 : i32
      %scan3A_79 = arith.addi %scan3A_77, %scan3A_78 : i32
      %scan3A_80 = arith.constant 1 : i32
      %scan3A_81 = scf.for %scan3A_84 = %scan3A_77 to %scan3A_79 step %scan3A_80 iter_args(%scan3A_85 = %scan3A) -> (i32)  : i32 {
        %mul3A_86 = arith.constant 16 : i32
        %mul3A_87 = arith.muli %scan3A_84, %mul3A_86 : i32
        %get3A_88 = arith.index_cast %mul3A_87 : i32 to index
        %get3A_89 = tpu.vector_load %arg11[%get3A_88] {strides = array<i32>} : memref<10240xi32, #tpu.memory_space<vmem>>, vector<16xi32>,
        %mul3A_90 = arith.constant 10240 : i32
        %mul3A_91 = arith.muli %while3A_73, %mul3A_90 : i32
        %mul3A_92 = arith.constant 16 : i32
        %mul3A_93 = arith.muli %scan3A_84, %mul3A_92 : i32
        %add3A_94 = arith.addi %mul3A_91, %mul3A_93 : i32
        %add3A_95 = vector.broadcast %add3A_94 : i32 to vector<16xi32>
        %add3A_96 = arith.addi %add3A_95, %iota3A : vector<16xi32>
        %ge3A_97 = vector.broadcast %mul3A_2 : i32 to vector<16xi32>
        %ge3A_98 = arith.cmpi sge, %get3A_89, %ge3A_97 : vector<16xi32>
        %lt3A_99 = vector.broadcast %add3A_5 : i32 to vector<16xi32>
        %lt3A_100 = arith.cmpi slt, %get3A_89, %lt3A_99 : vector<16xi32>
        %and3A = arith.andi %ge3A_98, %lt3A_100 : vector<16xi1>
        %sub3A_101 = vector.broadcast %mul3A_2 : i32 to vector<16xi32>
        %sub3A_102 = arith.subi %get3A_89, %sub3A_101 : vector<16xi32>
        %sub3A_103 = arith.constant 1 : i32
        %sub3A_104 = arith.subi %select_n3A, %sub3A_103 : i32
        %jit3A_105 = arith.constant 0 : i32
        %max3A = vector.broadcast %jit3A_105 : i32 to vector<16xi32>
        %max3A_106 = arith.maxsi %max3A, %sub3A_102 : vector<16xi32>
        %min3A = vector.broadcast %sub3A_104 : i32 to vector<16xi32>
        %min3A_107 = arith.minsi %min3A, %max3A_106 : vector<16xi32>
        %shift_right_arithmetic3A_108 = arith.constant 7 : i32
        %shift_right_arithmetic3A_109 = vector.broadcast %shift_right_arithmetic3A_108 : i32 to vector<16xi32>
        %shift_right_arithmetic3A_110 = arith.shrsi %min3A_107, %shift_right_arithmetic3A_109 : vector<16xi32>
        %and3A_111 = arith.constant 127 : i32
        %and3A_112 = vector.broadcast %and3A_111 : i32 to vector<16xi32>
        %and3A_113 = arith.andi %min3A_107, %and3A_112 : vector<16xi32>
        tpu.vector_store_idx %arg12[%shift_right_arithmetic3A_110, %and3A_113], %add3A_96 masked %and3A : memref<40x128xi32, #tpu.memory_space<vmem>>[vector<16xi32>, vector<16xi32>], vector<16xi32>, vector<16xi1>
        %scan3A_114 = arith.constant 0 : i32
        scf.yield %scan3A_114 : i32
      }
      %scan3A_82 = arith.constant 640 : i32
      %while3A_83 = arith.constant 0 : i32
      scf.yield %while3A_83 : i32
    }
    %add3A_51 = arith.constant 2 : i32
    %add3A_52 = arith.addi %shift_right_arithmetic3A_6, %add3A_51 : i32
    %while3A_53 = arith.constant 0 : i32
    %while3A_54 = arith.constant 0 : i32
    %while3A_55 = arith.subi %add3A_52, %while3A_53 : i32
    %while3A_56 = arith.addi %while3A_53, %while3A_55 : i32
    %while3A_57 = arith.constant 1 : i32
    %while3A_58 = arith.divsi %while3A_55, %while3A_57 : i32
    %while3A_59 = arith.muli %while3A_58, %while3A_57 : i32
    %while3A_60 = arith.addi %while3A_53, %while3A_59 : i32
    %while3A_61 = arith.constant 1 : i32
    %while3A_62 = scf.for %while3A_73 = %while3A_53 to %while3A_60 step %while3A_61 iter_args(%while3A_74 = %while3A_54) -> (i32)  : i32 {
      %sub3A_75 = arith.constant 2 : i32
      %sub3A_76 = arith.subi %while3A_73, %sub3A_75 : i32
      %sub3A_77 = arith.constant 1 : i32
      %sub3A_78 = arith.subi %while3A_73, %sub3A_77 : i32
      %ge3A_79 = arith.constant 0 : i32
      %ge3A_80 = arith.cmpi sge, %sub3A_76, %ge3A_79 : i32
      %lt3A_81 = arith.cmpi slt, %sub3A_76, %shift_right_arithmetic3A_6 : i32
      %and3A = arith.andi %ge3A_80, %lt3A_81 : i1
      %convert_element_type3A_82 = arith.extui %and3A : i1 to i32
      %cond3A_83 = arith.constant 0 : i32
      %cond3A_84 = arith.cmpi ne, %convert_element_type3A_82, %cond3A_83 : i32
      scf.if %cond3A_84 {
        %and3A_97 = arith.constant 1 : i32
        %and3A_98 = arith.andi %sub3A_76, %and3A_97 : i32
        %mul3A_99 = arith.constant 128 : i32
        %mul3A_100 = arith.muli %sub3A_76, %mul3A_99 : i32
        %add3A_101 = arith.addi %mul3A_2, %mul3A_100 : i32
        %dma_wait3A = arith.constant 0 : i32
        %dma_wait3A_102 = arith.constant 0 : i32
        %dma_wait3A_103 = tpu.memref_slice %arg14[%and3A_98, %dma_wait3A, %dma_wait3A_102] : memref<2x128x128xf32, #tpu.memory_space<vmem>> -> memref<1x128x128xf32, #tpu.memory_space<vmem>>
        %dma_wait3A_104 = tpu.memref_squeeze %dma_wait3A_103 : memref<1x128x128xf32, #tpu.memory_space<vmem>> -> memref<128x128xf32, #tpu.memory_space<vmem>>
        %dma_wait3A_105 = arith.constant 0 : i32
        %dma_wait3A_106 = tpu.memref_slice %arg6[%add3A_101, %dma_wait3A_105] : memref<160000x128xf32, #tpu.memory_space<hbm>> -> memref<128x128xf32, #tpu.memory_space<hbm>>
        %dma_wait3A_107 = tpu.memref_slice %arg20[%and3A_98] : memref<2x!tpu.dma_semaphore, #tpu.memory_space<semaphore_mem>> -> memref<1x!tpu.dma_semaphore, #tpu.memory_space<semaphore_mem>>
        %dma_wait3A_108 = tpu.memref_squeeze %dma_wait3A_107 : memref<1x!tpu.dma_semaphore, #tpu.memory_space<semaphore_mem>> -> memref<!tpu.dma_semaphore, #tpu.memory_space<semaphore_mem>>
        %dma_wait3A_109 = arith.constant 0 : i32
        %dma_wait3A_110 = tpu.memref_slice %arg6[%add3A_101, %dma_wait3A_109] : memref<160000x128xf32, #tpu.memory_space<hbm>> -> memref<128x128xf32, #tpu.memory_space<hbm>>
        %dma_wait3A_111 = arith.constant 0 : i32
        %dma_wait3A_112 = arith.constant 0 : i32
        %dma_wait3A_113 = tpu.memref_slice %arg14[%and3A_98, %dma_wait3A_111, %dma_wait3A_112] : memref<2x128x128xf32, #tpu.memory_space<vmem>> -> memref<1x128x128xf32, #tpu.memory_space<vmem>>
        %dma_wait3A_114 = tpu.memref_squeeze %dma_wait3A_113 : memref<1x128x128xf32, #tpu.memory_space<vmem>> -> memref<128x128xf32, #tpu.memory_space<vmem>>
        tpu.wait_dma2 semaphore(%dma_wait3A_108 : memref<!tpu.dma_semaphore, #tpu.memory_space<semaphore_mem>>) src(%dma_wait3A_114 : memref<128x128xf32, #tpu.memory_space<vmem>>) dst(%dma_wait3A_110 : memref<128x128xf32, #tpu.memory_space<hbm>>)
        %mul3A_115 = arith.constant 512 : i32
        %mul3A_116 = arith.muli %and3A_98, %mul3A_115 : i32
        %mul3A_117 = arith.constant 512 : i32
        %mul3A_118 = arith.muli %and3A_98, %mul3A_117 : i32
        %dma_wait3A_119 = tpu.memref_slice %arg17[%mul3A_118] : memref<1024xi32, #tpu.memory_space<vmem>> -> memref<512xi32, #tpu.memory_space<vmem>>
        %dma_wait3A_120 = tpu.memref_slice %arg16[%mul3A_116] : memref<1024xi32, #tpu.memory_space<vmem>> -> memref<512xi32, #tpu.memory_space<vmem>>
        %dma_wait3A_121 = arith.constant 0 : i32
        %dma_wait3A_122 = tpu.memref_slice %arg4[%dma_wait3A_121] : memref<327680xi32, #tpu.memory_space<hbm>> -> memref<327680xi32, #tpu.memory_space<hbm>>
        %dma_wait3A_123 = tpu.memref_slice %arg20[%and3A_98] : memref<2x!tpu.dma_semaphore, #tpu.memory_space<semaphore_mem>> -> memref<1x!tpu.dma_semaphore, #tpu.memory_space<semaphore_mem>>
        %dma_wait3A_124 = tpu.memref_squeeze %dma_wait3A_123 : memref<1x!tpu.dma_semaphore, #tpu.memory_space<semaphore_mem>> -> memref<!tpu.dma_semaphore, #tpu.memory_space<semaphore_mem>>
        tpu.wait_indirect_dma semaphore(%dma_wait3A_124 : memref<!tpu.dma_semaphore, #tpu.memory_space<semaphore_mem>>) src(%dma_wait3A_122 : memref<327680xi32, #tpu.memory_space<hbm>>) dst(%dma_wait3A_119 : memref<512xi32, #tpu.memory_space<vmem>>)
        %ge3A_125 = arith.constant 2 : i32
        %ge3A_126 = arith.cmpi sge, %sub3A_76, %ge3A_125 : i32
        %convert_element_type3A_127 = arith.extui %ge3A_126 : i1 to i32
        %cond3A_128 = arith.constant 0 : i32
        %cond3A_129 = arith.cmpi ne, %convert_element_type3A_127, %cond3A_128 : i32
        scf.if %cond3A_129 {
          %sub3A_1095 = arith.constant 2 : i32
          %sub3A_1096 = arith.subi %sub3A_76, %sub3A_1095 : i32
          %and3A_1097 = arith.constant 1 : i32
          %and3A_1098 = arith.andi %sub3A_1096, %and3A_1097 : i32
          %mul3A_1099 = arith.constant 4 : i32
          %mul3A_1100 = arith.muli %and3A_1098, %mul3A_1099 : i32
          %add3A_1101 = arith.constant 0 : i32
          %add3A_1102 = arith.addi %mul3A_1100, %add3A_1101 : i32
          %mul3A_1103 = arith.constant 128 : i32
          %mul3A_1104 = arith.muli %sub3A_1096, %mul3A_1103 : i32
          %add3A_1105 = arith.addi %mul3A_2, %mul3A_1104 : i32
          %dma_wait3A_1106 = arith.constant 0 : i32
          %dma_wait3A_1107 = tpu.memref_slice %arg18[%add3A_1102, %dma_wait3A_1106] : memref<8x128xi32, #tpu.memory_space<vmem>> -> memref<1x128xi32, #tpu.memory_space<vmem>>
          %dma_wait3A_1108 = tpu.memref_squeeze %dma_wait3A_1107 : memref<1x128xi32, #tpu.memory_space<vmem>> -> memref<128xi32, #tpu.memory_space<vmem>>
          %dma_wait3A_1109 = tpu.memref_slice %arg7[%add3A_1105] : memref<160000xi32, #tpu.memory_space<hbm>> -> memref<128xi32, #tpu.memory_space<hbm>>
          %dma_wait3A_1110 = tpu.memref_slice %arg21[%and3A_1098] : memref<2x!tpu.dma_semaphore, #tpu.memory_space<semaphore_mem>> -> memref<1x!tpu.dma_semaphore, #tpu.memory_space<semaphore_mem>>
          %dma_wait3A_1111 = tpu.memref_squeeze %dma_wait3A_1110 : memref<1x!tpu.dma_semaphore, #tpu.memory_space<semaphore_mem>> -> memref<!tpu.dma_semaphore, #tpu.memory_space<semaphore_mem>>
          %dma_wait3A_1112 = tpu.memref_slice %arg7[%add3A_1105] : memref<160000xi32, #tpu.memory_space<hbm>> -> memref<128xi32, #tpu.memory_space<hbm>>
          %dma_wait3A_1113 = arith.constant 0 : i32
          %dma_wait3A_1114 = tpu.memref_slice %arg18[%add3A_1102, %dma_wait3A_1113] : memref<8x128xi32, #tpu.memory_space<vmem>> -> memref<1x128xi32, #tpu.memory_space<vmem>>
          %dma_wait3A_1115 = tpu.memref_squeeze %dma_wait3A_1114 : memref<1x128xi32, #tpu.memory_space<vmem>> -> memref<128xi32, #tpu.memory_space<vmem>>
          tpu.wait_dma2 semaphore(%dma_wait3A_1111 : memref<!tpu.dma_semaphore, #tpu.memory_space<semaphore_mem>>) src(%dma_wait3A_1115 : memref<128xi32, #tpu.memory_space<vmem>>) dst(%dma_wait3A_1112 : memref<128xi32, #tpu.memory_space<hbm>>)
          %mul3A_1116 = arith.constant 4 : i32
          %mul3A_1117 = arith.muli %and3A_1098, %mul3A_1116 : i32
          %add3A_1118 = arith.constant 1 : i32
          %add3A_1119 = arith.addi %mul3A_1117, %add3A_1118 : i32
          %mul3A_1120 = arith.constant 128 : i32
          %mul3A_1121 = arith.muli %sub3A_1096, %mul3A_1120 : i32
          %add3A_1122 = arith.addi %mul3A_2, %mul3A_1121 : i32
          %dma_wait3A_1123 = arith.constant 0 : i32
          %dma_wait3A_1124 = tpu.memref_slice %arg18[%add3A_1119, %dma_wait3A_1123] : memref<8x128xi32, #tpu.memory_space<vmem>> -> memref<1x128xi32, #tpu.memory_space<vmem>>
          %dma_wait3A_1125 = tpu.memref_squeeze %dma_wait3A_1124 : memref<1x128xi32, #tpu.memory_space<vmem>> -> memref<128xi32, #tpu.memory_space<vmem>>
          %dma_wait3A_1126 = tpu.memref_slice %arg8[%add3A_1122] : memref<160000xi32, #tpu.memory_space<hbm>> -> memref<128xi32, #tpu.memory_space<hbm>>
          %dma_wait3A_1127 = tpu.memref_slice %arg21[%and3A_1098] : memref<2x!tpu.dma_semaphore, #tpu.memory_space<semaphore_mem>> -> memref<1x!tpu.dma_semaphore, #tpu.memory_space<semaphore_mem>>
          %dma_wait3A_1128 = tpu.memref_squeeze %dma_wait3A_1127 : memref<1x!tpu.dma_semaphore, #tpu.memory_space<semaphore_mem>> -> memref<!tpu.dma_semaphore, #tpu.memory_space<semaphore_mem>>
          %dma_wait3A_1129 = tpu.memref_slice %arg8[%add3A_1122] : memref<160000xi32, #tpu.memory_space<hbm>> -> memref<128xi32, #tpu.memory_space<hbm>>
          %dma_wait3A_1130 = arith.constant 0 : i32
          %dma_wait3A_1131 = tpu.memref_slice %arg18[%add3A_1119, %dma_wait3A_1130] : memref<8x128xi32, #tpu.memory_space<vmem>> -> memref<1x128xi32, #tpu.memory_space<vmem>>
          %dma_wait3A_1132 = tpu.memref_squeeze %dma_wait3A_1131 : memref<1x128xi32, #tpu.memory_space<vmem>> -> memref<128xi32, #tpu.memory_space<vmem>>
          tpu.wait_dma2 semaphore(%dma_wait3A_1128 : memref<!tpu.dma_semaphore, #tpu.memory_space<semaphore_mem>>) src(%dma_wait3A_1132 : memref<128xi32, #tpu.memory_space<vmem>>) dst(%dma_wait3A_1129 : memref<128xi32, #tpu.memory_space<hbm>>)
          %mul3A_1133 = arith.constant 4 : i32
          %mul3A_1134 = arith.muli %and3A_1098, %mul3A_1133 : i32
          %add3A_1135 = arith.constant 2 : i32
          %add3A_1136 = arith.addi %mul3A_1134, %add3A_1135 : i32
          %mul3A_1137 = arith.constant 128 : i32
          %mul3A_1138 = arith.muli %sub3A_1096, %mul3A_1137 : i32
          %add3A_1139 = arith.addi %mul3A_2, %mul3A_1138 : i32
          %dma_wait3A_1140 = arith.constant 0 : i32
          %dma_wait3A_1141 = tpu.memref_slice %arg18[%add3A_1136, %dma_wait3A_1140] : memref<8x128xi32, #tpu.memory_space<vmem>> -> memref<1x128xi32, #tpu.memory_space<vmem>>
          %dma_wait3A_1142 = tpu.memref_squeeze %dma_wait3A_1141 : memref<1x128xi32, #tpu.memory_space<vmem>> -> memref<128xi32, #tpu.memory_space<vmem>>
          %dma_wait3A_1143 = tpu.memref_slice %arg9[%add3A_1139] : memref<160000xi32, #tpu.memory_space<hbm>> -> memref<128xi32, #tpu.memory_space<hbm>>
          %dma_wait3A_1144 = tpu.memref_slice %arg21[%and3A_1098] : memref<2x!tpu.dma_semaphore, #tpu.memory_space<semaphore_mem>> -> memref<1x!tpu.dma_semaphore, #tpu.memory_space<semaphore_mem>>
          %dma_wait3A_1145 = tpu.memref_squeeze %dma_wait3A_1144 : memref<1x!tpu.dma_semaphore, #tpu.memory_space<semaphore_mem>> -> memref<!tpu.dma_semaphore, #tpu.memory_space<semaphore_mem>>
          %dma_wait3A_1146 = tpu.memref_slice %arg9[%add3A_1139] : memref<160000xi32, #tpu.memory_space<hbm>> -> memref<128xi32, #tpu.memory_space<hbm>>
          %dma_wait3A_1147 = arith.constant 0 : i32
          %dma_wait3A_1148 = tpu.memref_slice %arg18[%add3A_1136, %dma_wait3A_1147] : memref<8x128xi32, #tpu.memory_space<vmem>> -> memref<1x128xi32, #tpu.memory_space<vmem>>
          %dma_wait3A_1149 = tpu.memref_squeeze %dma_wait3A_1148 : memref<1x128xi32, #tpu.memory_space<vmem>> -> memref<128xi32, #tpu.memory_space<vmem>>
          tpu.wait_dma2 semaphore(%dma_wait3A_1145 : memref<!tpu.dma_semaphore, #tpu.memory_space<semaphore_mem>>) src(%dma_wait3A_1149 : memref<128xi32, #tpu.memory_space<vmem>>) dst(%dma_wait3A_1146 : memref<128xi32, #tpu.memory_space<hbm>>)
          %mul3A_1150 = arith.constant 4 : i32
          %mul3A_1151 = arith.muli %and3A_1098, %mul3A_1150 : i32
          %add3A_1152 = arith.constant 3 : i32
          %add3A_1153 = arith.addi %mul3A_1151, %add3A_1152 : i32
          %mul3A_1154 = arith.constant 128 : i32
          %mul3A_1155 = arith.muli %sub3A_1096, %mul3A_1154 : i32
          %add3A_1156 = arith.addi %mul3A_2, %mul3A_1155 : i32
          %dma_wait3A_1157 = arith.constant 0 : i32
          %dma_wait3A_1158 = tpu.memref_slice %arg18[%add3A_1153, %dma_wait3A_1157] : memref<8x128xi32, #tpu.memory_space<vmem>> -> memref<1x128xi32, #tpu.memory_space<vmem>>
          %dma_wait3A_1159 = tpu.memref_squeeze %dma_wait3A_1158 : memref<1x128xi32, #tpu.memory_space<vmem>> -> memref<128xi32, #tpu.memory_space<vmem>>
          %dma_wait3A_1160 = tpu.memref_slice %arg10[%add3A_1156] : memref<160000xi32, #tpu.memory_space<hbm>> -> memref<128xi32, #tpu.memory_space<hbm>>
          %dma_wait3A_1161 = tpu.memref_slice %arg21[%and3A_1098] : memref<2x!tpu.dma_semaphore, #tpu.memory_space<semaphore_mem>> -> memref<1x!tpu.dma_semaphore, #tpu.memory_space<semaphore_mem>>
          %dma_wait3A_1162 = tpu.memref_squeeze %dma_wait3A_1161 : memref<1x!tpu.dma_semaphore, #tpu.memory_space<semaphore_mem>> -> memref<!tpu.dma_semaphore, #tpu.memory_space<semaphore_mem>>
          %dma_wait3A_1163 = tpu.memref_slice %arg10[%add3A_1156] : memref<160000xi32, #tpu.memory_space<hbm>> -> memref<128xi32, #tpu.memory_space<hbm>>
          %dma_wait3A_1164 = arith.constant 0 : i32
          %dma_wait3A_1165 = tpu.memref_slice %arg18[%add3A_1153, %dma_wait3A_1164] : memref<8x128xi32, #tpu.memory_space<vmem>> -> memref<1x128xi32, #tpu.memory_space<vmem>>
          %dma_wait3A_1166 = tpu.memref_squeeze %dma_wait3A_1165 : memref<1x128xi32, #tpu.memory_space<vmem>> -> memref<128xi32, #tpu.memory_space<vmem>>
          tpu.wait_dma2 semaphore(%dma_wait3A_1162 : memref<!tpu.dma_semaphore, #tpu.memory_space<semaphore_mem>>) src(%dma_wait3A_1166 : memref<128xi32, #tpu.memory_space<vmem>>) dst(%dma_wait3A_1163 : memref<128xi32, #tpu.memory_space<hbm>>)
        } else {
        }
        %and3A_130 = arith.constant 1 : i32
        %and3A_131 = arith.andi %sub3A_76, %and3A_130 : i32
        %add3A_132 = arith.constant 0 : i32
        %add3A_133 = vector.broadcast %add3A_132 : i32 to vector<16xi32>
        %add3A_134 = arith.addi %add3A_133, %iota3A : vector<16xi32>
        %mul3A_135 = arith.constant 512 : i32
        %mul3A_136 = arith.muli %and3A_131, %mul3A_135 : i32
        %mul3A_137 = arith.constant 4 : i32
        %mul3A_138 = vector.broadcast %mul3A_137 : i32 to vector<16xi32>
        %mul3A_139 = arith.muli %add3A_134, %mul3A_138 : vector<16xi32>
        %add3A_140 = vector.broadcast %mul3A_136 : i32 to vector<16xi32>
        %add3A_141 = arith.addi %add3A_140, %mul3A_139 : vector<16xi32>
        %add3A_142 = arith.constant 0 : i32
        %add3A_143 = vector.broadcast %add3A_142 : i32 to vector<16xi32>
        %add3A_144 = arith.addi %add3A_141, %add3A_143 : vector<16xi32>
        %gather3A = tpu.vector_load_idx %arg17[%add3A_144] : memref<1024xi32, #tpu.memory_space<vmem>>[vector<16xi32>], vector<16xi32>,
        %mul3A_145 = arith.constant 128 : i32
        %mul3A_146 = arith.muli %sub3A_76, %mul3A_145 : i32
        %add3A_147 = arith.addi %mul3A_2, %mul3A_146 : i32
        %add3A_148 = vector.broadcast %add3A_147 : i32 to vector<16xi32>
        %add3A_149 = arith.addi %add3A_148, %add3A_134 : vector<16xi32>
        %mul3A_150 = arith.constant 4 : i32
        %mul3A_151 = arith.muli %and3A_131, %mul3A_150 : i32
        %add3A_152 = arith.constant 0 : i32
        %add3A_153 = arith.addi %mul3A_151, %add3A_152 : i32
        %broadcast_in_dim3A = vector.broadcast %add3A_153 : i32 to vector<16xi32>
        %lt3A_154 = arith.constant 0 : i32
        %lt3A_155 = vector.broadcast %lt3A_154 : i32 to vector<16xi32>
        %lt3A_156 = arith.cmpi slt, %gather3A, %lt3A_155 : vector<16xi32>
        %select_n3A_157 = arith.select %lt3A_156, %add3A_149, %gather3A : vector<16xi1>, vector<16xi32>
        tpu.vector_store_idx %arg18[%broadcast_in_dim3A, %add3A_134], %select_n3A_157 : memref<8x128xi32, #tpu.memory_space<vmem>>[vector<16xi32>, vector<16xi32>], vector<16xi32>,
        %add3A_158 = arith.constant 16 : i32
        %add3A_159 = vector.broadcast %add3A_158 : i32 to vector<16xi32>
        %add3A_160 = arith.addi %add3A_159, %iota3A : vector<16xi32>
        %mul3A_161 = arith.constant 512 : i32
        %mul3A_162 = arith.muli %and3A_131, %mul3A_161 : i32
        %mul3A_163 = arith.constant 4 : i32
        %mul3A_164 = vector.broadcast %mul3A_163 : i32 to vector<16xi32>
        %mul3A_165 = arith.muli %add3A_160, %mul3A_164 : vector<16xi32>
        %add3A_166 = vector.broadcast %mul3A_162 : i32 to vector<16xi32>
        %add3A_167 = arith.addi %add3A_166, %mul3A_165 : vector<16xi32>
        %add3A_168 = arith.constant 0 : i32
        %add3A_169 = vector.broadcast %add3A_168 : i32 to vector<16xi32>
        %add3A_170 = arith.addi %add3A_167, %add3A_169 : vector<16xi32>
        %gather3A_171 = tpu.vector_load_idx %arg17[%add3A_170] : memref<1024xi32, #tpu.memory_space<vmem>>[vector<16xi32>], vector<16xi32>,
        %mul3A_172 = arith.constant 128 : i32
        %mul3A_173 = arith.muli %sub3A_76, %mul3A_172 : i32
        %add3A_174 = arith.addi %mul3A_2, %mul3A_173 : i32
        %add3A_175 = vector.broadcast %add3A_174 : i32 to vector<16xi32>
        %add3A_176 = arith.addi %add3A_175, %add3A_160 : vector<16xi32>
        %mul3A_177 = arith.constant 4 : i32
        %mul3A_178 = arith.muli %and3A_131, %mul3A_177 : i32
        %add3A_179 = arith.constant 0 : i32
        %add3A_180 = arith.addi %mul3A_178, %add3A_179 : i32
        %broadcast_in_dim3A_181 = vector.broadcast %add3A_180 : i32 to vector<16xi32>
        %lt3A_182 = arith.constant 0 : i32
        %lt3A_183 = vector.broadcast %lt3A_182 : i32 to vector<16xi32>
        %lt3A_184 = arith.cmpi slt, %gather3A_171, %lt3A_183 : vector<16xi32>
        %select_n3A_185 = arith.select %lt3A_184, %add3A_176, %gather3A_171 : vector<16xi1>, vector<16xi32>
        tpu.vector_store_idx %arg18[%broadcast_in_dim3A_181, %add3A_160], %select_n3A_185 : memref<8x128xi32, #tpu.memory_space<vmem>>[vector<16xi32>, vector<16xi32>], vector<16xi32>,
        %add3A_186 = arith.constant 32 : i32
        %add3A_187 = vector.broadcast %add3A_186 : i32 to vector<16xi32>
        %add3A_188 = arith.addi %add3A_187, %iota3A : vector<16xi32>
        %mul3A_189 = arith.constant 512 : i32
        %mul3A_190 = arith.muli %and3A_131, %mul3A_189 : i32
        %mul3A_191 = arith.constant 4 : i32
        %mul3A_192 = vector.broadcast %mul3A_191 : i32 to vector<16xi32>
        %mul3A_193 = arith.muli %add3A_188, %mul3A_192 : vector<16xi32>
        %add3A_194 = vector.broadcast %mul3A_190 : i32 to vector<16xi32>
        %add3A_195 = arith.addi %add3A_194, %mul3A_193 : vector<16xi32>
        %add3A_196 = arith.constant 0 : i32
        %add3A_197 = vector.broadcast %add3A_196 : i32 to vector<16xi32>
        %add3A_198 = arith.addi %add3A_195, %add3A_197 : vector<16xi32>
        %gather3A_199 = tpu.vector_load_idx %arg17[%add3A_198] : memref<1024xi32, #tpu.memory_space<vmem>>[vector<16xi32>], vector<16xi32>,
        %mul3A_200 = arith.constant 128 : i32
        %mul3A_201 = arith.muli %sub3A_76, %mul3A_200 : i32
        %add3A_202 = arith.addi %mul3A_2, %mul3A_201 : i32
        %add3A_203 = vector.broadcast %add3A_202 : i32 to vector<16xi32>
        %add3A_204 = arith.addi %add3A_203, %add3A_188 : vector<16xi32>
        %mul3A_205 = arith.constant 4 : i32
        %mul3A_206 = arith.muli %and3A_131, %mul3A_205 : i32
        %add3A_207 = arith.constant 0 : i32
        %add3A_208 = arith.addi %mul3A_206, %add3A_207 : i32
        %broadcast_in_dim3A_209 = vector.broadcast %add3A_208 : i32 to vector<16xi32>
        %lt3A_210 = arith.constant 0 : i32
        %lt3A_211 = vector.broadcast %lt3A_210 : i32 to vector<16xi32>
        %lt3A_212 = arith.cmpi slt, %gather3A_199, %lt3A_211 : vector<16xi32>
        %select_n3A_213 = arith.select %lt3A_212, %add3A_204, %gather3A_199 : vector<16xi1>, vector<16xi32>
        tpu.vector_store_idx %arg18[%broadcast_in_dim3A_209, %add3A_188], %select_n3A_213 : memref<8x128xi32, #tpu.memory_space<vmem>>[vector<16xi32>, vector<16xi32>], vector<16xi32>,
        %add3A_214 = arith.constant 48 : i32
        %add3A_215 = vector.broadcast %add3A_214 : i32 to vector<16xi32>
        %add3A_216 = arith.addi %add3A_215, %iota3A : vector<16xi32>
        %mul3A_217 = arith.constant 512 : i32
        %mul3A_218 = arith.muli %and3A_131, %mul3A_217 : i32
        %mul3A_219 = arith.constant 4 : i32
        %mul3A_220 = vector.broadcast %mul3A_219 : i32 to vector<16xi32>
        %mul3A_221 = arith.muli %add3A_216, %mul3A_220 : vector<16xi32>
        %add3A_222 = vector.broadcast %mul3A_218 : i32 to vector<16xi32>
        %add3A_223 = arith.addi %add3A_222, %mul3A_221 : vector<16xi32>
        %add3A_224 = arith.constant 0 : i32
        %add3A_225 = vector.broadcast %add3A_224 : i32 to vector<16xi32>
        %add3A_226 = arith.addi %add3A_223, %add3A_225 : vector<16xi32>
        %gather3A_227 = tpu.vector_load_idx %arg17[%add3A_226] : memref<1024xi32, #tpu.memory_space<vmem>>[vector<16xi32>], vector<16xi32>,
        %mul3A_228 = arith.constant 128 : i32
        %mul3A_229 = arith.muli %sub3A_76, %mul3A_228 : i32
        %add3A_230 = arith.addi %mul3A_2, %mul3A_229 : i32
        %add3A_231 = vector.broadcast %add3A_230 : i32 to vector<16xi32>
        %add3A_232 = arith.addi %add3A_231, %add3A_216 : vector<16xi32>
        %mul3A_233 = arith.constant 4 : i32
        %mul3A_234 = arith.muli %and3A_131, %mul3A_233 : i32
        %add3A_235 = arith.constant 0 : i32
        %add3A_236 = arith.addi %mul3A_234, %add3A_235 : i32
        %broadcast_in_dim3A_237 = vector.broadcast %add3A_236 : i32 to vector<16xi32>
        %lt3A_238 = arith.constant 0 : i32
        %lt3A_239 = vector.broadcast %lt3A_238 : i32 to vector<16xi32>
        %lt3A_240 = arith.cmpi slt, %gather3A_227, %lt3A_239 : vector<16xi32>
        %select_n3A_241 = arith.select %lt3A_240, %add3A_232, %gather3A_227 : vector<16xi1>, vector<16xi32>
        tpu.vector_store_idx %arg18[%broadcast_in_dim3A_237, %add3A_216], %select_n3A_241 : memref<8x128xi32, #tpu.memory_space<vmem>>[vector<16xi32>, vector<16xi32>], vector<16xi32>,
        %add3A_242 = arith.constant 64 : i32
        %add3A_243 = vector.broadcast %add3A_242 : i32 to vector<16xi32>
        %add3A_244 = arith.addi %add3A_243, %iota3A : vector<16xi32>
        %mul3A_245 = arith.constant 512 : i32
        %mul3A_246 = arith.muli %and3A_131, %mul3A_245 : i32
        %mul3A_247 = arith.constant 4 : i32
        %mul3A_248 = vector.broadcast %mul3A_247 : i32 to vector<16xi32>
        %mul3A_249 = arith.muli %add3A_244, %mul3A_248 : vector<16xi32>
        %add3A_250 = vector.broadcast %mul3A_246 : i32 to vector<16xi32>
        %add3A_251 = arith.addi %add3A_250, %mul3A_249 : vector<16xi32>
        %add3A_252 = arith.constant 0 : i32
        %add3A_253 = vector.broadcast %add3A_252 : i32 to vector<16xi32>
        %add3A_254 = arith.addi %add3A_251, %add3A_253 : vector<16xi32>
        %gather3A_255 = tpu.vector_load_idx %arg17[%add3A_254] : memref<1024xi32, #tpu.memory_space<vmem>>[vector<16xi32>], vector<16xi32>,
        %mul3A_256 = arith.constant 128 : i32
        %mul3A_257 = arith.muli %sub3A_76, %mul3A_256 : i32
        %add3A_258 = arith.addi %mul3A_2, %mul3A_257 : i32
        %add3A_259 = vector.broadcast %add3A_258 : i32 to vector<16xi32>
        %add3A_260 = arith.addi %add3A_259, %add3A_244 : vector<16xi32>
        %mul3A_261 = arith.constant 4 : i32
        %mul3A_262 = arith.muli %and3A_131, %mul3A_261 : i32
        %add3A_263 = arith.constant 0 : i32
        %add3A_264 = arith.addi %mul3A_262, %add3A_263 : i32
        %broadcast_in_dim3A_265 = vector.broadcast %add3A_264 : i32 to vector<16xi32>
        %lt3A_266 = arith.constant 0 : i32
        %lt3A_267 = vector.broadcast %lt3A_266 : i32 to vector<16xi32>
        %lt3A_268 = arith.cmpi slt, %gather3A_255, %lt3A_267 : vector<16xi32>
        %select_n3A_269 = arith.select %lt3A_268, %add3A_260, %gather3A_255 : vector<16xi1>, vector<16xi32>
        tpu.vector_store_idx %arg18[%broadcast_in_dim3A_265, %add3A_244], %select_n3A_269 : memref<8x128xi32, #tpu.memory_space<vmem>>[vector<16xi32>, vector<16xi32>], vector<16xi32>,
        %add3A_270 = arith.constant 80 : i32
        %add3A_271 = vector.broadcast %add3A_270 : i32 to vector<16xi32>
        %add3A_272 = arith.addi %add3A_271, %iota3A : vector<16xi32>
        %mul3A_273 = arith.constant 512 : i32
        %mul3A_274 = arith.muli %and3A_131, %mul3A_273 : i32
        %mul3A_275 = arith.constant 4 : i32
        %mul3A_276 = vector.broadcast %mul3A_275 : i32 to vector<16xi32>
        %mul3A_277 = arith.muli %add3A_272, %mul3A_276 : vector<16xi32>
        %add3A_278 = vector.broadcast %mul3A_274 : i32 to vector<16xi32>
        %add3A_279 = arith.addi %add3A_278, %mul3A_277 : vector<16xi32>
        %add3A_280 = arith.constant 0 : i32
        %add3A_281 = vector.broadcast %add3A_280 : i32 to vector<16xi32>
        %add3A_282 = arith.addi %add3A_279, %add3A_281 : vector<16xi32>
        %gather3A_283 = tpu.vector_load_idx %arg17[%add3A_282] : memref<1024xi32, #tpu.memory_space<vmem>>[vector<16xi32>], vector<16xi32>,
        %mul3A_284 = arith.constant 128 : i32
        %mul3A_285 = arith.muli %sub3A_76, %mul3A_284 : i32
        %add3A_286 = arith.addi %mul3A_2, %mul3A_285 : i32
        %add3A_287 = vector.broadcast %add3A_286 : i32 to vector<16xi32>
        %add3A_288 = arith.addi %add3A_287, %add3A_272 : vector<16xi32>
        %mul3A_289 = arith.constant 4 : i32
        %mul3A_290 = arith.muli %and3A_131, %mul3A_289 : i32
        %add3A_291 = arith.constant 0 : i32
        %add3A_292 = arith.addi %mul3A_290, %add3A_291 : i32
        %broadcast_in_dim3A_293 = vector.broadcast %add3A_292 : i32 to vector<16xi32>
        %lt3A_294 = arith.constant 0 : i32
        %lt3A_295 = vector.broadcast %lt3A_294 : i32 to vector<16xi32>
        %lt3A_296 = arith.cmpi slt, %gather3A_283, %lt3A_295 : vector<16xi32>
        %select_n3A_297 = arith.select %lt3A_296, %add3A_288, %gather3A_283 : vector<16xi1>, vector<16xi32>
        tpu.vector_store_idx %arg18[%broadcast_in_dim3A_293, %add3A_272], %select_n3A_297 : memref<8x128xi32, #tpu.memory_space<vmem>>[vector<16xi32>, vector<16xi32>], vector<16xi32>,
        %add3A_298 = arith.constant 96 : i32
        %add3A_299 = vector.broadcast %add3A_298 : i32 to vector<16xi32>
        %add3A_300 = arith.addi %add3A_299, %iota3A : vector<16xi32>
        %mul3A_301 = arith.constant 512 : i32
        %mul3A_302 = arith.muli %and3A_131, %mul3A_301 : i32
        %mul3A_303 = arith.constant 4 : i32
        %mul3A_304 = vector.broadcast %mul3A_303 : i32 to vector<16xi32>
        %mul3A_305 = arith.muli %add3A_300, %mul3A_304 : vector<16xi32>
        %add3A_306 = vector.broadcast %mul3A_302 : i32 to vector<16xi32>
        %add3A_307 = arith.addi %add3A_306, %mul3A_305 : vector<16xi32>
        %add3A_308 = arith.constant 0 : i32
        %add3A_309 = vector.broadcast %add3A_308 : i32 to vector<16xi32>
        %add3A_310 = arith.addi %add3A_307, %add3A_309 : vector<16xi32>
        %gather3A_311 = tpu.vector_load_idx %arg17[%add3A_310] : memref<1024xi32, #tpu.memory_space<vmem>>[vector<16xi32>], vector<16xi32>,
        %mul3A_312 = arith.constant 128 : i32
        %mul3A_313 = arith.muli %sub3A_76, %mul3A_312 : i32
        %add3A_314 = arith.addi %mul3A_2, %mul3A_313 : i32
        %add3A_315 = vector.broadcast %add3A_314 : i32 to vector<16xi32>
        %add3A_316 = arith.addi %add3A_315, %add3A_300 : vector<16xi32>
        %mul3A_317 = arith.constant 4 : i32
        %mul3A_318 = arith.muli %and3A_131, %mul3A_317 : i32
        %add3A_319 = arith.constant 0 : i32
        %add3A_320 = arith.addi %mul3A_318, %add3A_319 : i32
        %broadcast_in_dim3A_321 = vector.broadcast %add3A_320 : i32 to vector<16xi32>
        %lt3A_322 = arith.constant 0 : i32
        %lt3A_323 = vector.broadcast %lt3A_322 : i32 to vector<16xi32>
        %lt3A_324 = arith.cmpi slt, %gather3A_311, %lt3A_323 : vector<16xi32>
        %select_n3A_325 = arith.select %lt3A_324, %add3A_316, %gather3A_311 : vector<16xi1>, vector<16xi32>
        tpu.vector_store_idx %arg18[%broadcast_in_dim3A_321, %add3A_300], %select_n3A_325 : memref<8x128xi32, #tpu.memory_space<vmem>>[vector<16xi32>, vector<16xi32>], vector<16xi32>,
        %add3A_326 = arith.constant 112 : i32
        %add3A_327 = vector.broadcast %add3A_326 : i32 to vector<16xi32>
        %add3A_328 = arith.addi %add3A_327, %iota3A : vector<16xi32>
        %mul3A_329 = arith.constant 512 : i32
        %mul3A_330 = arith.muli %and3A_131, %mul3A_329 : i32
        %mul3A_331 = arith.constant 4 : i32
        %mul3A_332 = vector.broadcast %mul3A_331 : i32 to vector<16xi32>
        %mul3A_333 = arith.muli %add3A_328, %mul3A_332 : vector<16xi32>
        %add3A_334 = vector.broadcast %mul3A_330 : i32 to vector<16xi32>
        %add3A_335 = arith.addi %add3A_334, %mul3A_333 : vector<16xi32>
        %add3A_336 = arith.constant 0 : i32
        %add3A_337 = vector.broadcast %add3A_336 : i32 to vector<16xi32>
        %add3A_338 = arith.addi %add3A_335, %add3A_337 : vector<16xi32>
        %gather3A_339 = tpu.vector_load_idx %arg17[%add3A_338] : memref<1024xi32, #tpu.memory_space<vmem>>[vector<16xi32>], vector<16xi32>,
        %mul3A_340 = arith.constant 128 : i32
        %mul3A_341 = arith.muli %sub3A_76, %mul3A_340 : i32
        %add3A_342 = arith.addi %mul3A_2, %mul3A_341 : i32
        %add3A_343 = vector.broadcast %add3A_342 : i32 to vector<16xi32>
        %add3A_344 = arith.addi %add3A_343, %add3A_328 : vector<16xi32>
        %mul3A_345 = arith.constant 4 : i32
        %mul3A_346 = arith.muli %and3A_131, %mul3A_345 : i32
        %add3A_347 = arith.constant 0 : i32
        %add3A_348 = arith.addi %mul3A_346, %add3A_347 : i32
        %broadcast_in_dim3A_349 = vector.broadcast %add3A_348 : i32 to vector<16xi32>
        %lt3A_350 = arith.constant 0 : i32
        %lt3A_351 = vector.broadcast %lt3A_350 : i32 to vector<16xi32>
        %lt3A_352 = arith.cmpi slt, %gather3A_339, %lt3A_351 : vector<16xi32>
        %select_n3A_353 = arith.select %lt3A_352, %add3A_344, %gather3A_339 : vector<16xi1>, vector<16xi32>
        tpu.vector_store_idx %arg18[%broadcast_in_dim3A_349, %add3A_328], %select_n3A_353 : memref<8x128xi32, #tpu.memory_space<vmem>>[vector<16xi32>, vector<16xi32>], vector<16xi32>,
        %add3A_354 = arith.constant 0 : i32
        %add3A_355 = vector.broadcast %add3A_354 : i32 to vector<16xi32>
        %add3A_356 = arith.addi %add3A_355, %iota3A : vector<16xi32>
        %mul3A_357 = arith.constant 512 : i32
        %mul3A_358 = arith.muli %and3A_131, %mul3A_357 : i32
        %mul3A_359 = arith.constant 4 : i32
        %mul3A_360 = vector.broadcast %mul3A_359 : i32 to vector<16xi32>
        %mul3A_361 = arith.muli %add3A_356, %mul3A_360 : vector<16xi32>
        %add3A_362 = vector.broadcast %mul3A_358 : i32 to vector<16xi32>
        %add3A_363 = arith.addi %add3A_362, %mul3A_361 : vector<16xi32>
        %add3A_364 = arith.constant 1 : i32
        %add3A_365 = vector.broadcast %add3A_364 : i32 to vector<16xi32>
        %add3A_366 = arith.addi %add3A_363, %add3A_365 : vector<16xi32>
        %gather3A_367 = tpu.vector_load_idx %arg17[%add3A_366] : memref<1024xi32, #tpu.memory_space<vmem>>[vector<16xi32>], vector<16xi32>,
        %mul3A_368 = arith.constant 128 : i32
        %mul3A_369 = arith.muli %sub3A_76, %mul3A_368 : i32
        %add3A_370 = arith.addi %mul3A_2, %mul3A_369 : i32
        %add3A_371 = vector.broadcast %add3A_370 : i32 to vector<16xi32>
        %add3A_372 = arith.addi %add3A_371, %add3A_356 : vector<16xi32>
        %mul3A_373 = arith.constant 4 : i32
        %mul3A_374 = arith.muli %and3A_131, %mul3A_373 : i32
        %add3A_375 = arith.constant 1 : i32
        %add3A_376 = arith.addi %mul3A_374, %add3A_375 : i32
        %broadcast_in_dim3A_377 = vector.broadcast %add3A_376 : i32 to vector<16xi32>
        %lt3A_378 = arith.constant 0 : i32
        %lt3A_379 = vector.broadcast %lt3A_378 : i32 to vector<16xi32>
        %lt3A_380 = arith.cmpi slt, %gather3A_367, %lt3A_379 : vector<16xi32>
        %select_n3A_381 = arith.select %lt3A_380, %add3A_372, %gather3A_367 : vector<16xi1>, vector<16xi32>
        tpu.vector_store_idx %arg18[%broadcast_in_dim3A_377, %add3A_356], %select_n3A_381 : memref<8x128xi32, #tpu.memory_space<vmem>>[vector<16xi32>, vector<16xi32>], vector<16xi32>,
        %add3A_382 = arith.constant 16 : i32
        %add3A_383 = vector.broadcast %add3A_382 : i32 to vector<16xi32>
        %add3A_384 = arith.addi %add3A_383, %iota3A : vector<16xi32>
        %mul3A_385 = arith.constant 512 : i32
        %mul3A_386 = arith.muli %and3A_131, %mul3A_385 : i32
        %mul3A_387 = arith.constant 4 : i32
        %mul3A_388 = vector.broadcast %mul3A_387 : i32 to vector<16xi32>
        %mul3A_389 = arith.muli %add3A_384, %mul3A_388 : vector<16xi32>
        %add3A_390 = vector.broadcast %mul3A_386 : i32 to vector<16xi32>
        %add3A_391 = arith.addi %add3A_390, %mul3A_389 : vector<16xi32>
        %add3A_392 = arith.constant 1 : i32
        %add3A_393 = vector.broadcast %add3A_392 : i32 to vector<16xi32>
        %add3A_394 = arith.addi %add3A_391, %add3A_393 : vector<16xi32>
        %gather3A_395 = tpu.vector_load_idx %arg17[%add3A_394] : memref<1024xi32, #tpu.memory_space<vmem>>[vector<16xi32>], vector<16xi32>,
        %mul3A_396 = arith.constant 128 : i32
        %mul3A_397 = arith.muli %sub3A_76, %mul3A_396 : i32
        %add3A_398 = arith.addi %mul3A_2, %mul3A_397 : i32
        %add3A_399 = vector.broadcast %add3A_398 : i32 to vector<16xi32>
        %add3A_400 = arith.addi %add3A_399, %add3A_384 : vector<16xi32>
        %mul3A_401 = arith.constant 4 : i32
        %mul3A_402 = arith.muli %and3A_131, %mul3A_401 : i32
        %add3A_403 = arith.constant 1 : i32
        %add3A_404 = arith.addi %mul3A_402, %add3A_403 : i32
        %broadcast_in_dim3A_405 = vector.broadcast %add3A_404 : i32 to vector<16xi32>
        %lt3A_406 = arith.constant 0 : i32
        %lt3A_407 = vector.broadcast %lt3A_406 : i32 to vector<16xi32>
        %lt3A_408 = arith.cmpi slt, %gather3A_395, %lt3A_407 : vector<16xi32>
        %select_n3A_409 = arith.select %lt3A_408, %add3A_400, %gather3A_395 : vector<16xi1>, vector<16xi32>
        tpu.vector_store_idx %arg18[%broadcast_in_dim3A_405, %add3A_384], %select_n3A_409 : memref<8x128xi32, #tpu.memory_space<vmem>>[vector<16xi32>, vector<16xi32>], vector<16xi32>,
        %add3A_410 = arith.constant 32 : i32
        %add3A_411 = vector.broadcast %add3A_410 : i32 to vector<16xi32>
        %add3A_412 = arith.addi %add3A_411, %iota3A : vector<16xi32>
        %mul3A_413 = arith.constant 512 : i32
        %mul3A_414 = arith.muli %and3A_131, %mul3A_413 : i32
        %mul3A_415 = arith.constant 4 : i32
        %mul3A_416 = vector.broadcast %mul3A_415 : i32 to vector<16xi32>
        %mul3A_417 = arith.muli %add3A_412, %mul3A_416 : vector<16xi32>
        %add3A_418 = vector.broadcast %mul3A_414 : i32 to vector<16xi32>
        %add3A_419 = arith.addi %add3A_418, %mul3A_417 : vector<16xi32>
        %add3A_420 = arith.constant 1 : i32
        %add3A_421 = vector.broadcast %add3A_420 : i32 to vector<16xi32>
        %add3A_422 = arith.addi %add3A_419, %add3A_421 : vector<16xi32>
        %gather3A_423 = tpu.vector_load_idx %arg17[%add3A_422] : memref<1024xi32, #tpu.memory_space<vmem>>[vector<16xi32>], vector<16xi32>,
        %mul3A_424 = arith.constant 128 : i32
        %mul3A_425 = arith.muli %sub3A_76, %mul3A_424 : i32
        %add3A_426 = arith.addi %mul3A_2, %mul3A_425 : i32
        %add3A_427 = vector.broadcast %add3A_426 : i32 to vector<16xi32>
        %add3A_428 = arith.addi %add3A_427, %add3A_412 : vector<16xi32>
        %mul3A_429 = arith.constant 4 : i32
        %mul3A_430 = arith.muli %and3A_131, %mul3A_429 : i32
        %add3A_431 = arith.constant 1 : i32
        %add3A_432 = arith.addi %mul3A_430, %add3A_431 : i32
        %broadcast_in_dim3A_433 = vector.broadcast %add3A_432 : i32 to vector<16xi32>
        %lt3A_434 = arith.constant 0 : i32
        %lt3A_435 = vector.broadcast %lt3A_434 : i32 to vector<16xi32>
        %lt3A_436 = arith.cmpi slt, %gather3A_423, %lt3A_435 : vector<16xi32>
        %select_n3A_437 = arith.select %lt3A_436, %add3A_428, %gather3A_423 : vector<16xi1>, vector<16xi32>
        tpu.vector_store_idx %arg18[%broadcast_in_dim3A_433, %add3A_412], %select_n3A_437 : memref<8x128xi32, #tpu.memory_space<vmem>>[vector<16xi32>, vector<16xi32>], vector<16xi32>,
        %add3A_438 = arith.constant 48 : i32
        %add3A_439 = vector.broadcast %add3A_438 : i32 to vector<16xi32>
        %add3A_440 = arith.addi %add3A_439, %iota3A : vector<16xi32>
        %mul3A_441 = arith.constant 512 : i32
        %mul3A_442 = arith.muli %and3A_131, %mul3A_441 : i32
        %mul3A_443 = arith.constant 4 : i32
        %mul3A_444 = vector.broadcast %mul3A_443 : i32 to vector<16xi32>
        %mul3A_445 = arith.muli %add3A_440, %mul3A_444 : vector<16xi32>
        %add3A_446 = vector.broadcast %mul3A_442 : i32 to vector<16xi32>
        %add3A_447 = arith.addi %add3A_446, %mul3A_445 : vector<16xi32>
        %add3A_448 = arith.constant 1 : i32
        %add3A_449 = vector.broadcast %add3A_448 : i32 to vector<16xi32>
        %add3A_450 = arith.addi %add3A_447, %add3A_449 : vector<16xi32>
        %gather3A_451 = tpu.vector_load_idx %arg17[%add3A_450] : memref<1024xi32, #tpu.memory_space<vmem>>[vector<16xi32>], vector<16xi32>,
        %mul3A_452 = arith.constant 128 : i32
        %mul3A_453 = arith.muli %sub3A_76, %mul3A_452 : i32
        %add3A_454 = arith.addi %mul3A_2, %mul3A_453 : i32
        %add3A_455 = vector.broadcast %add3A_454 : i32 to vector<16xi32>
        %add3A_456 = arith.addi %add3A_455, %add3A_440 : vector<16xi32>
        %mul3A_457 = arith.constant 4 : i32
        %mul3A_458 = arith.muli %and3A_131, %mul3A_457 : i32
        %add3A_459 = arith.constant 1 : i32
        %add3A_460 = arith.addi %mul3A_458, %add3A_459 : i32
        %broadcast_in_dim3A_461 = vector.broadcast %add3A_460 : i32 to vector<16xi32>
        %lt3A_462 = arith.constant 0 : i32
        %lt3A_463 = vector.broadcast %lt3A_462 : i32 to vector<16xi32>
        %lt3A_464 = arith.cmpi slt, %gather3A_451, %lt3A_463 : vector<16xi32>
        %select_n3A_465 = arith.select %lt3A_464, %add3A_456, %gather3A_451 : vector<16xi1>, vector<16xi32>
        tpu.vector_store_idx %arg18[%broadcast_in_dim3A_461, %add3A_440], %select_n3A_465 : memref<8x128xi32, #tpu.memory_space<vmem>>[vector<16xi32>, vector<16xi32>], vector<16xi32>,
        %add3A_466 = arith.constant 64 : i32
        %add3A_467 = vector.broadcast %add3A_466 : i32 to vector<16xi32>
        %add3A_468 = arith.addi %add3A_467, %iota3A : vector<16xi32>
        %mul3A_469 = arith.constant 512 : i32
        %mul3A_470 = arith.muli %and3A_131, %mul3A_469 : i32
        %mul3A_471 = arith.constant 4 : i32
        %mul3A_472 = vector.broadcast %mul3A_471 : i32 to vector<16xi32>
        %mul3A_473 = arith.muli %add3A_468, %mul3A_472 : vector<16xi32>
        %add3A_474 = vector.broadcast %mul3A_470 : i32 to vector<16xi32>
        %add3A_475 = arith.addi %add3A_474, %mul3A_473 : vector<16xi32>
        %add3A_476 = arith.constant 1 : i32
        %add3A_477 = vector.broadcast %add3A_476 : i32 to vector<16xi32>
        %add3A_478 = arith.addi %add3A_475, %add3A_477 : vector<16xi32>
        %gather3A_479 = tpu.vector_load_idx %arg17[%add3A_478] : memref<1024xi32, #tpu.memory_space<vmem>>[vector<16xi32>], vector<16xi32>,
        %mul3A_480 = arith.constant 128 : i32
        %mul3A_481 = arith.muli %sub3A_76, %mul3A_480 : i32
        %add3A_482 = arith.addi %mul3A_2, %mul3A_481 : i32
        %add3A_483 = vector.broadcast %add3A_482 : i32 to vector<16xi32>
        %add3A_484 = arith.addi %add3A_483, %add3A_468 : vector<16xi32>
        %mul3A_485 = arith.constant 4 : i32
        %mul3A_486 = arith.muli %and3A_131, %mul3A_485 : i32
        %add3A_487 = arith.constant 1 : i32
        %add3A_488 = arith.addi %mul3A_486, %add3A_487 : i32
        %broadcast_in_dim3A_489 = vector.broadcast %add3A_488 : i32 to vector<16xi32>
        %lt3A_490 = arith.constant 0 : i32
        %lt3A_491 = vector.broadcast %lt3A_490 : i32 to vector<16xi32>
        %lt3A_492 = arith.cmpi slt, %gather3A_479, %lt3A_491 : vector<16xi32>
        %select_n3A_493 = arith.select %lt3A_492, %add3A_484, %gather3A_479 : vector<16xi1>, vector<16xi32>
        tpu.vector_store_idx %arg18[%broadcast_in_dim3A_489, %add3A_468], %select_n3A_493 : memref<8x128xi32, #tpu.memory_space<vmem>>[vector<16xi32>, vector<16xi32>], vector<16xi32>,
        %add3A_494 = arith.constant 80 : i32
        %add3A_495 = vector.broadcast %add3A_494 : i32 to vector<16xi32>
        %add3A_496 = arith.addi %add3A_495, %iota3A : vector<16xi32>
        %mul3A_497 = arith.constant 512 : i32
        %mul3A_498 = arith.muli %and3A_131, %mul3A_497 : i32
        %mul3A_499 = arith.constant 4 : i32
        %mul3A_500 = vector.broadcast %mul3A_499 : i32 to vector<16xi32>
        %mul3A_501 = arith.muli %add3A_496, %mul3A_500 : vector<16xi32>
        %add3A_502 = vector.broadcast %mul3A_498 : i32 to vector<16xi32>
        %add3A_503 = arith.addi %add3A_502, %mul3A_501 : vector<16xi32>
        %add3A_504 = arith.constant 1 : i32
        %add3A_505 = vector.broadcast %add3A_504 : i32 to vector<16xi32>
        %add3A_506 = arith.addi %add3A_503, %add3A_505 : vector<16xi32>
        %gather3A_507 = tpu.vector_load_idx %arg17[%add3A_506] : memref<1024xi32, #tpu.memory_space<vmem>>[vector<16xi32>], vector<16xi32>,
        %mul3A_508 = arith.constant 128 : i32
        %mul3A_509 = arith.muli %sub3A_76, %mul3A_508 : i32
        %add3A_510 = arith.addi %mul3A_2, %mul3A_509 : i32
        %add3A_511 = vector.broadcast %add3A_510 : i32 to vector<16xi32>
        %add3A_512 = arith.addi %add3A_511, %add3A_496 : vector<16xi32>
        %mul3A_513 = arith.constant 4 : i32
        %mul3A_514 = arith.muli %and3A_131, %mul3A_513 : i32
        %add3A_515 = arith.constant 1 : i32
        %add3A_516 = arith.addi %mul3A_514, %add3A_515 : i32
        %broadcast_in_dim3A_517 = vector.broadcast %add3A_516 : i32 to vector<16xi32>
        %lt3A_518 = arith.constant 0 : i32
        %lt3A_519 = vector.broadcast %lt3A_518 : i32 to vector<16xi32>
        %lt3A_520 = arith.cmpi slt, %gather3A_507, %lt3A_519 : vector<16xi32>
        %select_n3A_521 = arith.select %lt3A_520, %add3A_512, %gather3A_507 : vector<16xi1>, vector<16xi32>
        tpu.vector_store_idx %arg18[%broadcast_in_dim3A_517, %add3A_496], %select_n3A_521 : memref<8x128xi32, #tpu.memory_space<vmem>>[vector<16xi32>, vector<16xi32>], vector<16xi32>,
        %add3A_522 = arith.constant 96 : i32
        %add3A_523 = vector.broadcast %add3A_522 : i32 to vector<16xi32>
        %add3A_524 = arith.addi %add3A_523, %iota3A : vector<16xi32>
        %mul3A_525 = arith.constant 512 : i32
        %mul3A_526 = arith.muli %and3A_131, %mul3A_525 : i32
        %mul3A_527 = arith.constant 4 : i32
        %mul3A_528 = vector.broadcast %mul3A_527 : i32 to vector<16xi32>
        %mul3A_529 = arith.muli %add3A_524, %mul3A_528 : vector<16xi32>
        %add3A_530 = vector.broadcast %mul3A_526 : i32 to vector<16xi32>
        %add3A_531 = arith.addi %add3A_530, %mul3A_529 : vector<16xi32>
        %add3A_532 = arith.constant 1 : i32
        %add3A_533 = vector.broadcast %add3A_532 : i32 to vector<16xi32>
        %add3A_534 = arith.addi %add3A_531, %add3A_533 : vector<16xi32>
        %gather3A_535 = tpu.vector_load_idx %arg17[%add3A_534] : memref<1024xi32, #tpu.memory_space<vmem>>[vector<16xi32>], vector<16xi32>,
        %mul3A_536 = arith.constant 128 : i32
        %mul3A_537 = arith.muli %sub3A_76, %mul3A_536 : i32
        %add3A_538 = arith.addi %mul3A_2, %mul3A_537 : i32
        %add3A_539 = vector.broadcast %add3A_538 : i32 to vector<16xi32>
        %add3A_540 = arith.addi %add3A_539, %add3A_524 : vector<16xi32>
        %mul3A_541 = arith.constant 4 : i32
        %mul3A_542 = arith.muli %and3A_131, %mul3A_541 : i32
        %add3A_543 = arith.constant 1 : i32
        %add3A_544 = arith.addi %mul3A_542, %add3A_543 : i32
        %broadcast_in_dim3A_545 = vector.broadcast %add3A_544 : i32 to vector<16xi32>
        %lt3A_546 = arith.constant 0 : i32
        %lt3A_547 = vector.broadcast %lt3A_546 : i32 to vector<16xi32>
        %lt3A_548 = arith.cmpi slt, %gather3A_535, %lt3A_547 : vector<16xi32>
        %select_n3A_549 = arith.select %lt3A_548, %add3A_540, %gather3A_535 : vector<16xi1>, vector<16xi32>
        tpu.vector_store_idx %arg18[%broadcast_in_dim3A_545, %add3A_524], %select_n3A_549 : memref<8x128xi32, #tpu.memory_space<vmem>>[vector<16xi32>, vector<16xi32>], vector<16xi32>,
        %add3A_550 = arith.constant 112 : i32
        %add3A_551 = vector.broadcast %add3A_550 : i32 to vector<16xi32>
        %add3A_552 = arith.addi %add3A_551, %iota3A : vector<16xi32>
        %mul3A_553 = arith.constant 512 : i32
        %mul3A_554 = arith.muli %and3A_131, %mul3A_553 : i32
        %mul3A_555 = arith.constant 4 : i32
        %mul3A_556 = vector.broadcast %mul3A_555 : i32 to vector<16xi32>
        %mul3A_557 = arith.muli %add3A_552, %mul3A_556 : vector<16xi32>
        %add3A_558 = vector.broadcast %mul3A_554 : i32 to vector<16xi32>
        %add3A_559 = arith.addi %add3A_558, %mul3A_557 : vector<16xi32>
        %add3A_560 = arith.constant 1 : i32
        %add3A_561 = vector.broadcast %add3A_560 : i32 to vector<16xi32>
        %add3A_562 = arith.addi %add3A_559, %add3A_561 : vector<16xi32>
        %gather3A_563 = tpu.vector_load_idx %arg17[%add3A_562] : memref<1024xi32, #tpu.memory_space<vmem>>[vector<16xi32>], vector<16xi32>,
        %mul3A_564 = arith.constant 128 : i32
        %mul3A_565 = arith.muli %sub3A_76, %mul3A_564 : i32
        %add3A_566 = arith.addi %mul3A_2, %mul3A_565 : i32
        %add3A_567 = vector.broadcast %add3A_566 : i32 to vector<16xi32>
        %add3A_568 = arith.addi %add3A_567, %add3A_552 : vector<16xi32>
        %mul3A_569 = arith.constant 4 : i32
        %mul3A_570 = arith.muli %and3A_131, %mul3A_569 : i32
        %add3A_571 = arith.constant 1 : i32
        %add3A_572 = arith.addi %mul3A_570, %add3A_571 : i32
        %broadcast_in_dim3A_573 = vector.broadcast %add3A_572 : i32 to vector<16xi32>
        %lt3A_574 = arith.constant 0 : i32
        %lt3A_575 = vector.broadcast %lt3A_574 : i32 to vector<16xi32>
        %lt3A_576 = arith.cmpi slt, %gather3A_563, %lt3A_575 : vector<16xi32>
        %select_n3A_577 = arith.select %lt3A_576, %add3A_568, %gather3A_563 : vector<16xi1>, vector<16xi32>
        tpu.vector_store_idx %arg18[%broadcast_in_dim3A_573, %add3A_552], %select_n3A_577 : memref<8x128xi32, #tpu.memory_space<vmem>>[vector<16xi32>, vector<16xi32>], vector<16xi32>,
        %add3A_578 = arith.constant 0 : i32
        %add3A_579 = vector.broadcast %add3A_578 : i32 to vector<16xi32>
        %add3A_580 = arith.addi %add3A_579, %iota3A : vector<16xi32>
        %mul3A_581 = arith.constant 512 : i32
        %mul3A_582 = arith.muli %and3A_131, %mul3A_581 : i32
        %mul3A_583 = arith.constant 4 : i32
        %mul3A_584 = vector.broadcast %mul3A_583 : i32 to vector<16xi32>
        %mul3A_585 = arith.muli %add3A_580, %mul3A_584 : vector<16xi32>
        %add3A_586 = vector.broadcast %mul3A_582 : i32 to vector<16xi32>
        %add3A_587 = arith.addi %add3A_586, %mul3A_585 : vector<16xi32>
        %add3A_588 = arith.constant 2 : i32
        %add3A_589 = vector.broadcast %add3A_588 : i32 to vector<16xi32>
        %add3A_590 = arith.addi %add3A_587, %add3A_589 : vector<16xi32>
        %gather3A_591 = tpu.vector_load_idx %arg17[%add3A_590] : memref<1024xi32, #tpu.memory_space<vmem>>[vector<16xi32>], vector<16xi32>,
        %mul3A_592 = arith.constant 128 : i32
        %mul3A_593 = arith.muli %sub3A_76, %mul3A_592 : i32
        %add3A_594 = arith.addi %mul3A_2, %mul3A_593 : i32
        %add3A_595 = vector.broadcast %add3A_594 : i32 to vector<16xi32>
        %add3A_596 = arith.addi %add3A_595, %add3A_580 : vector<16xi32>
        %mul3A_597 = arith.constant 4 : i32
        %mul3A_598 = arith.muli %and3A_131, %mul3A_597 : i32
        %add3A_599 = arith.constant 2 : i32
        %add3A_600 = arith.addi %mul3A_598, %add3A_599 : i32
        %broadcast_in_dim3A_601 = vector.broadcast %add3A_600 : i32 to vector<16xi32>
        %lt3A_602 = arith.constant 0 : i32
        %lt3A_603 = vector.broadcast %lt3A_602 : i32 to vector<16xi32>
        %lt3A_604 = arith.cmpi slt, %gather3A_591, %lt3A_603 : vector<16xi32>
        %select_n3A_605 = arith.select %lt3A_604, %add3A_596, %gather3A_591 : vector<16xi1>, vector<16xi32>
        tpu.vector_store_idx %arg18[%broadcast_in_dim3A_601, %add3A_580], %select_n3A_605 : memref<8x128xi32, #tpu.memory_space<vmem>>[vector<16xi32>, vector<16xi32>], vector<16xi32>,
        %add3A_606 = arith.constant 16 : i32
        %add3A_607 = vector.broadcast %add3A_606 : i32 to vector<16xi32>
        %add3A_608 = arith.addi %add3A_607, %iota3A : vector<16xi32>
        %mul3A_609 = arith.constant 512 : i32
        %mul3A_610 = arith.muli %and3A_131, %mul3A_609 : i32
        %mul3A_611 = arith.constant 4 : i32
        %mul3A_612 = vector.broadcast %mul3A_611 : i32 to vector<16xi32>
        %mul3A_613 = arith.muli %add3A_608, %mul3A_612 : vector<16xi32>
        %add3A_614 = vector.broadcast %mul3A_610 : i32 to vector<16xi32>
        %add3A_615 = arith.addi %add3A_614, %mul3A_613 : vector<16xi32>
        %add3A_616 = arith.constant 2 : i32
        %add3A_617 = vector.broadcast %add3A_616 : i32 to vector<16xi32>
        %add3A_618 = arith.addi %add3A_615, %add3A_617 : vector<16xi32>
        %gather3A_619 = tpu.vector_load_idx %arg17[%add3A_618] : memref<1024xi32, #tpu.memory_space<vmem>>[vector<16xi32>], vector<16xi32>,
        %mul3A_620 = arith.constant 128 : i32
        %mul3A_621 = arith.muli %sub3A_76, %mul3A_620 : i32
        %add3A_622 = arith.addi %mul3A_2, %mul3A_621 : i32
        %add3A_623 = vector.broadcast %add3A_622 : i32 to vector<16xi32>
        %add3A_624 = arith.addi %add3A_623, %add3A_608 : vector<16xi32>
        %mul3A_625 = arith.constant 4 : i32
        %mul3A_626 = arith.muli %and3A_131, %mul3A_625 : i32
        %add3A_627 = arith.constant 2 : i32
        %add3A_628 = arith.addi %mul3A_626, %add3A_627 : i32
        %broadcast_in_dim3A_629 = vector.broadcast %add3A_628 : i32 to vector<16xi32>
        %lt3A_630 = arith.constant 0 : i32
        %lt3A_631 = vector.broadcast %lt3A_630 : i32 to vector<16xi32>
        %lt3A_632 = arith.cmpi slt, %gather3A_619, %lt3A_631 : vector<16xi32>
        %select_n3A_633 = arith.select %lt3A_632, %add3A_624, %gather3A_619 : vector<16xi1>, vector<16xi32>
        tpu.vector_store_idx %arg18[%broadcast_in_dim3A_629, %add3A_608], %select_n3A_633 : memref<8x128xi32, #tpu.memory_space<vmem>>[vector<16xi32>, vector<16xi32>], vector<16xi32>,
        %add3A_634 = arith.constant 32 : i32
        %add3A_635 = vector.broadcast %add3A_634 : i32 to vector<16xi32>
        %add3A_636 = arith.addi %add3A_635, %iota3A : vector<16xi32>
        %mul3A_637 = arith.constant 512 : i32
        %mul3A_638 = arith.muli %and3A_131, %mul3A_637 : i32
        %mul3A_639 = arith.constant 4 : i32
        %mul3A_640 = vector.broadcast %mul3A_639 : i32 to vector<16xi32>
        %mul3A_641 = arith.muli %add3A_636, %mul3A_640 : vector<16xi32>
        %add3A_642 = vector.broadcast %mul3A_638 : i32 to vector<16xi32>
        %add3A_643 = arith.addi %add3A_642, %mul3A_641 : vector<16xi32>
        %add3A_644 = arith.constant 2 : i32
        %add3A_645 = vector.broadcast %add3A_644 : i32 to vector<16xi32>
        %add3A_646 = arith.addi %add3A_643, %add3A_645 : vector<16xi32>
        %gather3A_647 = tpu.vector_load_idx %arg17[%add3A_646] : memref<1024xi32, #tpu.memory_space<vmem>>[vector<16xi32>], vector<16xi32>,
        %mul3A_648 = arith.constant 128 : i32
        %mul3A_649 = arith.muli %sub3A_76, %mul3A_648 : i32
        %add3A_650 = arith.addi %mul3A_2, %mul3A_649 : i32
        %add3A_651 = vector.broadcast %add3A_650 : i32 to vector<16xi32>
        %add3A_652 = arith.addi %add3A_651, %add3A_636 : vector<16xi32>
        %mul3A_653 = arith.constant 4 : i32
        %mul3A_654 = arith.muli %and3A_131, %mul3A_653 : i32
        %add3A_655 = arith.constant 2 : i32
        %add3A_656 = arith.addi %mul3A_654, %add3A_655 : i32
        %broadcast_in_dim3A_657 = vector.broadcast %add3A_656 : i32 to vector<16xi32>
        %lt3A_658 = arith.constant 0 : i32
        %lt3A_659 = vector.broadcast %lt3A_658 : i32 to vector<16xi32>
        %lt3A_660 = arith.cmpi slt, %gather3A_647, %lt3A_659 : vector<16xi32>
        %select_n3A_661 = arith.select %lt3A_660, %add3A_652, %gather3A_647 : vector<16xi1>, vector<16xi32>
        tpu.vector_store_idx %arg18[%broadcast_in_dim3A_657, %add3A_636], %select_n3A_661 : memref<8x128xi32, #tpu.memory_space<vmem>>[vector<16xi32>, vector<16xi32>], vector<16xi32>,
        %add3A_662 = arith.constant 48 : i32
        %add3A_663 = vector.broadcast %add3A_662 : i32 to vector<16xi32>
        %add3A_664 = arith.addi %add3A_663, %iota3A : vector<16xi32>
        %mul3A_665 = arith.constant 512 : i32
        %mul3A_666 = arith.muli %and3A_131, %mul3A_665 : i32
        %mul3A_667 = arith.constant 4 : i32
        %mul3A_668 = vector.broadcast %mul3A_667 : i32 to vector<16xi32>
        %mul3A_669 = arith.muli %add3A_664, %mul3A_668 : vector<16xi32>
        %add3A_670 = vector.broadcast %mul3A_666 : i32 to vector<16xi32>
        %add3A_671 = arith.addi %add3A_670, %mul3A_669 : vector<16xi32>
        %add3A_672 = arith.constant 2 : i32
        %add3A_673 = vector.broadcast %add3A_672 : i32 to vector<16xi32>
        %add3A_674 = arith.addi %add3A_671, %add3A_673 : vector<16xi32>
        %gather3A_675 = tpu.vector_load_idx %arg17[%add3A_674] : memref<1024xi32, #tpu.memory_space<vmem>>[vector<16xi32>], vector<16xi32>,
        %mul3A_676 = arith.constant 128 : i32
        %mul3A_677 = arith.muli %sub3A_76, %mul3A_676 : i32
        %add3A_678 = arith.addi %mul3A_2, %mul3A_677 : i32
        %add3A_679 = vector.broadcast %add3A_678 : i32 to vector<16xi32>
        %add3A_680 = arith.addi %add3A_679, %add3A_664 : vector<16xi32>
        %mul3A_681 = arith.constant 4 : i32
        %mul3A_682 = arith.muli %and3A_131, %mul3A_681 : i32
        %add3A_683 = arith.constant 2 : i32
        %add3A_684 = arith.addi %mul3A_682, %add3A_683 : i32
        %broadcast_in_dim3A_685 = vector.broadcast %add3A_684 : i32 to vector<16xi32>
        %lt3A_686 = arith.constant 0 : i32
        %lt3A_687 = vector.broadcast %lt3A_686 : i32 to vector<16xi32>
        %lt3A_688 = arith.cmpi slt, %gather3A_675, %lt3A_687 : vector<16xi32>
        %select_n3A_689 = arith.select %lt3A_688, %add3A_680, %gather3A_675 : vector<16xi1>, vector<16xi32>
        tpu.vector_store_idx %arg18[%broadcast_in_dim3A_685, %add3A_664], %select_n3A_689 : memref<8x128xi32, #tpu.memory_space<vmem>>[vector<16xi32>, vector<16xi32>], vector<16xi32>,
        %add3A_690 = arith.constant 64 : i32
        %add3A_691 = vector.broadcast %add3A_690 : i32 to vector<16xi32>
        %add3A_692 = arith.addi %add3A_691, %iota3A : vector<16xi32>
        %mul3A_693 = arith.constant 512 : i32
        %mul3A_694 = arith.muli %and3A_131, %mul3A_693 : i32
        %mul3A_695 = arith.constant 4 : i32
        %mul3A_696 = vector.broadcast %mul3A_695 : i32 to vector<16xi32>
        %mul3A_697 = arith.muli %add3A_692, %mul3A_696 : vector<16xi32>
        %add3A_698 = vector.broadcast %mul3A_694 : i32 to vector<16xi32>
        %add3A_699 = arith.addi %add3A_698, %mul3A_697 : vector<16xi32>
        %add3A_700 = arith.constant 2 : i32
        %add3A_701 = vector.broadcast %add3A_700 : i32 to vector<16xi32>
        %add3A_702 = arith.addi %add3A_699, %add3A_701 : vector<16xi32>
        %gather3A_703 = tpu.vector_load_idx %arg17[%add3A_702] : memref<1024xi32, #tpu.memory_space<vmem>>[vector<16xi32>], vector<16xi32>,
        %mul3A_704 = arith.constant 128 : i32
        %mul3A_705 = arith.muli %sub3A_76, %mul3A_704 : i32
        %add3A_706 = arith.addi %mul3A_2, %mul3A_705 : i32
        %add3A_707 = vector.broadcast %add3A_706 : i32 to vector<16xi32>
        %add3A_708 = arith.addi %add3A_707, %add3A_692 : vector<16xi32>
        %mul3A_709 = arith.constant 4 : i32
        %mul3A_710 = arith.muli %and3A_131, %mul3A_709 : i32
        %add3A_711 = arith.constant 2 : i32
        %add3A_712 = arith.addi %mul3A_710, %add3A_711 : i32
        %broadcast_in_dim3A_713 = vector.broadcast %add3A_712 : i32 to vector<16xi32>
        %lt3A_714 = arith.constant 0 : i32
        %lt3A_715 = vector.broadcast %lt3A_714 : i32 to vector<16xi32>
        %lt3A_716 = arith.cmpi slt, %gather3A_703, %lt3A_715 : vector<16xi32>
        %select_n3A_717 = arith.select %lt3A_716, %add3A_708, %gather3A_703 : vector<16xi1>, vector<16xi32>
        tpu.vector_store_idx %arg18[%broadcast_in_dim3A_713, %add3A_692], %select_n3A_717 : memref<8x128xi32, #tpu.memory_space<vmem>>[vector<16xi32>, vector<16xi32>], vector<16xi32>,
        %add3A_718 = arith.constant 80 : i32
        %add3A_719 = vector.broadcast %add3A_718 : i32 to vector<16xi32>
        %add3A_720 = arith.addi %add3A_719, %iota3A : vector<16xi32>
        %mul3A_721 = arith.constant 512 : i32
        %mul3A_722 = arith.muli %and3A_131, %mul3A_721 : i32
        %mul3A_723 = arith.constant 4 : i32
        %mul3A_724 = vector.broadcast %mul3A_723 : i32 to vector<16xi32>
        %mul3A_725 = arith.muli %add3A_720, %mul3A_724 : vector<16xi32>
        %add3A_726 = vector.broadcast %mul3A_722 : i32 to vector<16xi32>
        %add3A_727 = arith.addi %add3A_726, %mul3A_725 : vector<16xi32>
        %add3A_728 = arith.constant 2 : i32
        %add3A_729 = vector.broadcast %add3A_728 : i32 to vector<16xi32>
        %add3A_730 = arith.addi %add3A_727, %add3A_729 : vector<16xi32>
        %gather3A_731 = tpu.vector_load_idx %arg17[%add3A_730] : memref<1024xi32, #tpu.memory_space<vmem>>[vector<16xi32>], vector<16xi32>,
        %mul3A_732 = arith.constant 128 : i32
        %mul3A_733 = arith.muli %sub3A_76, %mul3A_732 : i32
        %add3A_734 = arith.addi %mul3A_2, %mul3A_733 : i32
        %add3A_735 = vector.broadcast %add3A_734 : i32 to vector<16xi32>
        %add3A_736 = arith.addi %add3A_735, %add3A_720 : vector<16xi32>
        %mul3A_737 = arith.constant 4 : i32
        %mul3A_738 = arith.muli %and3A_131, %mul3A_737 : i32
        %add3A_739 = arith.constant 2 : i32
        %add3A_740 = arith.addi %mul3A_738, %add3A_739 : i32
        %broadcast_in_dim3A_741 = vector.broadcast %add3A_740 : i32 to vector<16xi32>
        %lt3A_742 = arith.constant 0 : i32
        %lt3A_743 = vector.broadcast %lt3A_742 : i32 to vector<16xi32>
        %lt3A_744 = arith.cmpi slt, %gather3A_731, %lt3A_743 : vector<16xi32>
        %select_n3A_745 = arith.select %lt3A_744, %add3A_736, %gather3A_731 : vector<16xi1>, vector<16xi32>
        tpu.vector_store_idx %arg18[%broadcast_in_dim3A_741, %add3A_720], %select_n3A_745 : memref<8x128xi32, #tpu.memory_space<vmem>>[vector<16xi32>, vector<16xi32>], vector<16xi32>,
        %add3A_746 = arith.constant 96 : i32
        %add3A_747 = vector.broadcast %add3A_746 : i32 to vector<16xi32>
        %add3A_748 = arith.addi %add3A_747, %iota3A : vector<16xi32>
        %mul3A_749 = arith.constant 512 : i32
        %mul3A_750 = arith.muli %and3A_131, %mul3A_749 : i32
        %mul3A_751 = arith.constant 4 : i32
        %mul3A_752 = vector.broadcast %mul3A_751 : i32 to vector<16xi32>
        %mul3A_753 = arith.muli %add3A_748, %mul3A_752 : vector<16xi32>
        %add3A_754 = vector.broadcast %mul3A_750 : i32 to vector<16xi32>
        %add3A_755 = arith.addi %add3A_754, %mul3A_753 : vector<16xi32>
        %add3A_756 = arith.constant 2 : i32
        %add3A_757 = vector.broadcast %add3A_756 : i32 to vector<16xi32>
        %add3A_758 = arith.addi %add3A_755, %add3A_757 : vector<16xi32>
        %gather3A_759 = tpu.vector_load_idx %arg17[%add3A_758] : memref<1024xi32, #tpu.memory_space<vmem>>[vector<16xi32>], vector<16xi32>,
        %mul3A_760 = arith.constant 128 : i32
        %mul3A_761 = arith.muli %sub3A_76, %mul3A_760 : i32
        %add3A_762 = arith.addi %mul3A_2, %mul3A_761 : i32
        %add3A_763 = vector.broadcast %add3A_762 : i32 to vector<16xi32>
        %add3A_764 = arith.addi %add3A_763, %add3A_748 : vector<16xi32>
        %mul3A_765 = arith.constant 4 : i32
        %mul3A_766 = arith.muli %and3A_131, %mul3A_765 : i32
        %add3A_767 = arith.constant 2 : i32
        %add3A_768 = arith.addi %mul3A_766, %add3A_767 : i32
        %broadcast_in_dim3A_769 = vector.broadcast %add3A_768 : i32 to vector<16xi32>
        %lt3A_770 = arith.constant 0 : i32
        %lt3A_771 = vector.broadcast %lt3A_770 : i32 to vector<16xi32>
        %lt3A_772 = arith.cmpi slt, %gather3A_759, %lt3A_771 : vector<16xi32>
        %select_n3A_773 = arith.select %lt3A_772, %add3A_764, %gather3A_759 : vector<16xi1>, vector<16xi32>
        tpu.vector_store_idx %arg18[%broadcast_in_dim3A_769, %add3A_748], %select_n3A_773 : memref<8x128xi32, #tpu.memory_space<vmem>>[vector<16xi32>, vector<16xi32>], vector<16xi32>,
        %add3A_774 = arith.constant 112 : i32
        %add3A_775 = vector.broadcast %add3A_774 : i32 to vector<16xi32>
        %add3A_776 = arith.addi %add3A_775, %iota3A : vector<16xi32>
        %mul3A_777 = arith.constant 512 : i32
        %mul3A_778 = arith.muli %and3A_131, %mul3A_777 : i32
        %mul3A_779 = arith.constant 4 : i32
        %mul3A_780 = vector.broadcast %mul3A_779 : i32 to vector<16xi32>
        %mul3A_781 = arith.muli %add3A_776, %mul3A_780 : vector<16xi32>
        %add3A_782 = vector.broadcast %mul3A_778 : i32 to vector<16xi32>
        %add3A_783 = arith.addi %add3A_782, %mul3A_781 : vector<16xi32>
        %add3A_784 = arith.constant 2 : i32
        %add3A_785 = vector.broadcast %add3A_784 : i32 to vector<16xi32>
        %add3A_786 = arith.addi %add3A_783, %add3A_785 : vector<16xi32>
        %gather3A_787 = tpu.vector_load_idx %arg17[%add3A_786] : memref<1024xi32, #tpu.memory_space<vmem>>[vector<16xi32>], vector<16xi32>,
        %mul3A_788 = arith.constant 128 : i32
        %mul3A_789 = arith.muli %sub3A_76, %mul3A_788 : i32
        %add3A_790 = arith.addi %mul3A_2, %mul3A_789 : i32
        %add3A_791 = vector.broadcast %add3A_790 : i32 to vector<16xi32>
        %add3A_792 = arith.addi %add3A_791, %add3A_776 : vector<16xi32>
        %mul3A_793 = arith.constant 4 : i32
        %mul3A_794 = arith.muli %and3A_131, %mul3A_793 : i32
        %add3A_795 = arith.constant 2 : i32
        %add3A_796 = arith.addi %mul3A_794, %add3A_795 : i32
        %broadcast_in_dim3A_797 = vector.broadcast %add3A_796 : i32 to vector<16xi32>
        %lt3A_798 = arith.constant 0 : i32
        %lt3A_799 = vector.broadcast %lt3A_798 : i32 to vector<16xi32>
        %lt3A_800 = arith.cmpi slt, %gather3A_787, %lt3A_799 : vector<16xi32>
        %select_n3A_801 = arith.select %lt3A_800, %add3A_792, %gather3A_787 : vector<16xi1>, vector<16xi32>
        tpu.vector_store_idx %arg18[%broadcast_in_dim3A_797, %add3A_776], %select_n3A_801 : memref<8x128xi32, #tpu.memory_space<vmem>>[vector<16xi32>, vector<16xi32>], vector<16xi32>,
        %add3A_802 = arith.constant 0 : i32
        %add3A_803 = vector.broadcast %add3A_802 : i32 to vector<16xi32>
        %add3A_804 = arith.addi %add3A_803, %iota3A : vector<16xi32>
        %mul3A_805 = arith.constant 512 : i32
        %mul3A_806 = arith.muli %and3A_131, %mul3A_805 : i32
        %mul3A_807 = arith.constant 4 : i32
        %mul3A_808 = vector.broadcast %mul3A_807 : i32 to vector<16xi32>
        %mul3A_809 = arith.muli %add3A_804, %mul3A_808 : vector<16xi32>
        %add3A_810 = vector.broadcast %mul3A_806 : i32 to vector<16xi32>
        %add3A_811 = arith.addi %add3A_810, %mul3A_809 : vector<16xi32>
        %add3A_812 = arith.constant 3 : i32
        %add3A_813 = vector.broadcast %add3A_812 : i32 to vector<16xi32>
        %add3A_814 = arith.addi %add3A_811, %add3A_813 : vector<16xi32>
        %gather3A_815 = tpu.vector_load_idx %arg17[%add3A_814] : memref<1024xi32, #tpu.memory_space<vmem>>[vector<16xi32>], vector<16xi32>,
        %mul3A_816 = arith.constant 128 : i32
        %mul3A_817 = arith.muli %sub3A_76, %mul3A_816 : i32
        %add3A_818 = arith.addi %mul3A_2, %mul3A_817 : i32
        %add3A_819 = vector.broadcast %add3A_818 : i32 to vector<16xi32>
        %add3A_820 = arith.addi %add3A_819, %add3A_804 : vector<16xi32>
        %mul3A_821 = arith.constant 4 : i32
        %mul3A_822 = arith.muli %and3A_131, %mul3A_821 : i32
        %add3A_823 = arith.constant 3 : i32
        %add3A_824 = arith.addi %mul3A_822, %add3A_823 : i32
        %broadcast_in_dim3A_825 = vector.broadcast %add3A_824 : i32 to vector<16xi32>
        %lt3A_826 = arith.constant 0 : i32
        %lt3A_827 = vector.broadcast %lt3A_826 : i32 to vector<16xi32>
        %lt3A_828 = arith.cmpi slt, %gather3A_815, %lt3A_827 : vector<16xi32>
        %select_n3A_829 = arith.select %lt3A_828, %add3A_820, %gather3A_815 : vector<16xi1>, vector<16xi32>
        tpu.vector_store_idx %arg18[%broadcast_in_dim3A_825, %add3A_804], %select_n3A_829 : memref<8x128xi32, #tpu.memory_space<vmem>>[vector<16xi32>, vector<16xi32>], vector<16xi32>,
        %add3A_830 = arith.constant 16 : i32
        %add3A_831 = vector.broadcast %add3A_830 : i32 to vector<16xi32>
        %add3A_832 = arith.addi %add3A_831, %iota3A : vector<16xi32>
        %mul3A_833 = arith.constant 512 : i32
        %mul3A_834 = arith.muli %and3A_131, %mul3A_833 : i32
        %mul3A_835 = arith.constant 4 : i32
        %mul3A_836 = vector.broadcast %mul3A_835 : i32 to vector<16xi32>
        %mul3A_837 = arith.muli %add3A_832, %mul3A_836 : vector<16xi32>
        %add3A_838 = vector.broadcast %mul3A_834 : i32 to vector<16xi32>
        %add3A_839 = arith.addi %add3A_838, %mul3A_837 : vector<16xi32>
        %add3A_840 = arith.constant 3 : i32
        %add3A_841 = vector.broadcast %add3A_840 : i32 to vector<16xi32>
        %add3A_842 = arith.addi %add3A_839, %add3A_841 : vector<16xi32>
        %gather3A_843 = tpu.vector_load_idx %arg17[%add3A_842] : memref<1024xi32, #tpu.memory_space<vmem>>[vector<16xi32>], vector<16xi32>,
        %mul3A_844 = arith.constant 128 : i32
        %mul3A_845 = arith.muli %sub3A_76, %mul3A_844 : i32
        %add3A_846 = arith.addi %mul3A_2, %mul3A_845 : i32
        %add3A_847 = vector.broadcast %add3A_846 : i32 to vector<16xi32>
        %add3A_848 = arith.addi %add3A_847, %add3A_832 : vector<16xi32>
        %mul3A_849 = arith.constant 4 : i32
        %mul3A_850 = arith.muli %and3A_131, %mul3A_849 : i32
        %add3A_851 = arith.constant 3 : i32
        %add3A_852 = arith.addi %mul3A_850, %add3A_851 : i32
        %broadcast_in_dim3A_853 = vector.broadcast %add3A_852 : i32 to vector<16xi32>
        %lt3A_854 = arith.constant 0 : i32
        %lt3A_855 = vector.broadcast %lt3A_854 : i32 to vector<16xi32>
        %lt3A_856 = arith.cmpi slt, %gather3A_843, %lt3A_855 : vector<16xi32>
        %select_n3A_857 = arith.select %lt3A_856, %add3A_848, %gather3A_843 : vector<16xi1>, vector<16xi32>
        tpu.vector_store_idx %arg18[%broadcast_in_dim3A_853, %add3A_832], %select_n3A_857 : memref<8x128xi32, #tpu.memory_space<vmem>>[vector<16xi32>, vector<16xi32>], vector<16xi32>,
        %add3A_858 = arith.constant 32 : i32
        %add3A_859 = vector.broadcast %add3A_858 : i32 to vector<16xi32>
        %add3A_860 = arith.addi %add3A_859, %iota3A : vector<16xi32>
        %mul3A_861 = arith.constant 512 : i32
        %mul3A_862 = arith.muli %and3A_131, %mul3A_861 : i32
        %mul3A_863 = arith.constant 4 : i32
        %mul3A_864 = vector.broadcast %mul3A_863 : i32 to vector<16xi32>
        %mul3A_865 = arith.muli %add3A_860, %mul3A_864 : vector<16xi32>
        %add3A_866 = vector.broadcast %mul3A_862 : i32 to vector<16xi32>
        %add3A_867 = arith.addi %add3A_866, %mul3A_865 : vector<16xi32>
        %add3A_868 = arith.constant 3 : i32
        %add3A_869 = vector.broadcast %add3A_868 : i32 to vector<16xi32>
        %add3A_870 = arith.addi %add3A_867, %add3A_869 : vector<16xi32>
        %gather3A_871 = tpu.vector_load_idx %arg17[%add3A_870] : memref<1024xi32, #tpu.memory_space<vmem>>[vector<16xi32>], vector<16xi32>,
        %mul3A_872 = arith.constant 128 : i32
        %mul3A_873 = arith.muli %sub3A_76, %mul3A_872 : i32
        %add3A_874 = arith.addi %mul3A_2, %mul3A_873 : i32
        %add3A_875 = vector.broadcast %add3A_874 : i32 to vector<16xi32>
        %add3A_876 = arith.addi %add3A_875, %add3A_860 : vector<16xi32>
        %mul3A_877 = arith.constant 4 : i32
        %mul3A_878 = arith.muli %and3A_131, %mul3A_877 : i32
        %add3A_879 = arith.constant 3 : i32
        %add3A_880 = arith.addi %mul3A_878, %add3A_879 : i32
        %broadcast_in_dim3A_881 = vector.broadcast %add3A_880 : i32 to vector<16xi32>
        %lt3A_882 = arith.constant 0 : i32
        %lt3A_883 = vector.broadcast %lt3A_882 : i32 to vector<16xi32>
        %lt3A_884 = arith.cmpi slt, %gather3A_871, %lt3A_883 : vector<16xi32>
        %select_n3A_885 = arith.select %lt3A_884, %add3A_876, %gather3A_871 : vector<16xi1>, vector<16xi32>
        tpu.vector_store_idx %arg18[%broadcast_in_dim3A_881, %add3A_860], %select_n3A_885 : memref<8x128xi32, #tpu.memory_space<vmem>>[vector<16xi32>, vector<16xi32>], vector<16xi32>,
        %add3A_886 = arith.constant 48 : i32
        %add3A_887 = vector.broadcast %add3A_886 : i32 to vector<16xi32>
        %add3A_888 = arith.addi %add3A_887, %iota3A : vector<16xi32>
        %mul3A_889 = arith.constant 512 : i32
        %mul3A_890 = arith.muli %and3A_131, %mul3A_889 : i32
        %mul3A_891 = arith.constant 4 : i32
        %mul3A_892 = vector.broadcast %mul3A_891 : i32 to vector<16xi32>
        %mul3A_893 = arith.muli %add3A_888, %mul3A_892 : vector<16xi32>
        %add3A_894 = vector.broadcast %mul3A_890 : i32 to vector<16xi32>
        %add3A_895 = arith.addi %add3A_894, %mul3A_893 : vector<16xi32>
        %add3A_896 = arith.constant 3 : i32
        %add3A_897 = vector.broadcast %add3A_896 : i32 to vector<16xi32>
        %add3A_898 = arith.addi %add3A_895, %add3A_897 : vector<16xi32>
        %gather3A_899 = tpu.vector_load_idx %arg17[%add3A_898] : memref<1024xi32, #tpu.memory_space<vmem>>[vector<16xi32>], vector<16xi32>,
        %mul3A_900 = arith.constant 128 : i32
        %mul3A_901 = arith.muli %sub3A_76, %mul3A_900 : i32
        %add3A_902 = arith.addi %mul3A_2, %mul3A_901 : i32
        %add3A_903 = vector.broadcast %add3A_902 : i32 to vector<16xi32>
        %add3A_904 = arith.addi %add3A_903, %add3A_888 : vector<16xi32>
        %mul3A_905 = arith.constant 4 : i32
        %mul3A_906 = arith.muli %and3A_131, %mul3A_905 : i32
        %add3A_907 = arith.constant 3 : i32
        %add3A_908 = arith.addi %mul3A_906, %add3A_907 : i32
        %broadcast_in_dim3A_909 = vector.broadcast %add3A_908 : i32 to vector<16xi32>
        %lt3A_910 = arith.constant 0 : i32
        %lt3A_911 = vector.broadcast %lt3A_910 : i32 to vector<16xi32>
        %lt3A_912 = arith.cmpi slt, %gather3A_899, %lt3A_911 : vector<16xi32>
        %select_n3A_913 = arith.select %lt3A_912, %add3A_904, %gather3A_899 : vector<16xi1>, vector<16xi32>
        tpu.vector_store_idx %arg18[%broadcast_in_dim3A_909, %add3A_888], %select_n3A_913 : memref<8x128xi32, #tpu.memory_space<vmem>>[vector<16xi32>, vector<16xi32>], vector<16xi32>,
        %add3A_914 = arith.constant 64 : i32
        %add3A_915 = vector.broadcast %add3A_914 : i32 to vector<16xi32>
        %add3A_916 = arith.addi %add3A_915, %iota3A : vector<16xi32>
        %mul3A_917 = arith.constant 512 : i32
        %mul3A_918 = arith.muli %and3A_131, %mul3A_917 : i32
        %mul3A_919 = arith.constant 4 : i32
        %mul3A_920 = vector.broadcast %mul3A_919 : i32 to vector<16xi32>
        %mul3A_921 = arith.muli %add3A_916, %mul3A_920 : vector<16xi32>
        %add3A_922 = vector.broadcast %mul3A_918 : i32 to vector<16xi32>
        %add3A_923 = arith.addi %add3A_922, %mul3A_921 : vector<16xi32>
        %add3A_924 = arith.constant 3 : i32
        %add3A_925 = vector.broadcast %add3A_924 : i32 to vector<16xi32>
        %add3A_926 = arith.addi %add3A_923, %add3A_925 : vector<16xi32>
        %gather3A_927 = tpu.vector_load_idx %arg17[%add3A_926] : memref<1024xi32, #tpu.memory_space<vmem>>[vector<16xi32>], vector<16xi32>,
        %mul3A_928 = arith.constant 128 : i32
        %mul3A_929 = arith.muli %sub3A_76, %mul3A_928 : i32
        %add3A_930 = arith.addi %mul3A_2, %mul3A_929 : i32
        %add3A_931 = vector.broadcast %add3A_930 : i32 to vector<16xi32>
        %add3A_932 = arith.addi %add3A_931, %add3A_916 : vector<16xi32>
        %mul3A_933 = arith.constant 4 : i32
        %mul3A_934 = arith.muli %and3A_131, %mul3A_933 : i32
        %add3A_935 = arith.constant 3 : i32
        %add3A_936 = arith.addi %mul3A_934, %add3A_935 : i32
        %broadcast_in_dim3A_937 = vector.broadcast %add3A_936 : i32 to vector<16xi32>
        %lt3A_938 = arith.constant 0 : i32
        %lt3A_939 = vector.broadcast %lt3A_938 : i32 to vector<16xi32>
        %lt3A_940 = arith.cmpi slt, %gather3A_927, %lt3A_939 : vector<16xi32>
        %select_n3A_941 = arith.select %lt3A_940, %add3A_932, %gather3A_927 : vector<16xi1>, vector<16xi32>
        tpu.vector_store_idx %arg18[%broadcast_in_dim3A_937, %add3A_916], %select_n3A_941 : memref<8x128xi32, #tpu.memory_space<vmem>>[vector<16xi32>, vector<16xi32>], vector<16xi32>,
        %add3A_942 = arith.constant 80 : i32
        %add3A_943 = vector.broadcast %add3A_942 : i32 to vector<16xi32>
        %add3A_944 = arith.addi %add3A_943, %iota3A : vector<16xi32>
        %mul3A_945 = arith.constant 512 : i32
        %mul3A_946 = arith.muli %and3A_131, %mul3A_945 : i32
        %mul3A_947 = arith.constant 4 : i32
        %mul3A_948 = vector.broadcast %mul3A_947 : i32 to vector<16xi32>
        %mul3A_949 = arith.muli %add3A_944, %mul3A_948 : vector<16xi32>
        %add3A_950 = vector.broadcast %mul3A_946 : i32 to vector<16xi32>
        %add3A_951 = arith.addi %add3A_950, %mul3A_949 : vector<16xi32>
        %add3A_952 = arith.constant 3 : i32
        %add3A_953 = vector.broadcast %add3A_952 : i32 to vector<16xi32>
        %add3A_954 = arith.addi %add3A_951, %add3A_953 : vector<16xi32>
        %gather3A_955 = tpu.vector_load_idx %arg17[%add3A_954] : memref<1024xi32, #tpu.memory_space<vmem>>[vector<16xi32>], vector<16xi32>,
        %mul3A_956 = arith.constant 128 : i32
        %mul3A_957 = arith.muli %sub3A_76, %mul3A_956 : i32
        %add3A_958 = arith.addi %mul3A_2, %mul3A_957 : i32
        %add3A_959 = vector.broadcast %add3A_958 : i32 to vector<16xi32>
        %add3A_960 = arith.addi %add3A_959, %add3A_944 : vector<16xi32>
        %mul3A_961 = arith.constant 4 : i32
        %mul3A_962 = arith.muli %and3A_131, %mul3A_961 : i32
        %add3A_963 = arith.constant 3 : i32
        %add3A_964 = arith.addi %mul3A_962, %add3A_963 : i32
        %broadcast_in_dim3A_965 = vector.broadcast %add3A_964 : i32 to vector<16xi32>
        %lt3A_966 = arith.constant 0 : i32
        %lt3A_967 = vector.broadcast %lt3A_966 : i32 to vector<16xi32>
        %lt3A_968 = arith.cmpi slt, %gather3A_955, %lt3A_967 : vector<16xi32>
        %select_n3A_969 = arith.select %lt3A_968, %add3A_960, %gather3A_955 : vector<16xi1>, vector<16xi32>
        tpu.vector_store_idx %arg18[%broadcast_in_dim3A_965, %add3A_944], %select_n3A_969 : memref<8x128xi32, #tpu.memory_space<vmem>>[vector<16xi32>, vector<16xi32>], vector<16xi32>,
        %add3A_970 = arith.constant 96 : i32
        %add3A_971 = vector.broadcast %add3A_970 : i32 to vector<16xi32>
        %add3A_972 = arith.addi %add3A_971, %iota3A : vector<16xi32>
        %mul3A_973 = arith.constant 512 : i32
        %mul3A_974 = arith.muli %and3A_131, %mul3A_973 : i32
        %mul3A_975 = arith.constant 4 : i32
        %mul3A_976 = vector.broadcast %mul3A_975 : i32 to vector<16xi32>
        %mul3A_977 = arith.muli %add3A_972, %mul3A_976 : vector<16xi32>
        %add3A_978 = vector.broadcast %mul3A_974 : i32 to vector<16xi32>
        %add3A_979 = arith.addi %add3A_978, %mul3A_977 : vector<16xi32>
        %add3A_980 = arith.constant 3 : i32
        %add3A_981 = vector.broadcast %add3A_980 : i32 to vector<16xi32>
        %add3A_982 = arith.addi %add3A_979, %add3A_981 : vector<16xi32>
        %gather3A_983 = tpu.vector_load_idx %arg17[%add3A_982] : memref<1024xi32, #tpu.memory_space<vmem>>[vector<16xi32>], vector<16xi32>,
        %mul3A_984 = arith.constant 128 : i32
        %mul3A_985 = arith.muli %sub3A_76, %mul3A_984 : i32
        %add3A_986 = arith.addi %mul3A_2, %mul3A_985 : i32
        %add3A_987 = vector.broadcast %add3A_986 : i32 to vector<16xi32>
        %add3A_988 = arith.addi %add3A_987, %add3A_972 : vector<16xi32>
        %mul3A_989 = arith.constant 4 : i32
        %mul3A_990 = arith.muli %and3A_131, %mul3A_989 : i32
        %add3A_991 = arith.constant 3 : i32
        %add3A_992 = arith.addi %mul3A_990, %add3A_991 : i32
        %broadcast_in_dim3A_993 = vector.broadcast %add3A_992 : i32 to vector<16xi32>
        %lt3A_994 = arith.constant 0 : i32
        %lt3A_995 = vector.broadcast %lt3A_994 : i32 to vector<16xi32>
        %lt3A_996 = arith.cmpi slt, %gather3A_983, %lt3A_995 : vector<16xi32>
        %select_n3A_997 = arith.select %lt3A_996, %add3A_988, %gather3A_983 : vector<16xi1>, vector<16xi32>
        tpu.vector_store_idx %arg18[%broadcast_in_dim3A_993, %add3A_972], %select_n3A_997 : memref<8x128xi32, #tpu.memory_space<vmem>>[vector<16xi32>, vector<16xi32>], vector<16xi32>,
        %add3A_998 = arith.constant 112 : i32
        %add3A_999 = vector.broadcast %add3A_998 : i32 to vector<16xi32>
        %add3A_1000 = arith.addi %add3A_999, %iota3A : vector<16xi32>
        %mul3A_1001 = arith.constant 512 : i32
        %mul3A_1002 = arith.muli %and3A_131, %mul3A_1001 : i32
        %mul3A_1003 = arith.constant 4 : i32
        %mul3A_1004 = vector.broadcast %mul3A_1003 : i32 to vector<16xi32>
        %mul3A_1005 = arith.muli %add3A_1000, %mul3A_1004 : vector<16xi32>
        %add3A_1006 = vector.broadcast %mul3A_1002 : i32 to vector<16xi32>
        %add3A_1007 = arith.addi %add3A_1006, %mul3A_1005 : vector<16xi32>
        %add3A_1008 = arith.constant 3 : i32
        %add3A_1009 = vector.broadcast %add3A_1008 : i32 to vector<16xi32>
        %add3A_1010 = arith.addi %add3A_1007, %add3A_1009 : vector<16xi32>
        %gather3A_1011 = tpu.vector_load_idx %arg17[%add3A_1010] : memref<1024xi32, #tpu.memory_space<vmem>>[vector<16xi32>], vector<16xi32>,
        %mul3A_1012 = arith.constant 128 : i32
        %mul3A_1013 = arith.muli %sub3A_76, %mul3A_1012 : i32
        %add3A_1014 = arith.addi %mul3A_2, %mul3A_1013 : i32
        %add3A_1015 = vector.broadcast %add3A_1014 : i32 to vector<16xi32>
        %add3A_1016 = arith.addi %add3A_1015, %add3A_1000 : vector<16xi32>
        %mul3A_1017 = arith.constant 4 : i32
        %mul3A_1018 = arith.muli %and3A_131, %mul3A_1017 : i32
        %add3A_1019 = arith.constant 3 : i32
        %add3A_1020 = arith.addi %mul3A_1018, %add3A_1019 : i32
        %broadcast_in_dim3A_1021 = vector.broadcast %add3A_1020 : i32 to vector<16xi32>
        %lt3A_1022 = arith.constant 0 : i32
        %lt3A_1023 = vector.broadcast %lt3A_1022 : i32 to vector<16xi32>
        %lt3A_1024 = arith.cmpi slt, %gather3A_1011, %lt3A_1023 : vector<16xi32>
        %select_n3A_1025 = arith.select %lt3A_1024, %add3A_1016, %gather3A_1011 : vector<16xi1>, vector<16xi32>
        tpu.vector_store_idx %arg18[%broadcast_in_dim3A_1021, %add3A_1000], %select_n3A_1025 : memref<8x128xi32, #tpu.memory_space<vmem>>[vector<16xi32>, vector<16xi32>], vector<16xi32>,
        %and3A_1026 = arith.constant 1 : i32
        %and3A_1027 = arith.andi %sub3A_76, %and3A_1026 : i32
        %mul3A_1028 = arith.constant 4 : i32
        %mul3A_1029 = arith.muli %and3A_1027, %mul3A_1028 : i32
        %add3A_1030 = arith.constant 0 : i32
        %add3A_1031 = arith.addi %mul3A_1029, %add3A_1030 : i32
        %mul3A_1032 = arith.constant 128 : i32
        %mul3A_1033 = arith.muli %sub3A_76, %mul3A_1032 : i32
        %add3A_1034 = arith.addi %mul3A_2, %mul3A_1033 : i32
        %dma_start3A = arith.constant 0 : i32
        %dma_start3A_1035 = tpu.memref_slice %arg18[%add3A_1031, %dma_start3A] : memref<8x128xi32, #tpu.memory_space<vmem>> -> memref<1x128xi32, #tpu.memory_space<vmem>>
        %dma_start3A_1036 = tpu.memref_squeeze %dma_start3A_1035 : memref<1x128xi32, #tpu.memory_space<vmem>> -> memref<128xi32, #tpu.memory_space<vmem>>
        %dma_start3A_1037 = tpu.memref_slice %arg7[%add3A_1034] : memref<160000xi32, #tpu.memory_space<hbm>> -> memref<128xi32, #tpu.memory_space<hbm>>
        %dma_start3A_1038 = tpu.memref_slice %arg21[%and3A_1027] : memref<2x!tpu.dma_semaphore, #tpu.memory_space<semaphore_mem>> -> memref<1x!tpu.dma_semaphore, #tpu.memory_space<semaphore_mem>>
        %dma_start3A_1039 = tpu.memref_squeeze %dma_start3A_1038 : memref<1x!tpu.dma_semaphore, #tpu.memory_space<semaphore_mem>> -> memref<!tpu.dma_semaphore, #tpu.memory_space<semaphore_mem>>
        %dma_start3A_1040 = tpu.memref_slice %arg7[%add3A_1034] : memref<160000xi32, #tpu.memory_space<hbm>> -> memref<128xi32, #tpu.memory_space<hbm>>
        %dma_start3A_1041 = arith.constant 0 : i32
        %dma_start3A_1042 = tpu.memref_slice %arg18[%add3A_1031, %dma_start3A_1041] : memref<8x128xi32, #tpu.memory_space<vmem>> -> memref<1x128xi32, #tpu.memory_space<vmem>>
        %dma_start3A_1043 = tpu.memref_squeeze %dma_start3A_1042 : memref<1x128xi32, #tpu.memory_space<vmem>> -> memref<128xi32, #tpu.memory_space<vmem>>
        tpu.enqueue_dma source(%dma_start3A_1043 : memref<128xi32, #tpu.memory_space<vmem>>) target(%dma_start3A_1040 : memref<128xi32, #tpu.memory_space<hbm>>) target_semaphore(%dma_start3A_1039 : memref<!tpu.dma_semaphore, #tpu.memory_space<semaphore_mem>>)
        %mul3A_1044 = arith.constant 4 : i32
        %mul3A_1045 = arith.muli %and3A_1027, %mul3A_1044 : i32
        %add3A_1046 = arith.constant 1 : i32
        %add3A_1047 = arith.addi %mul3A_1045, %add3A_1046 : i32
        %mul3A_1048 = arith.constant 128 : i32
        %mul3A_1049 = arith.muli %sub3A_76, %mul3A_1048 : i32
        %add3A_1050 = arith.addi %mul3A_2, %mul3A_1049 : i32
        %dma_start3A_1051 = arith.constant 0 : i32
        %dma_start3A_1052 = tpu.memref_slice %arg18[%add3A_1047, %dma_start3A_1051] : memref<8x128xi32, #tpu.memory_space<vmem>> -> memref<1x128xi32, #tpu.memory_space<vmem>>
        %dma_start3A_1053 = tpu.memref_squeeze %dma_start3A_1052 : memref<1x128xi32, #tpu.memory_space<vmem>> -> memref<128xi32, #tpu.memory_space<vmem>>
        %dma_start3A_1054 = tpu.memref_slice %arg8[%add3A_1050] : memref<160000xi32, #tpu.memory_space<hbm>> -> memref<128xi32, #tpu.memory_space<hbm>>
        %dma_start3A_1055 = tpu.memref_slice %arg21[%and3A_1027] : memref<2x!tpu.dma_semaphore, #tpu.memory_space<semaphore_mem>> -> memref<1x!tpu.dma_semaphore, #tpu.memory_space<semaphore_mem>>
        %dma_start3A_1056 = tpu.memref_squeeze %dma_start3A_1055 : memref<1x!tpu.dma_semaphore, #tpu.memory_space<semaphore_mem>> -> memref<!tpu.dma_semaphore, #tpu.memory_space<semaphore_mem>>
        %dma_start3A_1057 = tpu.memref_slice %arg8[%add3A_1050] : memref<160000xi32, #tpu.memory_space<hbm>> -> memref<128xi32, #tpu.memory_space<hbm>>
        %dma_start3A_1058 = arith.constant 0 : i32
        %dma_start3A_1059 = tpu.memref_slice %arg18[%add3A_1047, %dma_start3A_1058] : memref<8x128xi32, #tpu.memory_space<vmem>> -> memref<1x128xi32, #tpu.memory_space<vmem>>
        %dma_start3A_1060 = tpu.memref_squeeze %dma_start3A_1059 : memref<1x128xi32, #tpu.memory_space<vmem>> -> memref<128xi32, #tpu.memory_space<vmem>>
        tpu.enqueue_dma source(%dma_start3A_1060 : memref<128xi32, #tpu.memory_space<vmem>>) target(%dma_start3A_1057 : memref<128xi32, #tpu.memory_space<hbm>>) target_semaphore(%dma_start3A_1056 : memref<!tpu.dma_semaphore, #tpu.memory_space<semaphore_mem>>)
        %mul3A_1061 = arith.constant 4 : i32
        %mul3A_1062 = arith.muli %and3A_1027, %mul3A_1061 : i32
        %add3A_1063 = arith.constant 2 : i32
        %add3A_1064 = arith.addi %mul3A_1062, %add3A_1063 : i32
        %mul3A_1065 = arith.constant 128 : i32
        %mul3A_1066 = arith.muli %sub3A_76, %mul3A_1065 : i32
        %add3A_1067 = arith.addi %mul3A_2, %mul3A_1066 : i32
        %dma_start3A_1068 = arith.constant 0 : i32
        %dma_start3A_1069 = tpu.memref_slice %arg18[%add3A_1064, %dma_start3A_1068] : memref<8x128xi32, #tpu.memory_space<vmem>> -> memref<1x128xi32, #tpu.memory_space<vmem>>
        %dma_start3A_1070 = tpu.memref_squeeze %dma_start3A_1069 : memref<1x128xi32, #tpu.memory_space<vmem>> -> memref<128xi32, #tpu.memory_space<vmem>>
        %dma_start3A_1071 = tpu.memref_slice %arg9[%add3A_1067] : memref<160000xi32, #tpu.memory_space<hbm>> -> memref<128xi32, #tpu.memory_space<hbm>>
        %dma_start3A_1072 = tpu.memref_slice %arg21[%and3A_1027] : memref<2x!tpu.dma_semaphore, #tpu.memory_space<semaphore_mem>> -> memref<1x!tpu.dma_semaphore, #tpu.memory_space<semaphore_mem>>
        %dma_start3A_1073 = tpu.memref_squeeze %dma_start3A_1072 : memref<1x!tpu.dma_semaphore, #tpu.memory_space<semaphore_mem>> -> memref<!tpu.dma_semaphore, #tpu.memory_space<semaphore_mem>>
        %dma_start3A_1074 = tpu.memref_slice %arg9[%add3A_1067] : memref<160000xi32, #tpu.memory_space<hbm>> -> memref<128xi32, #tpu.memory_space<hbm>>
        %dma_start3A_1075 = arith.constant 0 : i32
        %dma_start3A_1076 = tpu.memref_slice %arg18[%add3A_1064, %dma_start3A_1075] : memref<8x128xi32, #tpu.memory_space<vmem>> -> memref<1x128xi32, #tpu.memory_space<vmem>>
        %dma_start3A_1077 = tpu.memref_squeeze %dma_start3A_1076 : memref<1x128xi32, #tpu.memory_space<vmem>> -> memref<128xi32, #tpu.memory_space<vmem>>
        tpu.enqueue_dma source(%dma_start3A_1077 : memref<128xi32, #tpu.memory_space<vmem>>) target(%dma_start3A_1074 : memref<128xi32, #tpu.memory_space<hbm>>) target_semaphore(%dma_start3A_1073 : memref<!tpu.dma_semaphore, #tpu.memory_space<semaphore_mem>>)
        %mul3A_1078 = arith.constant 4 : i32
        %mul3A_1079 = arith.muli %and3A_1027, %mul3A_1078 : i32
        %add3A_1080 = arith.constant 3 : i32
        %add3A_1081 = arith.addi %mul3A_1079, %add3A_1080 : i32
        %mul3A_1082 = arith.constant 128 : i32
        %mul3A_1083 = arith.muli %sub3A_76, %mul3A_1082 : i32
        %add3A_1084 = arith.addi %mul3A_2, %mul3A_1083 : i32
        %dma_start3A_1085 = arith.constant 0 : i32
        %dma_start3A_1086 = tpu.memref_slice %arg18[%add3A_1081, %dma_start3A_1085] : memref<8x128xi32, #tpu.memory_space<vmem>> -> memref<1x128xi32, #tpu.memory_space<vmem>>
        %dma_start3A_1087 = tpu.memref_squeeze %dma_start3A_1086 : memref<1x128xi32, #tpu.memory_space<vmem>> -> memref<128xi32, #tpu.memory_space<vmem>>
        %dma_start3A_1088 = tpu.memref_slice %arg10[%add3A_1084] : memref<160000xi32, #tpu.memory_space<hbm>> -> memref<128xi32, #tpu.memory_space<hbm>>
        %dma_start3A_1089 = tpu.memref_slice %arg21[%and3A_1027] : memref<2x!tpu.dma_semaphore, #tpu.memory_space<semaphore_mem>> -> memref<1x!tpu.dma_semaphore, #tpu.memory_space<semaphore_mem>>
        %dma_start3A_1090 = tpu.memref_squeeze %dma_start3A_1089 : memref<1x!tpu.dma_semaphore, #tpu.memory_space<semaphore_mem>> -> memref<!tpu.dma_semaphore, #tpu.memory_space<semaphore_mem>>
        %dma_start3A_1091 = tpu.memref_slice %arg10[%add3A_1084] : memref<160000xi32, #tpu.memory_space<hbm>> -> memref<128xi32, #tpu.memory_space<hbm>>
        %dma_start3A_1092 = arith.constant 0 : i32
        %dma_start3A_1093 = tpu.memref_slice %arg18[%add3A_1081, %dma_start3A_1092] : memref<8x128xi32, #tpu.memory_space<vmem>> -> memref<1x128xi32, #tpu.memory_space<vmem>>
        %dma_start3A_1094 = tpu.memref_squeeze %dma_start3A_1093 : memref<1x128xi32, #tpu.memory_space<vmem>> -> memref<128xi32, #tpu.memory_space<vmem>>
        tpu.enqueue_dma source(%dma_start3A_1094 : memref<128xi32, #tpu.memory_space<vmem>>) target(%dma_start3A_1091 : memref<128xi32, #tpu.memory_space<hbm>>) target_semaphore(%dma_start3A_1090 : memref<!tpu.dma_semaphore, #tpu.memory_space<semaphore_mem>>)
      } else {
      }
      %ge3A_85 = arith.constant 0 : i32
      %ge3A_86 = arith.cmpi sge, %sub3A_78, %ge3A_85 : i32
      %lt3A_87 = arith.cmpi slt, %sub3A_78, %shift_right_arithmetic3A_6 : i32
      %and3A_88 = arith.andi %ge3A_86, %lt3A_87 : i1
      %convert_element_type3A_89 = arith.extui %and3A_88 : i1 to i32
      %cond3A_90 = arith.constant 0 : i32
      %cond3A_91 = arith.cmpi ne, %convert_element_type3A_89, %cond3A_90 : i32
      scf.if %cond3A_91 {
        %and3A_97 = arith.constant 1 : i32
        %and3A_98 = arith.andi %sub3A_78, %and3A_97 : i32
        %dma_wait3A = arith.constant 0 : i32
        %dma_wait3A_99 = arith.constant 0 : i32
        %dma_wait3A_100 = tpu.memref_slice %arg14[%and3A_98, %dma_wait3A, %dma_wait3A_99] : memref<2x128x128xf32, #tpu.memory_space<vmem>> -> memref<1x128x128xf32, #tpu.memory_space<vmem>>
        %dma_wait3A_101 = tpu.memref_squeeze %dma_wait3A_100 : memref<1x128x128xf32, #tpu.memory_space<vmem>> -> memref<128x128xf32, #tpu.memory_space<vmem>>
        %dma_wait3A_102 = arith.constant 0 : i32
        %dma_wait3A_103 = tpu.memref_slice %arg12[%sub3A_78, %dma_wait3A_102] : memref<40x128xi32, #tpu.memory_space<vmem>> -> memref<1x128xi32, #tpu.memory_space<vmem>>
        %dma_wait3A_104 = tpu.memref_squeeze %dma_wait3A_103 : memref<1x128xi32, #tpu.memory_space<vmem>> -> memref<128xi32, #tpu.memory_space<vmem>>
        %dma_wait3A_105 = arith.constant 0 : i32
        %dma_wait3A_106 = arith.constant 0 : i32
        %dma_wait3A_107 = tpu.memref_slice %arg2[%dma_wait3A_105, %dma_wait3A_106] : memref<320000x128xf32, #tpu.memory_space<hbm>> -> memref<320000x128xf32, #tpu.memory_space<hbm>>
        %dma_wait3A_108 = tpu.memref_slice %arg19[%and3A_98] : memref<2x!tpu.dma_semaphore, #tpu.memory_space<semaphore_mem>> -> memref<1x!tpu.dma_semaphore, #tpu.memory_space<semaphore_mem>>
        %dma_wait3A_109 = tpu.memref_squeeze %dma_wait3A_108 : memref<1x!tpu.dma_semaphore, #tpu.memory_space<semaphore_mem>> -> memref<!tpu.dma_semaphore, #tpu.memory_space<semaphore_mem>>
        tpu.wait_indirect_dma semaphore(%dma_wait3A_109 : memref<!tpu.dma_semaphore, #tpu.memory_space<semaphore_mem>>) src(%dma_wait3A_107 : memref<320000x128xf32, #tpu.memory_space<hbm>>) dst(%dma_wait3A_101 : memref<128x128xf32, #tpu.memory_space<vmem>>)
        %mul3A_110 = arith.constant 512 : i32
        %mul3A_111 = arith.muli %and3A_98, %mul3A_110 : i32
        %mul3A_112 = arith.constant 512 : i32
        %mul3A_113 = arith.muli %and3A_98, %mul3A_112 : i32
        %dma_wait3A_114 = tpu.memref_slice %arg16[%mul3A_113] : memref<1024xi32, #tpu.memory_space<vmem>> -> memref<512xi32, #tpu.memory_space<vmem>>
        %dma_wait3A_115 = tpu.memref_slice %arg15[%mul3A_111] : memref<1024xi32, #tpu.memory_space<vmem>> -> memref<512xi32, #tpu.memory_space<vmem>>
        %dma_wait3A_116 = arith.constant 0 : i32
        %dma_wait3A_117 = tpu.memref_slice %arg3[%dma_wait3A_116] : memref<1280000xi32, #tpu.memory_space<hbm>> -> memref<1280000xi32, #tpu.memory_space<hbm>>
        %dma_wait3A_118 = tpu.memref_slice %arg19[%and3A_98] : memref<2x!tpu.dma_semaphore, #tpu.memory_space<semaphore_mem>> -> memref<1x!tpu.dma_semaphore, #tpu.memory_space<semaphore_mem>>
        %dma_wait3A_119 = tpu.memref_squeeze %dma_wait3A_118 : memref<1x!tpu.dma_semaphore, #tpu.memory_space<semaphore_mem>> -> memref<!tpu.dma_semaphore, #tpu.memory_space<semaphore_mem>>
        tpu.wait_indirect_dma semaphore(%dma_wait3A_119 : memref<!tpu.dma_semaphore, #tpu.memory_space<semaphore_mem>>) src(%dma_wait3A_117 : memref<1280000xi32, #tpu.memory_space<hbm>>) dst(%dma_wait3A_114 : memref<512xi32, #tpu.memory_space<vmem>>)
        %and3A_120 = arith.constant 1 : i32
        %and3A_121 = arith.andi %sub3A_78, %and3A_120 : i32
        %mul3A_122 = arith.constant 128 : i32
        %mul3A_123 = arith.muli %sub3A_78, %mul3A_122 : i32
        %add3A_124 = arith.addi %mul3A_2, %mul3A_123 : i32
        %dma_start3A = arith.constant 0 : i32
        %dma_start3A_125 = arith.constant 0 : i32
        %dma_start3A_126 = tpu.memref_slice %arg14[%and3A_121, %dma_start3A, %dma_start3A_125] : memref<2x128x128xf32, #tpu.memory_space<vmem>> -> memref<1x128x128xf32, #tpu.memory_space<vmem>>
        %dma_start3A_127 = tpu.memref_squeeze %dma_start3A_126 : memref<1x128x128xf32, #tpu.memory_space<vmem>> -> memref<128x128xf32, #tpu.memory_space<vmem>>
        %dma_start3A_128 = arith.constant 0 : i32
        %dma_start3A_129 = tpu.memref_slice %arg6[%add3A_124, %dma_start3A_128] : memref<160000x128xf32, #tpu.memory_space<hbm>> -> memref<128x128xf32, #tpu.memory_space<hbm>>
        %dma_start3A_130 = tpu.memref_slice %arg20[%and3A_121] : memref<2x!tpu.dma_semaphore, #tpu.memory_space<semaphore_mem>> -> memref<1x!tpu.dma_semaphore, #tpu.memory_space<semaphore_mem>>
        %dma_start3A_131 = tpu.memref_squeeze %dma_start3A_130 : memref<1x!tpu.dma_semaphore, #tpu.memory_space<semaphore_mem>> -> memref<!tpu.dma_semaphore, #tpu.memory_space<semaphore_mem>>
        %dma_start3A_132 = arith.constant 0 : i32
        %dma_start3A_133 = tpu.memref_slice %arg6[%add3A_124, %dma_start3A_132] : memref<160000x128xf32, #tpu.memory_space<hbm>> -> memref<128x128xf32, #tpu.memory_space<hbm>>
        %dma_start3A_134 = arith.constant 0 : i32
        %dma_start3A_135 = arith.constant 0 : i32
        %dma_start3A_136 = tpu.memref_slice %arg14[%and3A_121, %dma_start3A_134, %dma_start3A_135] : memref<2x128x128xf32, #tpu.memory_space<vmem>> -> memref<1x128x128xf32, #tpu.memory_space<vmem>>
        %dma_start3A_137 = tpu.memref_squeeze %dma_start3A_136 : memref<1x128x128xf32, #tpu.memory_space<vmem>> -> memref<128x128xf32, #tpu.memory_space<vmem>>
        tpu.enqueue_dma source(%dma_start3A_137 : memref<128x128xf32, #tpu.memory_space<vmem>>) target(%dma_start3A_133 : memref<128x128xf32, #tpu.memory_space<hbm>>) target_semaphore(%dma_start3A_131 : memref<!tpu.dma_semaphore, #tpu.memory_space<semaphore_mem>>)
        %mul3A_138 = arith.constant 512 : i32
        %mul3A_139 = arith.muli %and3A_121, %mul3A_138 : i32
        %mul3A_140 = arith.constant 512 : i32
        %mul3A_141 = arith.muli %and3A_121, %mul3A_140 : i32
        %dma_start3A_142 = tpu.memref_slice %arg17[%mul3A_141] : memref<1024xi32, #tpu.memory_space<vmem>> -> memref<512xi32, #tpu.memory_space<vmem>>
        %dma_start3A_143 = tpu.memref_slice %arg16[%mul3A_139] : memref<1024xi32, #tpu.memory_space<vmem>> -> memref<512xi32, #tpu.memory_space<vmem>>
        %dma_start3A_144 = arith.constant 0 : i32
        %dma_start3A_145 = tpu.memref_slice %arg4[%dma_start3A_144] : memref<327680xi32, #tpu.memory_space<hbm>> -> memref<327680xi32, #tpu.memory_space<hbm>>
        %dma_start3A_146 = tpu.memref_slice %arg20[%and3A_121] : memref<2x!tpu.dma_semaphore, #tpu.memory_space<semaphore_mem>> -> memref<1x!tpu.dma_semaphore, #tpu.memory_space<semaphore_mem>>
        %dma_start3A_147 = tpu.memref_squeeze %dma_start3A_146 : memref<1x!tpu.dma_semaphore, #tpu.memory_space<semaphore_mem>> -> memref<!tpu.dma_semaphore, #tpu.memory_space<semaphore_mem>>
        tpu.enqueue_indirect_dma source(%dma_start3A_145 : memref<327680xi32, #tpu.memory_space<hbm>>) target(%dma_start3A_142 : memref<512xi32, #tpu.memory_space<vmem>>) offsets(%dma_start3A_143 : memref<512xi32, #tpu.memory_space<vmem>>) semaphore(%dma_start3A_147 : memref<!tpu.dma_semaphore, #tpu.memory_space<semaphore_mem>>)
      } else {
      }
      %lt3A_92 = arith.cmpi slt, %while3A_73, %shift_right_arithmetic3A_6 : i32
      %convert_element_type3A_93 = arith.extui %lt3A_92 : i1 to i32
      %cond3A_94 = arith.constant 0 : i32
      %cond3A_95 = arith.cmpi ne, %convert_element_type3A_93, %cond3A_94 : i32
      scf.if %cond3A_95 {
        %and3A_97 = arith.constant 1 : i32
        %and3A_98 = arith.andi %while3A_73, %and3A_97 : i32
        %add3A_99 = arith.constant 0 : i32
        %add3A_100 = vector.broadcast %add3A_99 : i32 to vector<16xi32>
        %add3A_101 = arith.addi %add3A_100, %iota3A : vector<16xi32>
        %broadcast_in_dim3A = vector.broadcast %while3A_73 : i32 to vector<16xi32>
        %shift_right_arithmetic3A_102 = arith.constant 2 : i32
        %shift_right_arithmetic3A_103 = vector.broadcast %shift_right_arithmetic3A_102 : i32 to vector<16xi32>
        %shift_right_arithmetic3A_104 = arith.shrsi %add3A_101, %shift_right_arithmetic3A_103 : vector<16xi32>
        %gather3A = tpu.vector_load_idx %arg12[%broadcast_in_dim3A, %shift_right_arithmetic3A_104] : memref<40x128xi32, #tpu.memory_space<vmem>>[vector<16xi32>, vector<16xi32>], vector<16xi32>,
        %mul3A_105 = arith.constant 4 : i32
        %mul3A_106 = vector.broadcast %mul3A_105 : i32 to vector<16xi32>
        %mul3A_107 = arith.muli %gather3A, %mul3A_106 : vector<16xi32>
        %and3A_108 = arith.constant 3 : i32
        %and3A_109 = vector.broadcast %and3A_108 : i32 to vector<16xi32>
        %and3A_110 = arith.andi %add3A_101, %and3A_109 : vector<16xi32>
        %add3A_111 = arith.addi %mul3A_107, %and3A_110 : vector<16xi32>
        %mul3A_112 = arith.constant 512 : i32
        %mul3A_113 = arith.muli %and3A_98, %mul3A_112 : i32
        %add3A_114 = arith.constant 0 : i32
        %add3A_115 = arith.addi %mul3A_113, %add3A_114 : i32
        %swap3A = arith.index_cast %add3A_115 : i32 to index
        %swap3A_116 = tpu.vector_load %arg15[%swap3A] {strides = array<i32>} : memref<1024xi32, #tpu.memory_space<vmem>>, vector<16xi32>,
        tpu.vector_store %arg15[%swap3A], %add3A_111 {strides = array<i32>} : memref<1024xi32, #tpu.memory_space<vmem>>, vector<16xi32>,
        %add3A_117 = arith.constant 16 : i32
        %add3A_118 = vector.broadcast %add3A_117 : i32 to vector<16xi32>
        %add3A_119 = arith.addi %add3A_118, %iota3A : vector<16xi32>
        %broadcast_in_dim3A_120 = vector.broadcast %while3A_73 : i32 to vector<16xi32>
        %shift_right_arithmetic3A_121 = arith.constant 2 : i32
        %shift_right_arithmetic3A_122 = vector.broadcast %shift_right_arithmetic3A_121 : i32 to vector<16xi32>
        %shift_right_arithmetic3A_123 = arith.shrsi %add3A_119, %shift_right_arithmetic3A_122 : vector<16xi32>
        %gather3A_124 = tpu.vector_load_idx %arg12[%broadcast_in_dim3A_120, %shift_right_arithmetic3A_123] : memref<40x128xi32, #tpu.memory_space<vmem>>[vector<16xi32>, vector<16xi32>], vector<16xi32>,
        %mul3A_125 = arith.constant 4 : i32
        %mul3A_126 = vector.broadcast %mul3A_125 : i32 to vector<16xi32>
        %mul3A_127 = arith.muli %gather3A_124, %mul3A_126 : vector<16xi32>
        %and3A_128 = arith.constant 3 : i32
        %and3A_129 = vector.broadcast %and3A_128 : i32 to vector<16xi32>
        %and3A_130 = arith.andi %add3A_119, %and3A_129 : vector<16xi32>
        %add3A_131 = arith.addi %mul3A_127, %and3A_130 : vector<16xi32>
        %mul3A_132 = arith.constant 512 : i32
        %mul3A_133 = arith.muli %and3A_98, %mul3A_132 : i32
        %add3A_134 = arith.constant 16 : i32
        %add3A_135 = arith.addi %mul3A_133, %add3A_134 : i32
        %swap3A_136 = arith.index_cast %add3A_135 : i32 to index
        %swap3A_137 = tpu.vector_load %arg15[%swap3A_136] {strides = array<i32>} : memref<1024xi32, #tpu.memory_space<vmem>>, vector<16xi32>,
        tpu.vector_store %arg15[%swap3A_136], %add3A_131 {strides = array<i32>} : memref<1024xi32, #tpu.memory_space<vmem>>, vector<16xi32>,
        %add3A_138 = arith.constant 32 : i32
        %add3A_139 = vector.broadcast %add3A_138 : i32 to vector<16xi32>
        %add3A_140 = arith.addi %add3A_139, %iota3A : vector<16xi32>
        %broadcast_in_dim3A_141 = vector.broadcast %while3A_73 : i32 to vector<16xi32>
        %shift_right_arithmetic3A_142 = arith.constant 2 : i32
        %shift_right_arithmetic3A_143 = vector.broadcast %shift_right_arithmetic3A_142 : i32 to vector<16xi32>
        %shift_right_arithmetic3A_144 = arith.shrsi %add3A_140, %shift_right_arithmetic3A_143 : vector<16xi32>
        %gather3A_145 = tpu.vector_load_idx %arg12[%broadcast_in_dim3A_141, %shift_right_arithmetic3A_144] : memref<40x128xi32, #tpu.memory_space<vmem>>[vector<16xi32>, vector<16xi32>], vector<16xi32>,
        %mul3A_146 = arith.constant 4 : i32
        %mul3A_147 = vector.broadcast %mul3A_146 : i32 to vector<16xi32>
        %mul3A_148 = arith.muli %gather3A_145, %mul3A_147 : vector<16xi32>
        %and3A_149 = arith.constant 3 : i32
        %and3A_150 = vector.broadcast %and3A_149 : i32 to vector<16xi32>
        %and3A_151 = arith.andi %add3A_140, %and3A_150 : vector<16xi32>
        %add3A_152 = arith.addi %mul3A_148, %and3A_151 : vector<16xi32>
        %mul3A_153 = arith.constant 512 : i32
        %mul3A_154 = arith.muli %and3A_98, %mul3A_153 : i32
        %add3A_155 = arith.constant 32 : i32
        %add3A_156 = arith.addi %mul3A_154, %add3A_155 : i32
        %swap3A_157 = arith.index_cast %add3A_156 : i32 to index
        %swap3A_158 = tpu.vector_load %arg15[%swap3A_157] {strides = array<i32>} : memref<1024xi32, #tpu.memory_space<vmem>>, vector<16xi32>,
        tpu.vector_store %arg15[%swap3A_157], %add3A_152 {strides = array<i32>} : memref<1024xi32, #tpu.memory_space<vmem>>, vector<16xi32>,
        %add3A_159 = arith.constant 48 : i32
        %add3A_160 = vector.broadcast %add3A_159 : i32 to vector<16xi32>
        %add3A_161 = arith.addi %add3A_160, %iota3A : vector<16xi32>
        %broadcast_in_dim3A_162 = vector.broadcast %while3A_73 : i32 to vector<16xi32>
        %shift_right_arithmetic3A_163 = arith.constant 2 : i32
        %shift_right_arithmetic3A_164 = vector.broadcast %shift_right_arithmetic3A_163 : i32 to vector<16xi32>
        %shift_right_arithmetic3A_165 = arith.shrsi %add3A_161, %shift_right_arithmetic3A_164 : vector<16xi32>
        %gather3A_166 = tpu.vector_load_idx %arg12[%broadcast_in_dim3A_162, %shift_right_arithmetic3A_165] : memref<40x128xi32, #tpu.memory_space<vmem>>[vector<16xi32>, vector<16xi32>], vector<16xi32>,
        %mul3A_167 = arith.constant 4 : i32
        %mul3A_168 = vector.broadcast %mul3A_167 : i32 to vector<16xi32>
        %mul3A_169 = arith.muli %gather3A_166, %mul3A_168 : vector<16xi32>
        %and3A_170 = arith.constant 3 : i32
        %and3A_171 = vector.broadcast %and3A_170 : i32 to vector<16xi32>
        %and3A_172 = arith.andi %add3A_161, %and3A_171 : vector<16xi32>
        %add3A_173 = arith.addi %mul3A_169, %and3A_172 : vector<16xi32>
        %mul3A_174 = arith.constant 512 : i32
        %mul3A_175 = arith.muli %and3A_98, %mul3A_174 : i32
        %add3A_176 = arith.constant 48 : i32
        %add3A_177 = arith.addi %mul3A_175, %add3A_176 : i32
        %swap3A_178 = arith.index_cast %add3A_177 : i32 to index
        %swap3A_179 = tpu.vector_load %arg15[%swap3A_178] {strides = array<i32>} : memref<1024xi32, #tpu.memory_space<vmem>>, vector<16xi32>,
        tpu.vector_store %arg15[%swap3A_178], %add3A_173 {strides = array<i32>} : memref<1024xi32, #tpu.memory_space<vmem>>, vector<16xi32>,
        %add3A_180 = arith.constant 64 : i32
        %add3A_181 = vector.broadcast %add3A_180 : i32 to vector<16xi32>
        %add3A_182 = arith.addi %add3A_181, %iota3A : vector<16xi32>
        %broadcast_in_dim3A_183 = vector.broadcast %while3A_73 : i32 to vector<16xi32>
        %shift_right_arithmetic3A_184 = arith.constant 2 : i32
        %shift_right_arithmetic3A_185 = vector.broadcast %shift_right_arithmetic3A_184 : i32 to vector<16xi32>
        %shift_right_arithmetic3A_186 = arith.shrsi %add3A_182, %shift_right_arithmetic3A_185 : vector<16xi32>
        %gather3A_187 = tpu.vector_load_idx %arg12[%broadcast_in_dim3A_183, %shift_right_arithmetic3A_186] : memref<40x128xi32, #tpu.memory_space<vmem>>[vector<16xi32>, vector<16xi32>], vector<16xi32>,
        %mul3A_188 = arith.constant 4 : i32
        %mul3A_189 = vector.broadcast %mul3A_188 : i32 to vector<16xi32>
        %mul3A_190 = arith.muli %gather3A_187, %mul3A_189 : vector<16xi32>
        %and3A_191 = arith.constant 3 : i32
        %and3A_192 = vector.broadcast %and3A_191 : i32 to vector<16xi32>
        %and3A_193 = arith.andi %add3A_182, %and3A_192 : vector<16xi32>
        %add3A_194 = arith.addi %mul3A_190, %and3A_193 : vector<16xi32>
        %mul3A_195 = arith.constant 512 : i32
        %mul3A_196 = arith.muli %and3A_98, %mul3A_195 : i32
        %add3A_197 = arith.constant 64 : i32
        %add3A_198 = arith.addi %mul3A_196, %add3A_197 : i32
        %swap3A_199 = arith.index_cast %add3A_198 : i32 to index
        %swap3A_200 = tpu.vector_load %arg15[%swap3A_199] {strides = array<i32>} : memref<1024xi32, #tpu.memory_space<vmem>>, vector<16xi32>,
        tpu.vector_store %arg15[%swap3A_199], %add3A_194 {strides = array<i32>} : memref<1024xi32, #tpu.memory_space<vmem>>, vector<16xi32>,
        %add3A_201 = arith.constant 80 : i32
        %add3A_202 = vector.broadcast %add3A_201 : i32 to vector<16xi32>
        %add3A_203 = arith.addi %add3A_202, %iota3A : vector<16xi32>
        %broadcast_in_dim3A_204 = vector.broadcast %while3A_73 : i32 to vector<16xi32>
        %shift_right_arithmetic3A_205 = arith.constant 2 : i32
        %shift_right_arithmetic3A_206 = vector.broadcast %shift_right_arithmetic3A_205 : i32 to vector<16xi32>
        %shift_right_arithmetic3A_207 = arith.shrsi %add3A_203, %shift_right_arithmetic3A_206 : vector<16xi32>
        %gather3A_208 = tpu.vector_load_idx %arg12[%broadcast_in_dim3A_204, %shift_right_arithmetic3A_207] : memref<40x128xi32, #tpu.memory_space<vmem>>[vector<16xi32>, vector<16xi32>], vector<16xi32>,
        %mul3A_209 = arith.constant 4 : i32
        %mul3A_210 = vector.broadcast %mul3A_209 : i32 to vector<16xi32>
        %mul3A_211 = arith.muli %gather3A_208, %mul3A_210 : vector<16xi32>
        %and3A_212 = arith.constant 3 : i32
        %and3A_213 = vector.broadcast %and3A_212 : i32 to vector<16xi32>
        %and3A_214 = arith.andi %add3A_203, %and3A_213 : vector<16xi32>
        %add3A_215 = arith.addi %mul3A_211, %and3A_214 : vector<16xi32>
        %mul3A_216 = arith.constant 512 : i32
        %mul3A_217 = arith.muli %and3A_98, %mul3A_216 : i32
        %add3A_218 = arith.constant 80 : i32
        %add3A_219 = arith.addi %mul3A_217, %add3A_218 : i32
        %swap3A_220 = arith.index_cast %add3A_219 : i32 to index
        %swap3A_221 = tpu.vector_load %arg15[%swap3A_220] {strides = array<i32>} : memref<1024xi32, #tpu.memory_space<vmem>>, vector<16xi32>,
        tpu.vector_store %arg15[%swap3A_220], %add3A_215 {strides = array<i32>} : memref<1024xi32, #tpu.memory_space<vmem>>, vector<16xi32>,
        %add3A_222 = arith.constant 96 : i32
        %add3A_223 = vector.broadcast %add3A_222 : i32 to vector<16xi32>
        %add3A_224 = arith.addi %add3A_223, %iota3A : vector<16xi32>
        %broadcast_in_dim3A_225 = vector.broadcast %while3A_73 : i32 to vector<16xi32>
        %shift_right_arithmetic3A_226 = arith.constant 2 : i32
        %shift_right_arithmetic3A_227 = vector.broadcast %shift_right_arithmetic3A_226 : i32 to vector<16xi32>
        %shift_right_arithmetic3A_228 = arith.shrsi %add3A_224, %shift_right_arithmetic3A_227 : vector<16xi32>
        %gather3A_229 = tpu.vector_load_idx %arg12[%broadcast_in_dim3A_225, %shift_right_arithmetic3A_228] : memref<40x128xi32, #tpu.memory_space<vmem>>[vector<16xi32>, vector<16xi32>], vector<16xi32>,
        %mul3A_230 = arith.constant 4 : i32
        %mul3A_231 = vector.broadcast %mul3A_230 : i32 to vector<16xi32>
        %mul3A_232 = arith.muli %gather3A_229, %mul3A_231 : vector<16xi32>
        %and3A_233 = arith.constant 3 : i32
        %and3A_234 = vector.broadcast %and3A_233 : i32 to vector<16xi32>
        %and3A_235 = arith.andi %add3A_224, %and3A_234 : vector<16xi32>
        %add3A_236 = arith.addi %mul3A_232, %and3A_235 : vector<16xi32>
        %mul3A_237 = arith.constant 512 : i32
        %mul3A_238 = arith.muli %and3A_98, %mul3A_237 : i32
        %add3A_239 = arith.constant 96 : i32
        %add3A_240 = arith.addi %mul3A_238, %add3A_239 : i32
        %swap3A_241 = arith.index_cast %add3A_240 : i32 to index
        %swap3A_242 = tpu.vector_load %arg15[%swap3A_241] {strides = array<i32>} : memref<1024xi32, #tpu.memory_space<vmem>>, vector<16xi32>,
        tpu.vector_store %arg15[%swap3A_241], %add3A_236 {strides = array<i32>} : memref<1024xi32, #tpu.memory_space<vmem>>, vector<16xi32>,
        %add3A_243 = arith.constant 112 : i32
        %add3A_244 = vector.broadcast %add3A_243 : i32 to vector<16xi32>
        %add3A_245 = arith.addi %add3A_244, %iota3A : vector<16xi32>
        %broadcast_in_dim3A_246 = vector.broadcast %while3A_73 : i32 to vector<16xi32>
        %shift_right_arithmetic3A_247 = arith.constant 2 : i32
        %shift_right_arithmetic3A_248 = vector.broadcast %shift_right_arithmetic3A_247 : i32 to vector<16xi32>
        %shift_right_arithmetic3A_249 = arith.shrsi %add3A_245, %shift_right_arithmetic3A_248 : vector<16xi32>
        %gather3A_250 = tpu.vector_load_idx %arg12[%broadcast_in_dim3A_246, %shift_right_arithmetic3A_249] : memref<40x128xi32, #tpu.memory_space<vmem>>[vector<16xi32>, vector<16xi32>], vector<16xi32>,
        %mul3A_251 = arith.constant 4 : i32
        %mul3A_252 = vector.broadcast %mul3A_251 : i32 to vector<16xi32>
        %mul3A_253 = arith.muli %gather3A_250, %mul3A_252 : vector<16xi32>
        %and3A_254 = arith.constant 3 : i32
        %and3A_255 = vector.broadcast %and3A_254 : i32 to vector<16xi32>
        %and3A_256 = arith.andi %add3A_245, %and3A_255 : vector<16xi32>
        %add3A_257 = arith.addi %mul3A_253, %and3A_256 : vector<16xi32>
        %mul3A_258 = arith.constant 512 : i32
        %mul3A_259 = arith.muli %and3A_98, %mul3A_258 : i32
        %add3A_260 = arith.constant 112 : i32
        %add3A_261 = arith.addi %mul3A_259, %add3A_260 : i32
        %swap3A_262 = arith.index_cast %add3A_261 : i32 to index
        %swap3A_263 = tpu.vector_load %arg15[%swap3A_262] {strides = array<i32>} : memref<1024xi32, #tpu.memory_space<vmem>>, vector<16xi32>,
        tpu.vector_store %arg15[%swap3A_262], %add3A_257 {strides = array<i32>} : memref<1024xi32, #tpu.memory_space<vmem>>, vector<16xi32>,
        %add3A_264 = arith.constant 128 : i32
        %add3A_265 = vector.broadcast %add3A_264 : i32 to vector<16xi32>
        %add3A_266 = arith.addi %add3A_265, %iota3A : vector<16xi32>
        %broadcast_in_dim3A_267 = vector.broadcast %while3A_73 : i32 to vector<16xi32>
        %shift_right_arithmetic3A_268 = arith.constant 2 : i32
        %shift_right_arithmetic3A_269 = vector.broadcast %shift_right_arithmetic3A_268 : i32 to vector<16xi32>
        %shift_right_arithmetic3A_270 = arith.shrsi %add3A_266, %shift_right_arithmetic3A_269 : vector<16xi32>
        %gather3A_271 = tpu.vector_load_idx %arg12[%broadcast_in_dim3A_267, %shift_right_arithmetic3A_270] : memref<40x128xi32, #tpu.memory_space<vmem>>[vector<16xi32>, vector<16xi32>], vector<16xi32>,
        %mul3A_272 = arith.constant 4 : i32
        %mul3A_273 = vector.broadcast %mul3A_272 : i32 to vector<16xi32>
        %mul3A_274 = arith.muli %gather3A_271, %mul3A_273 : vector<16xi32>
        %and3A_275 = arith.constant 3 : i32
        %and3A_276 = vector.broadcast %and3A_275 : i32 to vector<16xi32>
        %and3A_277 = arith.andi %add3A_266, %and3A_276 : vector<16xi32>
        %add3A_278 = arith.addi %mul3A_274, %and3A_277 : vector<16xi32>
        %mul3A_279 = arith.constant 512 : i32
        %mul3A_280 = arith.muli %and3A_98, %mul3A_279 : i32
        %add3A_281 = arith.constant 128 : i32
        %add3A_282 = arith.addi %mul3A_280, %add3A_281 : i32
        %swap3A_283 = arith.index_cast %add3A_282 : i32 to index
        %swap3A_284 = tpu.vector_load %arg15[%swap3A_283] {strides = array<i32>} : memref<1024xi32, #tpu.memory_space<vmem>>, vector<16xi32>,
        tpu.vector_store %arg15[%swap3A_283], %add3A_278 {strides = array<i32>} : memref<1024xi32, #tpu.memory_space<vmem>>, vector<16xi32>,
        %add3A_285 = arith.constant 144 : i32
        %add3A_286 = vector.broadcast %add3A_285 : i32 to vector<16xi32>
        %add3A_287 = arith.addi %add3A_286, %iota3A : vector<16xi32>
        %broadcast_in_dim3A_288 = vector.broadcast %while3A_73 : i32 to vector<16xi32>
        %shift_right_arithmetic3A_289 = arith.constant 2 : i32
        %shift_right_arithmetic3A_290 = vector.broadcast %shift_right_arithmetic3A_289 : i32 to vector<16xi32>
        %shift_right_arithmetic3A_291 = arith.shrsi %add3A_287, %shift_right_arithmetic3A_290 : vector<16xi32>
        %gather3A_292 = tpu.vector_load_idx %arg12[%broadcast_in_dim3A_288, %shift_right_arithmetic3A_291] : memref<40x128xi32, #tpu.memory_space<vmem>>[vector<16xi32>, vector<16xi32>], vector<16xi32>,
        %mul3A_293 = arith.constant 4 : i32
        %mul3A_294 = vector.broadcast %mul3A_293 : i32 to vector<16xi32>
        %mul3A_295 = arith.muli %gather3A_292, %mul3A_294 : vector<16xi32>
        %and3A_296 = arith.constant 3 : i32
        %and3A_297 = vector.broadcast %and3A_296 : i32 to vector<16xi32>
        %and3A_298 = arith.andi %add3A_287, %and3A_297 : vector<16xi32>
        %add3A_299 = arith.addi %mul3A_295, %and3A_298 : vector<16xi32>
        %mul3A_300 = arith.constant 512 : i32
        %mul3A_301 = arith.muli %and3A_98, %mul3A_300 : i32
        %add3A_302 = arith.constant 144 : i32
        %add3A_303 = arith.addi %mul3A_301, %add3A_302 : i32
        %swap3A_304 = arith.index_cast %add3A_303 : i32 to index
        %swap3A_305 = tpu.vector_load %arg15[%swap3A_304] {strides = array<i32>} : memref<1024xi32, #tpu.memory_space<vmem>>, vector<16xi32>,
        tpu.vector_store %arg15[%swap3A_304], %add3A_299 {strides = array<i32>} : memref<1024xi32, #tpu.memory_space<vmem>>, vector<16xi32>,
        %add3A_306 = arith.constant 160 : i32
        %add3A_307 = vector.broadcast %add3A_306 : i32 to vector<16xi32>
        %add3A_308 = arith.addi %add3A_307, %iota3A : vector<16xi32>
        %broadcast_in_dim3A_309 = vector.broadcast %while3A_73 : i32 to vector<16xi32>
        %shift_right_arithmetic3A_310 = arith.constant 2 : i32
        %shift_right_arithmetic3A_311 = vector.broadcast %shift_right_arithmetic3A_310 : i32 to vector<16xi32>
        %shift_right_arithmetic3A_312 = arith.shrsi %add3A_308, %shift_right_arithmetic3A_311 : vector<16xi32>
        %gather3A_313 = tpu.vector_load_idx %arg12[%broadcast_in_dim3A_309, %shift_right_arithmetic3A_312] : memref<40x128xi32, #tpu.memory_space<vmem>>[vector<16xi32>, vector<16xi32>], vector<16xi32>,
        %mul3A_314 = arith.constant 4 : i32
        %mul3A_315 = vector.broadcast %mul3A_314 : i32 to vector<16xi32>
        %mul3A_316 = arith.muli %gather3A_313, %mul3A_315 : vector<16xi32>
        %and3A_317 = arith.constant 3 : i32
        %and3A_318 = vector.broadcast %and3A_317 : i32 to vector<16xi32>
        %and3A_319 = arith.andi %add3A_308, %and3A_318 : vector<16xi32>
        %add3A_320 = arith.addi %mul3A_316, %and3A_319 : vector<16xi32>
        %mul3A_321 = arith.constant 512 : i32
        %mul3A_322 = arith.muli %and3A_98, %mul3A_321 : i32
        %add3A_323 = arith.constant 160 : i32
        %add3A_324 = arith.addi %mul3A_322, %add3A_323 : i32
        %swap3A_325 = arith.index_cast %add3A_324 : i32 to index
        %swap3A_326 = tpu.vector_load %arg15[%swap3A_325] {strides = array<i32>} : memref<1024xi32, #tpu.memory_space<vmem>>, vector<16xi32>,
        tpu.vector_store %arg15[%swap3A_325], %add3A_320 {strides = array<i32>} : memref<1024xi32, #tpu.memory_space<vmem>>, vector<16xi32>,
        %add3A_327 = arith.constant 176 : i32
        %add3A_328 = vector.broadcast %add3A_327 : i32 to vector<16xi32>
        %add3A_329 = arith.addi %add3A_328, %iota3A : vector<16xi32>
        %broadcast_in_dim3A_330 = vector.broadcast %while3A_73 : i32 to vector<16xi32>
        %shift_right_arithmetic3A_331 = arith.constant 2 : i32
        %shift_right_arithmetic3A_332 = vector.broadcast %shift_right_arithmetic3A_331 : i32 to vector<16xi32>
        %shift_right_arithmetic3A_333 = arith.shrsi %add3A_329, %shift_right_arithmetic3A_332 : vector<16xi32>
        %gather3A_334 = tpu.vector_load_idx %arg12[%broadcast_in_dim3A_330, %shift_right_arithmetic3A_333] : memref<40x128xi32, #tpu.memory_space<vmem>>[vector<16xi32>, vector<16xi32>], vector<16xi32>,
        %mul3A_335 = arith.constant 4 : i32
        %mul3A_336 = vector.broadcast %mul3A_335 : i32 to vector<16xi32>
        %mul3A_337 = arith.muli %gather3A_334, %mul3A_336 : vector<16xi32>
        %and3A_338 = arith.constant 3 : i32
        %and3A_339 = vector.broadcast %and3A_338 : i32 to vector<16xi32>
        %and3A_340 = arith.andi %add3A_329, %and3A_339 : vector<16xi32>
        %add3A_341 = arith.addi %mul3A_337, %and3A_340 : vector<16xi32>
        %mul3A_342 = arith.constant 512 : i32
        %mul3A_343 = arith.muli %and3A_98, %mul3A_342 : i32
        %add3A_344 = arith.constant 176 : i32
        %add3A_345 = arith.addi %mul3A_343, %add3A_344 : i32
        %swap3A_346 = arith.index_cast %add3A_345 : i32 to index
        %swap3A_347 = tpu.vector_load %arg15[%swap3A_346] {strides = array<i32>} : memref<1024xi32, #tpu.memory_space<vmem>>, vector<16xi32>,
        tpu.vector_store %arg15[%swap3A_346], %add3A_341 {strides = array<i32>} : memref<1024xi32, #tpu.memory_space<vmem>>, vector<16xi32>,
        %add3A_348 = arith.constant 192 : i32
        %add3A_349 = vector.broadcast %add3A_348 : i32 to vector<16xi32>
        %add3A_350 = arith.addi %add3A_349, %iota3A : vector<16xi32>
        %broadcast_in_dim3A_351 = vector.broadcast %while3A_73 : i32 to vector<16xi32>
        %shift_right_arithmetic3A_352 = arith.constant 2 : i32
        %shift_right_arithmetic3A_353 = vector.broadcast %shift_right_arithmetic3A_352 : i32 to vector<16xi32>
        %shift_right_arithmetic3A_354 = arith.shrsi %add3A_350, %shift_right_arithmetic3A_353 : vector<16xi32>
        %gather3A_355 = tpu.vector_load_idx %arg12[%broadcast_in_dim3A_351, %shift_right_arithmetic3A_354] : memref<40x128xi32, #tpu.memory_space<vmem>>[vector<16xi32>, vector<16xi32>], vector<16xi32>,
        %mul3A_356 = arith.constant 4 : i32
        %mul3A_357 = vector.broadcast %mul3A_356 : i32 to vector<16xi32>
        %mul3A_358 = arith.muli %gather3A_355, %mul3A_357 : vector<16xi32>
        %and3A_359 = arith.constant 3 : i32
        %and3A_360 = vector.broadcast %and3A_359 : i32 to vector<16xi32>
        %and3A_361 = arith.andi %add3A_350, %and3A_360 : vector<16xi32>
        %add3A_362 = arith.addi %mul3A_358, %and3A_361 : vector<16xi32>
        %mul3A_363 = arith.constant 512 : i32
        %mul3A_364 = arith.muli %and3A_98, %mul3A_363 : i32
        %add3A_365 = arith.constant 192 : i32
        %add3A_366 = arith.addi %mul3A_364, %add3A_365 : i32
        %swap3A_367 = arith.index_cast %add3A_366 : i32 to index
        %swap3A_368 = tpu.vector_load %arg15[%swap3A_367] {strides = array<i32>} : memref<1024xi32, #tpu.memory_space<vmem>>, vector<16xi32>,
        tpu.vector_store %arg15[%swap3A_367], %add3A_362 {strides = array<i32>} : memref<1024xi32, #tpu.memory_space<vmem>>, vector<16xi32>,
        %add3A_369 = arith.constant 208 : i32
        %add3A_370 = vector.broadcast %add3A_369 : i32 to vector<16xi32>
        %add3A_371 = arith.addi %add3A_370, %iota3A : vector<16xi32>
        %broadcast_in_dim3A_372 = vector.broadcast %while3A_73 : i32 to vector<16xi32>
        %shift_right_arithmetic3A_373 = arith.constant 2 : i32
        %shift_right_arithmetic3A_374 = vector.broadcast %shift_right_arithmetic3A_373 : i32 to vector<16xi32>
        %shift_right_arithmetic3A_375 = arith.shrsi %add3A_371, %shift_right_arithmetic3A_374 : vector<16xi32>
        %gather3A_376 = tpu.vector_load_idx %arg12[%broadcast_in_dim3A_372, %shift_right_arithmetic3A_375] : memref<40x128xi32, #tpu.memory_space<vmem>>[vector<16xi32>, vector<16xi32>], vector<16xi32>,
        %mul3A_377 = arith.constant 4 : i32
        %mul3A_378 = vector.broadcast %mul3A_377 : i32 to vector<16xi32>
        %mul3A_379 = arith.muli %gather3A_376, %mul3A_378 : vector<16xi32>
        %and3A_380 = arith.constant 3 : i32
        %and3A_381 = vector.broadcast %and3A_380 : i32 to vector<16xi32>
        %and3A_382 = arith.andi %add3A_371, %and3A_381 : vector<16xi32>
        %add3A_383 = arith.addi %mul3A_379, %and3A_382 : vector<16xi32>
        %mul3A_384 = arith.constant 512 : i32
        %mul3A_385 = arith.muli %and3A_98, %mul3A_384 : i32
        %add3A_386 = arith.constant 208 : i32
        %add3A_387 = arith.addi %mul3A_385, %add3A_386 : i32
        %swap3A_388 = arith.index_cast %add3A_387 : i32 to index
        %swap3A_389 = tpu.vector_load %arg15[%swap3A_388] {strides = array<i32>} : memref<1024xi32, #tpu.memory_space<vmem>>, vector<16xi32>,
        tpu.vector_store %arg15[%swap3A_388], %add3A_383 {strides = array<i32>} : memref<1024xi32, #tpu.memory_space<vmem>>, vector<16xi32>,
        %add3A_390 = arith.constant 224 : i32
        %add3A_391 = vector.broadcast %add3A_390 : i32 to vector<16xi32>
        %add3A_392 = arith.addi %add3A_391, %iota3A : vector<16xi32>
        %broadcast_in_dim3A_393 = vector.broadcast %while3A_73 : i32 to vector<16xi32>
        %shift_right_arithmetic3A_394 = arith.constant 2 : i32
        %shift_right_arithmetic3A_395 = vector.broadcast %shift_right_arithmetic3A_394 : i32 to vector<16xi32>
        %shift_right_arithmetic3A_396 = arith.shrsi %add3A_392, %shift_right_arithmetic3A_395 : vector<16xi32>
        %gather3A_397 = tpu.vector_load_idx %arg12[%broadcast_in_dim3A_393, %shift_right_arithmetic3A_396] : memref<40x128xi32, #tpu.memory_space<vmem>>[vector<16xi32>, vector<16xi32>], vector<16xi32>,
        %mul3A_398 = arith.constant 4 : i32
        %mul3A_399 = vector.broadcast %mul3A_398 : i32 to vector<16xi32>
        %mul3A_400 = arith.muli %gather3A_397, %mul3A_399 : vector<16xi32>
        %and3A_401 = arith.constant 3 : i32
        %and3A_402 = vector.broadcast %and3A_401 : i32 to vector<16xi32>
        %and3A_403 = arith.andi %add3A_392, %and3A_402 : vector<16xi32>
        %add3A_404 = arith.addi %mul3A_400, %and3A_403 : vector<16xi32>
        %mul3A_405 = arith.constant 512 : i32
        %mul3A_406 = arith.muli %and3A_98, %mul3A_405 : i32
        %add3A_407 = arith.constant 224 : i32
        %add3A_408 = arith.addi %mul3A_406, %add3A_407 : i32
        %swap3A_409 = arith.index_cast %add3A_408 : i32 to index
        %swap3A_410 = tpu.vector_load %arg15[%swap3A_409] {strides = array<i32>} : memref<1024xi32, #tpu.memory_space<vmem>>, vector<16xi32>,
        tpu.vector_store %arg15[%swap3A_409], %add3A_404 {strides = array<i32>} : memref<1024xi32, #tpu.memory_space<vmem>>, vector<16xi32>,
        %add3A_411 = arith.constant 240 : i32
        %add3A_412 = vector.broadcast %add3A_411 : i32 to vector<16xi32>
        %add3A_413 = arith.addi %add3A_412, %iota3A : vector<16xi32>
        %broadcast_in_dim3A_414 = vector.broadcast %while3A_73 : i32 to vector<16xi32>
        %shift_right_arithmetic3A_415 = arith.constant 2 : i32
        %shift_right_arithmetic3A_416 = vector.broadcast %shift_right_arithmetic3A_415 : i32 to vector<16xi32>
        %shift_right_arithmetic3A_417 = arith.shrsi %add3A_413, %shift_right_arithmetic3A_416 : vector<16xi32>
        %gather3A_418 = tpu.vector_load_idx %arg12[%broadcast_in_dim3A_414, %shift_right_arithmetic3A_417] : memref<40x128xi32, #tpu.memory_space<vmem>>[vector<16xi32>, vector<16xi32>], vector<16xi32>,
        %mul3A_419 = arith.constant 4 : i32
        %mul3A_420 = vector.broadcast %mul3A_419 : i32 to vector<16xi32>
        %mul3A_421 = arith.muli %gather3A_418, %mul3A_420 : vector<16xi32>
        %and3A_422 = arith.constant 3 : i32
        %and3A_423 = vector.broadcast %and3A_422 : i32 to vector<16xi32>
        %and3A_424 = arith.andi %add3A_413, %and3A_423 : vector<16xi32>
        %add3A_425 = arith.addi %mul3A_421, %and3A_424 : vector<16xi32>
        %mul3A_426 = arith.constant 512 : i32
        %mul3A_427 = arith.muli %and3A_98, %mul3A_426 : i32
        %add3A_428 = arith.constant 240 : i32
        %add3A_429 = arith.addi %mul3A_427, %add3A_428 : i32
        %swap3A_430 = arith.index_cast %add3A_429 : i32 to index
        %swap3A_431 = tpu.vector_load %arg15[%swap3A_430] {strides = array<i32>} : memref<1024xi32, #tpu.memory_space<vmem>>, vector<16xi32>,
        tpu.vector_store %arg15[%swap3A_430], %add3A_425 {strides = array<i32>} : memref<1024xi32, #tpu.memory_space<vmem>>, vector<16xi32>,
        %add3A_432 = arith.constant 256 : i32
        %add3A_433 = vector.broadcast %add3A_432 : i32 to vector<16xi32>
        %add3A_434 = arith.addi %add3A_433, %iota3A : vector<16xi32>
        %broadcast_in_dim3A_435 = vector.broadcast %while3A_73 : i32 to vector<16xi32>
        %shift_right_arithmetic3A_436 = arith.constant 2 : i32
        %shift_right_arithmetic3A_437 = vector.broadcast %shift_right_arithmetic3A_436 : i32 to vector<16xi32>
        %shift_right_arithmetic3A_438 = arith.shrsi %add3A_434, %shift_right_arithmetic3A_437 : vector<16xi32>
        %gather3A_439 = tpu.vector_load_idx %arg12[%broadcast_in_dim3A_435, %shift_right_arithmetic3A_438] : memref<40x128xi32, #tpu.memory_space<vmem>>[vector<16xi32>, vector<16xi32>], vector<16xi32>,
        %mul3A_440 = arith.constant 4 : i32
        %mul3A_441 = vector.broadcast %mul3A_440 : i32 to vector<16xi32>
        %mul3A_442 = arith.muli %gather3A_439, %mul3A_441 : vector<16xi32>
        %and3A_443 = arith.constant 3 : i32
        %and3A_444 = vector.broadcast %and3A_443 : i32 to vector<16xi32>
        %and3A_445 = arith.andi %add3A_434, %and3A_444 : vector<16xi32>
        %add3A_446 = arith.addi %mul3A_442, %and3A_445 : vector<16xi32>
        %mul3A_447 = arith.constant 512 : i32
        %mul3A_448 = arith.muli %and3A_98, %mul3A_447 : i32
        %add3A_449 = arith.constant 256 : i32
        %add3A_450 = arith.addi %mul3A_448, %add3A_449 : i32
        %swap3A_451 = arith.index_cast %add3A_450 : i32 to index
        %swap3A_452 = tpu.vector_load %arg15[%swap3A_451] {strides = array<i32>} : memref<1024xi32, #tpu.memory_space<vmem>>, vector<16xi32>,
        tpu.vector_store %arg15[%swap3A_451], %add3A_446 {strides = array<i32>} : memref<1024xi32, #tpu.memory_space<vmem>>, vector<16xi32>,
        %add3A_453 = arith.constant 272 : i32
        %add3A_454 = vector.broadcast %add3A_453 : i32 to vector<16xi32>
        %add3A_455 = arith.addi %add3A_454, %iota3A : vector<16xi32>
        %broadcast_in_dim3A_456 = vector.broadcast %while3A_73 : i32 to vector<16xi32>
        %shift_right_arithmetic3A_457 = arith.constant 2 : i32
        %shift_right_arithmetic3A_458 = vector.broadcast %shift_right_arithmetic3A_457 : i32 to vector<16xi32>
        %shift_right_arithmetic3A_459 = arith.shrsi %add3A_455, %shift_right_arithmetic3A_458 : vector<16xi32>
        %gather3A_460 = tpu.vector_load_idx %arg12[%broadcast_in_dim3A_456, %shift_right_arithmetic3A_459] : memref<40x128xi32, #tpu.memory_space<vmem>>[vector<16xi32>, vector<16xi32>], vector<16xi32>,
        %mul3A_461 = arith.constant 4 : i32
        %mul3A_462 = vector.broadcast %mul3A_461 : i32 to vector<16xi32>
        %mul3A_463 = arith.muli %gather3A_460, %mul3A_462 : vector<16xi32>
        %and3A_464 = arith.constant 3 : i32
        %and3A_465 = vector.broadcast %and3A_464 : i32 to vector<16xi32>
        %and3A_466 = arith.andi %add3A_455, %and3A_465 : vector<16xi32>
        %add3A_467 = arith.addi %mul3A_463, %and3A_466 : vector<16xi32>
        %mul3A_468 = arith.constant 512 : i32
        %mul3A_469 = arith.muli %and3A_98, %mul3A_468 : i32
        %add3A_470 = arith.constant 272 : i32
        %add3A_471 = arith.addi %mul3A_469, %add3A_470 : i32
        %swap3A_472 = arith.index_cast %add3A_471 : i32 to index
        %swap3A_473 = tpu.vector_load %arg15[%swap3A_472] {strides = array<i32>} : memref<1024xi32, #tpu.memory_space<vmem>>, vector<16xi32>,
        tpu.vector_store %arg15[%swap3A_472], %add3A_467 {strides = array<i32>} : memref<1024xi32, #tpu.memory_space<vmem>>, vector<16xi32>,
        %add3A_474 = arith.constant 288 : i32
        %add3A_475 = vector.broadcast %add3A_474 : i32 to vector<16xi32>
        %add3A_476 = arith.addi %add3A_475, %iota3A : vector<16xi32>
        %broadcast_in_dim3A_477 = vector.broadcast %while3A_73 : i32 to vector<16xi32>
        %shift_right_arithmetic3A_478 = arith.constant 2 : i32
        %shift_right_arithmetic3A_479 = vector.broadcast %shift_right_arithmetic3A_478 : i32 to vector<16xi32>
        %shift_right_arithmetic3A_480 = arith.shrsi %add3A_476, %shift_right_arithmetic3A_479 : vector<16xi32>
        %gather3A_481 = tpu.vector_load_idx %arg12[%broadcast_in_dim3A_477, %shift_right_arithmetic3A_480] : memref<40x128xi32, #tpu.memory_space<vmem>>[vector<16xi32>, vector<16xi32>], vector<16xi32>,
        %mul3A_482 = arith.constant 4 : i32
        %mul3A_483 = vector.broadcast %mul3A_482 : i32 to vector<16xi32>
        %mul3A_484 = arith.muli %gather3A_481, %mul3A_483 : vector<16xi32>
        %and3A_485 = arith.constant 3 : i32
        %and3A_486 = vector.broadcast %and3A_485 : i32 to vector<16xi32>
        %and3A_487 = arith.andi %add3A_476, %and3A_486 : vector<16xi32>
        %add3A_488 = arith.addi %mul3A_484, %and3A_487 : vector<16xi32>
        %mul3A_489 = arith.constant 512 : i32
        %mul3A_490 = arith.muli %and3A_98, %mul3A_489 : i32
        %add3A_491 = arith.constant 288 : i32
        %add3A_492 = arith.addi %mul3A_490, %add3A_491 : i32
        %swap3A_493 = arith.index_cast %add3A_492 : i32 to index
        %swap3A_494 = tpu.vector_load %arg15[%swap3A_493] {strides = array<i32>} : memref<1024xi32, #tpu.memory_space<vmem>>, vector<16xi32>,
        tpu.vector_store %arg15[%swap3A_493], %add3A_488 {strides = array<i32>} : memref<1024xi32, #tpu.memory_space<vmem>>, vector<16xi32>,
        %add3A_495 = arith.constant 304 : i32
        %add3A_496 = vector.broadcast %add3A_495 : i32 to vector<16xi32>
        %add3A_497 = arith.addi %add3A_496, %iota3A : vector<16xi32>
        %broadcast_in_dim3A_498 = vector.broadcast %while3A_73 : i32 to vector<16xi32>
        %shift_right_arithmetic3A_499 = arith.constant 2 : i32
        %shift_right_arithmetic3A_500 = vector.broadcast %shift_right_arithmetic3A_499 : i32 to vector<16xi32>
        %shift_right_arithmetic3A_501 = arith.shrsi %add3A_497, %shift_right_arithmetic3A_500 : vector<16xi32>
        %gather3A_502 = tpu.vector_load_idx %arg12[%broadcast_in_dim3A_498, %shift_right_arithmetic3A_501] : memref<40x128xi32, #tpu.memory_space<vmem>>[vector<16xi32>, vector<16xi32>], vector<16xi32>,
        %mul3A_503 = arith.constant 4 : i32
        %mul3A_504 = vector.broadcast %mul3A_503 : i32 to vector<16xi32>
        %mul3A_505 = arith.muli %gather3A_502, %mul3A_504 : vector<16xi32>
        %and3A_506 = arith.constant 3 : i32
        %and3A_507 = vector.broadcast %and3A_506 : i32 to vector<16xi32>
        %and3A_508 = arith.andi %add3A_497, %and3A_507 : vector<16xi32>
        %add3A_509 = arith.addi %mul3A_505, %and3A_508 : vector<16xi32>
        %mul3A_510 = arith.constant 512 : i32
        %mul3A_511 = arith.muli %and3A_98, %mul3A_510 : i32
        %add3A_512 = arith.constant 304 : i32
        %add3A_513 = arith.addi %mul3A_511, %add3A_512 : i32
        %swap3A_514 = arith.index_cast %add3A_513 : i32 to index
        %swap3A_515 = tpu.vector_load %arg15[%swap3A_514] {strides = array<i32>} : memref<1024xi32, #tpu.memory_space<vmem>>, vector<16xi32>,
        tpu.vector_store %arg15[%swap3A_514], %add3A_509 {strides = array<i32>} : memref<1024xi32, #tpu.memory_space<vmem>>, vector<16xi32>,
        %add3A_516 = arith.constant 320 : i32
        %add3A_517 = vector.broadcast %add3A_516 : i32 to vector<16xi32>
        %add3A_518 = arith.addi %add3A_517, %iota3A : vector<16xi32>
        %broadcast_in_dim3A_519 = vector.broadcast %while3A_73 : i32 to vector<16xi32>
        %shift_right_arithmetic3A_520 = arith.constant 2 : i32
        %shift_right_arithmetic3A_521 = vector.broadcast %shift_right_arithmetic3A_520 : i32 to vector<16xi32>
        %shift_right_arithmetic3A_522 = arith.shrsi %add3A_518, %shift_right_arithmetic3A_521 : vector<16xi32>
        %gather3A_523 = tpu.vector_load_idx %arg12[%broadcast_in_dim3A_519, %shift_right_arithmetic3A_522] : memref<40x128xi32, #tpu.memory_space<vmem>>[vector<16xi32>, vector<16xi32>], vector<16xi32>,
        %mul3A_524 = arith.constant 4 : i32
        %mul3A_525 = vector.broadcast %mul3A_524 : i32 to vector<16xi32>
        %mul3A_526 = arith.muli %gather3A_523, %mul3A_525 : vector<16xi32>
        %and3A_527 = arith.constant 3 : i32
        %and3A_528 = vector.broadcast %and3A_527 : i32 to vector<16xi32>
        %and3A_529 = arith.andi %add3A_518, %and3A_528 : vector<16xi32>
        %add3A_530 = arith.addi %mul3A_526, %and3A_529 : vector<16xi32>
        %mul3A_531 = arith.constant 512 : i32
        %mul3A_532 = arith.muli %and3A_98, %mul3A_531 : i32
        %add3A_533 = arith.constant 320 : i32
        %add3A_534 = arith.addi %mul3A_532, %add3A_533 : i32
        %swap3A_535 = arith.index_cast %add3A_534 : i32 to index
        %swap3A_536 = tpu.vector_load %arg15[%swap3A_535] {strides = array<i32>} : memref<1024xi32, #tpu.memory_space<vmem>>, vector<16xi32>,
        tpu.vector_store %arg15[%swap3A_535], %add3A_530 {strides = array<i32>} : memref<1024xi32, #tpu.memory_space<vmem>>, vector<16xi32>,
        %add3A_537 = arith.constant 336 : i32
        %add3A_538 = vector.broadcast %add3A_537 : i32 to vector<16xi32>
        %add3A_539 = arith.addi %add3A_538, %iota3A : vector<16xi32>
        %broadcast_in_dim3A_540 = vector.broadcast %while3A_73 : i32 to vector<16xi32>
        %shift_right_arithmetic3A_541 = arith.constant 2 : i32
        %shift_right_arithmetic3A_542 = vector.broadcast %shift_right_arithmetic3A_541 : i32 to vector<16xi32>
        %shift_right_arithmetic3A_543 = arith.shrsi %add3A_539, %shift_right_arithmetic3A_542 : vector<16xi32>
        %gather3A_544 = tpu.vector_load_idx %arg12[%broadcast_in_dim3A_540, %shift_right_arithmetic3A_543] : memref<40x128xi32, #tpu.memory_space<vmem>>[vector<16xi32>, vector<16xi32>], vector<16xi32>,
        %mul3A_545 = arith.constant 4 : i32
        %mul3A_546 = vector.broadcast %mul3A_545 : i32 to vector<16xi32>
        %mul3A_547 = arith.muli %gather3A_544, %mul3A_546 : vector<16xi32>
        %and3A_548 = arith.constant 3 : i32
        %and3A_549 = vector.broadcast %and3A_548 : i32 to vector<16xi32>
        %and3A_550 = arith.andi %add3A_539, %and3A_549 : vector<16xi32>
        %add3A_551 = arith.addi %mul3A_547, %and3A_550 : vector<16xi32>
        %mul3A_552 = arith.constant 512 : i32
        %mul3A_553 = arith.muli %and3A_98, %mul3A_552 : i32
        %add3A_554 = arith.constant 336 : i32
        %add3A_555 = arith.addi %mul3A_553, %add3A_554 : i32
        %swap3A_556 = arith.index_cast %add3A_555 : i32 to index
        %swap3A_557 = tpu.vector_load %arg15[%swap3A_556] {strides = array<i32>} : memref<1024xi32, #tpu.memory_space<vmem>>, vector<16xi32>,
        tpu.vector_store %arg15[%swap3A_556], %add3A_551 {strides = array<i32>} : memref<1024xi32, #tpu.memory_space<vmem>>, vector<16xi32>,
        %add3A_558 = arith.constant 352 : i32
        %add3A_559 = vector.broadcast %add3A_558 : i32 to vector<16xi32>
        %add3A_560 = arith.addi %add3A_559, %iota3A : vector<16xi32>
        %broadcast_in_dim3A_561 = vector.broadcast %while3A_73 : i32 to vector<16xi32>
        %shift_right_arithmetic3A_562 = arith.constant 2 : i32
        %shift_right_arithmetic3A_563 = vector.broadcast %shift_right_arithmetic3A_562 : i32 to vector<16xi32>
        %shift_right_arithmetic3A_564 = arith.shrsi %add3A_560, %shift_right_arithmetic3A_563 : vector<16xi32>
        %gather3A_565 = tpu.vector_load_idx %arg12[%broadcast_in_dim3A_561, %shift_right_arithmetic3A_564] : memref<40x128xi32, #tpu.memory_space<vmem>>[vector<16xi32>, vector<16xi32>], vector<16xi32>,
        %mul3A_566 = arith.constant 4 : i32
        %mul3A_567 = vector.broadcast %mul3A_566 : i32 to vector<16xi32>
        %mul3A_568 = arith.muli %gather3A_565, %mul3A_567 : vector<16xi32>
        %and3A_569 = arith.constant 3 : i32
        %and3A_570 = vector.broadcast %and3A_569 : i32 to vector<16xi32>
        %and3A_571 = arith.andi %add3A_560, %and3A_570 : vector<16xi32>
        %add3A_572 = arith.addi %mul3A_568, %and3A_571 : vector<16xi32>
        %mul3A_573 = arith.constant 512 : i32
        %mul3A_574 = arith.muli %and3A_98, %mul3A_573 : i32
        %add3A_575 = arith.constant 352 : i32
        %add3A_576 = arith.addi %mul3A_574, %add3A_575 : i32
        %swap3A_577 = arith.index_cast %add3A_576 : i32 to index
        %swap3A_578 = tpu.vector_load %arg15[%swap3A_577] {strides = array<i32>} : memref<1024xi32, #tpu.memory_space<vmem>>, vector<16xi32>,
        tpu.vector_store %arg15[%swap3A_577], %add3A_572 {strides = array<i32>} : memref<1024xi32, #tpu.memory_space<vmem>>, vector<16xi32>,
        %add3A_579 = arith.constant 368 : i32
        %add3A_580 = vector.broadcast %add3A_579 : i32 to vector<16xi32>
        %add3A_581 = arith.addi %add3A_580, %iota3A : vector<16xi32>
        %broadcast_in_dim3A_582 = vector.broadcast %while3A_73 : i32 to vector<16xi32>
        %shift_right_arithmetic3A_583 = arith.constant 2 : i32
        %shift_right_arithmetic3A_584 = vector.broadcast %shift_right_arithmetic3A_583 : i32 to vector<16xi32>
        %shift_right_arithmetic3A_585 = arith.shrsi %add3A_581, %shift_right_arithmetic3A_584 : vector<16xi32>
        %gather3A_586 = tpu.vector_load_idx %arg12[%broadcast_in_dim3A_582, %shift_right_arithmetic3A_585] : memref<40x128xi32, #tpu.memory_space<vmem>>[vector<16xi32>, vector<16xi32>], vector<16xi32>,
        %mul3A_587 = arith.constant 4 : i32
        %mul3A_588 = vector.broadcast %mul3A_587 : i32 to vector<16xi32>
        %mul3A_589 = arith.muli %gather3A_586, %mul3A_588 : vector<16xi32>
        %and3A_590 = arith.constant 3 : i32
        %and3A_591 = vector.broadcast %and3A_590 : i32 to vector<16xi32>
        %and3A_592 = arith.andi %add3A_581, %and3A_591 : vector<16xi32>
        %add3A_593 = arith.addi %mul3A_589, %and3A_592 : vector<16xi32>
        %mul3A_594 = arith.constant 512 : i32
        %mul3A_595 = arith.muli %and3A_98, %mul3A_594 : i32
        %add3A_596 = arith.constant 368 : i32
        %add3A_597 = arith.addi %mul3A_595, %add3A_596 : i32
        %swap3A_598 = arith.index_cast %add3A_597 : i32 to index
        %swap3A_599 = tpu.vector_load %arg15[%swap3A_598] {strides = array<i32>} : memref<1024xi32, #tpu.memory_space<vmem>>, vector<16xi32>,
        tpu.vector_store %arg15[%swap3A_598], %add3A_593 {strides = array<i32>} : memref<1024xi32, #tpu.memory_space<vmem>>, vector<16xi32>,
        %add3A_600 = arith.constant 384 : i32
        %add3A_601 = vector.broadcast %add3A_600 : i32 to vector<16xi32>
        %add3A_602 = arith.addi %add3A_601, %iota3A : vector<16xi32>
        %broadcast_in_dim3A_603 = vector.broadcast %while3A_73 : i32 to vector<16xi32>
        %shift_right_arithmetic3A_604 = arith.constant 2 : i32
        %shift_right_arithmetic3A_605 = vector.broadcast %shift_right_arithmetic3A_604 : i32 to vector<16xi32>
        %shift_right_arithmetic3A_606 = arith.shrsi %add3A_602, %shift_right_arithmetic3A_605 : vector<16xi32>
        %gather3A_607 = tpu.vector_load_idx %arg12[%broadcast_in_dim3A_603, %shift_right_arithmetic3A_606] : memref<40x128xi32, #tpu.memory_space<vmem>>[vector<16xi32>, vector<16xi32>], vector<16xi32>,
        %mul3A_608 = arith.constant 4 : i32
        %mul3A_609 = vector.broadcast %mul3A_608 : i32 to vector<16xi32>
        %mul3A_610 = arith.muli %gather3A_607, %mul3A_609 : vector<16xi32>
        %and3A_611 = arith.constant 3 : i32
        %and3A_612 = vector.broadcast %and3A_611 : i32 to vector<16xi32>
        %and3A_613 = arith.andi %add3A_602, %and3A_612 : vector<16xi32>
        %add3A_614 = arith.addi %mul3A_610, %and3A_613 : vector<16xi32>
        %mul3A_615 = arith.constant 512 : i32
        %mul3A_616 = arith.muli %and3A_98, %mul3A_615 : i32
        %add3A_617 = arith.constant 384 : i32
        %add3A_618 = arith.addi %mul3A_616, %add3A_617 : i32
        %swap3A_619 = arith.index_cast %add3A_618 : i32 to index
        %swap3A_620 = tpu.vector_load %arg15[%swap3A_619] {strides = array<i32>} : memref<1024xi32, #tpu.memory_space<vmem>>, vector<16xi32>,
        tpu.vector_store %arg15[%swap3A_619], %add3A_614 {strides = array<i32>} : memref<1024xi32, #tpu.memory_space<vmem>>, vector<16xi32>,
        %add3A_621 = arith.constant 400 : i32
        %add3A_622 = vector.broadcast %add3A_621 : i32 to vector<16xi32>
        %add3A_623 = arith.addi %add3A_622, %iota3A : vector<16xi32>
        %broadcast_in_dim3A_624 = vector.broadcast %while3A_73 : i32 to vector<16xi32>
        %shift_right_arithmetic3A_625 = arith.constant 2 : i32
        %shift_right_arithmetic3A_626 = vector.broadcast %shift_right_arithmetic3A_625 : i32 to vector<16xi32>
        %shift_right_arithmetic3A_627 = arith.shrsi %add3A_623, %shift_right_arithmetic3A_626 : vector<16xi32>
        %gather3A_628 = tpu.vector_load_idx %arg12[%broadcast_in_dim3A_624, %shift_right_arithmetic3A_627] : memref<40x128xi32, #tpu.memory_space<vmem>>[vector<16xi32>, vector<16xi32>], vector<16xi32>,
        %mul3A_629 = arith.constant 4 : i32
        %mul3A_630 = vector.broadcast %mul3A_629 : i32 to vector<16xi32>
        %mul3A_631 = arith.muli %gather3A_628, %mul3A_630 : vector<16xi32>
        %and3A_632 = arith.constant 3 : i32
        %and3A_633 = vector.broadcast %and3A_632 : i32 to vector<16xi32>
        %and3A_634 = arith.andi %add3A_623, %and3A_633 : vector<16xi32>
        %add3A_635 = arith.addi %mul3A_631, %and3A_634 : vector<16xi32>
        %mul3A_636 = arith.constant 512 : i32
        %mul3A_637 = arith.muli %and3A_98, %mul3A_636 : i32
        %add3A_638 = arith.constant 400 : i32
        %add3A_639 = arith.addi %mul3A_637, %add3A_638 : i32
        %swap3A_640 = arith.index_cast %add3A_639 : i32 to index
        %swap3A_641 = tpu.vector_load %arg15[%swap3A_640] {strides = array<i32>} : memref<1024xi32, #tpu.memory_space<vmem>>, vector<16xi32>,
        tpu.vector_store %arg15[%swap3A_640], %add3A_635 {strides = array<i32>} : memref<1024xi32, #tpu.memory_space<vmem>>, vector<16xi32>,
        %add3A_642 = arith.constant 416 : i32
        %add3A_643 = vector.broadcast %add3A_642 : i32 to vector<16xi32>
        %add3A_644 = arith.addi %add3A_643, %iota3A : vector<16xi32>
        %broadcast_in_dim3A_645 = vector.broadcast %while3A_73 : i32 to vector<16xi32>
        %shift_right_arithmetic3A_646 = arith.constant 2 : i32
        %shift_right_arithmetic3A_647 = vector.broadcast %shift_right_arithmetic3A_646 : i32 to vector<16xi32>
        %shift_right_arithmetic3A_648 = arith.shrsi %add3A_644, %shift_right_arithmetic3A_647 : vector<16xi32>
        %gather3A_649 = tpu.vector_load_idx %arg12[%broadcast_in_dim3A_645, %shift_right_arithmetic3A_648] : memref<40x128xi32, #tpu.memory_space<vmem>>[vector<16xi32>, vector<16xi32>], vector<16xi32>,
        %mul3A_650 = arith.constant 4 : i32
        %mul3A_651 = vector.broadcast %mul3A_650 : i32 to vector<16xi32>
        %mul3A_652 = arith.muli %gather3A_649, %mul3A_651 : vector<16xi32>
        %and3A_653 = arith.constant 3 : i32
        %and3A_654 = vector.broadcast %and3A_653 : i32 to vector<16xi32>
        %and3A_655 = arith.andi %add3A_644, %and3A_654 : vector<16xi32>
        %add3A_656 = arith.addi %mul3A_652, %and3A_655 : vector<16xi32>
        %mul3A_657 = arith.constant 512 : i32
        %mul3A_658 = arith.muli %and3A_98, %mul3A_657 : i32
        %add3A_659 = arith.constant 416 : i32
        %add3A_660 = arith.addi %mul3A_658, %add3A_659 : i32
        %swap3A_661 = arith.index_cast %add3A_660 : i32 to index
        %swap3A_662 = tpu.vector_load %arg15[%swap3A_661] {strides = array<i32>} : memref<1024xi32, #tpu.memory_space<vmem>>, vector<16xi32>,
        tpu.vector_store %arg15[%swap3A_661], %add3A_656 {strides = array<i32>} : memref<1024xi32, #tpu.memory_space<vmem>>, vector<16xi32>,
        %add3A_663 = arith.constant 432 : i32
        %add3A_664 = vector.broadcast %add3A_663 : i32 to vector<16xi32>
        %add3A_665 = arith.addi %add3A_664, %iota3A : vector<16xi32>
        %broadcast_in_dim3A_666 = vector.broadcast %while3A_73 : i32 to vector<16xi32>
        %shift_right_arithmetic3A_667 = arith.constant 2 : i32
        %shift_right_arithmetic3A_668 = vector.broadcast %shift_right_arithmetic3A_667 : i32 to vector<16xi32>
        %shift_right_arithmetic3A_669 = arith.shrsi %add3A_665, %shift_right_arithmetic3A_668 : vector<16xi32>
        %gather3A_670 = tpu.vector_load_idx %arg12[%broadcast_in_dim3A_666, %shift_right_arithmetic3A_669] : memref<40x128xi32, #tpu.memory_space<vmem>>[vector<16xi32>, vector<16xi32>], vector<16xi32>,
        %mul3A_671 = arith.constant 4 : i32
        %mul3A_672 = vector.broadcast %mul3A_671 : i32 to vector<16xi32>
        %mul3A_673 = arith.muli %gather3A_670, %mul3A_672 : vector<16xi32>
        %and3A_674 = arith.constant 3 : i32
        %and3A_675 = vector.broadcast %and3A_674 : i32 to vector<16xi32>
        %and3A_676 = arith.andi %add3A_665, %and3A_675 : vector<16xi32>
        %add3A_677 = arith.addi %mul3A_673, %and3A_676 : vector<16xi32>
        %mul3A_678 = arith.constant 512 : i32
        %mul3A_679 = arith.muli %and3A_98, %mul3A_678 : i32
        %add3A_680 = arith.constant 432 : i32
        %add3A_681 = arith.addi %mul3A_679, %add3A_680 : i32
        %swap3A_682 = arith.index_cast %add3A_681 : i32 to index
        %swap3A_683 = tpu.vector_load %arg15[%swap3A_682] {strides = array<i32>} : memref<1024xi32, #tpu.memory_space<vmem>>, vector<16xi32>,
        tpu.vector_store %arg15[%swap3A_682], %add3A_677 {strides = array<i32>} : memref<1024xi32, #tpu.memory_space<vmem>>, vector<16xi32>,
        %add3A_684 = arith.constant 448 : i32
        %add3A_685 = vector.broadcast %add3A_684 : i32 to vector<16xi32>
        %add3A_686 = arith.addi %add3A_685, %iota3A : vector<16xi32>
        %broadcast_in_dim3A_687 = vector.broadcast %while3A_73 : i32 to vector<16xi32>
        %shift_right_arithmetic3A_688 = arith.constant 2 : i32
        %shift_right_arithmetic3A_689 = vector.broadcast %shift_right_arithmetic3A_688 : i32 to vector<16xi32>
        %shift_right_arithmetic3A_690 = arith.shrsi %add3A_686, %shift_right_arithmetic3A_689 : vector<16xi32>
        %gather3A_691 = tpu.vector_load_idx %arg12[%broadcast_in_dim3A_687, %shift_right_arithmetic3A_690] : memref<40x128xi32, #tpu.memory_space<vmem>>[vector<16xi32>, vector<16xi32>], vector<16xi32>,
        %mul3A_692 = arith.constant 4 : i32
        %mul3A_693 = vector.broadcast %mul3A_692 : i32 to vector<16xi32>
        %mul3A_694 = arith.muli %gather3A_691, %mul3A_693 : vector<16xi32>
        %and3A_695 = arith.constant 3 : i32
        %and3A_696 = vector.broadcast %and3A_695 : i32 to vector<16xi32>
        %and3A_697 = arith.andi %add3A_686, %and3A_696 : vector<16xi32>
        %add3A_698 = arith.addi %mul3A_694, %and3A_697 : vector<16xi32>
        %mul3A_699 = arith.constant 512 : i32
        %mul3A_700 = arith.muli %and3A_98, %mul3A_699 : i32
        %add3A_701 = arith.constant 448 : i32
        %add3A_702 = arith.addi %mul3A_700, %add3A_701 : i32
        %swap3A_703 = arith.index_cast %add3A_702 : i32 to index
        %swap3A_704 = tpu.vector_load %arg15[%swap3A_703] {strides = array<i32>} : memref<1024xi32, #tpu.memory_space<vmem>>, vector<16xi32>,
        tpu.vector_store %arg15[%swap3A_703], %add3A_698 {strides = array<i32>} : memref<1024xi32, #tpu.memory_space<vmem>>, vector<16xi32>,
        %add3A_705 = arith.constant 464 : i32
        %add3A_706 = vector.broadcast %add3A_705 : i32 to vector<16xi32>
        %add3A_707 = arith.addi %add3A_706, %iota3A : vector<16xi32>
        %broadcast_in_dim3A_708 = vector.broadcast %while3A_73 : i32 to vector<16xi32>
        %shift_right_arithmetic3A_709 = arith.constant 2 : i32
        %shift_right_arithmetic3A_710 = vector.broadcast %shift_right_arithmetic3A_709 : i32 to vector<16xi32>
        %shift_right_arithmetic3A_711 = arith.shrsi %add3A_707, %shift_right_arithmetic3A_710 : vector<16xi32>
        %gather3A_712 = tpu.vector_load_idx %arg12[%broadcast_in_dim3A_708, %shift_right_arithmetic3A_711] : memref<40x128xi32, #tpu.memory_space<vmem>>[vector<16xi32>, vector<16xi32>], vector<16xi32>,
        %mul3A_713 = arith.constant 4 : i32
        %mul3A_714 = vector.broadcast %mul3A_713 : i32 to vector<16xi32>
        %mul3A_715 = arith.muli %gather3A_712, %mul3A_714 : vector<16xi32>
        %and3A_716 = arith.constant 3 : i32
        %and3A_717 = vector.broadcast %and3A_716 : i32 to vector<16xi32>
        %and3A_718 = arith.andi %add3A_707, %and3A_717 : vector<16xi32>
        %add3A_719 = arith.addi %mul3A_715, %and3A_718 : vector<16xi32>
        %mul3A_720 = arith.constant 512 : i32
        %mul3A_721 = arith.muli %and3A_98, %mul3A_720 : i32
        %add3A_722 = arith.constant 464 : i32
        %add3A_723 = arith.addi %mul3A_721, %add3A_722 : i32
        %swap3A_724 = arith.index_cast %add3A_723 : i32 to index
        %swap3A_725 = tpu.vector_load %arg15[%swap3A_724] {strides = array<i32>} : memref<1024xi32, #tpu.memory_space<vmem>>, vector<16xi32>,
        tpu.vector_store %arg15[%swap3A_724], %add3A_719 {strides = array<i32>} : memref<1024xi32, #tpu.memory_space<vmem>>, vector<16xi32>,
        %add3A_726 = arith.constant 480 : i32
        %add3A_727 = vector.broadcast %add3A_726 : i32 to vector<16xi32>
        %add3A_728 = arith.addi %add3A_727, %iota3A : vector<16xi32>
        %broadcast_in_dim3A_729 = vector.broadcast %while3A_73 : i32 to vector<16xi32>
        %shift_right_arithmetic3A_730 = arith.constant 2 : i32
        %shift_right_arithmetic3A_731 = vector.broadcast %shift_right_arithmetic3A_730 : i32 to vector<16xi32>
        %shift_right_arithmetic3A_732 = arith.shrsi %add3A_728, %shift_right_arithmetic3A_731 : vector<16xi32>
        %gather3A_733 = tpu.vector_load_idx %arg12[%broadcast_in_dim3A_729, %shift_right_arithmetic3A_732] : memref<40x128xi32, #tpu.memory_space<vmem>>[vector<16xi32>, vector<16xi32>], vector<16xi32>,
        %mul3A_734 = arith.constant 4 : i32
        %mul3A_735 = vector.broadcast %mul3A_734 : i32 to vector<16xi32>
        %mul3A_736 = arith.muli %gather3A_733, %mul3A_735 : vector<16xi32>
        %and3A_737 = arith.constant 3 : i32
        %and3A_738 = vector.broadcast %and3A_737 : i32 to vector<16xi32>
        %and3A_739 = arith.andi %add3A_728, %and3A_738 : vector<16xi32>
        %add3A_740 = arith.addi %mul3A_736, %and3A_739 : vector<16xi32>
        %mul3A_741 = arith.constant 512 : i32
        %mul3A_742 = arith.muli %and3A_98, %mul3A_741 : i32
        %add3A_743 = arith.constant 480 : i32
        %add3A_744 = arith.addi %mul3A_742, %add3A_743 : i32
        %swap3A_745 = arith.index_cast %add3A_744 : i32 to index
        %swap3A_746 = tpu.vector_load %arg15[%swap3A_745] {strides = array<i32>} : memref<1024xi32, #tpu.memory_space<vmem>>, vector<16xi32>,
        tpu.vector_store %arg15[%swap3A_745], %add3A_740 {strides = array<i32>} : memref<1024xi32, #tpu.memory_space<vmem>>, vector<16xi32>,
        %add3A_747 = arith.constant 496 : i32
        %add3A_748 = vector.broadcast %add3A_747 : i32 to vector<16xi32>
        %add3A_749 = arith.addi %add3A_748, %iota3A : vector<16xi32>
        %broadcast_in_dim3A_750 = vector.broadcast %while3A_73 : i32 to vector<16xi32>
        %shift_right_arithmetic3A_751 = arith.constant 2 : i32
        %shift_right_arithmetic3A_752 = vector.broadcast %shift_right_arithmetic3A_751 : i32 to vector<16xi32>
        %shift_right_arithmetic3A_753 = arith.shrsi %add3A_749, %shift_right_arithmetic3A_752 : vector<16xi32>
        %gather3A_754 = tpu.vector_load_idx %arg12[%broadcast_in_dim3A_750, %shift_right_arithmetic3A_753] : memref<40x128xi32, #tpu.memory_space<vmem>>[vector<16xi32>, vector<16xi32>], vector<16xi32>,
        %mul3A_755 = arith.constant 4 : i32
        %mul3A_756 = vector.broadcast %mul3A_755 : i32 to vector<16xi32>
        %mul3A_757 = arith.muli %gather3A_754, %mul3A_756 : vector<16xi32>
        %and3A_758 = arith.constant 3 : i32
        %and3A_759 = vector.broadcast %and3A_758 : i32 to vector<16xi32>
        %and3A_760 = arith.andi %add3A_749, %and3A_759 : vector<16xi32>
        %add3A_761 = arith.addi %mul3A_757, %and3A_760 : vector<16xi32>
        %mul3A_762 = arith.constant 512 : i32
        %mul3A_763 = arith.muli %and3A_98, %mul3A_762 : i32
        %add3A_764 = arith.constant 496 : i32
        %add3A_765 = arith.addi %mul3A_763, %add3A_764 : i32
        %swap3A_766 = arith.index_cast %add3A_765 : i32 to index
        %swap3A_767 = tpu.vector_load %arg15[%swap3A_766] {strides = array<i32>} : memref<1024xi32, #tpu.memory_space<vmem>>, vector<16xi32>,
        tpu.vector_store %arg15[%swap3A_766], %add3A_761 {strides = array<i32>} : memref<1024xi32, #tpu.memory_space<vmem>>, vector<16xi32>,
        %and3A_768 = arith.constant 1 : i32
        %and3A_769 = arith.andi %while3A_73, %and3A_768 : i32
        %dma_start3A = arith.constant 0 : i32
        %dma_start3A_770 = arith.constant 0 : i32
        %dma_start3A_771 = tpu.memref_slice %arg14[%and3A_769, %dma_start3A, %dma_start3A_770] : memref<2x128x128xf32, #tpu.memory_space<vmem>> -> memref<1x128x128xf32, #tpu.memory_space<vmem>>
        %dma_start3A_772 = tpu.memref_squeeze %dma_start3A_771 : memref<1x128x128xf32, #tpu.memory_space<vmem>> -> memref<128x128xf32, #tpu.memory_space<vmem>>
        %dma_start3A_773 = arith.constant 0 : i32
        %dma_start3A_774 = tpu.memref_slice %arg12[%while3A_73, %dma_start3A_773] : memref<40x128xi32, #tpu.memory_space<vmem>> -> memref<1x128xi32, #tpu.memory_space<vmem>>
        %dma_start3A_775 = tpu.memref_squeeze %dma_start3A_774 : memref<1x128xi32, #tpu.memory_space<vmem>> -> memref<128xi32, #tpu.memory_space<vmem>>
        %dma_start3A_776 = arith.constant 0 : i32
        %dma_start3A_777 = arith.constant 0 : i32
        %dma_start3A_778 = tpu.memref_slice %arg2[%dma_start3A_776, %dma_start3A_777] : memref<320000x128xf32, #tpu.memory_space<hbm>> -> memref<320000x128xf32, #tpu.memory_space<hbm>>
        %dma_start3A_779 = tpu.memref_slice %arg19[%and3A_769] : memref<2x!tpu.dma_semaphore, #tpu.memory_space<semaphore_mem>> -> memref<1x!tpu.dma_semaphore, #tpu.memory_space<semaphore_mem>>
        %dma_start3A_780 = tpu.memref_squeeze %dma_start3A_779 : memref<1x!tpu.dma_semaphore, #tpu.memory_space<semaphore_mem>> -> memref<!tpu.dma_semaphore, #tpu.memory_space<semaphore_mem>>
        tpu.enqueue_indirect_dma source(%dma_start3A_778 : memref<320000x128xf32, #tpu.memory_space<hbm>>) target(%dma_start3A_772 : memref<128x128xf32, #tpu.memory_space<vmem>>) offsets(%dma_start3A_775 : memref<128xi32, #tpu.memory_space<vmem>>) semaphore(%dma_start3A_780 : memref<!tpu.dma_semaphore, #tpu.memory_space<semaphore_mem>>)
        %mul3A_781 = arith.constant 512 : i32
        %mul3A_782 = arith.muli %and3A_769, %mul3A_781 : i32
        %mul3A_783 = arith.constant 512 : i32
        %mul3A_784 = arith.muli %and3A_769, %mul3A_783 : i32
        %dma_start3A_785 = tpu.memref_slice %arg16[%mul3A_784] : memref<1024xi32, #tpu.memory_space<vmem>> -> memref<512xi32, #tpu.memory_space<vmem>>
        %dma_start3A_786 = tpu.memref_slice %arg15[%mul3A_782] : memref<1024xi32, #tpu.memory_space<vmem>> -> memref<512xi32, #tpu.memory_space<vmem>>
        %dma_start3A_787 = arith.constant 0 : i32
        %dma_start3A_788 = tpu.memref_slice %arg3[%dma_start3A_787] : memref<1280000xi32, #tpu.memory_space<hbm>> -> memref<1280000xi32, #tpu.memory_space<hbm>>
        %dma_start3A_789 = tpu.memref_slice %arg19[%and3A_769] : memref<2x!tpu.dma_semaphore, #tpu.memory_space<semaphore_mem>> -> memref<1x!tpu.dma_semaphore, #tpu.memory_space<semaphore_mem>>
        %dma_start3A_790 = tpu.memref_squeeze %dma_start3A_789 : memref<1x!tpu.dma_semaphore, #tpu.memory_space<semaphore_mem>> -> memref<!tpu.dma_semaphore, #tpu.memory_space<semaphore_mem>>
        tpu.enqueue_indirect_dma source(%dma_start3A_788 : memref<1280000xi32, #tpu.memory_space<hbm>>) target(%dma_start3A_785 : memref<512xi32, #tpu.memory_space<vmem>>) offsets(%dma_start3A_786 : memref<512xi32, #tpu.memory_space<vmem>>) semaphore(%dma_start3A_790 : memref<!tpu.dma_semaphore, #tpu.memory_space<semaphore_mem>>)
      } else {
      }
      %while3A_96 = arith.constant 0 : i32
      scf.yield %while3A_96 : i32
    }
    %while3A_63 = arith.constant 1 : i32
    %while3A_64 = scf.for %while3A_73 = %while3A_60 to %while3A_56 step %while3A_63 iter_args(%while3A_74 = %while3A_62) -> (i32)  : i32 {
      %sub3A_75 = arith.constant 2 : i32
      %sub3A_76 = arith.subi %while3A_73, %sub3A_75 : i32
      %sub3A_77 = arith.constant 1 : i32
      %sub3A_78 = arith.subi %while3A_73, %sub3A_77 : i32
      %ge3A_79 = arith.constant 0 : i32
      %ge3A_80 = arith.cmpi sge, %sub3A_76, %ge3A_79 : i32
      %lt3A_81 = arith.cmpi slt, %sub3A_76, %shift_right_arithmetic3A_6 : i32
      %and3A = arith.andi %ge3A_80, %lt3A_81 : i1
      %convert_element_type3A_82 = arith.extui %and3A : i1 to i32
      %cond3A_83 = arith.constant 0 : i32
      %cond3A_84 = arith.cmpi ne, %convert_element_type3A_82, %cond3A_83 : i32
      scf.if %cond3A_84 {
        %and3A_97 = arith.constant 1 : i32
        %and3A_98 = arith.andi %sub3A_76, %and3A_97 : i32
        %mul3A_99 = arith.constant 128 : i32
        %mul3A_100 = arith.muli %sub3A_76, %mul3A_99 : i32
        %add3A_101 = arith.addi %mul3A_2, %mul3A_100 : i32
        %dma_wait3A = arith.constant 0 : i32
        %dma_wait3A_102 = arith.constant 0 : i32
        %dma_wait3A_103 = tpu.memref_slice %arg14[%and3A_98, %dma_wait3A, %dma_wait3A_102] : memref<2x128x128xf32, #tpu.memory_space<vmem>> -> memref<1x128x128xf32, #tpu.memory_space<vmem>>
        %dma_wait3A_104 = tpu.memref_squeeze %dma_wait3A_103 : memref<1x128x128xf32, #tpu.memory_space<vmem>> -> memref<128x128xf32, #tpu.memory_space<vmem>>
        %dma_wait3A_105 = arith.constant 0 : i32
        %dma_wait3A_106 = tpu.memref_slice %arg6[%add3A_101, %dma_wait3A_105] : memref<160000x128xf32, #tpu.memory_space<hbm>> -> memref<128x128xf32, #tpu.memory_space<hbm>>
        %dma_wait3A_107 = tpu.memref_slice %arg20[%and3A_98] : memref<2x!tpu.dma_semaphore, #tpu.memory_space<semaphore_mem>> -> memref<1x!tpu.dma_semaphore, #tpu.memory_space<semaphore_mem>>
        %dma_wait3A_108 = tpu.memref_squeeze %dma_wait3A_107 : memref<1x!tpu.dma_semaphore, #tpu.memory_space<semaphore_mem>> -> memref<!tpu.dma_semaphore, #tpu.memory_space<semaphore_mem>>
        %dma_wait3A_109 = arith.constant 0 : i32
        %dma_wait3A_110 = tpu.memref_slice %arg6[%add3A_101, %dma_wait3A_109] : memref<160000x128xf32, #tpu.memory_space<hbm>> -> memref<128x128xf32, #tpu.memory_space<hbm>>
        %dma_wait3A_111 = arith.constant 0 : i32
        %dma_wait3A_112 = arith.constant 0 : i32
        %dma_wait3A_113 = tpu.memref_slice %arg14[%and3A_98, %dma_wait3A_111, %dma_wait3A_112] : memref<2x128x128xf32, #tpu.memory_space<vmem>> -> memref<1x128x128xf32, #tpu.memory_space<vmem>>
        %dma_wait3A_114 = tpu.memref_squeeze %dma_wait3A_113 : memref<1x128x128xf32, #tpu.memory_space<vmem>> -> memref<128x128xf32, #tpu.memory_space<vmem>>
        tpu.wait_dma2 semaphore(%dma_wait3A_108 : memref<!tpu.dma_semaphore, #tpu.memory_space<semaphore_mem>>) src(%dma_wait3A_114 : memref<128x128xf32, #tpu.memory_space<vmem>>) dst(%dma_wait3A_110 : memref<128x128xf32, #tpu.memory_space<hbm>>)
        %mul3A_115 = arith.constant 512 : i32
        %mul3A_116 = arith.muli %and3A_98, %mul3A_115 : i32
        %mul3A_117 = arith.constant 512 : i32
        %mul3A_118 = arith.muli %and3A_98, %mul3A_117 : i32
        %dma_wait3A_119 = tpu.memref_slice %arg17[%mul3A_118] : memref<1024xi32, #tpu.memory_space<vmem>> -> memref<512xi32, #tpu.memory_space<vmem>>
        %dma_wait3A_120 = tpu.memref_slice %arg16[%mul3A_116] : memref<1024xi32, #tpu.memory_space<vmem>> -> memref<512xi32, #tpu.memory_space<vmem>>
        %dma_wait3A_121 = arith.constant 0 : i32
        %dma_wait3A_122 = tpu.memref_slice %arg4[%dma_wait3A_121] : memref<327680xi32, #tpu.memory_space<hbm>> -> memref<327680xi32, #tpu.memory_space<hbm>>
        %dma_wait3A_123 = tpu.memref_slice %arg20[%and3A_98] : memref<2x!tpu.dma_semaphore, #tpu.memory_space<semaphore_mem>> -> memref<1x!tpu.dma_semaphore, #tpu.memory_space<semaphore_mem>>
        %dma_wait3A_124 = tpu.memref_squeeze %dma_wait3A_123 : memref<1x!tpu.dma_semaphore, #tpu.memory_space<semaphore_mem>> -> memref<!tpu.dma_semaphore, #tpu.memory_space<semaphore_mem>>
        tpu.wait_indirect_dma semaphore(%dma_wait3A_124 : memref<!tpu.dma_semaphore, #tpu.memory_space<semaphore_mem>>) src(%dma_wait3A_122 : memref<327680xi32, #tpu.memory_space<hbm>>) dst(%dma_wait3A_119 : memref<512xi32, #tpu.memory_space<vmem>>)
        %ge3A_125 = arith.constant 2 : i32
        %ge3A_126 = arith.cmpi sge, %sub3A_76, %ge3A_125 : i32
        %convert_element_type3A_127 = arith.extui %ge3A_126 : i1 to i32
        %cond3A_128 = arith.constant 0 : i32
        %cond3A_129 = arith.cmpi ne, %convert_element_type3A_127, %cond3A_128 : i32
        scf.if %cond3A_129 {
          %sub3A_1095 = arith.constant 2 : i32
          %sub3A_1096 = arith.subi %sub3A_76, %sub3A_1095 : i32
          %and3A_1097 = arith.constant 1 : i32
          %and3A_1098 = arith.andi %sub3A_1096, %and3A_1097 : i32
          %mul3A_1099 = arith.constant 4 : i32
          %mul3A_1100 = arith.muli %and3A_1098, %mul3A_1099 : i32
          %add3A_1101 = arith.constant 0 : i32
          %add3A_1102 = arith.addi %mul3A_1100, %add3A_1101 : i32
          %mul3A_1103 = arith.constant 128 : i32
          %mul3A_1104 = arith.muli %sub3A_1096, %mul3A_1103 : i32
          %add3A_1105 = arith.addi %mul3A_2, %mul3A_1104 : i32
          %dma_wait3A_1106 = arith.constant 0 : i32
          %dma_wait3A_1107 = tpu.memref_slice %arg18[%add3A_1102, %dma_wait3A_1106] : memref<8x128xi32, #tpu.memory_space<vmem>> -> memref<1x128xi32, #tpu.memory_space<vmem>>
          %dma_wait3A_1108 = tpu.memref_squeeze %dma_wait3A_1107 : memref<1x128xi32, #tpu.memory_space<vmem>> -> memref<128xi32, #tpu.memory_space<vmem>>
          %dma_wait3A_1109 = tpu.memref_slice %arg7[%add3A_1105] : memref<160000xi32, #tpu.memory_space<hbm>> -> memref<128xi32, #tpu.memory_space<hbm>>
          %dma_wait3A_1110 = tpu.memref_slice %arg21[%and3A_1098] : memref<2x!tpu.dma_semaphore, #tpu.memory_space<semaphore_mem>> -> memref<1x!tpu.dma_semaphore, #tpu.memory_space<semaphore_mem>>
          %dma_wait3A_1111 = tpu.memref_squeeze %dma_wait3A_1110 : memref<1x!tpu.dma_semaphore, #tpu.memory_space<semaphore_mem>> -> memref<!tpu.dma_semaphore, #tpu.memory_space<semaphore_mem>>
          %dma_wait3A_1112 = tpu.memref_slice %arg7[%add3A_1105] : memref<160000xi32, #tpu.memory_space<hbm>> -> memref<128xi32, #tpu.memory_space<hbm>>
          %dma_wait3A_1113 = arith.constant 0 : i32
          %dma_wait3A_1114 = tpu.memref_slice %arg18[%add3A_1102, %dma_wait3A_1113] : memref<8x128xi32, #tpu.memory_space<vmem>> -> memref<1x128xi32, #tpu.memory_space<vmem>>
          %dma_wait3A_1115 = tpu.memref_squeeze %dma_wait3A_1114 : memref<1x128xi32, #tpu.memory_space<vmem>> -> memref<128xi32, #tpu.memory_space<vmem>>
          tpu.wait_dma2 semaphore(%dma_wait3A_1111 : memref<!tpu.dma_semaphore, #tpu.memory_space<semaphore_mem>>) src(%dma_wait3A_1115 : memref<128xi32, #tpu.memory_space<vmem>>) dst(%dma_wait3A_1112 : memref<128xi32, #tpu.memory_space<hbm>>)
          %mul3A_1116 = arith.constant 4 : i32
          %mul3A_1117 = arith.muli %and3A_1098, %mul3A_1116 : i32
          %add3A_1118 = arith.constant 1 : i32
          %add3A_1119 = arith.addi %mul3A_1117, %add3A_1118 : i32
          %mul3A_1120 = arith.constant 128 : i32
          %mul3A_1121 = arith.muli %sub3A_1096, %mul3A_1120 : i32
          %add3A_1122 = arith.addi %mul3A_2, %mul3A_1121 : i32
          %dma_wait3A_1123 = arith.constant 0 : i32
          %dma_wait3A_1124 = tpu.memref_slice %arg18[%add3A_1119, %dma_wait3A_1123] : memref<8x128xi32, #tpu.memory_space<vmem>> -> memref<1x128xi32, #tpu.memory_space<vmem>>
          %dma_wait3A_1125 = tpu.memref_squeeze %dma_wait3A_1124 : memref<1x128xi32, #tpu.memory_space<vmem>> -> memref<128xi32, #tpu.memory_space<vmem>>
          %dma_wait3A_1126 = tpu.memref_slice %arg8[%add3A_1122] : memref<160000xi32, #tpu.memory_space<hbm>> -> memref<128xi32, #tpu.memory_space<hbm>>
          %dma_wait3A_1127 = tpu.memref_slice %arg21[%and3A_1098] : memref<2x!tpu.dma_semaphore, #tpu.memory_space<semaphore_mem>> -> memref<1x!tpu.dma_semaphore, #tpu.memory_space<semaphore_mem>>
          %dma_wait3A_1128 = tpu.memref_squeeze %dma_wait3A_1127 : memref<1x!tpu.dma_semaphore, #tpu.memory_space<semaphore_mem>> -> memref<!tpu.dma_semaphore, #tpu.memory_space<semaphore_mem>>
          %dma_wait3A_1129 = tpu.memref_slice %arg8[%add3A_1122] : memref<160000xi32, #tpu.memory_space<hbm>> -> memref<128xi32, #tpu.memory_space<hbm>>
          %dma_wait3A_1130 = arith.constant 0 : i32
          %dma_wait3A_1131 = tpu.memref_slice %arg18[%add3A_1119, %dma_wait3A_1130] : memref<8x128xi32, #tpu.memory_space<vmem>> -> memref<1x128xi32, #tpu.memory_space<vmem>>
          %dma_wait3A_1132 = tpu.memref_squeeze %dma_wait3A_1131 : memref<1x128xi32, #tpu.memory_space<vmem>> -> memref<128xi32, #tpu.memory_space<vmem>>
          tpu.wait_dma2 semaphore(%dma_wait3A_1128 : memref<!tpu.dma_semaphore, #tpu.memory_space<semaphore_mem>>) src(%dma_wait3A_1132 : memref<128xi32, #tpu.memory_space<vmem>>) dst(%dma_wait3A_1129 : memref<128xi32, #tpu.memory_space<hbm>>)
          %mul3A_1133 = arith.constant 4 : i32
          %mul3A_1134 = arith.muli %and3A_1098, %mul3A_1133 : i32
          %add3A_1135 = arith.constant 2 : i32
          %add3A_1136 = arith.addi %mul3A_1134, %add3A_1135 : i32
          %mul3A_1137 = arith.constant 128 : i32
          %mul3A_1138 = arith.muli %sub3A_1096, %mul3A_1137 : i32
          %add3A_1139 = arith.addi %mul3A_2, %mul3A_1138 : i32
          %dma_wait3A_1140 = arith.constant 0 : i32
          %dma_wait3A_1141 = tpu.memref_slice %arg18[%add3A_1136, %dma_wait3A_1140] : memref<8x128xi32, #tpu.memory_space<vmem>> -> memref<1x128xi32, #tpu.memory_space<vmem>>
          %dma_wait3A_1142 = tpu.memref_squeeze %dma_wait3A_1141 : memref<1x128xi32, #tpu.memory_space<vmem>> -> memref<128xi32, #tpu.memory_space<vmem>>
          %dma_wait3A_1143 = tpu.memref_slice %arg9[%add3A_1139] : memref<160000xi32, #tpu.memory_space<hbm>> -> memref<128xi32, #tpu.memory_space<hbm>>
          %dma_wait3A_1144 = tpu.memref_slice %arg21[%and3A_1098] : memref<2x!tpu.dma_semaphore, #tpu.memory_space<semaphore_mem>> -> memref<1x!tpu.dma_semaphore, #tpu.memory_space<semaphore_mem>>
          %dma_wait3A_1145 = tpu.memref_squeeze %dma_wait3A_1144 : memref<1x!tpu.dma_semaphore, #tpu.memory_space<semaphore_mem>> -> memref<!tpu.dma_semaphore, #tpu.memory_space<semaphore_mem>>
          %dma_wait3A_1146 = tpu.memref_slice %arg9[%add3A_1139] : memref<160000xi32, #tpu.memory_space<hbm>> -> memref<128xi32, #tpu.memory_space<hbm>>
          %dma_wait3A_1147 = arith.constant 0 : i32
          %dma_wait3A_1148 = tpu.memref_slice %arg18[%add3A_1136, %dma_wait3A_1147] : memref<8x128xi32, #tpu.memory_space<vmem>> -> memref<1x128xi32, #tpu.memory_space<vmem>>
          %dma_wait3A_1149 = tpu.memref_squeeze %dma_wait3A_1148 : memref<1x128xi32, #tpu.memory_space<vmem>> -> memref<128xi32, #tpu.memory_space<vmem>>
          tpu.wait_dma2 semaphore(%dma_wait3A_1145 : memref<!tpu.dma_semaphore, #tpu.memory_space<semaphore_mem>>) src(%dma_wait3A_1149 : memref<128xi32, #tpu.memory_space<vmem>>) dst(%dma_wait3A_1146 : memref<128xi32, #tpu.memory_space<hbm>>)
          %mul3A_1150 = arith.constant 4 : i32
          %mul3A_1151 = arith.muli %and3A_1098, %mul3A_1150 : i32
          %add3A_1152 = arith.constant 3 : i32
          %add3A_1153 = arith.addi %mul3A_1151, %add3A_1152 : i32
          %mul3A_1154 = arith.constant 128 : i32
          %mul3A_1155 = arith.muli %sub3A_1096, %mul3A_1154 : i32
          %add3A_1156 = arith.addi %mul3A_2, %mul3A_1155 : i32
          %dma_wait3A_1157 = arith.constant 0 : i32
          %dma_wait3A_1158 = tpu.memref_slice %arg18[%add3A_1153, %dma_wait3A_1157] : memref<8x128xi32, #tpu.memory_space<vmem>> -> memref<1x128xi32, #tpu.memory_space<vmem>>
          %dma_wait3A_1159 = tpu.memref_squeeze %dma_wait3A_1158 : memref<1x128xi32, #tpu.memory_space<vmem>> -> memref<128xi32, #tpu.memory_space<vmem>>
          %dma_wait3A_1160 = tpu.memref_slice %arg10[%add3A_1156] : memref<160000xi32, #tpu.memory_space<hbm>> -> memref<128xi32, #tpu.memory_space<hbm>>
          %dma_wait3A_1161 = tpu.memref_slice %arg21[%and3A_1098] : memref<2x!tpu.dma_semaphore, #tpu.memory_space<semaphore_mem>> -> memref<1x!tpu.dma_semaphore, #tpu.memory_space<semaphore_mem>>
          %dma_wait3A_1162 = tpu.memref_squeeze %dma_wait3A_1161 : memref<1x!tpu.dma_semaphore, #tpu.memory_space<semaphore_mem>> -> memref<!tpu.dma_semaphore, #tpu.memory_space<semaphore_mem>>
          %dma_wait3A_1163 = tpu.memref_slice %arg10[%add3A_1156] : memref<160000xi32, #tpu.memory_space<hbm>> -> memref<128xi32, #tpu.memory_space<hbm>>
          %dma_wait3A_1164 = arith.constant 0 : i32
          %dma_wait3A_1165 = tpu.memref_slice %arg18[%add3A_1153, %dma_wait3A_1164] : memref<8x128xi32, #tpu.memory_space<vmem>> -> memref<1x128xi32, #tpu.memory_space<vmem>>
          %dma_wait3A_1166 = tpu.memref_squeeze %dma_wait3A_1165 : memref<1x128xi32, #tpu.memory_space<vmem>> -> memref<128xi32, #tpu.memory_space<vmem>>
          tpu.wait_dma2 semaphore(%dma_wait3A_1162 : memref<!tpu.dma_semaphore, #tpu.memory_space<semaphore_mem>>) src(%dma_wait3A_1166 : memref<128xi32, #tpu.memory_space<vmem>>) dst(%dma_wait3A_1163 : memref<128xi32, #tpu.memory_space<hbm>>)
        } else {
        }
        %and3A_130 = arith.constant 1 : i32
        %and3A_131 = arith.andi %sub3A_76, %and3A_130 : i32
        %add3A_132 = arith.constant 0 : i32
        %add3A_133 = vector.broadcast %add3A_132 : i32 to vector<16xi32>
        %add3A_134 = arith.addi %add3A_133, %iota3A : vector<16xi32>
        %mul3A_135 = arith.constant 512 : i32
        %mul3A_136 = arith.muli %and3A_131, %mul3A_135 : i32
        %mul3A_137 = arith.constant 4 : i32
        %mul3A_138 = vector.broadcast %mul3A_137 : i32 to vector<16xi32>
        %mul3A_139 = arith.muli %add3A_134, %mul3A_138 : vector<16xi32>
        %add3A_140 = vector.broadcast %mul3A_136 : i32 to vector<16xi32>
        %add3A_141 = arith.addi %add3A_140, %mul3A_139 : vector<16xi32>
        %add3A_142 = arith.constant 0 : i32
        %add3A_143 = vector.broadcast %add3A_142 : i32 to vector<16xi32>
        %add3A_144 = arith.addi %add3A_141, %add3A_143 : vector<16xi32>
        %gather3A = tpu.vector_load_idx %arg17[%add3A_144] : memref<1024xi32, #tpu.memory_space<vmem>>[vector<16xi32>], vector<16xi32>,
        %mul3A_145 = arith.constant 128 : i32
        %mul3A_146 = arith.muli %sub3A_76, %mul3A_145 : i32
        %add3A_147 = arith.addi %mul3A_2, %mul3A_146 : i32
        %add3A_148 = vector.broadcast %add3A_147 : i32 to vector<16xi32>
        %add3A_149 = arith.addi %add3A_148, %add3A_134 : vector<16xi32>
        %mul3A_150 = arith.constant 4 : i32
        %mul3A_151 = arith.muli %and3A_131, %mul3A_150 : i32
        %add3A_152 = arith.constant 0 : i32
        %add3A_153 = arith.addi %mul3A_151, %add3A_152 : i32
        %broadcast_in_dim3A = vector.broadcast %add3A_153 : i32 to vector<16xi32>
        %lt3A_154 = arith.constant 0 : i32
        %lt3A_155 = vector.broadcast %lt3A_154 : i32 to vector<16xi32>
        %lt3A_156 = arith.cmpi slt, %gather3A, %lt3A_155 : vector<16xi32>
        %select_n3A_157 = arith.select %lt3A_156, %add3A_149, %gather3A : vector<16xi1>, vector<16xi32>
        tpu.vector_store_idx %arg18[%broadcast_in_dim3A, %add3A_134], %select_n3A_157 : memref<8x128xi32, #tpu.memory_space<vmem>>[vector<16xi32>, vector<16xi32>], vector<16xi32>,
        %add3A_158 = arith.constant 16 : i32
        %add3A_159 = vector.broadcast %add3A_158 : i32 to vector<16xi32>
        %add3A_160 = arith.addi %add3A_159, %iota3A : vector<16xi32>
        %mul3A_161 = arith.constant 512 : i32
        %mul3A_162 = arith.muli %and3A_131, %mul3A_161 : i32
        %mul3A_163 = arith.constant 4 : i32
        %mul3A_164 = vector.broadcast %mul3A_163 : i32 to vector<16xi32>
        %mul3A_165 = arith.muli %add3A_160, %mul3A_164 : vector<16xi32>
        %add3A_166 = vector.broadcast %mul3A_162 : i32 to vector<16xi32>
        %add3A_167 = arith.addi %add3A_166, %mul3A_165 : vector<16xi32>
        %add3A_168 = arith.constant 0 : i32
        %add3A_169 = vector.broadcast %add3A_168 : i32 to vector<16xi32>
        %add3A_170 = arith.addi %add3A_167, %add3A_169 : vector<16xi32>
        %gather3A_171 = tpu.vector_load_idx %arg17[%add3A_170] : memref<1024xi32, #tpu.memory_space<vmem>>[vector<16xi32>], vector<16xi32>,
        %mul3A_172 = arith.constant 128 : i32
        %mul3A_173 = arith.muli %sub3A_76, %mul3A_172 : i32
        %add3A_174 = arith.addi %mul3A_2, %mul3A_173 : i32
        %add3A_175 = vector.broadcast %add3A_174 : i32 to vector<16xi32>
        %add3A_176 = arith.addi %add3A_175, %add3A_160 : vector<16xi32>
        %mul3A_177 = arith.constant 4 : i32
        %mul3A_178 = arith.muli %and3A_131, %mul3A_177 : i32
        %add3A_179 = arith.constant 0 : i32
        %add3A_180 = arith.addi %mul3A_178, %add3A_179 : i32
        %broadcast_in_dim3A_181 = vector.broadcast %add3A_180 : i32 to vector<16xi32>
        %lt3A_182 = arith.constant 0 : i32
        %lt3A_183 = vector.broadcast %lt3A_182 : i32 to vector<16xi32>
        %lt3A_184 = arith.cmpi slt, %gather3A_171, %lt3A_183 : vector<16xi32>
        %select_n3A_185 = arith.select %lt3A_184, %add3A_176, %gather3A_171 : vector<16xi1>, vector<16xi32>
        tpu.vector_store_idx %arg18[%broadcast_in_dim3A_181, %add3A_160], %select_n3A_185 : memref<8x128xi32, #tpu.memory_space<vmem>>[vector<16xi32>, vector<16xi32>], vector<16xi32>,
        %add3A_186 = arith.constant 32 : i32
        %add3A_187 = vector.broadcast %add3A_186 : i32 to vector<16xi32>
        %add3A_188 = arith.addi %add3A_187, %iota3A : vector<16xi32>
        %mul3A_189 = arith.constant 512 : i32
        %mul3A_190 = arith.muli %and3A_131, %mul3A_189 : i32
        %mul3A_191 = arith.constant 4 : i32
        %mul3A_192 = vector.broadcast %mul3A_191 : i32 to vector<16xi32>
        %mul3A_193 = arith.muli %add3A_188, %mul3A_192 : vector<16xi32>
        %add3A_194 = vector.broadcast %mul3A_190 : i32 to vector<16xi32>
        %add3A_195 = arith.addi %add3A_194, %mul3A_193 : vector<16xi32>
        %add3A_196 = arith.constant 0 : i32
        %add3A_197 = vector.broadcast %add3A_196 : i32 to vector<16xi32>
        %add3A_198 = arith.addi %add3A_195, %add3A_197 : vector<16xi32>
        %gather3A_199 = tpu.vector_load_idx %arg17[%add3A_198] : memref<1024xi32, #tpu.memory_space<vmem>>[vector<16xi32>], vector<16xi32>,
        %mul3A_200 = arith.constant 128 : i32
        %mul3A_201 = arith.muli %sub3A_76, %mul3A_200 : i32
        %add3A_202 = arith.addi %mul3A_2, %mul3A_201 : i32
        %add3A_203 = vector.broadcast %add3A_202 : i32 to vector<16xi32>
        %add3A_204 = arith.addi %add3A_203, %add3A_188 : vector<16xi32>
        %mul3A_205 = arith.constant 4 : i32
        %mul3A_206 = arith.muli %and3A_131, %mul3A_205 : i32
        %add3A_207 = arith.constant 0 : i32
        %add3A_208 = arith.addi %mul3A_206, %add3A_207 : i32
        %broadcast_in_dim3A_209 = vector.broadcast %add3A_208 : i32 to vector<16xi32>
        %lt3A_210 = arith.constant 0 : i32
        %lt3A_211 = vector.broadcast %lt3A_210 : i32 to vector<16xi32>
        %lt3A_212 = arith.cmpi slt, %gather3A_199, %lt3A_211 : vector<16xi32>
        %select_n3A_213 = arith.select %lt3A_212, %add3A_204, %gather3A_199 : vector<16xi1>, vector<16xi32>
        tpu.vector_store_idx %arg18[%broadcast_in_dim3A_209, %add3A_188], %select_n3A_213 : memref<8x128xi32, #tpu.memory_space<vmem>>[vector<16xi32>, vector<16xi32>], vector<16xi32>,
        %add3A_214 = arith.constant 48 : i32
        %add3A_215 = vector.broadcast %add3A_214 : i32 to vector<16xi32>
        %add3A_216 = arith.addi %add3A_215, %iota3A : vector<16xi32>
        %mul3A_217 = arith.constant 512 : i32
        %mul3A_218 = arith.muli %and3A_131, %mul3A_217 : i32
        %mul3A_219 = arith.constant 4 : i32
        %mul3A_220 = vector.broadcast %mul3A_219 : i32 to vector<16xi32>
        %mul3A_221 = arith.muli %add3A_216, %mul3A_220 : vector<16xi32>
        %add3A_222 = vector.broadcast %mul3A_218 : i32 to vector<16xi32>
        %add3A_223 = arith.addi %add3A_222, %mul3A_221 : vector<16xi32>
        %add3A_224 = arith.constant 0 : i32
        %add3A_225 = vector.broadcast %add3A_224 : i32 to vector<16xi32>
        %add3A_226 = arith.addi %add3A_223, %add3A_225 : vector<16xi32>
        %gather3A_227 = tpu.vector_load_idx %arg17[%add3A_226] : memref<1024xi32, #tpu.memory_space<vmem>>[vector<16xi32>], vector<16xi32>,
        %mul3A_228 = arith.constant 128 : i32
        %mul3A_229 = arith.muli %sub3A_76, %mul3A_228 : i32
        %add3A_230 = arith.addi %mul3A_2, %mul3A_229 : i32
        %add3A_231 = vector.broadcast %add3A_230 : i32 to vector<16xi32>
        %add3A_232 = arith.addi %add3A_231, %add3A_216 : vector<16xi32>
        %mul3A_233 = arith.constant 4 : i32
        %mul3A_234 = arith.muli %and3A_131, %mul3A_233 : i32
        %add3A_235 = arith.constant 0 : i32
        %add3A_236 = arith.addi %mul3A_234, %add3A_235 : i32
        %broadcast_in_dim3A_237 = vector.broadcast %add3A_236 : i32 to vector<16xi32>
        %lt3A_238 = arith.constant 0 : i32
        %lt3A_239 = vector.broadcast %lt3A_238 : i32 to vector<16xi32>
        %lt3A_240 = arith.cmpi slt, %gather3A_227, %lt3A_239 : vector<16xi32>
        %select_n3A_241 = arith.select %lt3A_240, %add3A_232, %gather3A_227 : vector<16xi1>, vector<16xi32>
        tpu.vector_store_idx %arg18[%broadcast_in_dim3A_237, %add3A_216], %select_n3A_241 : memref<8x128xi32, #tpu.memory_space<vmem>>[vector<16xi32>, vector<16xi32>], vector<16xi32>,
        %add3A_242 = arith.constant 64 : i32
        %add3A_243 = vector.broadcast %add3A_242 : i32 to vector<16xi32>
        %add3A_244 = arith.addi %add3A_243, %iota3A : vector<16xi32>
        %mul3A_245 = arith.constant 512 : i32
        %mul3A_246 = arith.muli %and3A_131, %mul3A_245 : i32
        %mul3A_247 = arith.constant 4 : i32
        %mul3A_248 = vector.broadcast %mul3A_247 : i32 to vector<16xi32>
        %mul3A_249 = arith.muli %add3A_244, %mul3A_248 : vector<16xi32>
        %add3A_250 = vector.broadcast %mul3A_246 : i32 to vector<16xi32>
        %add3A_251 = arith.addi %add3A_250, %mul3A_249 : vector<16xi32>
        %add3A_252 = arith.constant 0 : i32
        %add3A_253 = vector.broadcast %add3A_252 : i32 to vector<16xi32>
        %add3A_254 = arith.addi %add3A_251, %add3A_253 : vector<16xi32>
        %gather3A_255 = tpu.vector_load_idx %arg17[%add3A_254] : memref<1024xi32, #tpu.memory_space<vmem>>[vector<16xi32>], vector<16xi32>,
        %mul3A_256 = arith.constant 128 : i32
        %mul3A_257 = arith.muli %sub3A_76, %mul3A_256 : i32
        %add3A_258 = arith.addi %mul3A_2, %mul3A_257 : i32
        %add3A_259 = vector.broadcast %add3A_258 : i32 to vector<16xi32>
        %add3A_260 = arith.addi %add3A_259, %add3A_244 : vector<16xi32>
        %mul3A_261 = arith.constant 4 : i32
        %mul3A_262 = arith.muli %and3A_131, %mul3A_261 : i32
        %add3A_263 = arith.constant 0 : i32
        %add3A_264 = arith.addi %mul3A_262, %add3A_263 : i32
        %broadcast_in_dim3A_265 = vector.broadcast %add3A_264 : i32 to vector<16xi32>
        %lt3A_266 = arith.constant 0 : i32
        %lt3A_267 = vector.broadcast %lt3A_266 : i32 to vector<16xi32>
        %lt3A_268 = arith.cmpi slt, %gather3A_255, %lt3A_267 : vector<16xi32>
        %select_n3A_269 = arith.select %lt3A_268, %add3A_260, %gather3A_255 : vector<16xi1>, vector<16xi32>
        tpu.vector_store_idx %arg18[%broadcast_in_dim3A_265, %add3A_244], %select_n3A_269 : memref<8x128xi32, #tpu.memory_space<vmem>>[vector<16xi32>, vector<16xi32>], vector<16xi32>,
        %add3A_270 = arith.constant 80 : i32
        %add3A_271 = vector.broadcast %add3A_270 : i32 to vector<16xi32>
        %add3A_272 = arith.addi %add3A_271, %iota3A : vector<16xi32>
        %mul3A_273 = arith.constant 512 : i32
        %mul3A_274 = arith.muli %and3A_131, %mul3A_273 : i32
        %mul3A_275 = arith.constant 4 : i32
        %mul3A_276 = vector.broadcast %mul3A_275 : i32 to vector<16xi32>
        %mul3A_277 = arith.muli %add3A_272, %mul3A_276 : vector<16xi32>
        %add3A_278 = vector.broadcast %mul3A_274 : i32 to vector<16xi32>
        %add3A_279 = arith.addi %add3A_278, %mul3A_277 : vector<16xi32>
        %add3A_280 = arith.constant 0 : i32
        %add3A_281 = vector.broadcast %add3A_280 : i32 to vector<16xi32>
        %add3A_282 = arith.addi %add3A_279, %add3A_281 : vector<16xi32>
        %gather3A_283 = tpu.vector_load_idx %arg17[%add3A_282] : memref<1024xi32, #tpu.memory_space<vmem>>[vector<16xi32>], vector<16xi32>,
        %mul3A_284 = arith.constant 128 : i32
        %mul3A_285 = arith.muli %sub3A_76, %mul3A_284 : i32
        %add3A_286 = arith.addi %mul3A_2, %mul3A_285 : i32
        %add3A_287 = vector.broadcast %add3A_286 : i32 to vector<16xi32>
        %add3A_288 = arith.addi %add3A_287, %add3A_272 : vector<16xi32>
        %mul3A_289 = arith.constant 4 : i32
        %mul3A_290 = arith.muli %and3A_131, %mul3A_289 : i32
        %add3A_291 = arith.constant 0 : i32
        %add3A_292 = arith.addi %mul3A_290, %add3A_291 : i32
        %broadcast_in_dim3A_293 = vector.broadcast %add3A_292 : i32 to vector<16xi32>
        %lt3A_294 = arith.constant 0 : i32
        %lt3A_295 = vector.broadcast %lt3A_294 : i32 to vector<16xi32>
        %lt3A_296 = arith.cmpi slt, %gather3A_283, %lt3A_295 : vector<16xi32>
        %select_n3A_297 = arith.select %lt3A_296, %add3A_288, %gather3A_283 : vector<16xi1>, vector<16xi32>
        tpu.vector_store_idx %arg18[%broadcast_in_dim3A_293, %add3A_272], %select_n3A_297 : memref<8x128xi32, #tpu.memory_space<vmem>>[vector<16xi32>, vector<16xi32>], vector<16xi32>,
        %add3A_298 = arith.constant 96 : i32
        %add3A_299 = vector.broadcast %add3A_298 : i32 to vector<16xi32>
        %add3A_300 = arith.addi %add3A_299, %iota3A : vector<16xi32>
        %mul3A_301 = arith.constant 512 : i32
        %mul3A_302 = arith.muli %and3A_131, %mul3A_301 : i32
        %mul3A_303 = arith.constant 4 : i32
        %mul3A_304 = vector.broadcast %mul3A_303 : i32 to vector<16xi32>
        %mul3A_305 = arith.muli %add3A_300, %mul3A_304 : vector<16xi32>
        %add3A_306 = vector.broadcast %mul3A_302 : i32 to vector<16xi32>
        %add3A_307 = arith.addi %add3A_306, %mul3A_305 : vector<16xi32>
        %add3A_308 = arith.constant 0 : i32
        %add3A_309 = vector.broadcast %add3A_308 : i32 to vector<16xi32>
        %add3A_310 = arith.addi %add3A_307, %add3A_309 : vector<16xi32>
        %gather3A_311 = tpu.vector_load_idx %arg17[%add3A_310] : memref<1024xi32, #tpu.memory_space<vmem>>[vector<16xi32>], vector<16xi32>,
        %mul3A_312 = arith.constant 128 : i32
        %mul3A_313 = arith.muli %sub3A_76, %mul3A_312 : i32
        %add3A_314 = arith.addi %mul3A_2, %mul3A_313 : i32
        %add3A_315 = vector.broadcast %add3A_314 : i32 to vector<16xi32>
        %add3A_316 = arith.addi %add3A_315, %add3A_300 : vector<16xi32>
        %mul3A_317 = arith.constant 4 : i32
        %mul3A_318 = arith.muli %and3A_131, %mul3A_317 : i32
        %add3A_319 = arith.constant 0 : i32
        %add3A_320 = arith.addi %mul3A_318, %add3A_319 : i32
        %broadcast_in_dim3A_321 = vector.broadcast %add3A_320 : i32 to vector<16xi32>
        %lt3A_322 = arith.constant 0 : i32
        %lt3A_323 = vector.broadcast %lt3A_322 : i32 to vector<16xi32>
        %lt3A_324 = arith.cmpi slt, %gather3A_311, %lt3A_323 : vector<16xi32>
        %select_n3A_325 = arith.select %lt3A_324, %add3A_316, %gather3A_311 : vector<16xi1>, vector<16xi32>
        tpu.vector_store_idx %arg18[%broadcast_in_dim3A_321, %add3A_300], %select_n3A_325 : memref<8x128xi32, #tpu.memory_space<vmem>>[vector<16xi32>, vector<16xi32>], vector<16xi32>,
        %add3A_326 = arith.constant 112 : i32
        %add3A_327 = vector.broadcast %add3A_326 : i32 to vector<16xi32>
        %add3A_328 = arith.addi %add3A_327, %iota3A : vector<16xi32>
        %mul3A_329 = arith.constant 512 : i32
        %mul3A_330 = arith.muli %and3A_131, %mul3A_329 : i32
        %mul3A_331 = arith.constant 4 : i32
        %mul3A_332 = vector.broadcast %mul3A_331 : i32 to vector<16xi32>
        %mul3A_333 = arith.muli %add3A_328, %mul3A_332 : vector<16xi32>
        %add3A_334 = vector.broadcast %mul3A_330 : i32 to vector<16xi32>
        %add3A_335 = arith.addi %add3A_334, %mul3A_333 : vector<16xi32>
        %add3A_336 = arith.constant 0 : i32
        %add3A_337 = vector.broadcast %add3A_336 : i32 to vector<16xi32>
        %add3A_338 = arith.addi %add3A_335, %add3A_337 : vector<16xi32>
        %gather3A_339 = tpu.vector_load_idx %arg17[%add3A_338] : memref<1024xi32, #tpu.memory_space<vmem>>[vector<16xi32>], vector<16xi32>,
        %mul3A_340 = arith.constant 128 : i32
        %mul3A_341 = arith.muli %sub3A_76, %mul3A_340 : i32
        %add3A_342 = arith.addi %mul3A_2, %mul3A_341 : i32
        %add3A_343 = vector.broadcast %add3A_342 : i32 to vector<16xi32>
        %add3A_344 = arith.addi %add3A_343, %add3A_328 : vector<16xi32>
        %mul3A_345 = arith.constant 4 : i32
        %mul3A_346 = arith.muli %and3A_131, %mul3A_345 : i32
        %add3A_347 = arith.constant 0 : i32
        %add3A_348 = arith.addi %mul3A_346, %add3A_347 : i32
        %broadcast_in_dim3A_349 = vector.broadcast %add3A_348 : i32 to vector<16xi32>
        %lt3A_350 = arith.constant 0 : i32
        %lt3A_351 = vector.broadcast %lt3A_350 : i32 to vector<16xi32>
        %lt3A_352 = arith.cmpi slt, %gather3A_339, %lt3A_351 : vector<16xi32>
        %select_n3A_353 = arith.select %lt3A_352, %add3A_344, %gather3A_339 : vector<16xi1>, vector<16xi32>
        tpu.vector_store_idx %arg18[%broadcast_in_dim3A_349, %add3A_328], %select_n3A_353 : memref<8x128xi32, #tpu.memory_space<vmem>>[vector<16xi32>, vector<16xi32>], vector<16xi32>,
        %add3A_354 = arith.constant 0 : i32
        %add3A_355 = vector.broadcast %add3A_354 : i32 to vector<16xi32>
        %add3A_356 = arith.addi %add3A_355, %iota3A : vector<16xi32>
        %mul3A_357 = arith.constant 512 : i32
        %mul3A_358 = arith.muli %and3A_131, %mul3A_357 : i32
        %mul3A_359 = arith.constant 4 : i32
        %mul3A_360 = vector.broadcast %mul3A_359 : i32 to vector<16xi32>
        %mul3A_361 = arith.muli %add3A_356, %mul3A_360 : vector<16xi32>
        %add3A_362 = vector.broadcast %mul3A_358 : i32 to vector<16xi32>
        %add3A_363 = arith.addi %add3A_362, %mul3A_361 : vector<16xi32>
        %add3A_364 = arith.constant 1 : i32
        %add3A_365 = vector.broadcast %add3A_364 : i32 to vector<16xi32>
        %add3A_366 = arith.addi %add3A_363, %add3A_365 : vector<16xi32>
        %gather3A_367 = tpu.vector_load_idx %arg17[%add3A_366] : memref<1024xi32, #tpu.memory_space<vmem>>[vector<16xi32>], vector<16xi32>,
        %mul3A_368 = arith.constant 128 : i32
        %mul3A_369 = arith.muli %sub3A_76, %mul3A_368 : i32
        %add3A_370 = arith.addi %mul3A_2, %mul3A_369 : i32
        %add3A_371 = vector.broadcast %add3A_370 : i32 to vector<16xi32>
        %add3A_372 = arith.addi %add3A_371, %add3A_356 : vector<16xi32>
        %mul3A_373 = arith.constant 4 : i32
        %mul3A_374 = arith.muli %and3A_131, %mul3A_373 : i32
        %add3A_375 = arith.constant 1 : i32
        %add3A_376 = arith.addi %mul3A_374, %add3A_375 : i32
        %broadcast_in_dim3A_377 = vector.broadcast %add3A_376 : i32 to vector<16xi32>
        %lt3A_378 = arith.constant 0 : i32
        %lt3A_379 = vector.broadcast %lt3A_378 : i32 to vector<16xi32>
        %lt3A_380 = arith.cmpi slt, %gather3A_367, %lt3A_379 : vector<16xi32>
        %select_n3A_381 = arith.select %lt3A_380, %add3A_372, %gather3A_367 : vector<16xi1>, vector<16xi32>
        tpu.vector_store_idx %arg18[%broadcast_in_dim3A_377, %add3A_356], %select_n3A_381 : memref<8x128xi32, #tpu.memory_space<vmem>>[vector<16xi32>, vector<16xi32>], vector<16xi32>,
        %add3A_382 = arith.constant 16 : i32
        %add3A_383 = vector.broadcast %add3A_382 : i32 to vector<16xi32>
        %add3A_384 = arith.addi %add3A_383, %iota3A : vector<16xi32>
        %mul3A_385 = arith.constant 512 : i32
        %mul3A_386 = arith.muli %and3A_131, %mul3A_385 : i32
        %mul3A_387 = arith.constant 4 : i32
        %mul3A_388 = vector.broadcast %mul3A_387 : i32 to vector<16xi32>
        %mul3A_389 = arith.muli %add3A_384, %mul3A_388 : vector<16xi32>
        %add3A_390 = vector.broadcast %mul3A_386 : i32 to vector<16xi32>
        %add3A_391 = arith.addi %add3A_390, %mul3A_389 : vector<16xi32>
        %add3A_392 = arith.constant 1 : i32
        %add3A_393 = vector.broadcast %add3A_392 : i32 to vector<16xi32>
        %add3A_394 = arith.addi %add3A_391, %add3A_393 : vector<16xi32>
        %gather3A_395 = tpu.vector_load_idx %arg17[%add3A_394] : memref<1024xi32, #tpu.memory_space<vmem>>[vector<16xi32>], vector<16xi32>,
        %mul3A_396 = arith.constant 128 : i32
        %mul3A_397 = arith.muli %sub3A_76, %mul3A_396 : i32
        %add3A_398 = arith.addi %mul3A_2, %mul3A_397 : i32
        %add3A_399 = vector.broadcast %add3A_398 : i32 to vector<16xi32>
        %add3A_400 = arith.addi %add3A_399, %add3A_384 : vector<16xi32>
        %mul3A_401 = arith.constant 4 : i32
        %mul3A_402 = arith.muli %and3A_131, %mul3A_401 : i32
        %add3A_403 = arith.constant 1 : i32
        %add3A_404 = arith.addi %mul3A_402, %add3A_403 : i32
        %broadcast_in_dim3A_405 = vector.broadcast %add3A_404 : i32 to vector<16xi32>
        %lt3A_406 = arith.constant 0 : i32
        %lt3A_407 = vector.broadcast %lt3A_406 : i32 to vector<16xi32>
        %lt3A_408 = arith.cmpi slt, %gather3A_395, %lt3A_407 : vector<16xi32>
        %select_n3A_409 = arith.select %lt3A_408, %add3A_400, %gather3A_395 : vector<16xi1>, vector<16xi32>
        tpu.vector_store_idx %arg18[%broadcast_in_dim3A_405, %add3A_384], %select_n3A_409 : memref<8x128xi32, #tpu.memory_space<vmem>>[vector<16xi32>, vector<16xi32>], vector<16xi32>,
        %add3A_410 = arith.constant 32 : i32
        %add3A_411 = vector.broadcast %add3A_410 : i32 to vector<16xi32>
        %add3A_412 = arith.addi %add3A_411, %iota3A : vector<16xi32>
        %mul3A_413 = arith.constant 512 : i32
        %mul3A_414 = arith.muli %and3A_131, %mul3A_413 : i32
        %mul3A_415 = arith.constant 4 : i32
        %mul3A_416 = vector.broadcast %mul3A_415 : i32 to vector<16xi32>
        %mul3A_417 = arith.muli %add3A_412, %mul3A_416 : vector<16xi32>
        %add3A_418 = vector.broadcast %mul3A_414 : i32 to vector<16xi32>
        %add3A_419 = arith.addi %add3A_418, %mul3A_417 : vector<16xi32>
        %add3A_420 = arith.constant 1 : i32
        %add3A_421 = vector.broadcast %add3A_420 : i32 to vector<16xi32>
        %add3A_422 = arith.addi %add3A_419, %add3A_421 : vector<16xi32>
        %gather3A_423 = tpu.vector_load_idx %arg17[%add3A_422] : memref<1024xi32, #tpu.memory_space<vmem>>[vector<16xi32>], vector<16xi32>,
        %mul3A_424 = arith.constant 128 : i32
        %mul3A_425 = arith.muli %sub3A_76, %mul3A_424 : i32
        %add3A_426 = arith.addi %mul3A_2, %mul3A_425 : i32
        %add3A_427 = vector.broadcast %add3A_426 : i32 to vector<16xi32>
        %add3A_428 = arith.addi %add3A_427, %add3A_412 : vector<16xi32>
        %mul3A_429 = arith.constant 4 : i32
        %mul3A_430 = arith.muli %and3A_131, %mul3A_429 : i32
        %add3A_431 = arith.constant 1 : i32
        %add3A_432 = arith.addi %mul3A_430, %add3A_431 : i32
        %broadcast_in_dim3A_433 = vector.broadcast %add3A_432 : i32 to vector<16xi32>
        %lt3A_434 = arith.constant 0 : i32
        %lt3A_435 = vector.broadcast %lt3A_434 : i32 to vector<16xi32>
        %lt3A_436 = arith.cmpi slt, %gather3A_423, %lt3A_435 : vector<16xi32>
        %select_n3A_437 = arith.select %lt3A_436, %add3A_428, %gather3A_423 : vector<16xi1>, vector<16xi32>
        tpu.vector_store_idx %arg18[%broadcast_in_dim3A_433, %add3A_412], %select_n3A_437 : memref<8x128xi32, #tpu.memory_space<vmem>>[vector<16xi32>, vector<16xi32>], vector<16xi32>,
        %add3A_438 = arith.constant 48 : i32
        %add3A_439 = vector.broadcast %add3A_438 : i32 to vector<16xi32>
        %add3A_440 = arith.addi %add3A_439, %iota3A : vector<16xi32>
        %mul3A_441 = arith.constant 512 : i32
        %mul3A_442 = arith.muli %and3A_131, %mul3A_441 : i32
        %mul3A_443 = arith.constant 4 : i32
        %mul3A_444 = vector.broadcast %mul3A_443 : i32 to vector<16xi32>
        %mul3A_445 = arith.muli %add3A_440, %mul3A_444 : vector<16xi32>
        %add3A_446 = vector.broadcast %mul3A_442 : i32 to vector<16xi32>
        %add3A_447 = arith.addi %add3A_446, %mul3A_445 : vector<16xi32>
        %add3A_448 = arith.constant 1 : i32
        %add3A_449 = vector.broadcast %add3A_448 : i32 to vector<16xi32>
        %add3A_450 = arith.addi %add3A_447, %add3A_449 : vector<16xi32>
        %gather3A_451 = tpu.vector_load_idx %arg17[%add3A_450] : memref<1024xi32, #tpu.memory_space<vmem>>[vector<16xi32>], vector<16xi32>,
        %mul3A_452 = arith.constant 128 : i32
        %mul3A_453 = arith.muli %sub3A_76, %mul3A_452 : i32
        %add3A_454 = arith.addi %mul3A_2, %mul3A_453 : i32
        %add3A_455 = vector.broadcast %add3A_454 : i32 to vector<16xi32>
        %add3A_456 = arith.addi %add3A_455, %add3A_440 : vector<16xi32>
        %mul3A_457 = arith.constant 4 : i32
        %mul3A_458 = arith.muli %and3A_131, %mul3A_457 : i32
        %add3A_459 = arith.constant 1 : i32
        %add3A_460 = arith.addi %mul3A_458, %add3A_459 : i32
        %broadcast_in_dim3A_461 = vector.broadcast %add3A_460 : i32 to vector<16xi32>
        %lt3A_462 = arith.constant 0 : i32
        %lt3A_463 = vector.broadcast %lt3A_462 : i32 to vector<16xi32>
        %lt3A_464 = arith.cmpi slt, %gather3A_451, %lt3A_463 : vector<16xi32>
        %select_n3A_465 = arith.select %lt3A_464, %add3A_456, %gather3A_451 : vector<16xi1>, vector<16xi32>
        tpu.vector_store_idx %arg18[%broadcast_in_dim3A_461, %add3A_440], %select_n3A_465 : memref<8x128xi32, #tpu.memory_space<vmem>>[vector<16xi32>, vector<16xi32>], vector<16xi32>,
        %add3A_466 = arith.constant 64 : i32
        %add3A_467 = vector.broadcast %add3A_466 : i32 to vector<16xi32>
        %add3A_468 = arith.addi %add3A_467, %iota3A : vector<16xi32>
        %mul3A_469 = arith.constant 512 : i32
        %mul3A_470 = arith.muli %and3A_131, %mul3A_469 : i32
        %mul3A_471 = arith.constant 4 : i32
        %mul3A_472 = vector.broadcast %mul3A_471 : i32 to vector<16xi32>
        %mul3A_473 = arith.muli %add3A_468, %mul3A_472 : vector<16xi32>
        %add3A_474 = vector.broadcast %mul3A_470 : i32 to vector<16xi32>
        %add3A_475 = arith.addi %add3A_474, %mul3A_473 : vector<16xi32>
        %add3A_476 = arith.constant 1 : i32
        %add3A_477 = vector.broadcast %add3A_476 : i32 to vector<16xi32>
        %add3A_478 = arith.addi %add3A_475, %add3A_477 : vector<16xi32>
        %gather3A_479 = tpu.vector_load_idx %arg17[%add3A_478] : memref<1024xi32, #tpu.memory_space<vmem>>[vector<16xi32>], vector<16xi32>,
        %mul3A_480 = arith.constant 128 : i32
        %mul3A_481 = arith.muli %sub3A_76, %mul3A_480 : i32
        %add3A_482 = arith.addi %mul3A_2, %mul3A_481 : i32
        %add3A_483 = vector.broadcast %add3A_482 : i32 to vector<16xi32>
        %add3A_484 = arith.addi %add3A_483, %add3A_468 : vector<16xi32>
        %mul3A_485 = arith.constant 4 : i32
        %mul3A_486 = arith.muli %and3A_131, %mul3A_485 : i32
        %add3A_487 = arith.constant 1 : i32
        %add3A_488 = arith.addi %mul3A_486, %add3A_487 : i32
        %broadcast_in_dim3A_489 = vector.broadcast %add3A_488 : i32 to vector<16xi32>
        %lt3A_490 = arith.constant 0 : i32
        %lt3A_491 = vector.broadcast %lt3A_490 : i32 to vector<16xi32>
        %lt3A_492 = arith.cmpi slt, %gather3A_479, %lt3A_491 : vector<16xi32>
        %select_n3A_493 = arith.select %lt3A_492, %add3A_484, %gather3A_479 : vector<16xi1>, vector<16xi32>
        tpu.vector_store_idx %arg18[%broadcast_in_dim3A_489, %add3A_468], %select_n3A_493 : memref<8x128xi32, #tpu.memory_space<vmem>>[vector<16xi32>, vector<16xi32>], vector<16xi32>,
        %add3A_494 = arith.constant 80 : i32
        %add3A_495 = vector.broadcast %add3A_494 : i32 to vector<16xi32>
        %add3A_496 = arith.addi %add3A_495, %iota3A : vector<16xi32>
        %mul3A_497 = arith.constant 512 : i32
        %mul3A_498 = arith.muli %and3A_131, %mul3A_497 : i32
        %mul3A_499 = arith.constant 4 : i32
        %mul3A_500 = vector.broadcast %mul3A_499 : i32 to vector<16xi32>
        %mul3A_501 = arith.muli %add3A_496, %mul3A_500 : vector<16xi32>
        %add3A_502 = vector.broadcast %mul3A_498 : i32 to vector<16xi32>
        %add3A_503 = arith.addi %add3A_502, %mul3A_501 : vector<16xi32>
        %add3A_504 = arith.constant 1 : i32
        %add3A_505 = vector.broadcast %add3A_504 : i32 to vector<16xi32>
        %add3A_506 = arith.addi %add3A_503, %add3A_505 : vector<16xi32>
        %gather3A_507 = tpu.vector_load_idx %arg17[%add3A_506] : memref<1024xi32, #tpu.memory_space<vmem>>[vector<16xi32>], vector<16xi32>,
        %mul3A_508 = arith.constant 128 : i32
        %mul3A_509 = arith.muli %sub3A_76, %mul3A_508 : i32
        %add3A_510 = arith.addi %mul3A_2, %mul3A_509 : i32
        %add3A_511 = vector.broadcast %add3A_510 : i32 to vector<16xi32>
        %add3A_512 = arith.addi %add3A_511, %add3A_496 : vector<16xi32>
        %mul3A_513 = arith.constant 4 : i32
        %mul3A_514 = arith.muli %and3A_131, %mul3A_513 : i32
        %add3A_515 = arith.constant 1 : i32
        %add3A_516 = arith.addi %mul3A_514, %add3A_515 : i32
        %broadcast_in_dim3A_517 = vector.broadcast %add3A_516 : i32 to vector<16xi32>
        %lt3A_518 = arith.constant 0 : i32
        %lt3A_519 = vector.broadcast %lt3A_518 : i32 to vector<16xi32>
        %lt3A_520 = arith.cmpi slt, %gather3A_507, %lt3A_519 : vector<16xi32>
        %select_n3A_521 = arith.select %lt3A_520, %add3A_512, %gather3A_507 : vector<16xi1>, vector<16xi32>
        tpu.vector_store_idx %arg18[%broadcast_in_dim3A_517, %add3A_496], %select_n3A_521 : memref<8x128xi32, #tpu.memory_space<vmem>>[vector<16xi32>, vector<16xi32>], vector<16xi32>,
        %add3A_522 = arith.constant 96 : i32
        %add3A_523 = vector.broadcast %add3A_522 : i32 to vector<16xi32>
        %add3A_524 = arith.addi %add3A_523, %iota3A : vector<16xi32>
        %mul3A_525 = arith.constant 512 : i32
        %mul3A_526 = arith.muli %and3A_131, %mul3A_525 : i32
        %mul3A_527 = arith.constant 4 : i32
        %mul3A_528 = vector.broadcast %mul3A_527 : i32 to vector<16xi32>
        %mul3A_529 = arith.muli %add3A_524, %mul3A_528 : vector<16xi32>
        %add3A_530 = vector.broadcast %mul3A_526 : i32 to vector<16xi32>
        %add3A_531 = arith.addi %add3A_530, %mul3A_529 : vector<16xi32>
        %add3A_532 = arith.constant 1 : i32
        %add3A_533 = vector.broadcast %add3A_532 : i32 to vector<16xi32>
        %add3A_534 = arith.addi %add3A_531, %add3A_533 : vector<16xi32>
        %gather3A_535 = tpu.vector_load_idx %arg17[%add3A_534] : memref<1024xi32, #tpu.memory_space<vmem>>[vector<16xi32>], vector<16xi32>,
        %mul3A_536 = arith.constant 128 : i32
        %mul3A_537 = arith.muli %sub3A_76, %mul3A_536 : i32
        %add3A_538 = arith.addi %mul3A_2, %mul3A_537 : i32
        %add3A_539 = vector.broadcast %add3A_538 : i32 to vector<16xi32>
        %add3A_540 = arith.addi %add3A_539, %add3A_524 : vector<16xi32>
        %mul3A_541 = arith.constant 4 : i32
        %mul3A_542 = arith.muli %and3A_131, %mul3A_541 : i32
        %add3A_543 = arith.constant 1 : i32
        %add3A_544 = arith.addi %mul3A_542, %add3A_543 : i32
        %broadcast_in_dim3A_545 = vector.broadcast %add3A_544 : i32 to vector<16xi32>
        %lt3A_546 = arith.constant 0 : i32
        %lt3A_547 = vector.broadcast %lt3A_546 : i32 to vector<16xi32>
        %lt3A_548 = arith.cmpi slt, %gather3A_535, %lt3A_547 : vector<16xi32>
        %select_n3A_549 = arith.select %lt3A_548, %add3A_540, %gather3A_535 : vector<16xi1>, vector<16xi32>
        tpu.vector_store_idx %arg18[%broadcast_in_dim3A_545, %add3A_524], %select_n3A_549 : memref<8x128xi32, #tpu.memory_space<vmem>>[vector<16xi32>, vector<16xi32>], vector<16xi32>,
        %add3A_550 = arith.constant 112 : i32
        %add3A_551 = vector.broadcast %add3A_550 : i32 to vector<16xi32>
        %add3A_552 = arith.addi %add3A_551, %iota3A : vector<16xi32>
        %mul3A_553 = arith.constant 512 : i32
        %mul3A_554 = arith.muli %and3A_131, %mul3A_553 : i32
        %mul3A_555 = arith.constant 4 : i32
        %mul3A_556 = vector.broadcast %mul3A_555 : i32 to vector<16xi32>
        %mul3A_557 = arith.muli %add3A_552, %mul3A_556 : vector<16xi32>
        %add3A_558 = vector.broadcast %mul3A_554 : i32 to vector<16xi32>
        %add3A_559 = arith.addi %add3A_558, %mul3A_557 : vector<16xi32>
        %add3A_560 = arith.constant 1 : i32
        %add3A_561 = vector.broadcast %add3A_560 : i32 to vector<16xi32>
        %add3A_562 = arith.addi %add3A_559, %add3A_561 : vector<16xi32>
        %gather3A_563 = tpu.vector_load_idx %arg17[%add3A_562] : memref<1024xi32, #tpu.memory_space<vmem>>[vector<16xi32>], vector<16xi32>,
        %mul3A_564 = arith.constant 128 : i32
        %mul3A_565 = arith.muli %sub3A_76, %mul3A_564 : i32
        %add3A_566 = arith.addi %mul3A_2, %mul3A_565 : i32
        %add3A_567 = vector.broadcast %add3A_566 : i32 to vector<16xi32>
        %add3A_568 = arith.addi %add3A_567, %add3A_552 : vector<16xi32>
        %mul3A_569 = arith.constant 4 : i32
        %mul3A_570 = arith.muli %and3A_131, %mul3A_569 : i32
        %add3A_571 = arith.constant 1 : i32
        %add3A_572 = arith.addi %mul3A_570, %add3A_571 : i32
        %broadcast_in_dim3A_573 = vector.broadcast %add3A_572 : i32 to vector<16xi32>
        %lt3A_574 = arith.constant 0 : i32
        %lt3A_575 = vector.broadcast %lt3A_574 : i32 to vector<16xi32>
        %lt3A_576 = arith.cmpi slt, %gather3A_563, %lt3A_575 : vector<16xi32>
        %select_n3A_577 = arith.select %lt3A_576, %add3A_568, %gather3A_563 : vector<16xi1>, vector<16xi32>
        tpu.vector_store_idx %arg18[%broadcast_in_dim3A_573, %add3A_552], %select_n3A_577 : memref<8x128xi32, #tpu.memory_space<vmem>>[vector<16xi32>, vector<16xi32>], vector<16xi32>,
        %add3A_578 = arith.constant 0 : i32
        %add3A_579 = vector.broadcast %add3A_578 : i32 to vector<16xi32>
        %add3A_580 = arith.addi %add3A_579, %iota3A : vector<16xi32>
        %mul3A_581 = arith.constant 512 : i32
        %mul3A_582 = arith.muli %and3A_131, %mul3A_581 : i32
        %mul3A_583 = arith.constant 4 : i32
        %mul3A_584 = vector.broadcast %mul3A_583 : i32 to vector<16xi32>
        %mul3A_585 = arith.muli %add3A_580, %mul3A_584 : vector<16xi32>
        %add3A_586 = vector.broadcast %mul3A_582 : i32 to vector<16xi32>
        %add3A_587 = arith.addi %add3A_586, %mul3A_585 : vector<16xi32>
        %add3A_588 = arith.constant 2 : i32
        %add3A_589 = vector.broadcast %add3A_588 : i32 to vector<16xi32>
        %add3A_590 = arith.addi %add3A_587, %add3A_589 : vector<16xi32>
        %gather3A_591 = tpu.vector_load_idx %arg17[%add3A_590] : memref<1024xi32, #tpu.memory_space<vmem>>[vector<16xi32>], vector<16xi32>,
        %mul3A_592 = arith.constant 128 : i32
        %mul3A_593 = arith.muli %sub3A_76, %mul3A_592 : i32
        %add3A_594 = arith.addi %mul3A_2, %mul3A_593 : i32
        %add3A_595 = vector.broadcast %add3A_594 : i32 to vector<16xi32>
        %add3A_596 = arith.addi %add3A_595, %add3A_580 : vector<16xi32>
        %mul3A_597 = arith.constant 4 : i32
        %mul3A_598 = arith.muli %and3A_131, %mul3A_597 : i32
        %add3A_599 = arith.constant 2 : i32
        %add3A_600 = arith.addi %mul3A_598, %add3A_599 : i32
        %broadcast_in_dim3A_601 = vector.broadcast %add3A_600 : i32 to vector<16xi32>
        %lt3A_602 = arith.constant 0 : i32
        %lt3A_603 = vector.broadcast %lt3A_602 : i32 to vector<16xi32>
        %lt3A_604 = arith.cmpi slt, %gather3A_591, %lt3A_603 : vector<16xi32>
        %select_n3A_605 = arith.select %lt3A_604, %add3A_596, %gather3A_591 : vector<16xi1>, vector<16xi32>
        tpu.vector_store_idx %arg18[%broadcast_in_dim3A_601, %add3A_580], %select_n3A_605 : memref<8x128xi32, #tpu.memory_space<vmem>>[vector<16xi32>, vector<16xi32>], vector<16xi32>,
        %add3A_606 = arith.constant 16 : i32
        %add3A_607 = vector.broadcast %add3A_606 : i32 to vector<16xi32>
        %add3A_608 = arith.addi %add3A_607, %iota3A : vector<16xi32>
        %mul3A_609 = arith.constant 512 : i32
        %mul3A_610 = arith.muli %and3A_131, %mul3A_609 : i32
        %mul3A_611 = arith.constant 4 : i32
        %mul3A_612 = vector.broadcast %mul3A_611 : i32 to vector<16xi32>
        %mul3A_613 = arith.muli %add3A_608, %mul3A_612 : vector<16xi32>
        %add3A_614 = vector.broadcast %mul3A_610 : i32 to vector<16xi32>
        %add3A_615 = arith.addi %add3A_614, %mul3A_613 : vector<16xi32>
        %add3A_616 = arith.constant 2 : i32
        %add3A_617 = vector.broadcast %add3A_616 : i32 to vector<16xi32>
        %add3A_618 = arith.addi %add3A_615, %add3A_617 : vector<16xi32>
        %gather3A_619 = tpu.vector_load_idx %arg17[%add3A_618] : memref<1024xi32, #tpu.memory_space<vmem>>[vector<16xi32>], vector<16xi32>,
        %mul3A_620 = arith.constant 128 : i32
        %mul3A_621 = arith.muli %sub3A_76, %mul3A_620 : i32
        %add3A_622 = arith.addi %mul3A_2, %mul3A_621 : i32
        %add3A_623 = vector.broadcast %add3A_622 : i32 to vector<16xi32>
        %add3A_624 = arith.addi %add3A_623, %add3A_608 : vector<16xi32>
        %mul3A_625 = arith.constant 4 : i32
        %mul3A_626 = arith.muli %and3A_131, %mul3A_625 : i32
        %add3A_627 = arith.constant 2 : i32
        %add3A_628 = arith.addi %mul3A_626, %add3A_627 : i32
        %broadcast_in_dim3A_629 = vector.broadcast %add3A_628 : i32 to vector<16xi32>
        %lt3A_630 = arith.constant 0 : i32
        %lt3A_631 = vector.broadcast %lt3A_630 : i32 to vector<16xi32>
        %lt3A_632 = arith.cmpi slt, %gather3A_619, %lt3A_631 : vector<16xi32>
        %select_n3A_633 = arith.select %lt3A_632, %add3A_624, %gather3A_619 : vector<16xi1>, vector<16xi32>
        tpu.vector_store_idx %arg18[%broadcast_in_dim3A_629, %add3A_608], %select_n3A_633 : memref<8x128xi32, #tpu.memory_space<vmem>>[vector<16xi32>, vector<16xi32>], vector<16xi32>,
        %add3A_634 = arith.constant 32 : i32
        %add3A_635 = vector.broadcast %add3A_634 : i32 to vector<16xi32>
        %add3A_636 = arith.addi %add3A_635, %iota3A : vector<16xi32>
        %mul3A_637 = arith.constant 512 : i32
        %mul3A_638 = arith.muli %and3A_131, %mul3A_637 : i32
        %mul3A_639 = arith.constant 4 : i32
        %mul3A_640 = vector.broadcast %mul3A_639 : i32 to vector<16xi32>
        %mul3A_641 = arith.muli %add3A_636, %mul3A_640 : vector<16xi32>
        %add3A_642 = vector.broadcast %mul3A_638 : i32 to vector<16xi32>
        %add3A_643 = arith.addi %add3A_642, %mul3A_641 : vector<16xi32>
        %add3A_644 = arith.constant 2 : i32
        %add3A_645 = vector.broadcast %add3A_644 : i32 to vector<16xi32>
        %add3A_646 = arith.addi %add3A_643, %add3A_645 : vector<16xi32>
        %gather3A_647 = tpu.vector_load_idx %arg17[%add3A_646] : memref<1024xi32, #tpu.memory_space<vmem>>[vector<16xi32>], vector<16xi32>,
        %mul3A_648 = arith.constant 128 : i32
        %mul3A_649 = arith.muli %sub3A_76, %mul3A_648 : i32
        %add3A_650 = arith.addi %mul3A_2, %mul3A_649 : i32
        %add3A_651 = vector.broadcast %add3A_650 : i32 to vector<16xi32>
        %add3A_652 = arith.addi %add3A_651, %add3A_636 : vector<16xi32>
        %mul3A_653 = arith.constant 4 : i32
        %mul3A_654 = arith.muli %and3A_131, %mul3A_653 : i32
        %add3A_655 = arith.constant 2 : i32
        %add3A_656 = arith.addi %mul3A_654, %add3A_655 : i32
        %broadcast_in_dim3A_657 = vector.broadcast %add3A_656 : i32 to vector<16xi32>
        %lt3A_658 = arith.constant 0 : i32
        %lt3A_659 = vector.broadcast %lt3A_658 : i32 to vector<16xi32>
        %lt3A_660 = arith.cmpi slt, %gather3A_647, %lt3A_659 : vector<16xi32>
        %select_n3A_661 = arith.select %lt3A_660, %add3A_652, %gather3A_647 : vector<16xi1>, vector<16xi32>
        tpu.vector_store_idx %arg18[%broadcast_in_dim3A_657, %add3A_636], %select_n3A_661 : memref<8x128xi32, #tpu.memory_space<vmem>>[vector<16xi32>, vector<16xi32>], vector<16xi32>,
        %add3A_662 = arith.constant 48 : i32
        %add3A_663 = vector.broadcast %add3A_662 : i32 to vector<16xi32>
        %add3A_664 = arith.addi %add3A_663, %iota3A : vector<16xi32>
        %mul3A_665 = arith.constant 512 : i32
        %mul3A_666 = arith.muli %and3A_131, %mul3A_665 : i32
        %mul3A_667 = arith.constant 4 : i32
        %mul3A_668 = vector.broadcast %mul3A_667 : i32 to vector<16xi32>
        %mul3A_669 = arith.muli %add3A_664, %mul3A_668 : vector<16xi32>
        %add3A_670 = vector.broadcast %mul3A_666 : i32 to vector<16xi32>
        %add3A_671 = arith.addi %add3A_670, %mul3A_669 : vector<16xi32>
        %add3A_672 = arith.constant 2 : i32
        %add3A_673 = vector.broadcast %add3A_672 : i32 to vector<16xi32>
        %add3A_674 = arith.addi %add3A_671, %add3A_673 : vector<16xi32>
        %gather3A_675 = tpu.vector_load_idx %arg17[%add3A_674] : memref<1024xi32, #tpu.memory_space<vmem>>[vector<16xi32>], vector<16xi32>,
        %mul3A_676 = arith.constant 128 : i32
        %mul3A_677 = arith.muli %sub3A_76, %mul3A_676 : i32
        %add3A_678 = arith.addi %mul3A_2, %mul3A_677 : i32
        %add3A_679 = vector.broadcast %add3A_678 : i32 to vector<16xi32>
        %add3A_680 = arith.addi %add3A_679, %add3A_664 : vector<16xi32>
        %mul3A_681 = arith.constant 4 : i32
        %mul3A_682 = arith.muli %and3A_131, %mul3A_681 : i32
        %add3A_683 = arith.constant 2 : i32
        %add3A_684 = arith.addi %mul3A_682, %add3A_683 : i32
        %broadcast_in_dim3A_685 = vector.broadcast %add3A_684 : i32 to vector<16xi32>
        %lt3A_686 = arith.constant 0 : i32
        %lt3A_687 = vector.broadcast %lt3A_686 : i32 to vector<16xi32>
        %lt3A_688 = arith.cmpi slt, %gather3A_675, %lt3A_687 : vector<16xi32>
        %select_n3A_689 = arith.select %lt3A_688, %add3A_680, %gather3A_675 : vector<16xi1>, vector<16xi32>
        tpu.vector_store_idx %arg18[%broadcast_in_dim3A_685, %add3A_664], %select_n3A_689 : memref<8x128xi32, #tpu.memory_space<vmem>>[vector<16xi32>, vector<16xi32>], vector<16xi32>,
        %add3A_690 = arith.constant 64 : i32
        %add3A_691 = vector.broadcast %add3A_690 : i32 to vector<16xi32>
        %add3A_692 = arith.addi %add3A_691, %iota3A : vector<16xi32>
        %mul3A_693 = arith.constant 512 : i32
        %mul3A_694 = arith.muli %and3A_131, %mul3A_693 : i32
        %mul3A_695 = arith.constant 4 : i32
        %mul3A_696 = vector.broadcast %mul3A_695 : i32 to vector<16xi32>
        %mul3A_697 = arith.muli %add3A_692, %mul3A_696 : vector<16xi32>
        %add3A_698 = vector.broadcast %mul3A_694 : i32 to vector<16xi32>
        %add3A_699 = arith.addi %add3A_698, %mul3A_697 : vector<16xi32>
        %add3A_700 = arith.constant 2 : i32
        %add3A_701 = vector.broadcast %add3A_700 : i32 to vector<16xi32>
        %add3A_702 = arith.addi %add3A_699, %add3A_701 : vector<16xi32>
        %gather3A_703 = tpu.vector_load_idx %arg17[%add3A_702] : memref<1024xi32, #tpu.memory_space<vmem>>[vector<16xi32>], vector<16xi32>,
        %mul3A_704 = arith.constant 128 : i32
        %mul3A_705 = arith.muli %sub3A_76, %mul3A_704 : i32
        %add3A_706 = arith.addi %mul3A_2, %mul3A_705 : i32
        %add3A_707 = vector.broadcast %add3A_706 : i32 to vector<16xi32>
        %add3A_708 = arith.addi %add3A_707, %add3A_692 : vector<16xi32>
        %mul3A_709 = arith.constant 4 : i32
        %mul3A_710 = arith.muli %and3A_131, %mul3A_709 : i32
        %add3A_711 = arith.constant 2 : i32
        %add3A_712 = arith.addi %mul3A_710, %add3A_711 : i32
        %broadcast_in_dim3A_713 = vector.broadcast %add3A_712 : i32 to vector<16xi32>
        %lt3A_714 = arith.constant 0 : i32
        %lt3A_715 = vector.broadcast %lt3A_714 : i32 to vector<16xi32>
        %lt3A_716 = arith.cmpi slt, %gather3A_703, %lt3A_715 : vector<16xi32>
        %select_n3A_717 = arith.select %lt3A_716, %add3A_708, %gather3A_703 : vector<16xi1>, vector<16xi32>
        tpu.vector_store_idx %arg18[%broadcast_in_dim3A_713, %add3A_692], %select_n3A_717 : memref<8x128xi32, #tpu.memory_space<vmem>>[vector<16xi32>, vector<16xi32>], vector<16xi32>,
        %add3A_718 = arith.constant 80 : i32
        %add3A_719 = vector.broadcast %add3A_718 : i32 to vector<16xi32>
        %add3A_720 = arith.addi %add3A_719, %iota3A : vector<16xi32>
        %mul3A_721 = arith.constant 512 : i32
        %mul3A_722 = arith.muli %and3A_131, %mul3A_721 : i32
        %mul3A_723 = arith.constant 4 : i32
        %mul3A_724 = vector.broadcast %mul3A_723 : i32 to vector<16xi32>
        %mul3A_725 = arith.muli %add3A_720, %mul3A_724 : vector<16xi32>
        %add3A_726 = vector.broadcast %mul3A_722 : i32 to vector<16xi32>
        %add3A_727 = arith.addi %add3A_726, %mul3A_725 : vector<16xi32>
        %add3A_728 = arith.constant 2 : i32
        %add3A_729 = vector.broadcast %add3A_728 : i32 to vector<16xi32>
        %add3A_730 = arith.addi %add3A_727, %add3A_729 : vector<16xi32>
        %gather3A_731 = tpu.vector_load_idx %arg17[%add3A_730] : memref<1024xi32, #tpu.memory_space<vmem>>[vector<16xi32>], vector<16xi32>,
        %mul3A_732 = arith.constant 128 : i32
        %mul3A_733 = arith.muli %sub3A_76, %mul3A_732 : i32
        %add3A_734 = arith.addi %mul3A_2, %mul3A_733 : i32
        %add3A_735 = vector.broadcast %add3A_734 : i32 to vector<16xi32>
        %add3A_736 = arith.addi %add3A_735, %add3A_720 : vector<16xi32>
        %mul3A_737 = arith.constant 4 : i32
        %mul3A_738 = arith.muli %and3A_131, %mul3A_737 : i32
        %add3A_739 = arith.constant 2 : i32
        %add3A_740 = arith.addi %mul3A_738, %add3A_739 : i32
        %broadcast_in_dim3A_741 = vector.broadcast %add3A_740 : i32 to vector<16xi32>
        %lt3A_742 = arith.constant 0 : i32
        %lt3A_743 = vector.broadcast %lt3A_742 : i32 to vector<16xi32>
        %lt3A_744 = arith.cmpi slt, %gather3A_731, %lt3A_743 : vector<16xi32>
        %select_n3A_745 = arith.select %lt3A_744, %add3A_736, %gather3A_731 : vector<16xi1>, vector<16xi32>
        tpu.vector_store_idx %arg18[%broadcast_in_dim3A_741, %add3A_720], %select_n3A_745 : memref<8x128xi32, #tpu.memory_space<vmem>>[vector<16xi32>, vector<16xi32>], vector<16xi32>,
        %add3A_746 = arith.constant 96 : i32
        %add3A_747 = vector.broadcast %add3A_746 : i32 to vector<16xi32>
        %add3A_748 = arith.addi %add3A_747, %iota3A : vector<16xi32>
        %mul3A_749 = arith.constant 512 : i32
        %mul3A_750 = arith.muli %and3A_131, %mul3A_749 : i32
        %mul3A_751 = arith.constant 4 : i32
        %mul3A_752 = vector.broadcast %mul3A_751 : i32 to vector<16xi32>
        %mul3A_753 = arith.muli %add3A_748, %mul3A_752 : vector<16xi32>
        %add3A_754 = vector.broadcast %mul3A_750 : i32 to vector<16xi32>
        %add3A_755 = arith.addi %add3A_754, %mul3A_753 : vector<16xi32>
        %add3A_756 = arith.constant 2 : i32
        %add3A_757 = vector.broadcast %add3A_756 : i32 to vector<16xi32>
        %add3A_758 = arith.addi %add3A_755, %add3A_757 : vector<16xi32>
        %gather3A_759 = tpu.vector_load_idx %arg17[%add3A_758] : memref<1024xi32, #tpu.memory_space<vmem>>[vector<16xi32>], vector<16xi32>,
        %mul3A_760 = arith.constant 128 : i32
        %mul3A_761 = arith.muli %sub3A_76, %mul3A_760 : i32
        %add3A_762 = arith.addi %mul3A_2, %mul3A_761 : i32
        %add3A_763 = vector.broadcast %add3A_762 : i32 to vector<16xi32>
        %add3A_764 = arith.addi %add3A_763, %add3A_748 : vector<16xi32>
        %mul3A_765 = arith.constant 4 : i32
        %mul3A_766 = arith.muli %and3A_131, %mul3A_765 : i32
        %add3A_767 = arith.constant 2 : i32
        %add3A_768 = arith.addi %mul3A_766, %add3A_767 : i32
        %broadcast_in_dim3A_769 = vector.broadcast %add3A_768 : i32 to vector<16xi32>
        %lt3A_770 = arith.constant 0 : i32
        %lt3A_771 = vector.broadcast %lt3A_770 : i32 to vector<16xi32>
        %lt3A_772 = arith.cmpi slt, %gather3A_759, %lt3A_771 : vector<16xi32>
        %select_n3A_773 = arith.select %lt3A_772, %add3A_764, %gather3A_759 : vector<16xi1>, vector<16xi32>
        tpu.vector_store_idx %arg18[%broadcast_in_dim3A_769, %add3A_748], %select_n3A_773 : memref<8x128xi32, #tpu.memory_space<vmem>>[vector<16xi32>, vector<16xi32>], vector<16xi32>,
        %add3A_774 = arith.constant 112 : i32
        %add3A_775 = vector.broadcast %add3A_774 : i32 to vector<16xi32>
        %add3A_776 = arith.addi %add3A_775, %iota3A : vector<16xi32>
        %mul3A_777 = arith.constant 512 : i32
        %mul3A_778 = arith.muli %and3A_131, %mul3A_777 : i32
        %mul3A_779 = arith.constant 4 : i32
        %mul3A_780 = vector.broadcast %mul3A_779 : i32 to vector<16xi32>
        %mul3A_781 = arith.muli %add3A_776, %mul3A_780 : vector<16xi32>
        %add3A_782 = vector.broadcast %mul3A_778 : i32 to vector<16xi32>
        %add3A_783 = arith.addi %add3A_782, %mul3A_781 : vector<16xi32>
        %add3A_784 = arith.constant 2 : i32
        %add3A_785 = vector.broadcast %add3A_784 : i32 to vector<16xi32>
        %add3A_786 = arith.addi %add3A_783, %add3A_785 : vector<16xi32>
        %gather3A_787 = tpu.vector_load_idx %arg17[%add3A_786] : memref<1024xi32, #tpu.memory_space<vmem>>[vector<16xi32>], vector<16xi32>,
        %mul3A_788 = arith.constant 128 : i32
        %mul3A_789 = arith.muli %sub3A_76, %mul3A_788 : i32
        %add3A_790 = arith.addi %mul3A_2, %mul3A_789 : i32
        %add3A_791 = vector.broadcast %add3A_790 : i32 to vector<16xi32>
        %add3A_792 = arith.addi %add3A_791, %add3A_776 : vector<16xi32>
        %mul3A_793 = arith.constant 4 : i32
        %mul3A_794 = arith.muli %and3A_131, %mul3A_793 : i32
        %add3A_795 = arith.constant 2 : i32
        %add3A_796 = arith.addi %mul3A_794, %add3A_795 : i32
        %broadcast_in_dim3A_797 = vector.broadcast %add3A_796 : i32 to vector<16xi32>
        %lt3A_798 = arith.constant 0 : i32
        %lt3A_799 = vector.broadcast %lt3A_798 : i32 to vector<16xi32>
        %lt3A_800 = arith.cmpi slt, %gather3A_787, %lt3A_799 : vector<16xi32>
        %select_n3A_801 = arith.select %lt3A_800, %add3A_792, %gather3A_787 : vector<16xi1>, vector<16xi32>
        tpu.vector_store_idx %arg18[%broadcast_in_dim3A_797, %add3A_776], %select_n3A_801 : memref<8x128xi32, #tpu.memory_space<vmem>>[vector<16xi32>, vector<16xi32>], vector<16xi32>,
        %add3A_802 = arith.constant 0 : i32
        %add3A_803 = vector.broadcast %add3A_802 : i32 to vector<16xi32>
        %add3A_804 = arith.addi %add3A_803, %iota3A : vector<16xi32>
        %mul3A_805 = arith.constant 512 : i32
        %mul3A_806 = arith.muli %and3A_131, %mul3A_805 : i32
        %mul3A_807 = arith.constant 4 : i32
        %mul3A_808 = vector.broadcast %mul3A_807 : i32 to vector<16xi32>
        %mul3A_809 = arith.muli %add3A_804, %mul3A_808 : vector<16xi32>
        %add3A_810 = vector.broadcast %mul3A_806 : i32 to vector<16xi32>
        %add3A_811 = arith.addi %add3A_810, %mul3A_809 : vector<16xi32>
        %add3A_812 = arith.constant 3 : i32
        %add3A_813 = vector.broadcast %add3A_812 : i32 to vector<16xi32>
        %add3A_814 = arith.addi %add3A_811, %add3A_813 : vector<16xi32>
        %gather3A_815 = tpu.vector_load_idx %arg17[%add3A_814] : memref<1024xi32, #tpu.memory_space<vmem>>[vector<16xi32>], vector<16xi32>,
        %mul3A_816 = arith.constant 128 : i32
        %mul3A_817 = arith.muli %sub3A_76, %mul3A_816 : i32
        %add3A_818 = arith.addi %mul3A_2, %mul3A_817 : i32
        %add3A_819 = vector.broadcast %add3A_818 : i32 to vector<16xi32>
        %add3A_820 = arith.addi %add3A_819, %add3A_804 : vector<16xi32>
        %mul3A_821 = arith.constant 4 : i32
        %mul3A_822 = arith.muli %and3A_131, %mul3A_821 : i32
        %add3A_823 = arith.constant 3 : i32
        %add3A_824 = arith.addi %mul3A_822, %add3A_823 : i32
        %broadcast_in_dim3A_825 = vector.broadcast %add3A_824 : i32 to vector<16xi32>
        %lt3A_826 = arith.constant 0 : i32
        %lt3A_827 = vector.broadcast %lt3A_826 : i32 to vector<16xi32>
        %lt3A_828 = arith.cmpi slt, %gather3A_815, %lt3A_827 : vector<16xi32>
        %select_n3A_829 = arith.select %lt3A_828, %add3A_820, %gather3A_815 : vector<16xi1>, vector<16xi32>
        tpu.vector_store_idx %arg18[%broadcast_in_dim3A_825, %add3A_804], %select_n3A_829 : memref<8x128xi32, #tpu.memory_space<vmem>>[vector<16xi32>, vector<16xi32>], vector<16xi32>,
        %add3A_830 = arith.constant 16 : i32
        %add3A_831 = vector.broadcast %add3A_830 : i32 to vector<16xi32>
        %add3A_832 = arith.addi %add3A_831, %iota3A : vector<16xi32>
        %mul3A_833 = arith.constant 512 : i32
        %mul3A_834 = arith.muli %and3A_131, %mul3A_833 : i32
        %mul3A_835 = arith.constant 4 : i32
        %mul3A_836 = vector.broadcast %mul3A_835 : i32 to vector<16xi32>
        %mul3A_837 = arith.muli %add3A_832, %mul3A_836 : vector<16xi32>
        %add3A_838 = vector.broadcast %mul3A_834 : i32 to vector<16xi32>
        %add3A_839 = arith.addi %add3A_838, %mul3A_837 : vector<16xi32>
        %add3A_840 = arith.constant 3 : i32
        %add3A_841 = vector.broadcast %add3A_840 : i32 to vector<16xi32>
        %add3A_842 = arith.addi %add3A_839, %add3A_841 : vector<16xi32>
        %gather3A_843 = tpu.vector_load_idx %arg17[%add3A_842] : memref<1024xi32, #tpu.memory_space<vmem>>[vector<16xi32>], vector<16xi32>,
        %mul3A_844 = arith.constant 128 : i32
        %mul3A_845 = arith.muli %sub3A_76, %mul3A_844 : i32
        %add3A_846 = arith.addi %mul3A_2, %mul3A_845 : i32
        %add3A_847 = vector.broadcast %add3A_846 : i32 to vector<16xi32>
        %add3A_848 = arith.addi %add3A_847, %add3A_832 : vector<16xi32>
        %mul3A_849 = arith.constant 4 : i32
        %mul3A_850 = arith.muli %and3A_131, %mul3A_849 : i32
        %add3A_851 = arith.constant 3 : i32
        %add3A_852 = arith.addi %mul3A_850, %add3A_851 : i32
        %broadcast_in_dim3A_853 = vector.broadcast %add3A_852 : i32 to vector<16xi32>
        %lt3A_854 = arith.constant 0 : i32
        %lt3A_855 = vector.broadcast %lt3A_854 : i32 to vector<16xi32>
        %lt3A_856 = arith.cmpi slt, %gather3A_843, %lt3A_855 : vector<16xi32>
        %select_n3A_857 = arith.select %lt3A_856, %add3A_848, %gather3A_843 : vector<16xi1>, vector<16xi32>
        tpu.vector_store_idx %arg18[%broadcast_in_dim3A_853, %add3A_832], %select_n3A_857 : memref<8x128xi32, #tpu.memory_space<vmem>>[vector<16xi32>, vector<16xi32>], vector<16xi32>,
        %add3A_858 = arith.constant 32 : i32
        %add3A_859 = vector.broadcast %add3A_858 : i32 to vector<16xi32>
        %add3A_860 = arith.addi %add3A_859, %iota3A : vector<16xi32>
        %mul3A_861 = arith.constant 512 : i32
        %mul3A_862 = arith.muli %and3A_131, %mul3A_861 : i32
        %mul3A_863 = arith.constant 4 : i32
        %mul3A_864 = vector.broadcast %mul3A_863 : i32 to vector<16xi32>
        %mul3A_865 = arith.muli %add3A_860, %mul3A_864 : vector<16xi32>
        %add3A_866 = vector.broadcast %mul3A_862 : i32 to vector<16xi32>
        %add3A_867 = arith.addi %add3A_866, %mul3A_865 : vector<16xi32>
        %add3A_868 = arith.constant 3 : i32
        %add3A_869 = vector.broadcast %add3A_868 : i32 to vector<16xi32>
        %add3A_870 = arith.addi %add3A_867, %add3A_869 : vector<16xi32>
        %gather3A_871 = tpu.vector_load_idx %arg17[%add3A_870] : memref<1024xi32, #tpu.memory_space<vmem>>[vector<16xi32>], vector<16xi32>,
        %mul3A_872 = arith.constant 128 : i32
        %mul3A_873 = arith.muli %sub3A_76, %mul3A_872 : i32
        %add3A_874 = arith.addi %mul3A_2, %mul3A_873 : i32
        %add3A_875 = vector.broadcast %add3A_874 : i32 to vector<16xi32>
        %add3A_876 = arith.addi %add3A_875, %add3A_860 : vector<16xi32>
        %mul3A_877 = arith.constant 4 : i32
        %mul3A_878 = arith.muli %and3A_131, %mul3A_877 : i32
        %add3A_879 = arith.constant 3 : i32
        %add3A_880 = arith.addi %mul3A_878, %add3A_879 : i32
        %broadcast_in_dim3A_881 = vector.broadcast %add3A_880 : i32 to vector<16xi32>
        %lt3A_882 = arith.constant 0 : i32
        %lt3A_883 = vector.broadcast %lt3A_882 : i32 to vector<16xi32>
        %lt3A_884 = arith.cmpi slt, %gather3A_871, %lt3A_883 : vector<16xi32>
        %select_n3A_885 = arith.select %lt3A_884, %add3A_876, %gather3A_871 : vector<16xi1>, vector<16xi32>
        tpu.vector_store_idx %arg18[%broadcast_in_dim3A_881, %add3A_860], %select_n3A_885 : memref<8x128xi32, #tpu.memory_space<vmem>>[vector<16xi32>, vector<16xi32>], vector<16xi32>,
        %add3A_886 = arith.constant 48 : i32
        %add3A_887 = vector.broadcast %add3A_886 : i32 to vector<16xi32>
        %add3A_888 = arith.addi %add3A_887, %iota3A : vector<16xi32>
        %mul3A_889 = arith.constant 512 : i32
        %mul3A_890 = arith.muli %and3A_131, %mul3A_889 : i32
        %mul3A_891 = arith.constant 4 : i32
        %mul3A_892 = vector.broadcast %mul3A_891 : i32 to vector<16xi32>
        %mul3A_893 = arith.muli %add3A_888, %mul3A_892 : vector<16xi32>
        %add3A_894 = vector.broadcast %mul3A_890 : i32 to vector<16xi32>
        %add3A_895 = arith.addi %add3A_894, %mul3A_893 : vector<16xi32>
        %add3A_896 = arith.constant 3 : i32
        %add3A_897 = vector.broadcast %add3A_896 : i32 to vector<16xi32>
        %add3A_898 = arith.addi %add3A_895, %add3A_897 : vector<16xi32>
        %gather3A_899 = tpu.vector_load_idx %arg17[%add3A_898] : memref<1024xi32, #tpu.memory_space<vmem>>[vector<16xi32>], vector<16xi32>,
        %mul3A_900 = arith.constant 128 : i32
        %mul3A_901 = arith.muli %sub3A_76, %mul3A_900 : i32
        %add3A_902 = arith.addi %mul3A_2, %mul3A_901 : i32
        %add3A_903 = vector.broadcast %add3A_902 : i32 to vector<16xi32>
        %add3A_904 = arith.addi %add3A_903, %add3A_888 : vector<16xi32>
        %mul3A_905 = arith.constant 4 : i32
        %mul3A_906 = arith.muli %and3A_131, %mul3A_905 : i32
        %add3A_907 = arith.constant 3 : i32
        %add3A_908 = arith.addi %mul3A_906, %add3A_907 : i32
        %broadcast_in_dim3A_909 = vector.broadcast %add3A_908 : i32 to vector<16xi32>
        %lt3A_910 = arith.constant 0 : i32
        %lt3A_911 = vector.broadcast %lt3A_910 : i32 to vector<16xi32>
        %lt3A_912 = arith.cmpi slt, %gather3A_899, %lt3A_911 : vector<16xi32>
        %select_n3A_913 = arith.select %lt3A_912, %add3A_904, %gather3A_899 : vector<16xi1>, vector<16xi32>
        tpu.vector_store_idx %arg18[%broadcast_in_dim3A_909, %add3A_888], %select_n3A_913 : memref<8x128xi32, #tpu.memory_space<vmem>>[vector<16xi32>, vector<16xi32>], vector<16xi32>,
        %add3A_914 = arith.constant 64 : i32
        %add3A_915 = vector.broadcast %add3A_914 : i32 to vector<16xi32>
        %add3A_916 = arith.addi %add3A_915, %iota3A : vector<16xi32>
        %mul3A_917 = arith.constant 512 : i32
        %mul3A_918 = arith.muli %and3A_131, %mul3A_917 : i32
        %mul3A_919 = arith.constant 4 : i32
        %mul3A_920 = vector.broadcast %mul3A_919 : i32 to vector<16xi32>
        %mul3A_921 = arith.muli %add3A_916, %mul3A_920 : vector<16xi32>
        %add3A_922 = vector.broadcast %mul3A_918 : i32 to vector<16xi32>
        %add3A_923 = arith.addi %add3A_922, %mul3A_921 : vector<16xi32>
        %add3A_924 = arith.constant 3 : i32
        %add3A_925 = vector.broadcast %add3A_924 : i32 to vector<16xi32>
        %add3A_926 = arith.addi %add3A_923, %add3A_925 : vector<16xi32>
        %gather3A_927 = tpu.vector_load_idx %arg17[%add3A_926] : memref<1024xi32, #tpu.memory_space<vmem>>[vector<16xi32>], vector<16xi32>,
        %mul3A_928 = arith.constant 128 : i32
        %mul3A_929 = arith.muli %sub3A_76, %mul3A_928 : i32
        %add3A_930 = arith.addi %mul3A_2, %mul3A_929 : i32
        %add3A_931 = vector.broadcast %add3A_930 : i32 to vector<16xi32>
        %add3A_932 = arith.addi %add3A_931, %add3A_916 : vector<16xi32>
        %mul3A_933 = arith.constant 4 : i32
        %mul3A_934 = arith.muli %and3A_131, %mul3A_933 : i32
        %add3A_935 = arith.constant 3 : i32
        %add3A_936 = arith.addi %mul3A_934, %add3A_935 : i32
        %broadcast_in_dim3A_937 = vector.broadcast %add3A_936 : i32 to vector<16xi32>
        %lt3A_938 = arith.constant 0 : i32
        %lt3A_939 = vector.broadcast %lt3A_938 : i32 to vector<16xi32>
        %lt3A_940 = arith.cmpi slt, %gather3A_927, %lt3A_939 : vector<16xi32>
        %select_n3A_941 = arith.select %lt3A_940, %add3A_932, %gather3A_927 : vector<16xi1>, vector<16xi32>
        tpu.vector_store_idx %arg18[%broadcast_in_dim3A_937, %add3A_916], %select_n3A_941 : memref<8x128xi32, #tpu.memory_space<vmem>>[vector<16xi32>, vector<16xi32>], vector<16xi32>,
        %add3A_942 = arith.constant 80 : i32
        %add3A_943 = vector.broadcast %add3A_942 : i32 to vector<16xi32>
        %add3A_944 = arith.addi %add3A_943, %iota3A : vector<16xi32>
        %mul3A_945 = arith.constant 512 : i32
        %mul3A_946 = arith.muli %and3A_131, %mul3A_945 : i32
        %mul3A_947 = arith.constant 4 : i32
        %mul3A_948 = vector.broadcast %mul3A_947 : i32 to vector<16xi32>
        %mul3A_949 = arith.muli %add3A_944, %mul3A_948 : vector<16xi32>
        %add3A_950 = vector.broadcast %mul3A_946 : i32 to vector<16xi32>
        %add3A_951 = arith.addi %add3A_950, %mul3A_949 : vector<16xi32>
        %add3A_952 = arith.constant 3 : i32
        %add3A_953 = vector.broadcast %add3A_952 : i32 to vector<16xi32>
        %add3A_954 = arith.addi %add3A_951, %add3A_953 : vector<16xi32>
        %gather3A_955 = tpu.vector_load_idx %arg17[%add3A_954] : memref<1024xi32, #tpu.memory_space<vmem>>[vector<16xi32>], vector<16xi32>,
        %mul3A_956 = arith.constant 128 : i32
        %mul3A_957 = arith.muli %sub3A_76, %mul3A_956 : i32
        %add3A_958 = arith.addi %mul3A_2, %mul3A_957 : i32
        %add3A_959 = vector.broadcast %add3A_958 : i32 to vector<16xi32>
        %add3A_960 = arith.addi %add3A_959, %add3A_944 : vector<16xi32>
        %mul3A_961 = arith.constant 4 : i32
        %mul3A_962 = arith.muli %and3A_131, %mul3A_961 : i32
        %add3A_963 = arith.constant 3 : i32
        %add3A_964 = arith.addi %mul3A_962, %add3A_963 : i32
        %broadcast_in_dim3A_965 = vector.broadcast %add3A_964 : i32 to vector<16xi32>
        %lt3A_966 = arith.constant 0 : i32
        %lt3A_967 = vector.broadcast %lt3A_966 : i32 to vector<16xi32>
        %lt3A_968 = arith.cmpi slt, %gather3A_955, %lt3A_967 : vector<16xi32>
        %select_n3A_969 = arith.select %lt3A_968, %add3A_960, %gather3A_955 : vector<16xi1>, vector<16xi32>
        tpu.vector_store_idx %arg18[%broadcast_in_dim3A_965, %add3A_944], %select_n3A_969 : memref<8x128xi32, #tpu.memory_space<vmem>>[vector<16xi32>, vector<16xi32>], vector<16xi32>,
        %add3A_970 = arith.constant 96 : i32
        %add3A_971 = vector.broadcast %add3A_970 : i32 to vector<16xi32>
        %add3A_972 = arith.addi %add3A_971, %iota3A : vector<16xi32>
        %mul3A_973 = arith.constant 512 : i32
        %mul3A_974 = arith.muli %and3A_131, %mul3A_973 : i32
        %mul3A_975 = arith.constant 4 : i32
        %mul3A_976 = vector.broadcast %mul3A_975 : i32 to vector<16xi32>
        %mul3A_977 = arith.muli %add3A_972, %mul3A_976 : vector<16xi32>
        %add3A_978 = vector.broadcast %mul3A_974 : i32 to vector<16xi32>
        %add3A_979 = arith.addi %add3A_978, %mul3A_977 : vector<16xi32>
        %add3A_980 = arith.constant 3 : i32
        %add3A_981 = vector.broadcast %add3A_980 : i32 to vector<16xi32>
        %add3A_982 = arith.addi %add3A_979, %add3A_981 : vector<16xi32>
        %gather3A_983 = tpu.vector_load_idx %arg17[%add3A_982] : memref<1024xi32, #tpu.memory_space<vmem>>[vector<16xi32>], vector<16xi32>,
        %mul3A_984 = arith.constant 128 : i32
        %mul3A_985 = arith.muli %sub3A_76, %mul3A_984 : i32
        %add3A_986 = arith.addi %mul3A_2, %mul3A_985 : i32
        %add3A_987 = vector.broadcast %add3A_986 : i32 to vector<16xi32>
        %add3A_988 = arith.addi %add3A_987, %add3A_972 : vector<16xi32>
        %mul3A_989 = arith.constant 4 : i32
        %mul3A_990 = arith.muli %and3A_131, %mul3A_989 : i32
        %add3A_991 = arith.constant 3 : i32
        %add3A_992 = arith.addi %mul3A_990, %add3A_991 : i32
        %broadcast_in_dim3A_993 = vector.broadcast %add3A_992 : i32 to vector<16xi32>
        %lt3A_994 = arith.constant 0 : i32
        %lt3A_995 = vector.broadcast %lt3A_994 : i32 to vector<16xi32>
        %lt3A_996 = arith.cmpi slt, %gather3A_983, %lt3A_995 : vector<16xi32>
        %select_n3A_997 = arith.select %lt3A_996, %add3A_988, %gather3A_983 : vector<16xi1>, vector<16xi32>
        tpu.vector_store_idx %arg18[%broadcast_in_dim3A_993, %add3A_972], %select_n3A_997 : memref<8x128xi32, #tpu.memory_space<vmem>>[vector<16xi32>, vector<16xi32>], vector<16xi32>,
        %add3A_998 = arith.constant 112 : i32
        %add3A_999 = vector.broadcast %add3A_998 : i32 to vector<16xi32>
        %add3A_1000 = arith.addi %add3A_999, %iota3A : vector<16xi32>
        %mul3A_1001 = arith.constant 512 : i32
        %mul3A_1002 = arith.muli %and3A_131, %mul3A_1001 : i32
        %mul3A_1003 = arith.constant 4 : i32
        %mul3A_1004 = vector.broadcast %mul3A_1003 : i32 to vector<16xi32>
        %mul3A_1005 = arith.muli %add3A_1000, %mul3A_1004 : vector<16xi32>
        %add3A_1006 = vector.broadcast %mul3A_1002 : i32 to vector<16xi32>
        %add3A_1007 = arith.addi %add3A_1006, %mul3A_1005 : vector<16xi32>
        %add3A_1008 = arith.constant 3 : i32
        %add3A_1009 = vector.broadcast %add3A_1008 : i32 to vector<16xi32>
        %add3A_1010 = arith.addi %add3A_1007, %add3A_1009 : vector<16xi32>
        %gather3A_1011 = tpu.vector_load_idx %arg17[%add3A_1010] : memref<1024xi32, #tpu.memory_space<vmem>>[vector<16xi32>], vector<16xi32>,
        %mul3A_1012 = arith.constant 128 : i32
        %mul3A_1013 = arith.muli %sub3A_76, %mul3A_1012 : i32
        %add3A_1014 = arith.addi %mul3A_2, %mul3A_1013 : i32
        %add3A_1015 = vector.broadcast %add3A_1014 : i32 to vector<16xi32>
        %add3A_1016 = arith.addi %add3A_1015, %add3A_1000 : vector<16xi32>
        %mul3A_1017 = arith.constant 4 : i32
        %mul3A_1018 = arith.muli %and3A_131, %mul3A_1017 : i32
        %add3A_1019 = arith.constant 3 : i32
        %add3A_1020 = arith.addi %mul3A_1018, %add3A_1019 : i32
        %broadcast_in_dim3A_1021 = vector.broadcast %add3A_1020 : i32 to vector<16xi32>
        %lt3A_1022 = arith.constant 0 : i32
        %lt3A_1023 = vector.broadcast %lt3A_1022 : i32 to vector<16xi32>
        %lt3A_1024 = arith.cmpi slt, %gather3A_1011, %lt3A_1023 : vector<16xi32>
        %select_n3A_1025 = arith.select %lt3A_1024, %add3A_1016, %gather3A_1011 : vector<16xi1>, vector<16xi32>
        tpu.vector_store_idx %arg18[%broadcast_in_dim3A_1021, %add3A_1000], %select_n3A_1025 : memref<8x128xi32, #tpu.memory_space<vmem>>[vector<16xi32>, vector<16xi32>], vector<16xi32>,
        %and3A_1026 = arith.constant 1 : i32
        %and3A_1027 = arith.andi %sub3A_76, %and3A_1026 : i32
        %mul3A_1028 = arith.constant 4 : i32
        %mul3A_1029 = arith.muli %and3A_1027, %mul3A_1028 : i32
        %add3A_1030 = arith.constant 0 : i32
        %add3A_1031 = arith.addi %mul3A_1029, %add3A_1030 : i32
        %mul3A_1032 = arith.constant 128 : i32
        %mul3A_1033 = arith.muli %sub3A_76, %mul3A_1032 : i32
        %add3A_1034 = arith.addi %mul3A_2, %mul3A_1033 : i32
        %dma_start3A = arith.constant 0 : i32
        %dma_start3A_1035 = tpu.memref_slice %arg18[%add3A_1031, %dma_start3A] : memref<8x128xi32, #tpu.memory_space<vmem>> -> memref<1x128xi32, #tpu.memory_space<vmem>>
        %dma_start3A_1036 = tpu.memref_squeeze %dma_start3A_1035 : memref<1x128xi32, #tpu.memory_space<vmem>> -> memref<128xi32, #tpu.memory_space<vmem>>
        %dma_start3A_1037 = tpu.memref_slice %arg7[%add3A_1034] : memref<160000xi32, #tpu.memory_space<hbm>> -> memref<128xi32, #tpu.memory_space<hbm>>
        %dma_start3A_1038 = tpu.memref_slice %arg21[%and3A_1027] : memref<2x!tpu.dma_semaphore, #tpu.memory_space<semaphore_mem>> -> memref<1x!tpu.dma_semaphore, #tpu.memory_space<semaphore_mem>>
        %dma_start3A_1039 = tpu.memref_squeeze %dma_start3A_1038 : memref<1x!tpu.dma_semaphore, #tpu.memory_space<semaphore_mem>> -> memref<!tpu.dma_semaphore, #tpu.memory_space<semaphore_mem>>
        %dma_start3A_1040 = tpu.memref_slice %arg7[%add3A_1034] : memref<160000xi32, #tpu.memory_space<hbm>> -> memref<128xi32, #tpu.memory_space<hbm>>
        %dma_start3A_1041 = arith.constant 0 : i32
        %dma_start3A_1042 = tpu.memref_slice %arg18[%add3A_1031, %dma_start3A_1041] : memref<8x128xi32, #tpu.memory_space<vmem>> -> memref<1x128xi32, #tpu.memory_space<vmem>>
        %dma_start3A_1043 = tpu.memref_squeeze %dma_start3A_1042 : memref<1x128xi32, #tpu.memory_space<vmem>> -> memref<128xi32, #tpu.memory_space<vmem>>
        tpu.enqueue_dma source(%dma_start3A_1043 : memref<128xi32, #tpu.memory_space<vmem>>) target(%dma_start3A_1040 : memref<128xi32, #tpu.memory_space<hbm>>) target_semaphore(%dma_start3A_1039 : memref<!tpu.dma_semaphore, #tpu.memory_space<semaphore_mem>>)
        %mul3A_1044 = arith.constant 4 : i32
        %mul3A_1045 = arith.muli %and3A_1027, %mul3A_1044 : i32
        %add3A_1046 = arith.constant 1 : i32
        %add3A_1047 = arith.addi %mul3A_1045, %add3A_1046 : i32
        %mul3A_1048 = arith.constant 128 : i32
        %mul3A_1049 = arith.muli %sub3A_76, %mul3A_1048 : i32
        %add3A_1050 = arith.addi %mul3A_2, %mul3A_1049 : i32
        %dma_start3A_1051 = arith.constant 0 : i32
        %dma_start3A_1052 = tpu.memref_slice %arg18[%add3A_1047, %dma_start3A_1051] : memref<8x128xi32, #tpu.memory_space<vmem>> -> memref<1x128xi32, #tpu.memory_space<vmem>>
        %dma_start3A_1053 = tpu.memref_squeeze %dma_start3A_1052 : memref<1x128xi32, #tpu.memory_space<vmem>> -> memref<128xi32, #tpu.memory_space<vmem>>
        %dma_start3A_1054 = tpu.memref_slice %arg8[%add3A_1050] : memref<160000xi32, #tpu.memory_space<hbm>> -> memref<128xi32, #tpu.memory_space<hbm>>
        %dma_start3A_1055 = tpu.memref_slice %arg21[%and3A_1027] : memref<2x!tpu.dma_semaphore, #tpu.memory_space<semaphore_mem>> -> memref<1x!tpu.dma_semaphore, #tpu.memory_space<semaphore_mem>>
        %dma_start3A_1056 = tpu.memref_squeeze %dma_start3A_1055 : memref<1x!tpu.dma_semaphore, #tpu.memory_space<semaphore_mem>> -> memref<!tpu.dma_semaphore, #tpu.memory_space<semaphore_mem>>
        %dma_start3A_1057 = tpu.memref_slice %arg8[%add3A_1050] : memref<160000xi32, #tpu.memory_space<hbm>> -> memref<128xi32, #tpu.memory_space<hbm>>
        %dma_start3A_1058 = arith.constant 0 : i32
        %dma_start3A_1059 = tpu.memref_slice %arg18[%add3A_1047, %dma_start3A_1058] : memref<8x128xi32, #tpu.memory_space<vmem>> -> memref<1x128xi32, #tpu.memory_space<vmem>>
        %dma_start3A_1060 = tpu.memref_squeeze %dma_start3A_1059 : memref<1x128xi32, #tpu.memory_space<vmem>> -> memref<128xi32, #tpu.memory_space<vmem>>
        tpu.enqueue_dma source(%dma_start3A_1060 : memref<128xi32, #tpu.memory_space<vmem>>) target(%dma_start3A_1057 : memref<128xi32, #tpu.memory_space<hbm>>) target_semaphore(%dma_start3A_1056 : memref<!tpu.dma_semaphore, #tpu.memory_space<semaphore_mem>>)
        %mul3A_1061 = arith.constant 4 : i32
        %mul3A_1062 = arith.muli %and3A_1027, %mul3A_1061 : i32
        %add3A_1063 = arith.constant 2 : i32
        %add3A_1064 = arith.addi %mul3A_1062, %add3A_1063 : i32
        %mul3A_1065 = arith.constant 128 : i32
        %mul3A_1066 = arith.muli %sub3A_76, %mul3A_1065 : i32
        %add3A_1067 = arith.addi %mul3A_2, %mul3A_1066 : i32
        %dma_start3A_1068 = arith.constant 0 : i32
        %dma_start3A_1069 = tpu.memref_slice %arg18[%add3A_1064, %dma_start3A_1068] : memref<8x128xi32, #tpu.memory_space<vmem>> -> memref<1x128xi32, #tpu.memory_space<vmem>>
        %dma_start3A_1070 = tpu.memref_squeeze %dma_start3A_1069 : memref<1x128xi32, #tpu.memory_space<vmem>> -> memref<128xi32, #tpu.memory_space<vmem>>
        %dma_start3A_1071 = tpu.memref_slice %arg9[%add3A_1067] : memref<160000xi32, #tpu.memory_space<hbm>> -> memref<128xi32, #tpu.memory_space<hbm>>
        %dma_start3A_1072 = tpu.memref_slice %arg21[%and3A_1027] : memref<2x!tpu.dma_semaphore, #tpu.memory_space<semaphore_mem>> -> memref<1x!tpu.dma_semaphore, #tpu.memory_space<semaphore_mem>>
        %dma_start3A_1073 = tpu.memref_squeeze %dma_start3A_1072 : memref<1x!tpu.dma_semaphore, #tpu.memory_space<semaphore_mem>> -> memref<!tpu.dma_semaphore, #tpu.memory_space<semaphore_mem>>
        %dma_start3A_1074 = tpu.memref_slice %arg9[%add3A_1067] : memref<160000xi32, #tpu.memory_space<hbm>> -> memref<128xi32, #tpu.memory_space<hbm>>
        %dma_start3A_1075 = arith.constant 0 : i32
        %dma_start3A_1076 = tpu.memref_slice %arg18[%add3A_1064, %dma_start3A_1075] : memref<8x128xi32, #tpu.memory_space<vmem>> -> memref<1x128xi32, #tpu.memory_space<vmem>>
        %dma_start3A_1077 = tpu.memref_squeeze %dma_start3A_1076 : memref<1x128xi32, #tpu.memory_space<vmem>> -> memref<128xi32, #tpu.memory_space<vmem>>
        tpu.enqueue_dma source(%dma_start3A_1077 : memref<128xi32, #tpu.memory_space<vmem>>) target(%dma_start3A_1074 : memref<128xi32, #tpu.memory_space<hbm>>) target_semaphore(%dma_start3A_1073 : memref<!tpu.dma_semaphore, #tpu.memory_space<semaphore_mem>>)
        %mul3A_1078 = arith.constant 4 : i32
        %mul3A_1079 = arith.muli %and3A_1027, %mul3A_1078 : i32
        %add3A_1080 = arith.constant 3 : i32
        %add3A_1081 = arith.addi %mul3A_1079, %add3A_1080 : i32
        %mul3A_1082 = arith.constant 128 : i32
        %mul3A_1083 = arith.muli %sub3A_76, %mul3A_1082 : i32
        %add3A_1084 = arith.addi %mul3A_2, %mul3A_1083 : i32
        %dma_start3A_1085 = arith.constant 0 : i32
        %dma_start3A_1086 = tpu.memref_slice %arg18[%add3A_1081, %dma_start3A_1085] : memref<8x128xi32, #tpu.memory_space<vmem>> -> memref<1x128xi32, #tpu.memory_space<vmem>>
        %dma_start3A_1087 = tpu.memref_squeeze %dma_start3A_1086 : memref<1x128xi32, #tpu.memory_space<vmem>> -> memref<128xi32, #tpu.memory_space<vmem>>
        %dma_start3A_1088 = tpu.memref_slice %arg10[%add3A_1084] : memref<160000xi32, #tpu.memory_space<hbm>> -> memref<128xi32, #tpu.memory_space<hbm>>
        %dma_start3A_1089 = tpu.memref_slice %arg21[%and3A_1027] : memref<2x!tpu.dma_semaphore, #tpu.memory_space<semaphore_mem>> -> memref<1x!tpu.dma_semaphore, #tpu.memory_space<semaphore_mem>>
        %dma_start3A_1090 = tpu.memref_squeeze %dma_start3A_1089 : memref<1x!tpu.dma_semaphore, #tpu.memory_space<semaphore_mem>> -> memref<!tpu.dma_semaphore, #tpu.memory_space<semaphore_mem>>
        %dma_start3A_1091 = tpu.memref_slice %arg10[%add3A_1084] : memref<160000xi32, #tpu.memory_space<hbm>> -> memref<128xi32, #tpu.memory_space<hbm>>
        %dma_start3A_1092 = arith.constant 0 : i32
        %dma_start3A_1093 = tpu.memref_slice %arg18[%add3A_1081, %dma_start3A_1092] : memref<8x128xi32, #tpu.memory_space<vmem>> -> memref<1x128xi32, #tpu.memory_space<vmem>>
        %dma_start3A_1094 = tpu.memref_squeeze %dma_start3A_1093 : memref<1x128xi32, #tpu.memory_space<vmem>> -> memref<128xi32, #tpu.memory_space<vmem>>
        tpu.enqueue_dma source(%dma_start3A_1094 : memref<128xi32, #tpu.memory_space<vmem>>) target(%dma_start3A_1091 : memref<128xi32, #tpu.memory_space<hbm>>) target_semaphore(%dma_start3A_1090 : memref<!tpu.dma_semaphore, #tpu.memory_space<semaphore_mem>>)
      } else {
      }
      %ge3A_85 = arith.constant 0 : i32
      %ge3A_86 = arith.cmpi sge, %sub3A_78, %ge3A_85 : i32
      %lt3A_87 = arith.cmpi slt, %sub3A_78, %shift_right_arithmetic3A_6 : i32
      %and3A_88 = arith.andi %ge3A_86, %lt3A_87 : i1
      %convert_element_type3A_89 = arith.extui %and3A_88 : i1 to i32
      %cond3A_90 = arith.constant 0 : i32
      %cond3A_91 = arith.cmpi ne, %convert_element_type3A_89, %cond3A_90 : i32
      scf.if %cond3A_91 {
        %and3A_97 = arith.constant 1 : i32
        %and3A_98 = arith.andi %sub3A_78, %and3A_97 : i32
        %dma_wait3A = arith.constant 0 : i32
        %dma_wait3A_99 = arith.constant 0 : i32
        %dma_wait3A_100 = tpu.memref_slice %arg14[%and3A_98, %dma_wait3A, %dma_wait3A_99] : memref<2x128x128xf32, #tpu.memory_space<vmem>> -> memref<1x128x128xf32, #tpu.memory_space<vmem>>
        %dma_wait3A_101 = tpu.memref_squeeze %dma_wait3A_100 : memref<1x128x128xf32, #tpu.memory_space<vmem>> -> memref<128x128xf32, #tpu.memory_space<vmem>>
        %dma_wait3A_102 = arith.constant 0 : i32
        %dma_wait3A_103 = tpu.memref_slice %arg12[%sub3A_78, %dma_wait3A_102] : memref<40x128xi32, #tpu.memory_space<vmem>> -> memref<1x128xi32, #tpu.memory_space<vmem>>
        %dma_wait3A_104 = tpu.memref_squeeze %dma_wait3A_103 : memref<1x128xi32, #tpu.memory_space<vmem>> -> memref<128xi32, #tpu.memory_space<vmem>>
        %dma_wait3A_105 = arith.constant 0 : i32
        %dma_wait3A_106 = arith.constant 0 : i32
        %dma_wait3A_107 = tpu.memref_slice %arg2[%dma_wait3A_105, %dma_wait3A_106] : memref<320000x128xf32, #tpu.memory_space<hbm>> -> memref<320000x128xf32, #tpu.memory_space<hbm>>
        %dma_wait3A_108 = tpu.memref_slice %arg19[%and3A_98] : memref<2x!tpu.dma_semaphore, #tpu.memory_space<semaphore_mem>> -> memref<1x!tpu.dma_semaphore, #tpu.memory_space<semaphore_mem>>
        %dma_wait3A_109 = tpu.memref_squeeze %dma_wait3A_108 : memref<1x!tpu.dma_semaphore, #tpu.memory_space<semaphore_mem>> -> memref<!tpu.dma_semaphore, #tpu.memory_space<semaphore_mem>>
        tpu.wait_indirect_dma semaphore(%dma_wait3A_109 : memref<!tpu.dma_semaphore, #tpu.memory_space<semaphore_mem>>) src(%dma_wait3A_107 : memref<320000x128xf32, #tpu.memory_space<hbm>>) dst(%dma_wait3A_101 : memref<128x128xf32, #tpu.memory_space<vmem>>)
        %mul3A_110 = arith.constant 512 : i32
        %mul3A_111 = arith.muli %and3A_98, %mul3A_110 : i32
        %mul3A_112 = arith.constant 512 : i32
        %mul3A_113 = arith.muli %and3A_98, %mul3A_112 : i32
        %dma_wait3A_114 = tpu.memref_slice %arg16[%mul3A_113] : memref<1024xi32, #tpu.memory_space<vmem>> -> memref<512xi32, #tpu.memory_space<vmem>>
        %dma_wait3A_115 = tpu.memref_slice %arg15[%mul3A_111] : memref<1024xi32, #tpu.memory_space<vmem>> -> memref<512xi32, #tpu.memory_space<vmem>>
        %dma_wait3A_116 = arith.constant 0 : i32
        %dma_wait3A_117 = tpu.memref_slice %arg3[%dma_wait3A_116] : memref<1280000xi32, #tpu.memory_space<hbm>> -> memref<1280000xi32, #tpu.memory_space<hbm>>
        %dma_wait3A_118 = tpu.memref_slice %arg19[%and3A_98] : memref<2x!tpu.dma_semaphore, #tpu.memory_space<semaphore_mem>> -> memref<1x!tpu.dma_semaphore, #tpu.memory_space<semaphore_mem>>
        %dma_wait3A_119 = tpu.memref_squeeze %dma_wait3A_118 : memref<1x!tpu.dma_semaphore, #tpu.memory_space<semaphore_mem>> -> memref<!tpu.dma_semaphore, #tpu.memory_space<semaphore_mem>>
        tpu.wait_indirect_dma semaphore(%dma_wait3A_119 : memref<!tpu.dma_semaphore, #tpu.memory_space<semaphore_mem>>) src(%dma_wait3A_117 : memref<1280000xi32, #tpu.memory_space<hbm>>) dst(%dma_wait3A_114 : memref<512xi32, #tpu.memory_space<vmem>>)
        %and3A_120 = arith.constant 1 : i32
        %and3A_121 = arith.andi %sub3A_78, %and3A_120 : i32
        %mul3A_122 = arith.constant 128 : i32
        %mul3A_123 = arith.muli %sub3A_78, %mul3A_122 : i32
        %add3A_124 = arith.addi %mul3A_2, %mul3A_123 : i32
        %dma_start3A = arith.constant 0 : i32
        %dma_start3A_125 = arith.constant 0 : i32
        %dma_start3A_126 = tpu.memref_slice %arg14[%and3A_121, %dma_start3A, %dma_start3A_125] : memref<2x128x128xf32, #tpu.memory_space<vmem>> -> memref<1x128x128xf32, #tpu.memory_space<vmem>>
        %dma_start3A_127 = tpu.memref_squeeze %dma_start3A_126 : memref<1x128x128xf32, #tpu.memory_space<vmem>> -> memref<128x128xf32, #tpu.memory_space<vmem>>
        %dma_start3A_128 = arith.constant 0 : i32
        %dma_start3A_129 = tpu.memref_slice %arg6[%add3A_124, %dma_start3A_128] : memref<160000x128xf32, #tpu.memory_space<hbm>> -> memref<128x128xf32, #tpu.memory_space<hbm>>
        %dma_start3A_130 = tpu.memref_slice %arg20[%and3A_121] : memref<2x!tpu.dma_semaphore, #tpu.memory_space<semaphore_mem>> -> memref<1x!tpu.dma_semaphore, #tpu.memory_space<semaphore_mem>>
        %dma_start3A_131 = tpu.memref_squeeze %dma_start3A_130 : memref<1x!tpu.dma_semaphore, #tpu.memory_space<semaphore_mem>> -> memref<!tpu.dma_semaphore, #tpu.memory_space<semaphore_mem>>
        %dma_start3A_132 = arith.constant 0 : i32
        %dma_start3A_133 = tpu.memref_slice %arg6[%add3A_124, %dma_start3A_132] : memref<160000x128xf32, #tpu.memory_space<hbm>> -> memref<128x128xf32, #tpu.memory_space<hbm>>
        %dma_start3A_134 = arith.constant 0 : i32
        %dma_start3A_135 = arith.constant 0 : i32
        %dma_start3A_136 = tpu.memref_slice %arg14[%and3A_121, %dma_start3A_134, %dma_start3A_135] : memref<2x128x128xf32, #tpu.memory_space<vmem>> -> memref<1x128x128xf32, #tpu.memory_space<vmem>>
        %dma_start3A_137 = tpu.memref_squeeze %dma_start3A_136 : memref<1x128x128xf32, #tpu.memory_space<vmem>> -> memref<128x128xf32, #tpu.memory_space<vmem>>
        tpu.enqueue_dma source(%dma_start3A_137 : memref<128x128xf32, #tpu.memory_space<vmem>>) target(%dma_start3A_133 : memref<128x128xf32, #tpu.memory_space<hbm>>) target_semaphore(%dma_start3A_131 : memref<!tpu.dma_semaphore, #tpu.memory_space<semaphore_mem>>)
        %mul3A_138 = arith.constant 512 : i32
        %mul3A_139 = arith.muli %and3A_121, %mul3A_138 : i32
        %mul3A_140 = arith.constant 512 : i32
        %mul3A_141 = arith.muli %and3A_121, %mul3A_140 : i32
        %dma_start3A_142 = tpu.memref_slice %arg17[%mul3A_141] : memref<1024xi32, #tpu.memory_space<vmem>> -> memref<512xi32, #tpu.memory_space<vmem>>
        %dma_start3A_143 = tpu.memref_slice %arg16[%mul3A_139] : memref<1024xi32, #tpu.memory_space<vmem>> -> memref<512xi32, #tpu.memory_space<vmem>>
        %dma_start3A_144 = arith.constant 0 : i32
        %dma_start3A_145 = tpu.memref_slice %arg4[%dma_start3A_144] : memref<327680xi32, #tpu.memory_space<hbm>> -> memref<327680xi32, #tpu.memory_space<hbm>>
        %dma_start3A_146 = tpu.memref_slice %arg20[%and3A_121] : memref<2x!tpu.dma_semaphore, #tpu.memory_space<semaphore_mem>> -> memref<1x!tpu.dma_semaphore, #tpu.memory_space<semaphore_mem>>
        %dma_start3A_147 = tpu.memref_squeeze %dma_start3A_146 : memref<1x!tpu.dma_semaphore, #tpu.memory_space<semaphore_mem>> -> memref<!tpu.dma_semaphore, #tpu.memory_space<semaphore_mem>>
        tpu.enqueue_indirect_dma source(%dma_start3A_145 : memref<327680xi32, #tpu.memory_space<hbm>>) target(%dma_start3A_142 : memref<512xi32, #tpu.memory_space<vmem>>) offsets(%dma_start3A_143 : memref<512xi32, #tpu.memory_space<vmem>>) semaphore(%dma_start3A_147 : memref<!tpu.dma_semaphore, #tpu.memory_space<semaphore_mem>>)
      } else {
      }
      %lt3A_92 = arith.cmpi slt, %while3A_73, %shift_right_arithmetic3A_6 : i32
      %convert_element_type3A_93 = arith.extui %lt3A_92 : i1 to i32
      %cond3A_94 = arith.constant 0 : i32
      %cond3A_95 = arith.cmpi ne, %convert_element_type3A_93, %cond3A_94 : i32
      scf.if %cond3A_95 {
        %and3A_97 = arith.constant 1 : i32
        %and3A_98 = arith.andi %while3A_73, %and3A_97 : i32
        %add3A_99 = arith.constant 0 : i32
        %add3A_100 = vector.broadcast %add3A_99 : i32 to vector<16xi32>
        %add3A_101 = arith.addi %add3A_100, %iota3A : vector<16xi32>
        %broadcast_in_dim3A = vector.broadcast %while3A_73 : i32 to vector<16xi32>
        %shift_right_arithmetic3A_102 = arith.constant 2 : i32
        %shift_right_arithmetic3A_103 = vector.broadcast %shift_right_arithmetic3A_102 : i32 to vector<16xi32>
        %shift_right_arithmetic3A_104 = arith.shrsi %add3A_101, %shift_right_arithmetic3A_103 : vector<16xi32>
        %gather3A = tpu.vector_load_idx %arg12[%broadcast_in_dim3A, %shift_right_arithmetic3A_104] : memref<40x128xi32, #tpu.memory_space<vmem>>[vector<16xi32>, vector<16xi32>], vector<16xi32>,
        %mul3A_105 = arith.constant 4 : i32
        %mul3A_106 = vector.broadcast %mul3A_105 : i32 to vector<16xi32>
        %mul3A_107 = arith.muli %gather3A, %mul3A_106 : vector<16xi32>
        %and3A_108 = arith.constant 3 : i32
        %and3A_109 = vector.broadcast %and3A_108 : i32 to vector<16xi32>
        %and3A_110 = arith.andi %add3A_101, %and3A_109 : vector<16xi32>
        %add3A_111 = arith.addi %mul3A_107, %and3A_110 : vector<16xi32>
        %mul3A_112 = arith.constant 512 : i32
        %mul3A_113 = arith.muli %and3A_98, %mul3A_112 : i32
        %add3A_114 = arith.constant 0 : i32
        %add3A_115 = arith.addi %mul3A_113, %add3A_114 : i32
        %swap3A = arith.index_cast %add3A_115 : i32 to index
        %swap3A_116 = tpu.vector_load %arg15[%swap3A] {strides = array<i32>} : memref<1024xi32, #tpu.memory_space<vmem>>, vector<16xi32>,
        tpu.vector_store %arg15[%swap3A], %add3A_111 {strides = array<i32>} : memref<1024xi32, #tpu.memory_space<vmem>>, vector<16xi32>,
        %add3A_117 = arith.constant 16 : i32
        %add3A_118 = vector.broadcast %add3A_117 : i32 to vector<16xi32>
        %add3A_119 = arith.addi %add3A_118, %iota3A : vector<16xi32>
        %broadcast_in_dim3A_120 = vector.broadcast %while3A_73 : i32 to vector<16xi32>
        %shift_right_arithmetic3A_121 = arith.constant 2 : i32
        %shift_right_arithmetic3A_122 = vector.broadcast %shift_right_arithmetic3A_121 : i32 to vector<16xi32>
        %shift_right_arithmetic3A_123 = arith.shrsi %add3A_119, %shift_right_arithmetic3A_122 : vector<16xi32>
        %gather3A_124 = tpu.vector_load_idx %arg12[%broadcast_in_dim3A_120, %shift_right_arithmetic3A_123] : memref<40x128xi32, #tpu.memory_space<vmem>>[vector<16xi32>, vector<16xi32>], vector<16xi32>,
        %mul3A_125 = arith.constant 4 : i32
        %mul3A_126 = vector.broadcast %mul3A_125 : i32 to vector<16xi32>
        %mul3A_127 = arith.muli %gather3A_124, %mul3A_126 : vector<16xi32>
        %and3A_128 = arith.constant 3 : i32
        %and3A_129 = vector.broadcast %and3A_128 : i32 to vector<16xi32>
        %and3A_130 = arith.andi %add3A_119, %and3A_129 : vector<16xi32>
        %add3A_131 = arith.addi %mul3A_127, %and3A_130 : vector<16xi32>
        %mul3A_132 = arith.constant 512 : i32
        %mul3A_133 = arith.muli %and3A_98, %mul3A_132 : i32
        %add3A_134 = arith.constant 16 : i32
        %add3A_135 = arith.addi %mul3A_133, %add3A_134 : i32
        %swap3A_136 = arith.index_cast %add3A_135 : i32 to index
        %swap3A_137 = tpu.vector_load %arg15[%swap3A_136] {strides = array<i32>} : memref<1024xi32, #tpu.memory_space<vmem>>, vector<16xi32>,
        tpu.vector_store %arg15[%swap3A_136], %add3A_131 {strides = array<i32>} : memref<1024xi32, #tpu.memory_space<vmem>>, vector<16xi32>,
        %add3A_138 = arith.constant 32 : i32
        %add3A_139 = vector.broadcast %add3A_138 : i32 to vector<16xi32>
        %add3A_140 = arith.addi %add3A_139, %iota3A : vector<16xi32>
        %broadcast_in_dim3A_141 = vector.broadcast %while3A_73 : i32 to vector<16xi32>
        %shift_right_arithmetic3A_142 = arith.constant 2 : i32
        %shift_right_arithmetic3A_143 = vector.broadcast %shift_right_arithmetic3A_142 : i32 to vector<16xi32>
        %shift_right_arithmetic3A_144 = arith.shrsi %add3A_140, %shift_right_arithmetic3A_143 : vector<16xi32>
        %gather3A_145 = tpu.vector_load_idx %arg12[%broadcast_in_dim3A_141, %shift_right_arithmetic3A_144] : memref<40x128xi32, #tpu.memory_space<vmem>>[vector<16xi32>, vector<16xi32>], vector<16xi32>,
        %mul3A_146 = arith.constant 4 : i32
        %mul3A_147 = vector.broadcast %mul3A_146 : i32 to vector<16xi32>
        %mul3A_148 = arith.muli %gather3A_145, %mul3A_147 : vector<16xi32>
        %and3A_149 = arith.constant 3 : i32
        %and3A_150 = vector.broadcast %and3A_149 : i32 to vector<16xi32>
        %and3A_151 = arith.andi %add3A_140, %and3A_150 : vector<16xi32>
        %add3A_152 = arith.addi %mul3A_148, %and3A_151 : vector<16xi32>
        %mul3A_153 = arith.constant 512 : i32
        %mul3A_154 = arith.muli %and3A_98, %mul3A_153 : i32
        %add3A_155 = arith.constant 32 : i32
        %add3A_156 = arith.addi %mul3A_154, %add3A_155 : i32
        %swap3A_157 = arith.index_cast %add3A_156 : i32 to index
        %swap3A_158 = tpu.vector_load %arg15[%swap3A_157] {strides = array<i32>} : memref<1024xi32, #tpu.memory_space<vmem>>, vector<16xi32>,
        tpu.vector_store %arg15[%swap3A_157], %add3A_152 {strides = array<i32>} : memref<1024xi32, #tpu.memory_space<vmem>>, vector<16xi32>,
        %add3A_159 = arith.constant 48 : i32
        %add3A_160 = vector.broadcast %add3A_159 : i32 to vector<16xi32>
        %add3A_161 = arith.addi %add3A_160, %iota3A : vector<16xi32>
        %broadcast_in_dim3A_162 = vector.broadcast %while3A_73 : i32 to vector<16xi32>
        %shift_right_arithmetic3A_163 = arith.constant 2 : i32
        %shift_right_arithmetic3A_164 = vector.broadcast %shift_right_arithmetic3A_163 : i32 to vector<16xi32>
        %shift_right_arithmetic3A_165 = arith.shrsi %add3A_161, %shift_right_arithmetic3A_164 : vector<16xi32>
        %gather3A_166 = tpu.vector_load_idx %arg12[%broadcast_in_dim3A_162, %shift_right_arithmetic3A_165] : memref<40x128xi32, #tpu.memory_space<vmem>>[vector<16xi32>, vector<16xi32>], vector<16xi32>,
        %mul3A_167 = arith.constant 4 : i32
        %mul3A_168 = vector.broadcast %mul3A_167 : i32 to vector<16xi32>
        %mul3A_169 = arith.muli %gather3A_166, %mul3A_168 : vector<16xi32>
        %and3A_170 = arith.constant 3 : i32
        %and3A_171 = vector.broadcast %and3A_170 : i32 to vector<16xi32>
        %and3A_172 = arith.andi %add3A_161, %and3A_171 : vector<16xi32>
        %add3A_173 = arith.addi %mul3A_169, %and3A_172 : vector<16xi32>
        %mul3A_174 = arith.constant 512 : i32
        %mul3A_175 = arith.muli %and3A_98, %mul3A_174 : i32
        %add3A_176 = arith.constant 48 : i32
        %add3A_177 = arith.addi %mul3A_175, %add3A_176 : i32
        %swap3A_178 = arith.index_cast %add3A_177 : i32 to index
        %swap3A_179 = tpu.vector_load %arg15[%swap3A_178] {strides = array<i32>} : memref<1024xi32, #tpu.memory_space<vmem>>, vector<16xi32>,
        tpu.vector_store %arg15[%swap3A_178], %add3A_173 {strides = array<i32>} : memref<1024xi32, #tpu.memory_space<vmem>>, vector<16xi32>,
        %add3A_180 = arith.constant 64 : i32
        %add3A_181 = vector.broadcast %add3A_180 : i32 to vector<16xi32>
        %add3A_182 = arith.addi %add3A_181, %iota3A : vector<16xi32>
        %broadcast_in_dim3A_183 = vector.broadcast %while3A_73 : i32 to vector<16xi32>
        %shift_right_arithmetic3A_184 = arith.constant 2 : i32
        %shift_right_arithmetic3A_185 = vector.broadcast %shift_right_arithmetic3A_184 : i32 to vector<16xi32>
        %shift_right_arithmetic3A_186 = arith.shrsi %add3A_182, %shift_right_arithmetic3A_185 : vector<16xi32>
        %gather3A_187 = tpu.vector_load_idx %arg12[%broadcast_in_dim3A_183, %shift_right_arithmetic3A_186] : memref<40x128xi32, #tpu.memory_space<vmem>>[vector<16xi32>, vector<16xi32>], vector<16xi32>,
        %mul3A_188 = arith.constant 4 : i32
        %mul3A_189 = vector.broadcast %mul3A_188 : i32 to vector<16xi32>
        %mul3A_190 = arith.muli %gather3A_187, %mul3A_189 : vector<16xi32>
        %and3A_191 = arith.constant 3 : i32
        %and3A_192 = vector.broadcast %and3A_191 : i32 to vector<16xi32>
        %and3A_193 = arith.andi %add3A_182, %and3A_192 : vector<16xi32>
        %add3A_194 = arith.addi %mul3A_190, %and3A_193 : vector<16xi32>
        %mul3A_195 = arith.constant 512 : i32
        %mul3A_196 = arith.muli %and3A_98, %mul3A_195 : i32
        %add3A_197 = arith.constant 64 : i32
        %add3A_198 = arith.addi %mul3A_196, %add3A_197 : i32
        %swap3A_199 = arith.index_cast %add3A_198 : i32 to index
        %swap3A_200 = tpu.vector_load %arg15[%swap3A_199] {strides = array<i32>} : memref<1024xi32, #tpu.memory_space<vmem>>, vector<16xi32>,
        tpu.vector_store %arg15[%swap3A_199], %add3A_194 {strides = array<i32>} : memref<1024xi32, #tpu.memory_space<vmem>>, vector<16xi32>,
        %add3A_201 = arith.constant 80 : i32
        %add3A_202 = vector.broadcast %add3A_201 : i32 to vector<16xi32>
        %add3A_203 = arith.addi %add3A_202, %iota3A : vector<16xi32>
        %broadcast_in_dim3A_204 = vector.broadcast %while3A_73 : i32 to vector<16xi32>
        %shift_right_arithmetic3A_205 = arith.constant 2 : i32
        %shift_right_arithmetic3A_206 = vector.broadcast %shift_right_arithmetic3A_205 : i32 to vector<16xi32>
        %shift_right_arithmetic3A_207 = arith.shrsi %add3A_203, %shift_right_arithmetic3A_206 : vector<16xi32>
        %gather3A_208 = tpu.vector_load_idx %arg12[%broadcast_in_dim3A_204, %shift_right_arithmetic3A_207] : memref<40x128xi32, #tpu.memory_space<vmem>>[vector<16xi32>, vector<16xi32>], vector<16xi32>,
        %mul3A_209 = arith.constant 4 : i32
        %mul3A_210 = vector.broadcast %mul3A_209 : i32 to vector<16xi32>
        %mul3A_211 = arith.muli %gather3A_208, %mul3A_210 : vector<16xi32>
        %and3A_212 = arith.constant 3 : i32
        %and3A_213 = vector.broadcast %and3A_212 : i32 to vector<16xi32>
        %and3A_214 = arith.andi %add3A_203, %and3A_213 : vector<16xi32>
        %add3A_215 = arith.addi %mul3A_211, %and3A_214 : vector<16xi32>
        %mul3A_216 = arith.constant 512 : i32
        %mul3A_217 = arith.muli %and3A_98, %mul3A_216 : i32
        %add3A_218 = arith.constant 80 : i32
        %add3A_219 = arith.addi %mul3A_217, %add3A_218 : i32
        %swap3A_220 = arith.index_cast %add3A_219 : i32 to index
        %swap3A_221 = tpu.vector_load %arg15[%swap3A_220] {strides = array<i32>} : memref<1024xi32, #tpu.memory_space<vmem>>, vector<16xi32>,
        tpu.vector_store %arg15[%swap3A_220], %add3A_215 {strides = array<i32>} : memref<1024xi32, #tpu.memory_space<vmem>>, vector<16xi32>,
        %add3A_222 = arith.constant 96 : i32
        %add3A_223 = vector.broadcast %add3A_222 : i32 to vector<16xi32>
        %add3A_224 = arith.addi %add3A_223, %iota3A : vector<16xi32>
        %broadcast_in_dim3A_225 = vector.broadcast %while3A_73 : i32 to vector<16xi32>
        %shift_right_arithmetic3A_226 = arith.constant 2 : i32
        %shift_right_arithmetic3A_227 = vector.broadcast %shift_right_arithmetic3A_226 : i32 to vector<16xi32>
        %shift_right_arithmetic3A_228 = arith.shrsi %add3A_224, %shift_right_arithmetic3A_227 : vector<16xi32>
        %gather3A_229 = tpu.vector_load_idx %arg12[%broadcast_in_dim3A_225, %shift_right_arithmetic3A_228] : memref<40x128xi32, #tpu.memory_space<vmem>>[vector<16xi32>, vector<16xi32>], vector<16xi32>,
        %mul3A_230 = arith.constant 4 : i32
        %mul3A_231 = vector.broadcast %mul3A_230 : i32 to vector<16xi32>
        %mul3A_232 = arith.muli %gather3A_229, %mul3A_231 : vector<16xi32>
        %and3A_233 = arith.constant 3 : i32
        %and3A_234 = vector.broadcast %and3A_233 : i32 to vector<16xi32>
        %and3A_235 = arith.andi %add3A_224, %and3A_234 : vector<16xi32>
        %add3A_236 = arith.addi %mul3A_232, %and3A_235 : vector<16xi32>
        %mul3A_237 = arith.constant 512 : i32
        %mul3A_238 = arith.muli %and3A_98, %mul3A_237 : i32
        %add3A_239 = arith.constant 96 : i32
        %add3A_240 = arith.addi %mul3A_238, %add3A_239 : i32
        %swap3A_241 = arith.index_cast %add3A_240 : i32 to index
        %swap3A_242 = tpu.vector_load %arg15[%swap3A_241] {strides = array<i32>} : memref<1024xi32, #tpu.memory_space<vmem>>, vector<16xi32>,
        tpu.vector_store %arg15[%swap3A_241], %add3A_236 {strides = array<i32>} : memref<1024xi32, #tpu.memory_space<vmem>>, vector<16xi32>,
        %add3A_243 = arith.constant 112 : i32
        %add3A_244 = vector.broadcast %add3A_243 : i32 to vector<16xi32>
        %add3A_245 = arith.addi %add3A_244, %iota3A : vector<16xi32>
        %broadcast_in_dim3A_246 = vector.broadcast %while3A_73 : i32 to vector<16xi32>
        %shift_right_arithmetic3A_247 = arith.constant 2 : i32
        %shift_right_arithmetic3A_248 = vector.broadcast %shift_right_arithmetic3A_247 : i32 to vector<16xi32>
        %shift_right_arithmetic3A_249 = arith.shrsi %add3A_245, %shift_right_arithmetic3A_248 : vector<16xi32>
        %gather3A_250 = tpu.vector_load_idx %arg12[%broadcast_in_dim3A_246, %shift_right_arithmetic3A_249] : memref<40x128xi32, #tpu.memory_space<vmem>>[vector<16xi32>, vector<16xi32>], vector<16xi32>,
        %mul3A_251 = arith.constant 4 : i32
        %mul3A_252 = vector.broadcast %mul3A_251 : i32 to vector<16xi32>
        %mul3A_253 = arith.muli %gather3A_250, %mul3A_252 : vector<16xi32>
        %and3A_254 = arith.constant 3 : i32
        %and3A_255 = vector.broadcast %and3A_254 : i32 to vector<16xi32>
        %and3A_256 = arith.andi %add3A_245, %and3A_255 : vector<16xi32>
        %add3A_257 = arith.addi %mul3A_253, %and3A_256 : vector<16xi32>
        %mul3A_258 = arith.constant 512 : i32
        %mul3A_259 = arith.muli %and3A_98, %mul3A_258 : i32
        %add3A_260 = arith.constant 112 : i32
        %add3A_261 = arith.addi %mul3A_259, %add3A_260 : i32
        %swap3A_262 = arith.index_cast %add3A_261 : i32 to index
        %swap3A_263 = tpu.vector_load %arg15[%swap3A_262] {strides = array<i32>} : memref<1024xi32, #tpu.memory_space<vmem>>, vector<16xi32>,
        tpu.vector_store %arg15[%swap3A_262], %add3A_257 {strides = array<i32>} : memref<1024xi32, #tpu.memory_space<vmem>>, vector<16xi32>,
        %add3A_264 = arith.constant 128 : i32
        %add3A_265 = vector.broadcast %add3A_264 : i32 to vector<16xi32>
        %add3A_266 = arith.addi %add3A_265, %iota3A : vector<16xi32>
        %broadcast_in_dim3A_267 = vector.broadcast %while3A_73 : i32 to vector<16xi32>
        %shift_right_arithmetic3A_268 = arith.constant 2 : i32
        %shift_right_arithmetic3A_269 = vector.broadcast %shift_right_arithmetic3A_268 : i32 to vector<16xi32>
        %shift_right_arithmetic3A_270 = arith.shrsi %add3A_266, %shift_right_arithmetic3A_269 : vector<16xi32>
        %gather3A_271 = tpu.vector_load_idx %arg12[%broadcast_in_dim3A_267, %shift_right_arithmetic3A_270] : memref<40x128xi32, #tpu.memory_space<vmem>>[vector<16xi32>, vector<16xi32>], vector<16xi32>,
        %mul3A_272 = arith.constant 4 : i32
        %mul3A_273 = vector.broadcast %mul3A_272 : i32 to vector<16xi32>
        %mul3A_274 = arith.muli %gather3A_271, %mul3A_273 : vector<16xi32>
        %and3A_275 = arith.constant 3 : i32
        %and3A_276 = vector.broadcast %and3A_275 : i32 to vector<16xi32>
        %and3A_277 = arith.andi %add3A_266, %and3A_276 : vector<16xi32>
        %add3A_278 = arith.addi %mul3A_274, %and3A_277 : vector<16xi32>
        %mul3A_279 = arith.constant 512 : i32
        %mul3A_280 = arith.muli %and3A_98, %mul3A_279 : i32
        %add3A_281 = arith.constant 128 : i32
        %add3A_282 = arith.addi %mul3A_280, %add3A_281 : i32
        %swap3A_283 = arith.index_cast %add3A_282 : i32 to index
        %swap3A_284 = tpu.vector_load %arg15[%swap3A_283] {strides = array<i32>} : memref<1024xi32, #tpu.memory_space<vmem>>, vector<16xi32>,
        tpu.vector_store %arg15[%swap3A_283], %add3A_278 {strides = array<i32>} : memref<1024xi32, #tpu.memory_space<vmem>>, vector<16xi32>,
        %add3A_285 = arith.constant 144 : i32
        %add3A_286 = vector.broadcast %add3A_285 : i32 to vector<16xi32>
        %add3A_287 = arith.addi %add3A_286, %iota3A : vector<16xi32>
        %broadcast_in_dim3A_288 = vector.broadcast %while3A_73 : i32 to vector<16xi32>
        %shift_right_arithmetic3A_289 = arith.constant 2 : i32
        %shift_right_arithmetic3A_290 = vector.broadcast %shift_right_arithmetic3A_289 : i32 to vector<16xi32>
        %shift_right_arithmetic3A_291 = arith.shrsi %add3A_287, %shift_right_arithmetic3A_290 : vector<16xi32>
        %gather3A_292 = tpu.vector_load_idx %arg12[%broadcast_in_dim3A_288, %shift_right_arithmetic3A_291] : memref<40x128xi32, #tpu.memory_space<vmem>>[vector<16xi32>, vector<16xi32>], vector<16xi32>,
        %mul3A_293 = arith.constant 4 : i32
        %mul3A_294 = vector.broadcast %mul3A_293 : i32 to vector<16xi32>
        %mul3A_295 = arith.muli %gather3A_292, %mul3A_294 : vector<16xi32>
        %and3A_296 = arith.constant 3 : i32
        %and3A_297 = vector.broadcast %and3A_296 : i32 to vector<16xi32>
        %and3A_298 = arith.andi %add3A_287, %and3A_297 : vector<16xi32>
        %add3A_299 = arith.addi %mul3A_295, %and3A_298 : vector<16xi32>
        %mul3A_300 = arith.constant 512 : i32
        %mul3A_301 = arith.muli %and3A_98, %mul3A_300 : i32
        %add3A_302 = arith.constant 144 : i32
        %add3A_303 = arith.addi %mul3A_301, %add3A_302 : i32
        %swap3A_304 = arith.index_cast %add3A_303 : i32 to index
        %swap3A_305 = tpu.vector_load %arg15[%swap3A_304] {strides = array<i32>} : memref<1024xi32, #tpu.memory_space<vmem>>, vector<16xi32>,
        tpu.vector_store %arg15[%swap3A_304], %add3A_299 {strides = array<i32>} : memref<1024xi32, #tpu.memory_space<vmem>>, vector<16xi32>,
        %add3A_306 = arith.constant 160 : i32
        %add3A_307 = vector.broadcast %add3A_306 : i32 to vector<16xi32>
        %add3A_308 = arith.addi %add3A_307, %iota3A : vector<16xi32>
        %broadcast_in_dim3A_309 = vector.broadcast %while3A_73 : i32 to vector<16xi32>
        %shift_right_arithmetic3A_310 = arith.constant 2 : i32
        %shift_right_arithmetic3A_311 = vector.broadcast %shift_right_arithmetic3A_310 : i32 to vector<16xi32>
        %shift_right_arithmetic3A_312 = arith.shrsi %add3A_308, %shift_right_arithmetic3A_311 : vector<16xi32>
        %gather3A_313 = tpu.vector_load_idx %arg12[%broadcast_in_dim3A_309, %shift_right_arithmetic3A_312] : memref<40x128xi32, #tpu.memory_space<vmem>>[vector<16xi32>, vector<16xi32>], vector<16xi32>,
        %mul3A_314 = arith.constant 4 : i32
        %mul3A_315 = vector.broadcast %mul3A_314 : i32 to vector<16xi32>
        %mul3A_316 = arith.muli %gather3A_313, %mul3A_315 : vector<16xi32>
        %and3A_317 = arith.constant 3 : i32
        %and3A_318 = vector.broadcast %and3A_317 : i32 to vector<16xi32>
        %and3A_319 = arith.andi %add3A_308, %and3A_318 : vector<16xi32>
        %add3A_320 = arith.addi %mul3A_316, %and3A_319 : vector<16xi32>
        %mul3A_321 = arith.constant 512 : i32
        %mul3A_322 = arith.muli %and3A_98, %mul3A_321 : i32
        %add3A_323 = arith.constant 160 : i32
        %add3A_324 = arith.addi %mul3A_322, %add3A_323 : i32
        %swap3A_325 = arith.index_cast %add3A_324 : i32 to index
        %swap3A_326 = tpu.vector_load %arg15[%swap3A_325] {strides = array<i32>} : memref<1024xi32, #tpu.memory_space<vmem>>, vector<16xi32>,
        tpu.vector_store %arg15[%swap3A_325], %add3A_320 {strides = array<i32>} : memref<1024xi32, #tpu.memory_space<vmem>>, vector<16xi32>,
        %add3A_327 = arith.constant 176 : i32
        %add3A_328 = vector.broadcast %add3A_327 : i32 to vector<16xi32>
        %add3A_329 = arith.addi %add3A_328, %iota3A : vector<16xi32>
        %broadcast_in_dim3A_330 = vector.broadcast %while3A_73 : i32 to vector<16xi32>
        %shift_right_arithmetic3A_331 = arith.constant 2 : i32
        %shift_right_arithmetic3A_332 = vector.broadcast %shift_right_arithmetic3A_331 : i32 to vector<16xi32>
        %shift_right_arithmetic3A_333 = arith.shrsi %add3A_329, %shift_right_arithmetic3A_332 : vector<16xi32>
        %gather3A_334 = tpu.vector_load_idx %arg12[%broadcast_in_dim3A_330, %shift_right_arithmetic3A_333] : memref<40x128xi32, #tpu.memory_space<vmem>>[vector<16xi32>, vector<16xi32>], vector<16xi32>,
        %mul3A_335 = arith.constant 4 : i32
        %mul3A_336 = vector.broadcast %mul3A_335 : i32 to vector<16xi32>
        %mul3A_337 = arith.muli %gather3A_334, %mul3A_336 : vector<16xi32>
        %and3A_338 = arith.constant 3 : i32
        %and3A_339 = vector.broadcast %and3A_338 : i32 to vector<16xi32>
        %and3A_340 = arith.andi %add3A_329, %and3A_339 : vector<16xi32>
        %add3A_341 = arith.addi %mul3A_337, %and3A_340 : vector<16xi32>
        %mul3A_342 = arith.constant 512 : i32
        %mul3A_343 = arith.muli %and3A_98, %mul3A_342 : i32
        %add3A_344 = arith.constant 176 : i32
        %add3A_345 = arith.addi %mul3A_343, %add3A_344 : i32
        %swap3A_346 = arith.index_cast %add3A_345 : i32 to index
        %swap3A_347 = tpu.vector_load %arg15[%swap3A_346] {strides = array<i32>} : memref<1024xi32, #tpu.memory_space<vmem>>, vector<16xi32>,
        tpu.vector_store %arg15[%swap3A_346], %add3A_341 {strides = array<i32>} : memref<1024xi32, #tpu.memory_space<vmem>>, vector<16xi32>,
        %add3A_348 = arith.constant 192 : i32
        %add3A_349 = vector.broadcast %add3A_348 : i32 to vector<16xi32>
        %add3A_350 = arith.addi %add3A_349, %iota3A : vector<16xi32>
        %broadcast_in_dim3A_351 = vector.broadcast %while3A_73 : i32 to vector<16xi32>
        %shift_right_arithmetic3A_352 = arith.constant 2 : i32
        %shift_right_arithmetic3A_353 = vector.broadcast %shift_right_arithmetic3A_352 : i32 to vector<16xi32>
        %shift_right_arithmetic3A_354 = arith.shrsi %add3A_350, %shift_right_arithmetic3A_353 : vector<16xi32>
        %gather3A_355 = tpu.vector_load_idx %arg12[%broadcast_in_dim3A_351, %shift_right_arithmetic3A_354] : memref<40x128xi32, #tpu.memory_space<vmem>>[vector<16xi32>, vector<16xi32>], vector<16xi32>,
        %mul3A_356 = arith.constant 4 : i32
        %mul3A_357 = vector.broadcast %mul3A_356 : i32 to vector<16xi32>
        %mul3A_358 = arith.muli %gather3A_355, %mul3A_357 : vector<16xi32>
        %and3A_359 = arith.constant 3 : i32
        %and3A_360 = vector.broadcast %and3A_359 : i32 to vector<16xi32>
        %and3A_361 = arith.andi %add3A_350, %and3A_360 : vector<16xi32>
        %add3A_362 = arith.addi %mul3A_358, %and3A_361 : vector<16xi32>
        %mul3A_363 = arith.constant 512 : i32
        %mul3A_364 = arith.muli %and3A_98, %mul3A_363 : i32
        %add3A_365 = arith.constant 192 : i32
        %add3A_366 = arith.addi %mul3A_364, %add3A_365 : i32
        %swap3A_367 = arith.index_cast %add3A_366 : i32 to index
        %swap3A_368 = tpu.vector_load %arg15[%swap3A_367] {strides = array<i32>} : memref<1024xi32, #tpu.memory_space<vmem>>, vector<16xi32>,
        tpu.vector_store %arg15[%swap3A_367], %add3A_362 {strides = array<i32>} : memref<1024xi32, #tpu.memory_space<vmem>>, vector<16xi32>,
        %add3A_369 = arith.constant 208 : i32
        %add3A_370 = vector.broadcast %add3A_369 : i32 to vector<16xi32>
        %add3A_371 = arith.addi %add3A_370, %iota3A : vector<16xi32>
        %broadcast_in_dim3A_372 = vector.broadcast %while3A_73 : i32 to vector<16xi32>
        %shift_right_arithmetic3A_373 = arith.constant 2 : i32
        %shift_right_arithmetic3A_374 = vector.broadcast %shift_right_arithmetic3A_373 : i32 to vector<16xi32>
        %shift_right_arithmetic3A_375 = arith.shrsi %add3A_371, %shift_right_arithmetic3A_374 : vector<16xi32>
        %gather3A_376 = tpu.vector_load_idx %arg12[%broadcast_in_dim3A_372, %shift_right_arithmetic3A_375] : memref<40x128xi32, #tpu.memory_space<vmem>>[vector<16xi32>, vector<16xi32>], vector<16xi32>,
        %mul3A_377 = arith.constant 4 : i32
        %mul3A_378 = vector.broadcast %mul3A_377 : i32 to vector<16xi32>
        %mul3A_379 = arith.muli %gather3A_376, %mul3A_378 : vector<16xi32>
        %and3A_380 = arith.constant 3 : i32
        %and3A_381 = vector.broadcast %and3A_380 : i32 to vector<16xi32>
        %and3A_382 = arith.andi %add3A_371, %and3A_381 : vector<16xi32>
        %add3A_383 = arith.addi %mul3A_379, %and3A_382 : vector<16xi32>
        %mul3A_384 = arith.constant 512 : i32
        %mul3A_385 = arith.muli %and3A_98, %mul3A_384 : i32
        %add3A_386 = arith.constant 208 : i32
        %add3A_387 = arith.addi %mul3A_385, %add3A_386 : i32
        %swap3A_388 = arith.index_cast %add3A_387 : i32 to index
        %swap3A_389 = tpu.vector_load %arg15[%swap3A_388] {strides = array<i32>} : memref<1024xi32, #tpu.memory_space<vmem>>, vector<16xi32>,
        tpu.vector_store %arg15[%swap3A_388], %add3A_383 {strides = array<i32>} : memref<1024xi32, #tpu.memory_space<vmem>>, vector<16xi32>,
        %add3A_390 = arith.constant 224 : i32
        %add3A_391 = vector.broadcast %add3A_390 : i32 to vector<16xi32>
        %add3A_392 = arith.addi %add3A_391, %iota3A : vector<16xi32>
        %broadcast_in_dim3A_393 = vector.broadcast %while3A_73 : i32 to vector<16xi32>
        %shift_right_arithmetic3A_394 = arith.constant 2 : i32
        %shift_right_arithmetic3A_395 = vector.broadcast %shift_right_arithmetic3A_394 : i32 to vector<16xi32>
        %shift_right_arithmetic3A_396 = arith.shrsi %add3A_392, %shift_right_arithmetic3A_395 : vector<16xi32>
        %gather3A_397 = tpu.vector_load_idx %arg12[%broadcast_in_dim3A_393, %shift_right_arithmetic3A_396] : memref<40x128xi32, #tpu.memory_space<vmem>>[vector<16xi32>, vector<16xi32>], vector<16xi32>,
        %mul3A_398 = arith.constant 4 : i32
        %mul3A_399 = vector.broadcast %mul3A_398 : i32 to vector<16xi32>
        %mul3A_400 = arith.muli %gather3A_397, %mul3A_399 : vector<16xi32>
        %and3A_401 = arith.constant 3 : i32
        %and3A_402 = vector.broadcast %and3A_401 : i32 to vector<16xi32>
        %and3A_403 = arith.andi %add3A_392, %and3A_402 : vector<16xi32>
        %add3A_404 = arith.addi %mul3A_400, %and3A_403 : vector<16xi32>
        %mul3A_405 = arith.constant 512 : i32
        %mul3A_406 = arith.muli %and3A_98, %mul3A_405 : i32
        %add3A_407 = arith.constant 224 : i32
        %add3A_408 = arith.addi %mul3A_406, %add3A_407 : i32
        %swap3A_409 = arith.index_cast %add3A_408 : i32 to index
        %swap3A_410 = tpu.vector_load %arg15[%swap3A_409] {strides = array<i32>} : memref<1024xi32, #tpu.memory_space<vmem>>, vector<16xi32>,
        tpu.vector_store %arg15[%swap3A_409], %add3A_404 {strides = array<i32>} : memref<1024xi32, #tpu.memory_space<vmem>>, vector<16xi32>,
        %add3A_411 = arith.constant 240 : i32
        %add3A_412 = vector.broadcast %add3A_411 : i32 to vector<16xi32>
        %add3A_413 = arith.addi %add3A_412, %iota3A : vector<16xi32>
        %broadcast_in_dim3A_414 = vector.broadcast %while3A_73 : i32 to vector<16xi32>
        %shift_right_arithmetic3A_415 = arith.constant 2 : i32
        %shift_right_arithmetic3A_416 = vector.broadcast %shift_right_arithmetic3A_415 : i32 to vector<16xi32>
        %shift_right_arithmetic3A_417 = arith.shrsi %add3A_413, %shift_right_arithmetic3A_416 : vector<16xi32>
        %gather3A_418 = tpu.vector_load_idx %arg12[%broadcast_in_dim3A_414, %shift_right_arithmetic3A_417] : memref<40x128xi32, #tpu.memory_space<vmem>>[vector<16xi32>, vector<16xi32>], vector<16xi32>,
        %mul3A_419 = arith.constant 4 : i32
        %mul3A_420 = vector.broadcast %mul3A_419 : i32 to vector<16xi32>
        %mul3A_421 = arith.muli %gather3A_418, %mul3A_420 : vector<16xi32>
        %and3A_422 = arith.constant 3 : i32
        %and3A_423 = vector.broadcast %and3A_422 : i32 to vector<16xi32>
        %and3A_424 = arith.andi %add3A_413, %and3A_423 : vector<16xi32>
        %add3A_425 = arith.addi %mul3A_421, %and3A_424 : vector<16xi32>
        %mul3A_426 = arith.constant 512 : i32
        %mul3A_427 = arith.muli %and3A_98, %mul3A_426 : i32
        %add3A_428 = arith.constant 240 : i32
        %add3A_429 = arith.addi %mul3A_427, %add3A_428 : i32
        %swap3A_430 = arith.index_cast %add3A_429 : i32 to index
        %swap3A_431 = tpu.vector_load %arg15[%swap3A_430] {strides = array<i32>} : memref<1024xi32, #tpu.memory_space<vmem>>, vector<16xi32>,
        tpu.vector_store %arg15[%swap3A_430], %add3A_425 {strides = array<i32>} : memref<1024xi32, #tpu.memory_space<vmem>>, vector<16xi32>,
        %add3A_432 = arith.constant 256 : i32
        %add3A_433 = vector.broadcast %add3A_432 : i32 to vector<16xi32>
        %add3A_434 = arith.addi %add3A_433, %iota3A : vector<16xi32>
        %broadcast_in_dim3A_435 = vector.broadcast %while3A_73 : i32 to vector<16xi32>
        %shift_right_arithmetic3A_436 = arith.constant 2 : i32
        %shift_right_arithmetic3A_437 = vector.broadcast %shift_right_arithmetic3A_436 : i32 to vector<16xi32>
        %shift_right_arithmetic3A_438 = arith.shrsi %add3A_434, %shift_right_arithmetic3A_437 : vector<16xi32>
        %gather3A_439 = tpu.vector_load_idx %arg12[%broadcast_in_dim3A_435, %shift_right_arithmetic3A_438] : memref<40x128xi32, #tpu.memory_space<vmem>>[vector<16xi32>, vector<16xi32>], vector<16xi32>,
        %mul3A_440 = arith.constant 4 : i32
        %mul3A_441 = vector.broadcast %mul3A_440 : i32 to vector<16xi32>
        %mul3A_442 = arith.muli %gather3A_439, %mul3A_441 : vector<16xi32>
        %and3A_443 = arith.constant 3 : i32
        %and3A_444 = vector.broadcast %and3A_443 : i32 to vector<16xi32>
        %and3A_445 = arith.andi %add3A_434, %and3A_444 : vector<16xi32>
        %add3A_446 = arith.addi %mul3A_442, %and3A_445 : vector<16xi32>
        %mul3A_447 = arith.constant 512 : i32
        %mul3A_448 = arith.muli %and3A_98, %mul3A_447 : i32
        %add3A_449 = arith.constant 256 : i32
        %add3A_450 = arith.addi %mul3A_448, %add3A_449 : i32
        %swap3A_451 = arith.index_cast %add3A_450 : i32 to index
        %swap3A_452 = tpu.vector_load %arg15[%swap3A_451] {strides = array<i32>} : memref<1024xi32, #tpu.memory_space<vmem>>, vector<16xi32>,
        tpu.vector_store %arg15[%swap3A_451], %add3A_446 {strides = array<i32>} : memref<1024xi32, #tpu.memory_space<vmem>>, vector<16xi32>,
        %add3A_453 = arith.constant 272 : i32
        %add3A_454 = vector.broadcast %add3A_453 : i32 to vector<16xi32>
        %add3A_455 = arith.addi %add3A_454, %iota3A : vector<16xi32>
        %broadcast_in_dim3A_456 = vector.broadcast %while3A_73 : i32 to vector<16xi32>
        %shift_right_arithmetic3A_457 = arith.constant 2 : i32
        %shift_right_arithmetic3A_458 = vector.broadcast %shift_right_arithmetic3A_457 : i32 to vector<16xi32>
        %shift_right_arithmetic3A_459 = arith.shrsi %add3A_455, %shift_right_arithmetic3A_458 : vector<16xi32>
        %gather3A_460 = tpu.vector_load_idx %arg12[%broadcast_in_dim3A_456, %shift_right_arithmetic3A_459] : memref<40x128xi32, #tpu.memory_space<vmem>>[vector<16xi32>, vector<16xi32>], vector<16xi32>,
        %mul3A_461 = arith.constant 4 : i32
        %mul3A_462 = vector.broadcast %mul3A_461 : i32 to vector<16xi32>
        %mul3A_463 = arith.muli %gather3A_460, %mul3A_462 : vector<16xi32>
        %and3A_464 = arith.constant 3 : i32
        %and3A_465 = vector.broadcast %and3A_464 : i32 to vector<16xi32>
        %and3A_466 = arith.andi %add3A_455, %and3A_465 : vector<16xi32>
        %add3A_467 = arith.addi %mul3A_463, %and3A_466 : vector<16xi32>
        %mul3A_468 = arith.constant 512 : i32
        %mul3A_469 = arith.muli %and3A_98, %mul3A_468 : i32
        %add3A_470 = arith.constant 272 : i32
        %add3A_471 = arith.addi %mul3A_469, %add3A_470 : i32
        %swap3A_472 = arith.index_cast %add3A_471 : i32 to index
        %swap3A_473 = tpu.vector_load %arg15[%swap3A_472] {strides = array<i32>} : memref<1024xi32, #tpu.memory_space<vmem>>, vector<16xi32>,
        tpu.vector_store %arg15[%swap3A_472], %add3A_467 {strides = array<i32>} : memref<1024xi32, #tpu.memory_space<vmem>>, vector<16xi32>,
        %add3A_474 = arith.constant 288 : i32
        %add3A_475 = vector.broadcast %add3A_474 : i32 to vector<16xi32>
        %add3A_476 = arith.addi %add3A_475, %iota3A : vector<16xi32>
        %broadcast_in_dim3A_477 = vector.broadcast %while3A_73 : i32 to vector<16xi32>
        %shift_right_arithmetic3A_478 = arith.constant 2 : i32
        %shift_right_arithmetic3A_479 = vector.broadcast %shift_right_arithmetic3A_478 : i32 to vector<16xi32>
        %shift_right_arithmetic3A_480 = arith.shrsi %add3A_476, %shift_right_arithmetic3A_479 : vector<16xi32>
        %gather3A_481 = tpu.vector_load_idx %arg12[%broadcast_in_dim3A_477, %shift_right_arithmetic3A_480] : memref<40x128xi32, #tpu.memory_space<vmem>>[vector<16xi32>, vector<16xi32>], vector<16xi32>,
        %mul3A_482 = arith.constant 4 : i32
        %mul3A_483 = vector.broadcast %mul3A_482 : i32 to vector<16xi32>
        %mul3A_484 = arith.muli %gather3A_481, %mul3A_483 : vector<16xi32>
        %and3A_485 = arith.constant 3 : i32
        %and3A_486 = vector.broadcast %and3A_485 : i32 to vector<16xi32>
        %and3A_487 = arith.andi %add3A_476, %and3A_486 : vector<16xi32>
        %add3A_488 = arith.addi %mul3A_484, %and3A_487 : vector<16xi32>
        %mul3A_489 = arith.constant 512 : i32
        %mul3A_490 = arith.muli %and3A_98, %mul3A_489 : i32
        %add3A_491 = arith.constant 288 : i32
        %add3A_492 = arith.addi %mul3A_490, %add3A_491 : i32
        %swap3A_493 = arith.index_cast %add3A_492 : i32 to index
        %swap3A_494 = tpu.vector_load %arg15[%swap3A_493] {strides = array<i32>} : memref<1024xi32, #tpu.memory_space<vmem>>, vector<16xi32>,
        tpu.vector_store %arg15[%swap3A_493], %add3A_488 {strides = array<i32>} : memref<1024xi32, #tpu.memory_space<vmem>>, vector<16xi32>,
        %add3A_495 = arith.constant 304 : i32
        %add3A_496 = vector.broadcast %add3A_495 : i32 to vector<16xi32>
        %add3A_497 = arith.addi %add3A_496, %iota3A : vector<16xi32>
        %broadcast_in_dim3A_498 = vector.broadcast %while3A_73 : i32 to vector<16xi32>
        %shift_right_arithmetic3A_499 = arith.constant 2 : i32
        %shift_right_arithmetic3A_500 = vector.broadcast %shift_right_arithmetic3A_499 : i32 to vector<16xi32>
        %shift_right_arithmetic3A_501 = arith.shrsi %add3A_497, %shift_right_arithmetic3A_500 : vector<16xi32>
        %gather3A_502 = tpu.vector_load_idx %arg12[%broadcast_in_dim3A_498, %shift_right_arithmetic3A_501] : memref<40x128xi32, #tpu.memory_space<vmem>>[vector<16xi32>, vector<16xi32>], vector<16xi32>,
        %mul3A_503 = arith.constant 4 : i32
        %mul3A_504 = vector.broadcast %mul3A_503 : i32 to vector<16xi32>
        %mul3A_505 = arith.muli %gather3A_502, %mul3A_504 : vector<16xi32>
        %and3A_506 = arith.constant 3 : i32
        %and3A_507 = vector.broadcast %and3A_506 : i32 to vector<16xi32>
        %and3A_508 = arith.andi %add3A_497, %and3A_507 : vector<16xi32>
        %add3A_509 = arith.addi %mul3A_505, %and3A_508 : vector<16xi32>
        %mul3A_510 = arith.constant 512 : i32
        %mul3A_511 = arith.muli %and3A_98, %mul3A_510 : i32
        %add3A_512 = arith.constant 304 : i32
        %add3A_513 = arith.addi %mul3A_511, %add3A_512 : i32
        %swap3A_514 = arith.index_cast %add3A_513 : i32 to index
        %swap3A_515 = tpu.vector_load %arg15[%swap3A_514] {strides = array<i32>} : memref<1024xi32, #tpu.memory_space<vmem>>, vector<16xi32>,
        tpu.vector_store %arg15[%swap3A_514], %add3A_509 {strides = array<i32>} : memref<1024xi32, #tpu.memory_space<vmem>>, vector<16xi32>,
        %add3A_516 = arith.constant 320 : i32
        %add3A_517 = vector.broadcast %add3A_516 : i32 to vector<16xi32>
        %add3A_518 = arith.addi %add3A_517, %iota3A : vector<16xi32>
        %broadcast_in_dim3A_519 = vector.broadcast %while3A_73 : i32 to vector<16xi32>
        %shift_right_arithmetic3A_520 = arith.constant 2 : i32
        %shift_right_arithmetic3A_521 = vector.broadcast %shift_right_arithmetic3A_520 : i32 to vector<16xi32>
        %shift_right_arithmetic3A_522 = arith.shrsi %add3A_518, %shift_right_arithmetic3A_521 : vector<16xi32>
        %gather3A_523 = tpu.vector_load_idx %arg12[%broadcast_in_dim3A_519, %shift_right_arithmetic3A_522] : memref<40x128xi32, #tpu.memory_space<vmem>>[vector<16xi32>, vector<16xi32>], vector<16xi32>,
        %mul3A_524 = arith.constant 4 : i32
        %mul3A_525 = vector.broadcast %mul3A_524 : i32 to vector<16xi32>
        %mul3A_526 = arith.muli %gather3A_523, %mul3A_525 : vector<16xi32>
        %and3A_527 = arith.constant 3 : i32
        %and3A_528 = vector.broadcast %and3A_527 : i32 to vector<16xi32>
        %and3A_529 = arith.andi %add3A_518, %and3A_528 : vector<16xi32>
        %add3A_530 = arith.addi %mul3A_526, %and3A_529 : vector<16xi32>
        %mul3A_531 = arith.constant 512 : i32
        %mul3A_532 = arith.muli %and3A_98, %mul3A_531 : i32
        %add3A_533 = arith.constant 320 : i32
        %add3A_534 = arith.addi %mul3A_532, %add3A_533 : i32
        %swap3A_535 = arith.index_cast %add3A_534 : i32 to index
        %swap3A_536 = tpu.vector_load %arg15[%swap3A_535] {strides = array<i32>} : memref<1024xi32, #tpu.memory_space<vmem>>, vector<16xi32>,
        tpu.vector_store %arg15[%swap3A_535], %add3A_530 {strides = array<i32>} : memref<1024xi32, #tpu.memory_space<vmem>>, vector<16xi32>,
        %add3A_537 = arith.constant 336 : i32
        %add3A_538 = vector.broadcast %add3A_537 : i32 to vector<16xi32>
        %add3A_539 = arith.addi %add3A_538, %iota3A : vector<16xi32>
        %broadcast_in_dim3A_540 = vector.broadcast %while3A_73 : i32 to vector<16xi32>
        %shift_right_arithmetic3A_541 = arith.constant 2 : i32
        %shift_right_arithmetic3A_542 = vector.broadcast %shift_right_arithmetic3A_541 : i32 to vector<16xi32>
        %shift_right_arithmetic3A_543 = arith.shrsi %add3A_539, %shift_right_arithmetic3A_542 : vector<16xi32>
        %gather3A_544 = tpu.vector_load_idx %arg12[%broadcast_in_dim3A_540, %shift_right_arithmetic3A_543] : memref<40x128xi32, #tpu.memory_space<vmem>>[vector<16xi32>, vector<16xi32>], vector<16xi32>,
        %mul3A_545 = arith.constant 4 : i32
        %mul3A_546 = vector.broadcast %mul3A_545 : i32 to vector<16xi32>
        %mul3A_547 = arith.muli %gather3A_544, %mul3A_546 : vector<16xi32>
        %and3A_548 = arith.constant 3 : i32
        %and3A_549 = vector.broadcast %and3A_548 : i32 to vector<16xi32>
        %and3A_550 = arith.andi %add3A_539, %and3A_549 : vector<16xi32>
        %add3A_551 = arith.addi %mul3A_547, %and3A_550 : vector<16xi32>
        %mul3A_552 = arith.constant 512 : i32
        %mul3A_553 = arith.muli %and3A_98, %mul3A_552 : i32
        %add3A_554 = arith.constant 336 : i32
        %add3A_555 = arith.addi %mul3A_553, %add3A_554 : i32
        %swap3A_556 = arith.index_cast %add3A_555 : i32 to index
        %swap3A_557 = tpu.vector_load %arg15[%swap3A_556] {strides = array<i32>} : memref<1024xi32, #tpu.memory_space<vmem>>, vector<16xi32>,
        tpu.vector_store %arg15[%swap3A_556], %add3A_551 {strides = array<i32>} : memref<1024xi32, #tpu.memory_space<vmem>>, vector<16xi32>,
        %add3A_558 = arith.constant 352 : i32
        %add3A_559 = vector.broadcast %add3A_558 : i32 to vector<16xi32>
        %add3A_560 = arith.addi %add3A_559, %iota3A : vector<16xi32>
        %broadcast_in_dim3A_561 = vector.broadcast %while3A_73 : i32 to vector<16xi32>
        %shift_right_arithmetic3A_562 = arith.constant 2 : i32
        %shift_right_arithmetic3A_563 = vector.broadcast %shift_right_arithmetic3A_562 : i32 to vector<16xi32>
        %shift_right_arithmetic3A_564 = arith.shrsi %add3A_560, %shift_right_arithmetic3A_563 : vector<16xi32>
        %gather3A_565 = tpu.vector_load_idx %arg12[%broadcast_in_dim3A_561, %shift_right_arithmetic3A_564] : memref<40x128xi32, #tpu.memory_space<vmem>>[vector<16xi32>, vector<16xi32>], vector<16xi32>,
        %mul3A_566 = arith.constant 4 : i32
        %mul3A_567 = vector.broadcast %mul3A_566 : i32 to vector<16xi32>
        %mul3A_568 = arith.muli %gather3A_565, %mul3A_567 : vector<16xi32>
        %and3A_569 = arith.constant 3 : i32
        %and3A_570 = vector.broadcast %and3A_569 : i32 to vector<16xi32>
        %and3A_571 = arith.andi %add3A_560, %and3A_570 : vector<16xi32>
        %add3A_572 = arith.addi %mul3A_568, %and3A_571 : vector<16xi32>
        %mul3A_573 = arith.constant 512 : i32
        %mul3A_574 = arith.muli %and3A_98, %mul3A_573 : i32
        %add3A_575 = arith.constant 352 : i32
        %add3A_576 = arith.addi %mul3A_574, %add3A_575 : i32
        %swap3A_577 = arith.index_cast %add3A_576 : i32 to index
        %swap3A_578 = tpu.vector_load %arg15[%swap3A_577] {strides = array<i32>} : memref<1024xi32, #tpu.memory_space<vmem>>, vector<16xi32>,
        tpu.vector_store %arg15[%swap3A_577], %add3A_572 {strides = array<i32>} : memref<1024xi32, #tpu.memory_space<vmem>>, vector<16xi32>,
        %add3A_579 = arith.constant 368 : i32
        %add3A_580 = vector.broadcast %add3A_579 : i32 to vector<16xi32>
        %add3A_581 = arith.addi %add3A_580, %iota3A : vector<16xi32>
        %broadcast_in_dim3A_582 = vector.broadcast %while3A_73 : i32 to vector<16xi32>
        %shift_right_arithmetic3A_583 = arith.constant 2 : i32
        %shift_right_arithmetic3A_584 = vector.broadcast %shift_right_arithmetic3A_583 : i32 to vector<16xi32>
        %shift_right_arithmetic3A_585 = arith.shrsi %add3A_581, %shift_right_arithmetic3A_584 : vector<16xi32>
        %gather3A_586 = tpu.vector_load_idx %arg12[%broadcast_in_dim3A_582, %shift_right_arithmetic3A_585] : memref<40x128xi32, #tpu.memory_space<vmem>>[vector<16xi32>, vector<16xi32>], vector<16xi32>,
        %mul3A_587 = arith.constant 4 : i32
        %mul3A_588 = vector.broadcast %mul3A_587 : i32 to vector<16xi32>
        %mul3A_589 = arith.muli %gather3A_586, %mul3A_588 : vector<16xi32>
        %and3A_590 = arith.constant 3 : i32
        %and3A_591 = vector.broadcast %and3A_590 : i32 to vector<16xi32>
        %and3A_592 = arith.andi %add3A_581, %and3A_591 : vector<16xi32>
        %add3A_593 = arith.addi %mul3A_589, %and3A_592 : vector<16xi32>
        %mul3A_594 = arith.constant 512 : i32
        %mul3A_595 = arith.muli %and3A_98, %mul3A_594 : i32
        %add3A_596 = arith.constant 368 : i32
        %add3A_597 = arith.addi %mul3A_595, %add3A_596 : i32
        %swap3A_598 = arith.index_cast %add3A_597 : i32 to index
        %swap3A_599 = tpu.vector_load %arg15[%swap3A_598] {strides = array<i32>} : memref<1024xi32, #tpu.memory_space<vmem>>, vector<16xi32>,
        tpu.vector_store %arg15[%swap3A_598], %add3A_593 {strides = array<i32>} : memref<1024xi32, #tpu.memory_space<vmem>>, vector<16xi32>,
        %add3A_600 = arith.constant 384 : i32
        %add3A_601 = vector.broadcast %add3A_600 : i32 to vector<16xi32>
        %add3A_602 = arith.addi %add3A_601, %iota3A : vector<16xi32>
        %broadcast_in_dim3A_603 = vector.broadcast %while3A_73 : i32 to vector<16xi32>
        %shift_right_arithmetic3A_604 = arith.constant 2 : i32
        %shift_right_arithmetic3A_605 = vector.broadcast %shift_right_arithmetic3A_604 : i32 to vector<16xi32>
        %shift_right_arithmetic3A_606 = arith.shrsi %add3A_602, %shift_right_arithmetic3A_605 : vector<16xi32>
        %gather3A_607 = tpu.vector_load_idx %arg12[%broadcast_in_dim3A_603, %shift_right_arithmetic3A_606] : memref<40x128xi32, #tpu.memory_space<vmem>>[vector<16xi32>, vector<16xi32>], vector<16xi32>,
        %mul3A_608 = arith.constant 4 : i32
        %mul3A_609 = vector.broadcast %mul3A_608 : i32 to vector<16xi32>
        %mul3A_610 = arith.muli %gather3A_607, %mul3A_609 : vector<16xi32>
        %and3A_611 = arith.constant 3 : i32
        %and3A_612 = vector.broadcast %and3A_611 : i32 to vector<16xi32>
        %and3A_613 = arith.andi %add3A_602, %and3A_612 : vector<16xi32>
        %add3A_614 = arith.addi %mul3A_610, %and3A_613 : vector<16xi32>
        %mul3A_615 = arith.constant 512 : i32
        %mul3A_616 = arith.muli %and3A_98, %mul3A_615 : i32
        %add3A_617 = arith.constant 384 : i32
        %add3A_618 = arith.addi %mul3A_616, %add3A_617 : i32
        %swap3A_619 = arith.index_cast %add3A_618 : i32 to index
        %swap3A_620 = tpu.vector_load %arg15[%swap3A_619] {strides = array<i32>} : memref<1024xi32, #tpu.memory_space<vmem>>, vector<16xi32>,
        tpu.vector_store %arg15[%swap3A_619], %add3A_614 {strides = array<i32>} : memref<1024xi32, #tpu.memory_space<vmem>>, vector<16xi32>,
        %add3A_621 = arith.constant 400 : i32
        %add3A_622 = vector.broadcast %add3A_621 : i32 to vector<16xi32>
        %add3A_623 = arith.addi %add3A_622, %iota3A : vector<16xi32>
        %broadcast_in_dim3A_624 = vector.broadcast %while3A_73 : i32 to vector<16xi32>
        %shift_right_arithmetic3A_625 = arith.constant 2 : i32
        %shift_right_arithmetic3A_626 = vector.broadcast %shift_right_arithmetic3A_625 : i32 to vector<16xi32>
        %shift_right_arithmetic3A_627 = arith.shrsi %add3A_623, %shift_right_arithmetic3A_626 : vector<16xi32>
        %gather3A_628 = tpu.vector_load_idx %arg12[%broadcast_in_dim3A_624, %shift_right_arithmetic3A_627] : memref<40x128xi32, #tpu.memory_space<vmem>>[vector<16xi32>, vector<16xi32>], vector<16xi32>,
        %mul3A_629 = arith.constant 4 : i32
        %mul3A_630 = vector.broadcast %mul3A_629 : i32 to vector<16xi32>
        %mul3A_631 = arith.muli %gather3A_628, %mul3A_630 : vector<16xi32>
        %and3A_632 = arith.constant 3 : i32
        %and3A_633 = vector.broadcast %and3A_632 : i32 to vector<16xi32>
        %and3A_634 = arith.andi %add3A_623, %and3A_633 : vector<16xi32>
        %add3A_635 = arith.addi %mul3A_631, %and3A_634 : vector<16xi32>
        %mul3A_636 = arith.constant 512 : i32
        %mul3A_637 = arith.muli %and3A_98, %mul3A_636 : i32
        %add3A_638 = arith.constant 400 : i32
        %add3A_639 = arith.addi %mul3A_637, %add3A_638 : i32
        %swap3A_640 = arith.index_cast %add3A_639 : i32 to index
        %swap3A_641 = tpu.vector_load %arg15[%swap3A_640] {strides = array<i32>} : memref<1024xi32, #tpu.memory_space<vmem>>, vector<16xi32>,
        tpu.vector_store %arg15[%swap3A_640], %add3A_635 {strides = array<i32>} : memref<1024xi32, #tpu.memory_space<vmem>>, vector<16xi32>,
        %add3A_642 = arith.constant 416 : i32
        %add3A_643 = vector.broadcast %add3A_642 : i32 to vector<16xi32>
        %add3A_644 = arith.addi %add3A_643, %iota3A : vector<16xi32>
        %broadcast_in_dim3A_645 = vector.broadcast %while3A_73 : i32 to vector<16xi32>
        %shift_right_arithmetic3A_646 = arith.constant 2 : i32
        %shift_right_arithmetic3A_647 = vector.broadcast %shift_right_arithmetic3A_646 : i32 to vector<16xi32>
        %shift_right_arithmetic3A_648 = arith.shrsi %add3A_644, %shift_right_arithmetic3A_647 : vector<16xi32>
        %gather3A_649 = tpu.vector_load_idx %arg12[%broadcast_in_dim3A_645, %shift_right_arithmetic3A_648] : memref<40x128xi32, #tpu.memory_space<vmem>>[vector<16xi32>, vector<16xi32>], vector<16xi32>,
        %mul3A_650 = arith.constant 4 : i32
        %mul3A_651 = vector.broadcast %mul3A_650 : i32 to vector<16xi32>
        %mul3A_652 = arith.muli %gather3A_649, %mul3A_651 : vector<16xi32>
        %and3A_653 = arith.constant 3 : i32
        %and3A_654 = vector.broadcast %and3A_653 : i32 to vector<16xi32>
        %and3A_655 = arith.andi %add3A_644, %and3A_654 : vector<16xi32>
        %add3A_656 = arith.addi %mul3A_652, %and3A_655 : vector<16xi32>
        %mul3A_657 = arith.constant 512 : i32
        %mul3A_658 = arith.muli %and3A_98, %mul3A_657 : i32
        %add3A_659 = arith.constant 416 : i32
        %add3A_660 = arith.addi %mul3A_658, %add3A_659 : i32
        %swap3A_661 = arith.index_cast %add3A_660 : i32 to index
        %swap3A_662 = tpu.vector_load %arg15[%swap3A_661] {strides = array<i32>} : memref<1024xi32, #tpu.memory_space<vmem>>, vector<16xi32>,
        tpu.vector_store %arg15[%swap3A_661], %add3A_656 {strides = array<i32>} : memref<1024xi32, #tpu.memory_space<vmem>>, vector<16xi32>,
        %add3A_663 = arith.constant 432 : i32
        %add3A_664 = vector.broadcast %add3A_663 : i32 to vector<16xi32>
        %add3A_665 = arith.addi %add3A_664, %iota3A : vector<16xi32>
        %broadcast_in_dim3A_666 = vector.broadcast %while3A_73 : i32 to vector<16xi32>
        %shift_right_arithmetic3A_667 = arith.constant 2 : i32
        %shift_right_arithmetic3A_668 = vector.broadcast %shift_right_arithmetic3A_667 : i32 to vector<16xi32>
        %shift_right_arithmetic3A_669 = arith.shrsi %add3A_665, %shift_right_arithmetic3A_668 : vector<16xi32>
        %gather3A_670 = tpu.vector_load_idx %arg12[%broadcast_in_dim3A_666, %shift_right_arithmetic3A_669] : memref<40x128xi32, #tpu.memory_space<vmem>>[vector<16xi32>, vector<16xi32>], vector<16xi32>,
        %mul3A_671 = arith.constant 4 : i32
        %mul3A_672 = vector.broadcast %mul3A_671 : i32 to vector<16xi32>
        %mul3A_673 = arith.muli %gather3A_670, %mul3A_672 : vector<16xi32>
        %and3A_674 = arith.constant 3 : i32
        %and3A_675 = vector.broadcast %and3A_674 : i32 to vector<16xi32>
        %and3A_676 = arith.andi %add3A_665, %and3A_675 : vector<16xi32>
        %add3A_677 = arith.addi %mul3A_673, %and3A_676 : vector<16xi32>
        %mul3A_678 = arith.constant 512 : i32
        %mul3A_679 = arith.muli %and3A_98, %mul3A_678 : i32
        %add3A_680 = arith.constant 432 : i32
        %add3A_681 = arith.addi %mul3A_679, %add3A_680 : i32
        %swap3A_682 = arith.index_cast %add3A_681 : i32 to index
        %swap3A_683 = tpu.vector_load %arg15[%swap3A_682] {strides = array<i32>} : memref<1024xi32, #tpu.memory_space<vmem>>, vector<16xi32>,
        tpu.vector_store %arg15[%swap3A_682], %add3A_677 {strides = array<i32>} : memref<1024xi32, #tpu.memory_space<vmem>>, vector<16xi32>,
        %add3A_684 = arith.constant 448 : i32
        %add3A_685 = vector.broadcast %add3A_684 : i32 to vector<16xi32>
        %add3A_686 = arith.addi %add3A_685, %iota3A : vector<16xi32>
        %broadcast_in_dim3A_687 = vector.broadcast %while3A_73 : i32 to vector<16xi32>
        %shift_right_arithmetic3A_688 = arith.constant 2 : i32
        %shift_right_arithmetic3A_689 = vector.broadcast %shift_right_arithmetic3A_688 : i32 to vector<16xi32>
        %shift_right_arithmetic3A_690 = arith.shrsi %add3A_686, %shift_right_arithmetic3A_689 : vector<16xi32>
        %gather3A_691 = tpu.vector_load_idx %arg12[%broadcast_in_dim3A_687, %shift_right_arithmetic3A_690] : memref<40x128xi32, #tpu.memory_space<vmem>>[vector<16xi32>, vector<16xi32>], vector<16xi32>,
        %mul3A_692 = arith.constant 4 : i32
        %mul3A_693 = vector.broadcast %mul3A_692 : i32 to vector<16xi32>
        %mul3A_694 = arith.muli %gather3A_691, %mul3A_693 : vector<16xi32>
        %and3A_695 = arith.constant 3 : i32
        %and3A_696 = vector.broadcast %and3A_695 : i32 to vector<16xi32>
        %and3A_697 = arith.andi %add3A_686, %and3A_696 : vector<16xi32>
        %add3A_698 = arith.addi %mul3A_694, %and3A_697 : vector<16xi32>
        %mul3A_699 = arith.constant 512 : i32
        %mul3A_700 = arith.muli %and3A_98, %mul3A_699 : i32
        %add3A_701 = arith.constant 448 : i32
        %add3A_702 = arith.addi %mul3A_700, %add3A_701 : i32
        %swap3A_703 = arith.index_cast %add3A_702 : i32 to index
        %swap3A_704 = tpu.vector_load %arg15[%swap3A_703] {strides = array<i32>} : memref<1024xi32, #tpu.memory_space<vmem>>, vector<16xi32>,
        tpu.vector_store %arg15[%swap3A_703], %add3A_698 {strides = array<i32>} : memref<1024xi32, #tpu.memory_space<vmem>>, vector<16xi32>,
        %add3A_705 = arith.constant 464 : i32
        %add3A_706 = vector.broadcast %add3A_705 : i32 to vector<16xi32>
        %add3A_707 = arith.addi %add3A_706, %iota3A : vector<16xi32>
        %broadcast_in_dim3A_708 = vector.broadcast %while3A_73 : i32 to vector<16xi32>
        %shift_right_arithmetic3A_709 = arith.constant 2 : i32
        %shift_right_arithmetic3A_710 = vector.broadcast %shift_right_arithmetic3A_709 : i32 to vector<16xi32>
        %shift_right_arithmetic3A_711 = arith.shrsi %add3A_707, %shift_right_arithmetic3A_710 : vector<16xi32>
        %gather3A_712 = tpu.vector_load_idx %arg12[%broadcast_in_dim3A_708, %shift_right_arithmetic3A_711] : memref<40x128xi32, #tpu.memory_space<vmem>>[vector<16xi32>, vector<16xi32>], vector<16xi32>,
        %mul3A_713 = arith.constant 4 : i32
        %mul3A_714 = vector.broadcast %mul3A_713 : i32 to vector<16xi32>
        %mul3A_715 = arith.muli %gather3A_712, %mul3A_714 : vector<16xi32>
        %and3A_716 = arith.constant 3 : i32
        %and3A_717 = vector.broadcast %and3A_716 : i32 to vector<16xi32>
        %and3A_718 = arith.andi %add3A_707, %and3A_717 : vector<16xi32>
        %add3A_719 = arith.addi %mul3A_715, %and3A_718 : vector<16xi32>
        %mul3A_720 = arith.constant 512 : i32
        %mul3A_721 = arith.muli %and3A_98, %mul3A_720 : i32
        %add3A_722 = arith.constant 464 : i32
        %add3A_723 = arith.addi %mul3A_721, %add3A_722 : i32
        %swap3A_724 = arith.index_cast %add3A_723 : i32 to index
        %swap3A_725 = tpu.vector_load %arg15[%swap3A_724] {strides = array<i32>} : memref<1024xi32, #tpu.memory_space<vmem>>, vector<16xi32>,
        tpu.vector_store %arg15[%swap3A_724], %add3A_719 {strides = array<i32>} : memref<1024xi32, #tpu.memory_space<vmem>>, vector<16xi32>,
        %add3A_726 = arith.constant 480 : i32
        %add3A_727 = vector.broadcast %add3A_726 : i32 to vector<16xi32>
        %add3A_728 = arith.addi %add3A_727, %iota3A : vector<16xi32>
        %broadcast_in_dim3A_729 = vector.broadcast %while3A_73 : i32 to vector<16xi32>
        %shift_right_arithmetic3A_730 = arith.constant 2 : i32
        %shift_right_arithmetic3A_731 = vector.broadcast %shift_right_arithmetic3A_730 : i32 to vector<16xi32>
        %shift_right_arithmetic3A_732 = arith.shrsi %add3A_728, %shift_right_arithmetic3A_731 : vector<16xi32>
        %gather3A_733 = tpu.vector_load_idx %arg12[%broadcast_in_dim3A_729, %shift_right_arithmetic3A_732] : memref<40x128xi32, #tpu.memory_space<vmem>>[vector<16xi32>, vector<16xi32>], vector<16xi32>,
        %mul3A_734 = arith.constant 4 : i32
        %mul3A_735 = vector.broadcast %mul3A_734 : i32 to vector<16xi32>
        %mul3A_736 = arith.muli %gather3A_733, %mul3A_735 : vector<16xi32>
        %and3A_737 = arith.constant 3 : i32
        %and3A_738 = vector.broadcast %and3A_737 : i32 to vector<16xi32>
        %and3A_739 = arith.andi %add3A_728, %and3A_738 : vector<16xi32>
        %add3A_740 = arith.addi %mul3A_736, %and3A_739 : vector<16xi32>
        %mul3A_741 = arith.constant 512 : i32
        %mul3A_742 = arith.muli %and3A_98, %mul3A_741 : i32
        %add3A_743 = arith.constant 480 : i32
        %add3A_744 = arith.addi %mul3A_742, %add3A_743 : i32
        %swap3A_745 = arith.index_cast %add3A_744 : i32 to index
        %swap3A_746 = tpu.vector_load %arg15[%swap3A_745] {strides = array<i32>} : memref<1024xi32, #tpu.memory_space<vmem>>, vector<16xi32>,
        tpu.vector_store %arg15[%swap3A_745], %add3A_740 {strides = array<i32>} : memref<1024xi32, #tpu.memory_space<vmem>>, vector<16xi32>,
        %add3A_747 = arith.constant 496 : i32
        %add3A_748 = vector.broadcast %add3A_747 : i32 to vector<16xi32>
        %add3A_749 = arith.addi %add3A_748, %iota3A : vector<16xi32>
        %broadcast_in_dim3A_750 = vector.broadcast %while3A_73 : i32 to vector<16xi32>
        %shift_right_arithmetic3A_751 = arith.constant 2 : i32
        %shift_right_arithmetic3A_752 = vector.broadcast %shift_right_arithmetic3A_751 : i32 to vector<16xi32>
        %shift_right_arithmetic3A_753 = arith.shrsi %add3A_749, %shift_right_arithmetic3A_752 : vector<16xi32>
        %gather3A_754 = tpu.vector_load_idx %arg12[%broadcast_in_dim3A_750, %shift_right_arithmetic3A_753] : memref<40x128xi32, #tpu.memory_space<vmem>>[vector<16xi32>, vector<16xi32>], vector<16xi32>,
        %mul3A_755 = arith.constant 4 : i32
        %mul3A_756 = vector.broadcast %mul3A_755 : i32 to vector<16xi32>
        %mul3A_757 = arith.muli %gather3A_754, %mul3A_756 : vector<16xi32>
        %and3A_758 = arith.constant 3 : i32
        %and3A_759 = vector.broadcast %and3A_758 : i32 to vector<16xi32>
        %and3A_760 = arith.andi %add3A_749, %and3A_759 : vector<16xi32>
        %add3A_761 = arith.addi %mul3A_757, %and3A_760 : vector<16xi32>
        %mul3A_762 = arith.constant 512 : i32
        %mul3A_763 = arith.muli %and3A_98, %mul3A_762 : i32
        %add3A_764 = arith.constant 496 : i32
        %add3A_765 = arith.addi %mul3A_763, %add3A_764 : i32
        %swap3A_766 = arith.index_cast %add3A_765 : i32 to index
        %swap3A_767 = tpu.vector_load %arg15[%swap3A_766] {strides = array<i32>} : memref<1024xi32, #tpu.memory_space<vmem>>, vector<16xi32>,
        tpu.vector_store %arg15[%swap3A_766], %add3A_761 {strides = array<i32>} : memref<1024xi32, #tpu.memory_space<vmem>>, vector<16xi32>,
        %and3A_768 = arith.constant 1 : i32
        %and3A_769 = arith.andi %while3A_73, %and3A_768 : i32
        %dma_start3A = arith.constant 0 : i32
        %dma_start3A_770 = arith.constant 0 : i32
        %dma_start3A_771 = tpu.memref_slice %arg14[%and3A_769, %dma_start3A, %dma_start3A_770] : memref<2x128x128xf32, #tpu.memory_space<vmem>> -> memref<1x128x128xf32, #tpu.memory_space<vmem>>
        %dma_start3A_772 = tpu.memref_squeeze %dma_start3A_771 : memref<1x128x128xf32, #tpu.memory_space<vmem>> -> memref<128x128xf32, #tpu.memory_space<vmem>>
        %dma_start3A_773 = arith.constant 0 : i32
        %dma_start3A_774 = tpu.memref_slice %arg12[%while3A_73, %dma_start3A_773] : memref<40x128xi32, #tpu.memory_space<vmem>> -> memref<1x128xi32, #tpu.memory_space<vmem>>
        %dma_start3A_775 = tpu.memref_squeeze %dma_start3A_774 : memref<1x128xi32, #tpu.memory_space<vmem>> -> memref<128xi32, #tpu.memory_space<vmem>>
        %dma_start3A_776 = arith.constant 0 : i32
        %dma_start3A_777 = arith.constant 0 : i32
        %dma_start3A_778 = tpu.memref_slice %arg2[%dma_start3A_776, %dma_start3A_777] : memref<320000x128xf32, #tpu.memory_space<hbm>> -> memref<320000x128xf32, #tpu.memory_space<hbm>>
        %dma_start3A_779 = tpu.memref_slice %arg19[%and3A_769] : memref<2x!tpu.dma_semaphore, #tpu.memory_space<semaphore_mem>> -> memref<1x!tpu.dma_semaphore, #tpu.memory_space<semaphore_mem>>
        %dma_start3A_780 = tpu.memref_squeeze %dma_start3A_779 : memref<1x!tpu.dma_semaphore, #tpu.memory_space<semaphore_mem>> -> memref<!tpu.dma_semaphore, #tpu.memory_space<semaphore_mem>>
        tpu.enqueue_indirect_dma source(%dma_start3A_778 : memref<320000x128xf32, #tpu.memory_space<hbm>>) target(%dma_start3A_772 : memref<128x128xf32, #tpu.memory_space<vmem>>) offsets(%dma_start3A_775 : memref<128xi32, #tpu.memory_space<vmem>>) semaphore(%dma_start3A_780 : memref<!tpu.dma_semaphore, #tpu.memory_space<semaphore_mem>>)
        %mul3A_781 = arith.constant 512 : i32
        %mul3A_782 = arith.muli %and3A_769, %mul3A_781 : i32
        %mul3A_783 = arith.constant 512 : i32
        %mul3A_784 = arith.muli %and3A_769, %mul3A_783 : i32
        %dma_start3A_785 = tpu.memref_slice %arg16[%mul3A_784] : memref<1024xi32, #tpu.memory_space<vmem>> -> memref<512xi32, #tpu.memory_space<vmem>>
        %dma_start3A_786 = tpu.memref_slice %arg15[%mul3A_782] : memref<1024xi32, #tpu.memory_space<vmem>> -> memref<512xi32, #tpu.memory_space<vmem>>
        %dma_start3A_787 = arith.constant 0 : i32
        %dma_start3A_788 = tpu.memref_slice %arg3[%dma_start3A_787] : memref<1280000xi32, #tpu.memory_space<hbm>> -> memref<1280000xi32, #tpu.memory_space<hbm>>
        %dma_start3A_789 = tpu.memref_slice %arg19[%and3A_769] : memref<2x!tpu.dma_semaphore, #tpu.memory_space<semaphore_mem>> -> memref<1x!tpu.dma_semaphore, #tpu.memory_space<semaphore_mem>>
        %dma_start3A_790 = tpu.memref_squeeze %dma_start3A_789 : memref<1x!tpu.dma_semaphore, #tpu.memory_space<semaphore_mem>> -> memref<!tpu.dma_semaphore, #tpu.memory_space<semaphore_mem>>
        tpu.enqueue_indirect_dma source(%dma_start3A_788 : memref<1280000xi32, #tpu.memory_space<hbm>>) target(%dma_start3A_785 : memref<512xi32, #tpu.memory_space<vmem>>) offsets(%dma_start3A_786 : memref<512xi32, #tpu.memory_space<vmem>>) semaphore(%dma_start3A_790 : memref<!tpu.dma_semaphore, #tpu.memory_space<semaphore_mem>>)
      } else {
      }
      %while3A_96 = arith.constant 0 : i32
      scf.yield %while3A_96 : i32
    }
    %ge3A = arith.constant 2 : i32
    %ge3A_65 = arith.cmpi sge, %shift_right_arithmetic3A_6, %ge3A : i32
    %convert_element_type3A_66 = arith.extui %ge3A_65 : i1 to i32
    %cond3A = arith.constant 0 : i32
    %cond3A_67 = arith.cmpi ne, %convert_element_type3A_66, %cond3A : i32
    scf.if %cond3A_67 {
      %sub3A_73 = arith.constant 2 : i32
      %sub3A_74 = arith.subi %shift_right_arithmetic3A_6, %sub3A_73 : i32
      %and3A = arith.constant 1 : i32
      %and3A_75 = arith.andi %sub3A_74, %and3A : i32
      %mul3A_76 = arith.constant 4 : i32
      %mul3A_77 = arith.muli %and3A_75, %mul3A_76 : i32
      %add3A_78 = arith.constant 0 : i32
      %add3A_79 = arith.addi %mul3A_77, %add3A_78 : i32
      %mul3A_80 = arith.constant 128 : i32
      %mul3A_81 = arith.muli %sub3A_74, %mul3A_80 : i32
      %add3A_82 = arith.addi %mul3A_2, %mul3A_81 : i32
      %dma_wait3A = arith.constant 0 : i32
      %dma_wait3A_83 = tpu.memref_slice %arg18[%add3A_79, %dma_wait3A] : memref<8x128xi32, #tpu.memory_space<vmem>> -> memref<1x128xi32, #tpu.memory_space<vmem>>
      %dma_wait3A_84 = tpu.memref_squeeze %dma_wait3A_83 : memref<1x128xi32, #tpu.memory_space<vmem>> -> memref<128xi32, #tpu.memory_space<vmem>>
      %dma_wait3A_85 = tpu.memref_slice %arg7[%add3A_82] : memref<160000xi32, #tpu.memory_space<hbm>> -> memref<128xi32, #tpu.memory_space<hbm>>
      %dma_wait3A_86 = tpu.memref_slice %arg21[%and3A_75] : memref<2x!tpu.dma_semaphore, #tpu.memory_space<semaphore_mem>> -> memref<1x!tpu.dma_semaphore, #tpu.memory_space<semaphore_mem>>
      %dma_wait3A_87 = tpu.memref_squeeze %dma_wait3A_86 : memref<1x!tpu.dma_semaphore, #tpu.memory_space<semaphore_mem>> -> memref<!tpu.dma_semaphore, #tpu.memory_space<semaphore_mem>>
      %dma_wait3A_88 = tpu.memref_slice %arg7[%add3A_82] : memref<160000xi32, #tpu.memory_space<hbm>> -> memref<128xi32, #tpu.memory_space<hbm>>
      %dma_wait3A_89 = arith.constant 0 : i32
      %dma_wait3A_90 = tpu.memref_slice %arg18[%add3A_79, %dma_wait3A_89] : memref<8x128xi32, #tpu.memory_space<vmem>> -> memref<1x128xi32, #tpu.memory_space<vmem>>
      %dma_wait3A_91 = tpu.memref_squeeze %dma_wait3A_90 : memref<1x128xi32, #tpu.memory_space<vmem>> -> memref<128xi32, #tpu.memory_space<vmem>>
      tpu.wait_dma2 semaphore(%dma_wait3A_87 : memref<!tpu.dma_semaphore, #tpu.memory_space<semaphore_mem>>) src(%dma_wait3A_91 : memref<128xi32, #tpu.memory_space<vmem>>) dst(%dma_wait3A_88 : memref<128xi32, #tpu.memory_space<hbm>>)
      %mul3A_92 = arith.constant 4 : i32
      %mul3A_93 = arith.muli %and3A_75, %mul3A_92 : i32
      %add3A_94 = arith.constant 1 : i32
      %add3A_95 = arith.addi %mul3A_93, %add3A_94 : i32
      %mul3A_96 = arith.constant 128 : i32
      %mul3A_97 = arith.muli %sub3A_74, %mul3A_96 : i32
      %add3A_98 = arith.addi %mul3A_2, %mul3A_97 : i32
      %dma_wait3A_99 = arith.constant 0 : i32
      %dma_wait3A_100 = tpu.memref_slice %arg18[%add3A_95, %dma_wait3A_99] : memref<8x128xi32, #tpu.memory_space<vmem>> -> memref<1x128xi32, #tpu.memory_space<vmem>>
      %dma_wait3A_101 = tpu.memref_squeeze %dma_wait3A_100 : memref<1x128xi32, #tpu.memory_space<vmem>> -> memref<128xi32, #tpu.memory_space<vmem>>
      %dma_wait3A_102 = tpu.memref_slice %arg8[%add3A_98] : memref<160000xi32, #tpu.memory_space<hbm>> -> memref<128xi32, #tpu.memory_space<hbm>>
      %dma_wait3A_103 = tpu.memref_slice %arg21[%and3A_75] : memref<2x!tpu.dma_semaphore, #tpu.memory_space<semaphore_mem>> -> memref<1x!tpu.dma_semaphore, #tpu.memory_space<semaphore_mem>>
      %dma_wait3A_104 = tpu.memref_squeeze %dma_wait3A_103 : memref<1x!tpu.dma_semaphore, #tpu.memory_space<semaphore_mem>> -> memref<!tpu.dma_semaphore, #tpu.memory_space<semaphore_mem>>
      %dma_wait3A_105 = tpu.memref_slice %arg8[%add3A_98] : memref<160000xi32, #tpu.memory_space<hbm>> -> memref<128xi32, #tpu.memory_space<hbm>>
      %dma_wait3A_106 = arith.constant 0 : i32
      %dma_wait3A_107 = tpu.memref_slice %arg18[%add3A_95, %dma_wait3A_106] : memref<8x128xi32, #tpu.memory_space<vmem>> -> memref<1x128xi32, #tpu.memory_space<vmem>>
      %dma_wait3A_108 = tpu.memref_squeeze %dma_wait3A_107 : memref<1x128xi32, #tpu.memory_space<vmem>> -> memref<128xi32, #tpu.memory_space<vmem>>
      tpu.wait_dma2 semaphore(%dma_wait3A_104 : memref<!tpu.dma_semaphore, #tpu.memory_space<semaphore_mem>>) src(%dma_wait3A_108 : memref<128xi32, #tpu.memory_space<vmem>>) dst(%dma_wait3A_105 : memref<128xi32, #tpu.memory_space<hbm>>)
      %mul3A_109 = arith.constant 4 : i32
      %mul3A_110 = arith.muli %and3A_75, %mul3A_109 : i32
      %add3A_111 = arith.constant 2 : i32
      %add3A_112 = arith.addi %mul3A_110, %add3A_111 : i32
      %mul3A_113 = arith.constant 128 : i32
      %mul3A_114 = arith.muli %sub3A_74, %mul3A_113 : i32
      %add3A_115 = arith.addi %mul3A_2, %mul3A_114 : i32
      %dma_wait3A_116 = arith.constant 0 : i32
      %dma_wait3A_117 = tpu.memref_slice %arg18[%add3A_112, %dma_wait3A_116] : memref<8x128xi32, #tpu.memory_space<vmem>> -> memref<1x128xi32, #tpu.memory_space<vmem>>
      %dma_wait3A_118 = tpu.memref_squeeze %dma_wait3A_117 : memref<1x128xi32, #tpu.memory_space<vmem>> -> memref<128xi32, #tpu.memory_space<vmem>>
      %dma_wait3A_119 = tpu.memref_slice %arg9[%add3A_115] : memref<160000xi32, #tpu.memory_space<hbm>> -> memref<128xi32, #tpu.memory_space<hbm>>
      %dma_wait3A_120 = tpu.memref_slice %arg21[%and3A_75] : memref<2x!tpu.dma_semaphore, #tpu.memory_space<semaphore_mem>> -> memref<1x!tpu.dma_semaphore, #tpu.memory_space<semaphore_mem>>
      %dma_wait3A_121 = tpu.memref_squeeze %dma_wait3A_120 : memref<1x!tpu.dma_semaphore, #tpu.memory_space<semaphore_mem>> -> memref<!tpu.dma_semaphore, #tpu.memory_space<semaphore_mem>>
      %dma_wait3A_122 = tpu.memref_slice %arg9[%add3A_115] : memref<160000xi32, #tpu.memory_space<hbm>> -> memref<128xi32, #tpu.memory_space<hbm>>
      %dma_wait3A_123 = arith.constant 0 : i32
      %dma_wait3A_124 = tpu.memref_slice %arg18[%add3A_112, %dma_wait3A_123] : memref<8x128xi32, #tpu.memory_space<vmem>> -> memref<1x128xi32, #tpu.memory_space<vmem>>
      %dma_wait3A_125 = tpu.memref_squeeze %dma_wait3A_124 : memref<1x128xi32, #tpu.memory_space<vmem>> -> memref<128xi32, #tpu.memory_space<vmem>>
      tpu.wait_dma2 semaphore(%dma_wait3A_121 : memref<!tpu.dma_semaphore, #tpu.memory_space<semaphore_mem>>) src(%dma_wait3A_125 : memref<128xi32, #tpu.memory_space<vmem>>) dst(%dma_wait3A_122 : memref<128xi32, #tpu.memory_space<hbm>>)
      %mul3A_126 = arith.constant 4 : i32
      %mul3A_127 = arith.muli %and3A_75, %mul3A_126 : i32
      %add3A_128 = arith.constant 3 : i32
      %add3A_129 = arith.addi %mul3A_127, %add3A_128 : i32
      %mul3A_130 = arith.constant 128 : i32
      %mul3A_131 = arith.muli %sub3A_74, %mul3A_130 : i32
      %add3A_132 = arith.addi %mul3A_2, %mul3A_131 : i32
      %dma_wait3A_133 = arith.constant 0 : i32
      %dma_wait3A_134 = tpu.memref_slice %arg18[%add3A_129, %dma_wait3A_133] : memref<8x128xi32, #tpu.memory_space<vmem>> -> memref<1x128xi32, #tpu.memory_space<vmem>>
      %dma_wait3A_135 = tpu.memref_squeeze %dma_wait3A_134 : memref<1x128xi32, #tpu.memory_space<vmem>> -> memref<128xi32, #tpu.memory_space<vmem>>
      %dma_wait3A_136 = tpu.memref_slice %arg10[%add3A_132] : memref<160000xi32, #tpu.memory_space<hbm>> -> memref<128xi32, #tpu.memory_space<hbm>>
      %dma_wait3A_137 = tpu.memref_slice %arg21[%and3A_75] : memref<2x!tpu.dma_semaphore, #tpu.memory_space<semaphore_mem>> -> memref<1x!tpu.dma_semaphore, #tpu.memory_space<semaphore_mem>>
      %dma_wait3A_138 = tpu.memref_squeeze %dma_wait3A_137 : memref<1x!tpu.dma_semaphore, #tpu.memory_space<semaphore_mem>> -> memref<!tpu.dma_semaphore, #tpu.memory_space<semaphore_mem>>
      %dma_wait3A_139 = tpu.memref_slice %arg10[%add3A_132] : memref<160000xi32, #tpu.memory_space<hbm>> -> memref<128xi32, #tpu.memory_space<hbm>>
      %dma_wait3A_140 = arith.constant 0 : i32
      %dma_wait3A_141 = tpu.memref_slice %arg18[%add3A_129, %dma_wait3A_140] : memref<8x128xi32, #tpu.memory_space<vmem>> -> memref<1x128xi32, #tpu.memory_space<vmem>>
      %dma_wait3A_142 = tpu.memref_squeeze %dma_wait3A_141 : memref<1x128xi32, #tpu.memory_space<vmem>> -> memref<128xi32, #tpu.memory_space<vmem>>
      tpu.wait_dma2 semaphore(%dma_wait3A_138 : memref<!tpu.dma_semaphore, #tpu.memory_space<semaphore_mem>>) src(%dma_wait3A_142 : memref<128xi32, #tpu.memory_space<vmem>>) dst(%dma_wait3A_139 : memref<128xi32, #tpu.memory_space<hbm>>)
    } else {
    }
    %ge3A_68 = arith.constant 1 : i32
    %ge3A_69 = arith.cmpi sge, %shift_right_arithmetic3A_6, %ge3A_68 : i32
    %convert_element_type3A_70 = arith.extui %ge3A_69 : i1 to i32
    %cond3A_71 = arith.constant 0 : i32
    %cond3A_72 = arith.cmpi ne, %convert_element_type3A_70, %cond3A_71 : i32
    scf.if %cond3A_72 {
      %sub3A_73 = arith.constant 1 : i32
      %sub3A_74 = arith.subi %shift_right_arithmetic3A_6, %sub3A_73 : i32
      %and3A = arith.constant 1 : i32
      %and3A_75 = arith.andi %sub3A_74, %and3A : i32
      %mul3A_76 = arith.constant 4 : i32
      %mul3A_77 = arith.muli %and3A_75, %mul3A_76 : i32
      %add3A_78 = arith.constant 0 : i32
      %add3A_79 = arith.addi %mul3A_77, %add3A_78 : i32
      %mul3A_80 = arith.constant 128 : i32
      %mul3A_81 = arith.muli %sub3A_74, %mul3A_80 : i32
      %add3A_82 = arith.addi %mul3A_2, %mul3A_81 : i32
      %dma_wait3A = arith.constant 0 : i32
      %dma_wait3A_83 = tpu.memref_slice %arg18[%add3A_79, %dma_wait3A] : memref<8x128xi32, #tpu.memory_space<vmem>> -> memref<1x128xi32, #tpu.memory_space<vmem>>
      %dma_wait3A_84 = tpu.memref_squeeze %dma_wait3A_83 : memref<1x128xi32, #tpu.memory_space<vmem>> -> memref<128xi32, #tpu.memory_space<vmem>>
      %dma_wait3A_85 = tpu.memref_slice %arg7[%add3A_82] : memref<160000xi32, #tpu.memory_space<hbm>> -> memref<128xi32, #tpu.memory_space<hbm>>
      %dma_wait3A_86 = tpu.memref_slice %arg21[%and3A_75] : memref<2x!tpu.dma_semaphore, #tpu.memory_space<semaphore_mem>> -> memref<1x!tpu.dma_semaphore, #tpu.memory_space<semaphore_mem>>
      %dma_wait3A_87 = tpu.memref_squeeze %dma_wait3A_86 : memref<1x!tpu.dma_semaphore, #tpu.memory_space<semaphore_mem>> -> memref<!tpu.dma_semaphore, #tpu.memory_space<semaphore_mem>>
      %dma_wait3A_88 = tpu.memref_slice %arg7[%add3A_82] : memref<160000xi32, #tpu.memory_space<hbm>> -> memref<128xi32, #tpu.memory_space<hbm>>
      %dma_wait3A_89 = arith.constant 0 : i32
      %dma_wait3A_90 = tpu.memref_slice %arg18[%add3A_79, %dma_wait3A_89] : memref<8x128xi32, #tpu.memory_space<vmem>> -> memref<1x128xi32, #tpu.memory_space<vmem>>
      %dma_wait3A_91 = tpu.memref_squeeze %dma_wait3A_90 : memref<1x128xi32, #tpu.memory_space<vmem>> -> memref<128xi32, #tpu.memory_space<vmem>>
      tpu.wait_dma2 semaphore(%dma_wait3A_87 : memref<!tpu.dma_semaphore, #tpu.memory_space<semaphore_mem>>) src(%dma_wait3A_91 : memref<128xi32, #tpu.memory_space<vmem>>) dst(%dma_wait3A_88 : memref<128xi32, #tpu.memory_space<hbm>>)
      %mul3A_92 = arith.constant 4 : i32
      %mul3A_93 = arith.muli %and3A_75, %mul3A_92 : i32
      %add3A_94 = arith.constant 1 : i32
      %add3A_95 = arith.addi %mul3A_93, %add3A_94 : i32
      %mul3A_96 = arith.constant 128 : i32
      %mul3A_97 = arith.muli %sub3A_74, %mul3A_96 : i32
      %add3A_98 = arith.addi %mul3A_2, %mul3A_97 : i32
      %dma_wait3A_99 = arith.constant 0 : i32
      %dma_wait3A_100 = tpu.memref_slice %arg18[%add3A_95, %dma_wait3A_99] : memref<8x128xi32, #tpu.memory_space<vmem>> -> memref<1x128xi32, #tpu.memory_space<vmem>>
      %dma_wait3A_101 = tpu.memref_squeeze %dma_wait3A_100 : memref<1x128xi32, #tpu.memory_space<vmem>> -> memref<128xi32, #tpu.memory_space<vmem>>
      %dma_wait3A_102 = tpu.memref_slice %arg8[%add3A_98] : memref<160000xi32, #tpu.memory_space<hbm>> -> memref<128xi32, #tpu.memory_space<hbm>>
      %dma_wait3A_103 = tpu.memref_slice %arg21[%and3A_75] : memref<2x!tpu.dma_semaphore, #tpu.memory_space<semaphore_mem>> -> memref<1x!tpu.dma_semaphore, #tpu.memory_space<semaphore_mem>>
      %dma_wait3A_104 = tpu.memref_squeeze %dma_wait3A_103 : memref<1x!tpu.dma_semaphore, #tpu.memory_space<semaphore_mem>> -> memref<!tpu.dma_semaphore, #tpu.memory_space<semaphore_mem>>
      %dma_wait3A_105 = tpu.memref_slice %arg8[%add3A_98] : memref<160000xi32, #tpu.memory_space<hbm>> -> memref<128xi32, #tpu.memory_space<hbm>>
      %dma_wait3A_106 = arith.constant 0 : i32
      %dma_wait3A_107 = tpu.memref_slice %arg18[%add3A_95, %dma_wait3A_106] : memref<8x128xi32, #tpu.memory_space<vmem>> -> memref<1x128xi32, #tpu.memory_space<vmem>>
      %dma_wait3A_108 = tpu.memref_squeeze %dma_wait3A_107 : memref<1x128xi32, #tpu.memory_space<vmem>> -> memref<128xi32, #tpu.memory_space<vmem>>
      tpu.wait_dma2 semaphore(%dma_wait3A_104 : memref<!tpu.dma_semaphore, #tpu.memory_space<semaphore_mem>>) src(%dma_wait3A_108 : memref<128xi32, #tpu.memory_space<vmem>>) dst(%dma_wait3A_105 : memref<128xi32, #tpu.memory_space<hbm>>)
      %mul3A_109 = arith.constant 4 : i32
      %mul3A_110 = arith.muli %and3A_75, %mul3A_109 : i32
      %add3A_111 = arith.constant 2 : i32
      %add3A_112 = arith.addi %mul3A_110, %add3A_111 : i32
      %mul3A_113 = arith.constant 128 : i32
      %mul3A_114 = arith.muli %sub3A_74, %mul3A_113 : i32
      %add3A_115 = arith.addi %mul3A_2, %mul3A_114 : i32
      %dma_wait3A_116 = arith.constant 0 : i32
      %dma_wait3A_117 = tpu.memref_slice %arg18[%add3A_112, %dma_wait3A_116] : memref<8x128xi32, #tpu.memory_space<vmem>> -> memref<1x128xi32, #tpu.memory_space<vmem>>
      %dma_wait3A_118 = tpu.memref_squeeze %dma_wait3A_117 : memref<1x128xi32, #tpu.memory_space<vmem>> -> memref<128xi32, #tpu.memory_space<vmem>>
      %dma_wait3A_119 = tpu.memref_slice %arg9[%add3A_115] : memref<160000xi32, #tpu.memory_space<hbm>> -> memref<128xi32, #tpu.memory_space<hbm>>
      %dma_wait3A_120 = tpu.memref_slice %arg21[%and3A_75] : memref<2x!tpu.dma_semaphore, #tpu.memory_space<semaphore_mem>> -> memref<1x!tpu.dma_semaphore, #tpu.memory_space<semaphore_mem>>
      %dma_wait3A_121 = tpu.memref_squeeze %dma_wait3A_120 : memref<1x!tpu.dma_semaphore, #tpu.memory_space<semaphore_mem>> -> memref<!tpu.dma_semaphore, #tpu.memory_space<semaphore_mem>>
      %dma_wait3A_122 = tpu.memref_slice %arg9[%add3A_115] : memref<160000xi32, #tpu.memory_space<hbm>> -> memref<128xi32, #tpu.memory_space<hbm>>
      %dma_wait3A_123 = arith.constant 0 : i32
      %dma_wait3A_124 = tpu.memref_slice %arg18[%add3A_112, %dma_wait3A_123] : memref<8x128xi32, #tpu.memory_space<vmem>> -> memref<1x128xi32, #tpu.memory_space<vmem>>
      %dma_wait3A_125 = tpu.memref_squeeze %dma_wait3A_124 : memref<1x128xi32, #tpu.memory_space<vmem>> -> memref<128xi32, #tpu.memory_space<vmem>>
      tpu.wait_dma2 semaphore(%dma_wait3A_121 : memref<!tpu.dma_semaphore, #tpu.memory_space<semaphore_mem>>) src(%dma_wait3A_125 : memref<128xi32, #tpu.memory_space<vmem>>) dst(%dma_wait3A_122 : memref<128xi32, #tpu.memory_space<hbm>>)
      %mul3A_126 = arith.constant 4 : i32
      %mul3A_127 = arith.muli %and3A_75, %mul3A_126 : i32
      %add3A_128 = arith.constant 3 : i32
      %add3A_129 = arith.addi %mul3A_127, %add3A_128 : i32
      %mul3A_130 = arith.constant 128 : i32
      %mul3A_131 = arith.muli %sub3A_74, %mul3A_130 : i32
      %add3A_132 = arith.addi %mul3A_2, %mul3A_131 : i32
      %dma_wait3A_133 = arith.constant 0 : i32
      %dma_wait3A_134 = tpu.memref_slice %arg18[%add3A_129, %dma_wait3A_133] : memref<8x128xi32, #tpu.memory_space<vmem>> -> memref<1x128xi32, #tpu.memory_space<vmem>>
      %dma_wait3A_135 = tpu.memref_squeeze %dma_wait3A_134 : memref<1x128xi32, #tpu.memory_space<vmem>> -> memref<128xi32, #tpu.memory_space<vmem>>
      %dma_wait3A_136 = tpu.memref_slice %arg10[%add3A_132] : memref<160000xi32, #tpu.memory_space<hbm>> -> memref<128xi32, #tpu.memory_space<hbm>>
      %dma_wait3A_137 = tpu.memref_slice %arg21[%and3A_75] : memref<2x!tpu.dma_semaphore, #tpu.memory_space<semaphore_mem>> -> memref<1x!tpu.dma_semaphore, #tpu.memory_space<semaphore_mem>>
      %dma_wait3A_138 = tpu.memref_squeeze %dma_wait3A_137 : memref<1x!tpu.dma_semaphore, #tpu.memory_space<semaphore_mem>> -> memref<!tpu.dma_semaphore, #tpu.memory_space<semaphore_mem>>
      %dma_wait3A_139 = tpu.memref_slice %arg10[%add3A_132] : memref<160000xi32, #tpu.memory_space<hbm>> -> memref<128xi32, #tpu.memory_space<hbm>>
      %dma_wait3A_140 = arith.constant 0 : i32
      %dma_wait3A_141 = tpu.memref_slice %arg18[%add3A_129, %dma_wait3A_140] : memref<8x128xi32, #tpu.memory_space<vmem>> -> memref<1x128xi32, #tpu.memory_space<vmem>>
      %dma_wait3A_142 = tpu.memref_squeeze %dma_wait3A_141 : memref<1x128xi32, #tpu.memory_space<vmem>> -> memref<128xi32, #tpu.memory_space<vmem>>
      tpu.wait_dma2 semaphore(%dma_wait3A_138 : memref<!tpu.dma_semaphore, #tpu.memory_space<semaphore_mem>>) src(%dma_wait3A_142 : memref<128xi32, #tpu.memory_space<vmem>>) dst(%dma_wait3A_139 : memref<128xi32, #tpu.memory_space<hbm>>)
    } else {
    }
    return
  }
}

module attributes {stable_mosaic.version = 14 : i64} {
  func.func @_score_body(%arg0: i32, %arg1: memref<80x128x128xf32, #tpu.memory_space<vmem>>, %arg2: memref<80x128xf32, #tpu.memory_space<vmem>>) attributes {dimension_semantics = [#tpu.dimension_semantics<arbitrary>], iteration_bounds = array<i64: 32>, scalar_prefetch = 0 : i64, scratch_operands = 0 : i64, tpu.core_type = #tpu.core_type<tc>, window_params = [{transform_indices = @transform_0, window_bounds = array<i64: 80, 128, 128>}, {transform_indices = @transform_1, window_bounds = array<i64: 80, 128>}]} {
    %get3A = arith.constant 0 : index
    %get3A_0 = arith.constant 0 : index
    %get3A_1 = arith.constant 0 : index
    %get3A_2 = vector.load %arg1[%get3A, %get3A_0, %get3A_1] : memref<80x128x128xf32, #tpu.memory_space<vmem>>, vector<80x128x128xf32>
    %mul3A = arith.mulf %get3A_2, %get3A_2 : vector<80x128x128xf32>
    %reduce_sum3A = arith.constant dense<0.000000e+00> : vector<80x128xf32>
    %reduce_sum3A_3 = vector.multi_reduction <add>, %mul3A, %reduce_sum3A [2] : vector<80x128x128xf32> to vector<80x128xf32>
    %mul3A_4 = arith.constant 80 : i32
    %mul3A_5 = arith.muli %arg0, %mul3A_4 : i32
    %iota3A = tpu.iota {dimensions = array<i32: 0>} : vector<80x128xi32>
    %add3A = vector.broadcast %mul3A_5 : i32 to vector<80x128xi32>
    %add3A_6 = arith.addi %add3A, %iota3A : vector<80x128xi32>
    %lt3A = arith.constant 2500 : i32
    %lt3A_7 = vector.broadcast %lt3A : i32 to vector<80x128xi32>
    %lt3A_8 = arith.cmpi slt, %add3A_6, %lt3A_7 : vector<80x128xi32>
    %sqrt3A = math.sqrt %reduce_sum3A_3 : vector<80x128xf32>
    %jit3A = arith.constant -1.000000e+00 : f32
    %broadcast_in_dim3A = vector.broadcast %jit3A : f32 to vector<80x128xf32>
    %select_n3A = arith.select %lt3A_8, %sqrt3A, %broadcast_in_dim3A : vector<80x128xi1>, vector<80x128xf32>
    %swap3A = arith.constant 0 : index
    %swap3A_9 = arith.constant 0 : index
    %swap3A_10 = vector.load %arg2[%swap3A, %swap3A_9] : memref<80x128xf32, #tpu.memory_space<vmem>>, vector<80x128xf32>
    tpu.vector_store %arg2[%swap3A, %swap3A_9], %select_n3A {strides = array<i32>} : memref<80x128xf32, #tpu.memory_space<vmem>>, vector<80x128xf32>,
    return
  }
  func.func @transform_0(%arg0: i32) -> (i32, i32, i32) {
    %c0_i32 = arith.constant 0 : i32
    %c0_i32_0 = arith.constant 0 : i32
    %c0_i32_1 = arith.constant 0 : i32
    return %arg0, %c0_i32, %c0_i32_0 : i32, i32, i32
  }
  func.func @transform_1(%arg0: i32) -> (i32, i32) {
    %c0_i32 = arith.constant 0 : i32
    %c0_i32_0 = arith.constant 0 : i32
    return %arg0, %c0_i32 : i32, i32
  }
}

module attributes {stable_mosaic.version = 14 : i64} {
  func.func @_select_body(%arg0: i32, %arg1: memref<2560x128xf32, #tpu.memory_space<vmem>>, %arg2: memref<80x128xf32, #tpu.memory_space<vmem>>, %arg3: memref<80x128xi32, #tpu.memory_space<vmem>>, %arg4: memref<1x1x1xi32, #tpu.memory_space<smem>>, %arg5: memref<4xi32, #tpu.memory_space<smem>>) attributes {dimension_semantics = [#tpu.dimension_semantics<arbitrary>], iteration_bounds = array<i64: 32>, scalar_prefetch = 0 : i64, scratch_operands = 1 : i64, tpu.core_type = #tpu.core_type<tc>, window_params = [{pipeline_mode = #tpu.pipeline_mode<synchronous>, transform_indices = @transform_0, window_bounds = array<i64: 2560, 128>}, {transform_indices = @transform_1, window_bounds = array<i64: 80, 128>}, {transform_indices = @transform_2, window_bounds = array<i64: 80, 128>}, {transform_indices = @transform_3, window_bounds = array<i64: 1, 1, 1>}]} {
    %eq3A = arith.constant 0 : i32
    %eq3A_0 = arith.cmpi eq, %arg0, %eq3A : i32
    %convert_element_type3A = arith.extui %eq3A_0 : i1 to i32
    %cond3A = arith.constant 0 : i32
    %cond3A_1 = arith.cmpi ne, %convert_element_type3A, %cond3A : i32
    scf.if %cond3A_1 {
      %get3A_78 = arith.constant 0 : index
      %get3A_79 = arith.constant 0 : index
      %get3A_80 = vector.load %arg1[%get3A_78, %get3A_79] : memref<2560x128xf32, #tpu.memory_space<vmem>>, vector<2560x128xf32>
      %bitcast_convert_type3A_81 = tpu.bitcast %get3A_80 : vector<2560x128xf32> -> vector<2560x128xi32>
      %scan3A = arith.constant 0 : i32
      %scan3A_82 = arith.constant 0 : i32
      %scan3A_83 = arith.constant 31 : i32
      %scan3A_84 = arith.addi %scan3A_82, %scan3A_83 : i32
      %scan3A_85 = arith.constant 1 : i32
      %scan3A_86 = scf.for %scan3A_107 = %scan3A_82 to %scan3A_84 step %scan3A_85 iter_args(%scan3A_108 = %scan3A) -> (i32)  : i32 {
        %sub3A_109 = arith.constant 30 : i32
        %sub3A_110 = arith.subi %sub3A_109, %scan3A_107 : i32
        %shift_left3A = arith.constant 1 : i32
        %shift_left3A_111 = arith.shli %shift_left3A, %sub3A_110 : i32
        %or3A_112 = arith.ori %scan3A_108, %shift_left3A_111 : i32
        %ge3A = vector.broadcast %or3A_112 : i32 to vector<2560x128xi32>
        %ge3A_113 = arith.cmpi sge, %bitcast_convert_type3A_81, %ge3A : vector<2560x128xi32>
        %convert_element_type3A_114 = arith.extui %ge3A_113 : vector<2560x128xi1> to vector<2560x128xi32>
        %reduce_sum3A_115 = vector.shape_cast %convert_element_type3A_114 : vector<2560x128xi32> to vector<1x2560x128xi32>
        %reduce_sum3A_116 = arith.constant dense<0> : vector<1xi32>
        %reduce_sum3A_117 = vector.multi_reduction <add>, %reduce_sum3A_115, %reduce_sum3A_116 [1, 2] : vector<1x2560x128xi32> to vector<1xi32>
        %reduce_sum3A_118 = vector.shape_cast %reduce_sum3A_117 : vector<1xi32> to vector<1x1x1xi32>
        %reduce_sum3A_119 = vector.extract %reduce_sum3A_118[0, 0, 0] : i32 from vector<1x1x1xi32>
        %ge3A_120 = arith.constant 160000 : i32
        %ge3A_121 = arith.cmpi sge, %reduce_sum3A_119, %ge3A_120 : i32
        %select_n3A_122 = arith.select %ge3A_121, %or3A_112, %scan3A_108 : i32
        scf.yield %select_n3A_122 : i32
      }
      %scan3A_87 = arith.constant 31 : i32
      %gt3A_88 = vector.broadcast %scan3A_86 : i32 to vector<2560x128xi32>
      %gt3A_89 = arith.cmpi sgt, %bitcast_convert_type3A_81, %gt3A_88 : vector<2560x128xi32>
      %convert_element_type3A_90 = arith.extui %gt3A_89 : vector<2560x128xi1> to vector<2560x128xi32>
      %reduce_sum3A_91 = vector.shape_cast %convert_element_type3A_90 : vector<2560x128xi32> to vector<1x2560x128xi32>
      %reduce_sum3A_92 = arith.constant dense<0> : vector<1xi32>
      %reduce_sum3A_93 = vector.multi_reduction <add>, %reduce_sum3A_91, %reduce_sum3A_92 [1, 2] : vector<1x2560x128xi32> to vector<1xi32>
      %reduce_sum3A_94 = vector.shape_cast %reduce_sum3A_93 : vector<1xi32> to vector<1x1x1xi32>
      %reduce_sum3A_95 = vector.extract %reduce_sum3A_94[0, 0, 0] : i32 from vector<1x1x1xi32>
      %swap3A_96 = arith.constant 0 : index
      %swap3A_97 = memref.load %arg5[%swap3A_96] : memref<4xi32, #tpu.memory_space<smem>>
      memref.store %scan3A_86, %arg5[%swap3A_96] : memref<4xi32, #tpu.memory_space<smem>>
      %sub3A = arith.constant 160000 : i32
      %sub3A_98 = arith.subi %sub3A, %reduce_sum3A_95 : i32
      %swap3A_99 = arith.constant 1 : index
      %swap3A_100 = memref.load %arg5[%swap3A_99] : memref<4xi32, #tpu.memory_space<smem>>
      memref.store %sub3A_98, %arg5[%swap3A_99] : memref<4xi32, #tpu.memory_space<smem>>
      %swap3A_101 = arith.constant 0 : i32
      %swap3A_102 = arith.constant 2 : index
      %swap3A_103 = memref.load %arg5[%swap3A_102] : memref<4xi32, #tpu.memory_space<smem>>
      memref.store %swap3A_101, %arg5[%swap3A_102] : memref<4xi32, #tpu.memory_space<smem>>
      %swap3A_104 = arith.constant 0 : i32
      %swap3A_105 = arith.constant 3 : index
      %swap3A_106 = memref.load %arg5[%swap3A_105] : memref<4xi32, #tpu.memory_space<smem>>
      memref.store %swap3A_104, %arg5[%swap3A_105] : memref<4xi32, #tpu.memory_space<smem>>
    } else {
    }
    %get3A = arith.constant 0 : index
    %get3A_2 = memref.load %arg5[%get3A] : memref<4xi32, #tpu.memory_space<smem>>
    %get3A_3 = arith.constant 2 : index
    %get3A_4 = memref.load %arg5[%get3A_3] : memref<4xi32, #tpu.memory_space<smem>>
    %mul3A = arith.constant 0 : i32
    %mul3A_5 = arith.muli %get3A_4, %mul3A : i32
    %get3A_6 = arith.constant 1 : index
    %get3A_7 = memref.load %arg5[%get3A_6] : memref<4xi32, #tpu.memory_space<smem>>
    %add3A = arith.addi %mul3A_5, %get3A_7 : i32
    %get3A_8 = arith.constant 2 : index
    %get3A_9 = memref.load %arg5[%get3A_8] : memref<4xi32, #tpu.memory_space<smem>>
    %get3A_10 = arith.constant 3 : index
    %get3A_11 = memref.load %arg5[%get3A_10] : memref<4xi32, #tpu.memory_space<smem>>
    %get3A_12 = arith.constant 0 : index
    %get3A_13 = arith.constant 0 : index
    %get3A_14 = vector.load %arg2[%get3A_12, %get3A_13] : memref<80x128xf32, #tpu.memory_space<vmem>>, vector<80x128xf32>
    %bitcast_convert_type3A = tpu.bitcast %get3A_14 : vector<80x128xf32> -> vector<80x128xi32>
    %gt3A = vector.broadcast %get3A_2 : i32 to vector<80x128xi32>
    %gt3A_15 = arith.cmpi sgt, %bitcast_convert_type3A, %gt3A : vector<80x128xi32>
    %eq3A_16 = vector.broadcast %get3A_2 : i32 to vector<80x128xi32>
    %eq3A_17 = arith.cmpi eq, %bitcast_convert_type3A, %eq3A_16 : vector<80x128xi32>
    %iota3A = tpu.iota {dimensions = array<i32: 0>} : vector<80x80xi32>
    %iota3A_18 = tpu.iota {dimensions = array<i32: 1>} : vector<80x80xi32>
    %lt3A = arith.cmpi slt, %iota3A_18, %iota3A : vector<80x80xi32>
    %convert_element_type3A_19 = arith.extui %lt3A : vector<80x80xi1> to vector<80x80xi32>
    %convert_element_type3A_20 = arith.sitofp %convert_element_type3A_19 : vector<80x80xi32> to vector<80x80xf32>
    %iota3A_21 = tpu.iota {dimensions = array<i32: 0>} : vector<128x128xi32>
    %iota3A_22 = tpu.iota {dimensions = array<i32: 1>} : vector<128x128xi32>
    %lt3A_23 = arith.cmpi slt, %iota3A_21, %iota3A_22 : vector<128x128xi32>
    %convert_element_type3A_24 = arith.extui %lt3A_23 : vector<128x128xi1> to vector<128x128xi32>
    %convert_element_type3A_25 = arith.sitofp %convert_element_type3A_24 : vector<128x128xi32> to vector<128x128xf32>
    %broadcast_in_dim3A = arith.constant 1.000000e+00 : f32
    %broadcast_in_dim3A_26 = vector.broadcast %broadcast_in_dim3A : f32 to vector<128x128xf32>
    %convert_element_type3A_27 = arith.extui %eq3A_17 : vector<80x128xi1> to vector<80x128xi32>
    %convert_element_type3A_28 = arith.sitofp %convert_element_type3A_27 : vector<80x128xi32> to vector<80x128xf32>
    %convert_element_type3A_29 = arith.sitofp %get3A_9 : i32 to f32
    %dot_general3A = arith.constant dense<0.000000e+00> : vector<80x128xf32>
    %dot_general3A_30 = tpu.matmul %convert_element_type3A_28, %convert_element_type3A_25, %dot_general3A {dimension_numbers = #tpu.dot_dimension_numbers<[1], [0], [0], [1], [0, 0, 1, 1], [], []>, transpose_lhs_hint = false} : vector<80x128xf32>, vector<128x128xf32>, vector<80x128xf32> -> vector<80x128xf32>
    %dot_general3A_31 = arith.constant dense<0.000000e+00> : vector<80x128xf32>
    %dot_general3A_32 = tpu.matmul %convert_element_type3A_28, %broadcast_in_dim3A_26, %dot_general3A_31 {dimension_numbers = #tpu.dot_dimension_numbers<[1], [0], [0], [1], [0, 0, 1, 1], [], []>, transpose_lhs_hint = false} : vector<80x128xf32>, vector<128x128xf32>, vector<80x128xf32> -> vector<80x128xf32>
    %dot_general3A_33 = arith.constant dense<0.000000e+00> : vector<80x128xf32>
    %dot_general3A_34 = tpu.matmul %convert_element_type3A_20, %dot_general3A_32, %dot_general3A_33 {dimension_numbers = #tpu.dot_dimension_numbers<[1], [0], [0], [1], [0, 0, 1, 1], [], []>, transpose_lhs_hint = false} : vector<80x80xf32>, vector<80x128xf32>, vector<80x128xf32> -> vector<80x128xf32>
    %add3A_35 = arith.addf %dot_general3A_30, %dot_general3A_34 : vector<80x128xf32>
    %add3A_36 = vector.broadcast %convert_element_type3A_29 : f32 to vector<80x128xf32>
    %add3A_37 = arith.addf %add3A_35, %add3A_36 : vector<80x128xf32>
    %convert_element_type3A_38 = arith.sitofp %add3A : i32 to f32
    %lt3A_39 = vector.broadcast %convert_element_type3A_38 : f32 to vector<80x128xf32>
    %lt3A_40 = arith.cmpf olt, %add3A_37, %lt3A_39 : vector<80x128xf32>
    %and3A = arith.andi %eq3A_17, %lt3A_40 : vector<80x128xi1>
    %or3A = arith.ori %gt3A_15, %and3A : vector<80x128xi1>
    %convert_element_type3A_41 = arith.extui %or3A : vector<80x128xi1> to vector<80x128xi32>
    %convert_element_type3A_42 = arith.sitofp %convert_element_type3A_41 : vector<80x128xi32> to vector<80x128xf32>
    %convert_element_type3A_43 = arith.sitofp %get3A_11 : i32 to f32
    %dot_general3A_44 = arith.constant dense<0.000000e+00> : vector<80x128xf32>
    %dot_general3A_45 = tpu.matmul %convert_element_type3A_42, %convert_element_type3A_25, %dot_general3A_44 {dimension_numbers = #tpu.dot_dimension_numbers<[1], [0], [0], [1], [0, 0, 1, 1], [], []>, transpose_lhs_hint = false} : vector<80x128xf32>, vector<128x128xf32>, vector<80x128xf32> -> vector<80x128xf32>
    %dot_general3A_46 = arith.constant dense<0.000000e+00> : vector<80x128xf32>
    %dot_general3A_47 = tpu.matmul %convert_element_type3A_42, %broadcast_in_dim3A_26, %dot_general3A_46 {dimension_numbers = #tpu.dot_dimension_numbers<[1], [0], [0], [1], [0, 0, 1, 1], [], []>, transpose_lhs_hint = false} : vector<80x128xf32>, vector<128x128xf32>, vector<80x128xf32> -> vector<80x128xf32>
    %dot_general3A_48 = arith.constant dense<0.000000e+00> : vector<80x128xf32>
    %dot_general3A_49 = tpu.matmul %convert_element_type3A_20, %dot_general3A_47, %dot_general3A_48 {dimension_numbers = #tpu.dot_dimension_numbers<[1], [0], [0], [1], [0, 0, 1, 1], [], []>, transpose_lhs_hint = false} : vector<80x80xf32>, vector<80x128xf32>, vector<80x128xf32> -> vector<80x128xf32>
    %add3A_50 = arith.addf %dot_general3A_45, %dot_general3A_49 : vector<80x128xf32>
    %add3A_51 = vector.broadcast %convert_element_type3A_43 : f32 to vector<80x128xf32>
    %add3A_52 = arith.addf %add3A_50, %add3A_51 : vector<80x128xf32>
    %convert_element_type3A_53 = arith.fptosi %add3A_52 : vector<80x128xf32> to vector<80x128xi32>
    %jit3A = arith.constant -1 : i32
    %broadcast_in_dim3A_54 = vector.broadcast %jit3A : i32 to vector<80x128xi32>
    %select_n3A = arith.select %or3A, %convert_element_type3A_53, %broadcast_in_dim3A_54 : vector<80x128xi1>, vector<80x128xi32>
    %swap3A = arith.constant 0 : index
    %swap3A_55 = arith.constant 0 : index
    %swap3A_56 = vector.load %arg3[%swap3A, %swap3A_55] : memref<80x128xi32, #tpu.memory_space<vmem>>, vector<80x128xi32>
    tpu.vector_store %arg3[%swap3A, %swap3A_55], %select_n3A {strides = array<i32>} : memref<80x128xi32, #tpu.memory_space<vmem>>, vector<80x128xi32>,
    %swap3A_57 = arith.constant 0 : index
    %swap3A_58 = arith.constant 0 : index
    %swap3A_59 = arith.constant 0 : index
    %swap3A_60 = memref.load %arg4[%swap3A_57, %swap3A_58, %swap3A_59] : memref<1x1x1xi32, #tpu.memory_space<smem>>
    memref.store %get3A_11, %arg4[%swap3A_57, %swap3A_58, %swap3A_59] : memref<1x1x1xi32, #tpu.memory_space<smem>>
    %reduce_sum3A = vector.shape_cast %convert_element_type3A_28 : vector<80x128xf32> to vector<1x80x128xf32>
    %reduce_sum3A_61 = arith.constant dense<0.000000e+00> : vector<1xf32>
    %reduce_sum3A_62 = vector.multi_reduction <add>, %reduce_sum3A, %reduce_sum3A_61 [1, 2] : vector<1x80x128xf32> to vector<1xf32>
    %reduce_sum3A_63 = vector.shape_cast %reduce_sum3A_62 : vector<1xf32> to vector<1x1x1xf32>
    %reduce_sum3A_64 = vector.extract %reduce_sum3A_63[0, 0, 0] : f32 from vector<1x1x1xf32>
    %convert_element_type3A_65 = arith.fptosi %reduce_sum3A_64 : f32 to i32
    %add3A_66 = arith.addi %get3A_9, %convert_element_type3A_65 : i32
    %swap3A_67 = arith.constant 2 : index
    %swap3A_68 = memref.load %arg5[%swap3A_67] : memref<4xi32, #tpu.memory_space<smem>>
    memref.store %add3A_66, %arg5[%swap3A_67] : memref<4xi32, #tpu.memory_space<smem>>
    %reduce_sum3A_69 = vector.shape_cast %convert_element_type3A_42 : vector<80x128xf32> to vector<1x80x128xf32>
    %reduce_sum3A_70 = arith.constant dense<0.000000e+00> : vector<1xf32>
    %reduce_sum3A_71 = vector.multi_reduction <add>, %reduce_sum3A_69, %reduce_sum3A_70 [1, 2] : vector<1x80x128xf32> to vector<1xf32>
    %reduce_sum3A_72 = vector.shape_cast %reduce_sum3A_71 : vector<1xf32> to vector<1x1x1xf32>
    %reduce_sum3A_73 = vector.extract %reduce_sum3A_72[0, 0, 0] : f32 from vector<1x1x1xf32>
    %convert_element_type3A_74 = arith.fptosi %reduce_sum3A_73 : f32 to i32
    %add3A_75 = arith.addi %get3A_11, %convert_element_type3A_74 : i32
    %swap3A_76 = arith.constant 3 : index
    %swap3A_77 = memref.load %arg5[%swap3A_76] : memref<4xi32, #tpu.memory_space<smem>>
    memref.store %add3A_75, %arg5[%swap3A_76] : memref<4xi32, #tpu.memory_space<smem>>
    return
  }
  func.func @transform_0(%arg0: i32) -> (i32, i32) {
    %c0_i32 = arith.constant 0 : i32
    %c0_i32_0 = arith.constant 0 : i32
    %c0_i32_1 = arith.constant 0 : i32
    return %c0_i32, %c0_i32_0 : i32, i32
  }
  func.func @transform_1(%arg0: i32) -> (i32, i32) {
    %c0_i32 = arith.constant 0 : i32
    %c0_i32_0 = arith.constant 0 : i32
    return %arg0, %c0_i32 : i32, i32
  }
  func.func @transform_2(%arg0: i32) -> (i32, i32) {
    %c0_i32 = arith.constant 0 : i32
    %c0_i32_0 = arith.constant 0 : i32
    return %arg0, %c0_i32 : i32, i32
  }
  func.func @transform_3(%arg0: i32) -> (i32, i32, i32) {
    %c0_i32 = arith.constant 0 : i32
    %c0_i32_0 = arith.constant 0 : i32
    %c0_i32_1 = arith.constant 0 : i32
    return %arg0, %c0_i32, %c0_i32_0 : i32, i32, i32
  }
}

</mosaic_0001>

<sc_bundles>
// kernel: kernel.5.cloned.1.call-start
scs
__scs_entry_jumppad:
0x0: {  	(pc) =	sbr.rel $0x88, $3  }
0x1: {  	(tag) =	ssettag $0x0;
	lr =	simm.s32 $0x1  }
0x2: {  	[smem:$0x3F9F] =	sst lr;
	_ =	strace $0xD0000000  }
0x3: {  	_ = 	snop  }
0x4: {  	_ = 	snop  }
0x5: {  	_ = 	snop  }
0x6: {  	_ = 	snop  }
0x7: {  	_ = 	snop  }
__scs_overlays_trampoline_lowered:
0x8: {  	[smem:$0x3FAE] =	sst s0  }
0x9: {  	[smem:$0x3FAF] =	sst s1  }
0xa: {  	[smem:$0x3FB0] =	sst s2  }
0xb: {  	[smem:$0x3FB1] =	sst s3  }
0xc: {  	[smem:$0x3FB2] =	sst s4  }
0xd: {  	[smem:$0x3FB3] =	sst s5  }
0xe: {  	[smem:$0x3FB4] =	sst s6  }
0xf: {  	[smem:$0x3FB5] =	sst s7  }
0x10: {  	[smem:$0x3FB6] =	sst s8  }
0x11: {  	[smem:$0x3FB7] =	sst s9;
	s0 =	simm.s32 @!p0 $0x0  }
0x12: {  	s1 =	sld [smem:$0x3F9D];
	s0 =	simm.s32 @p0 $0x1  }
0x13: {  	[smem:$0x3FB8] =	sst s0;
	s0 =	simm.s32 @!p1 $0x0  }
0x14: {  	s2 =	sld [smem:$0x3F9C];
	s0 =	simm.s32 @p1 $0x1  }
0x15: {  	[smem:$0x3FB9] =	sst s0;
	s0 =	simm.s32 @!p2 $0x0  }
0x16: {  	s3 =	sld [smem:$0x3FDB];
	s0 =	simm.s32 @p2 $0x1  }
0x17: {  	s4 =	simm.s32 $0x1BF5;
	[smem:$0x3FBB] =	sst s0  }
0x18: {  	s0 =	sld [smem:$0x3F9E];
	_ =	swait.ge [sflag:s4], $0x0  }
0x19: {  	s7 =	sld [smem:$0x3F9F]  }
0x1a: {  	s8 =	sadd.s32 $0xFFFFE003, lr  }
0x1b: {  	s9 =	sadd.s32 $0xFFFFFEF7, lr;
	s5 =	simm.s32 $0xFFFFFFFF;
	p2 =	slt.u32 s8, $0xFFFFF086  }
0x1c: {  	p1 =	slt.u32 s9, $0xF7A;
	s5 =	simm.s32 @!p2 $0x0  }
0x1d: {  	s5 =	simm.s32 @p1 $0x1;
	p0 =	seq.s32 s7, s2  }
0x1e: {  	s7 =	smul.u32 @!p0 $0xF7A, s2;
	p2 =	seq.s32 @!p0 s5, $0x0  }
0x1f: {  	s9 =	smul.u32 $0xF7A, s1;
	s8 =	simm.s32 @!p0 $0x1BF5;
	p2 =	por !p2, p0  }
0x20: {  	[sflag:s8] =	ssyncset.s32 @!p0 $0xFFFFF086;
	s6 =	sadd.s32 @!p0 s3, s7;
	s7 =	simm.s32 @!p0 $0x108  }
0x21: {  	s3 =	sadd.s32 s3, s9;
	s6 =	sadd.s32 @!p0 $0x88, s6;
	s7 =	simm.s32 @p2 $0x1082  }
0x22: {  	[simem:s7], [sflag:s8] =	dma.local @!p0 [hbm:s6], $0xF7A  }
0x23: {  	s9 =	sor.u32 $0xD0000000, s2;
	s6 =	simm.s32 $0x108;
	_ =	swait.ge @!p0 [sflag:s8], $0x0  }
0x24: {  	s3 =	sadd.s32 $0x88, s3;
	s6 =	simm.s32 @!p1 $0x1082;
	[sflag:s4] =	ssyncset.s32 $0xFFFFF086  }
0x25: {  	[simem:s6], [sflag:s4] =	dma.local [hbm:s3], $0xF7A  }
0x26: {  	[smem:$0x3F9F] =	sst s1;
	(tag) =	ssettag s2;
	_ =	strace s9  }
0x27: {  	s1 =	sld [smem:$0x3FAF]  }
0x28: {  	s2 =	sld [smem:$0x3FB0]  }
0x29: {  	s4 =	sld [smem:$0x3FB2]  }
0x2a: {  	p0 =	seq.s32 s5, $0x0;
	s5 =	sld [smem:$0x3FB3]  }
0x2b: {  	s6 =	sld [smem:$0x3FB4]  }
0x2c: {  	s7 =	sld [smem:$0x3FB5]  }
0x2d: {  	s3 =	simm.s32 $0x108;
	s8 =	sld [smem:$0x3FB6]  }
0x2e: {  	s3 =	simm.s32 @!p0 $0x1082;
	s9 =	sld [smem:$0x3FB7]  }
0x2f: {  	lr =	sadd.s32 s0, s3;
	s0 =	sld [smem:$0x3FAE]  }
0x30: {  	s3 =	sld [smem:$0x3FB1]  }
0x31: {  	[smem:$0x3FBA] =	sst s10  }
0x32: {  	s10 =	sld [smem:$0x3FB8];
	_ =	sdelay $0x3  }
0x33: {  	p0 =	seq.s32 s10, $0x1;
	s10 =	sld [smem:$0x3FBA];
	_ =	sdelay $0x3  }
0x34: {  	[smem:$0x3FBA] =	sst s10  }
0x35: {  	s10 =	sld [smem:$0x3FB9];
	_ =	sdelay $0x3  }
0x36: {  	p1 =	seq.s32 s10, $0x1;
	s10 =	sld [smem:$0x3FBA];
	_ =	sdelay $0x3  }
0x37: {  	[smem:$0x3FBA] =	sst s10  }
0x38: {  	s10 =	sld [smem:$0x3FBB]  }
0x39: {  	_ = 	snop;
	(pc) =	sbr.ind lr, $3  }
0x3a: {  	_ = 	snop  }
0x3b: {  	_ = 	snop  }
0x3c: {  	p2 =	seq.s32 s10, $0x1;
	s10 =	sld [smem:$0x3FBA]  }
0x3d: {  	_ =	shalt  }
0x3e: {  	_ =	shalt  }
0x3f: {  	_ =	shalt  }
0x40: {  	_ =	shalt  }
0x41: {  	_ =	shalt  }
0x42: {  	_ =	shalt  }
0x43: {  	_ =	shalt  }
0x44: {  	_ =	shalt  }
0x45: {  	_ =	shalt  }
0x46: {  	_ =	shalt  }
0x47: {  	_ =	shalt  }
0x48: {  	_ =	shalt  }
0x49: {  	_ =	shalt  }
0x4a: {  	_ =	shalt  }
0x4b: {  	_ =	shalt  }
0x4c: {  	_ =	shalt  }
0x4d: {  	_ =	shalt  }
0x4e: {  	_ =	shalt  }
0x4f: {  	_ =	shalt  }
0x50: {  	_ =	shalt  }
0x51: {  	_ =	shalt  }
0x52: {  	_ =	shalt  }
0x53: {  	_ =	shalt  }
0x54: {  	_ =	shalt  }
0x55: {  	_ =	shalt  }
0x56: {  	_ =	shalt  }
0x57: {  	_ =	shalt  }
0x58: {  	_ =	shalt  }
0x59: {  	_ =	shalt  }
0x5a: {  	_ =	shalt  }
0x5b: {  	_ =	shalt  }
0x5c: {  	_ =	shalt  }
0x5d: {  	_ =	shalt  }
0x5e: {  	_ =	shalt  }
0x5f: {  	_ =	shalt  }
0x60: {  	_ =	shalt  }
0x61: {  	_ =	shalt  }
0x62: {  	_ =	shalt  }
0x63: {  	_ =	shalt  }
0x64: {  	_ =	shalt  }
0x65: {  	_ =	shalt  }
0x66: {  	_ =	shalt  }
0x67: {  	_ =	shalt  }
0x68: {  	_ =	shalt  }
0x69: {  	_ =	shalt  }
0x6a: {  	_ =	shalt  }
0x6b: {  	_ =	shalt  }
0x6c: {  	_ =	shalt  }
0x6d: {  	_ =	shalt  }
0x6e: {  	_ =	shalt  }
0x6f: {  	_ =	shalt  }
0x70: {  	_ =	shalt  }
0x71: {  	_ =	shalt  }
0x72: {  	_ =	shalt  }
0x73: {  	_ =	shalt  }
0x74: {  	_ =	shalt  }
0x75: {  	_ =	shalt  }
0x76: {  	_ =	shalt  }
0x77: {  	_ =	shalt  }
0x78: {  	_ =	shalt  }
0x79: {  	_ =	shalt  }
0x7a: {  	_ =	shalt  }
0x7b: {  	_ =	shalt  }
0x7c: {  	_ =	shalt  }
0x7d: {  	_ =	shalt  }
0x7e: {  	_ =	shalt  }
0x7f: {  	_ =	shalt  }
0x80: {  	_ =	shalt  }
0x81: {  	_ =	shalt  }
0x82: {  	_ =	shalt  }
0x83: {  	_ =	shalt  }
0x84: {  	_ =	shalt  }
0x85: {  	_ =	shalt  }
0x86: {  	_ =	shalt  }
0x87: {  	_ =	shalt  }
.Lfunc_end0:
.L_simem_size_0:
called_computation_lowered:
.L_overlay_start_0:
0x88: {  	s2 =	sld [smem:$0x3FD9]  }
0x89: {  	s3 =	sld [smem:$0x3FFE];
	_ =	sdelay $0x1  }
0x8a: {  	s1 =	srdreg.scid  }
0x8b: {  	s0 =	sand.u32 $0x1, s1  }
0x8c: {  	s14 =	sshll.u32 s0, $0xA;
	s2 =	sadd.s32 s3, s2  }
0x8d: {  	s2 =	sadd.s32 s2, s14  }
0x8e: {  	[smem:$0x3FC6] =	sst s2  }
0x8f: {  	_ = 	snop  }
0x90: {  	s2 =	sld [smem:$0x3FD0];
	_ =	sdelay $0x2  }
0x91: {  	s4 =	simm.s32 $0xA;
	s5 =	simm.s32 $0x10;
	s15 =	sld [smem:$0x3FC9]  }
0x92: {  	[smem:s5], [sflag:s4] =	dma.local [hbm:s2], $0x1  }
0x93: {  	_ =	swait.eq [sflag:s4], $0x1  }
0x94: {  	[sflag:s4] =	ssyncset.done $0x0  }
0x95: {  	s16 =	sld [smem:$0x10];
	[sflag:s4] =	ssyncadd.s32 $0xFFFFFFFF  }
0x96: {  	s17 =	sld [smem:$0x11];
	(tm) =	ssettm $0x1  }
0x97: {  	s18 =	sld [smem:$0x3FFB];
	_ =	sdelay $0x3  }
0x98: {  	_ =	strace s18  }
0x99: {  	s5 =	sld [smem:$0x3FFC];
	_ =	sdelay $0x3  }
0x9a: {  	_ =	strace s5  }
0x9b: {  	s5 =	sld [smem:$0x3FFD];
	_ =	sdelay $0x3  }
0x9c: {  	_ =	strace s5  }
0x9d: {  	_ =	strace $0x8FFFFFFF  }
0x9e: {  	s19 =	sld [smem:$0x3FDB];
	_ =	sdelay $0x1  }
0x9f: {  	s6 =	simm.s32 $_scs_section_size  }
0xa0: {  	s7 =	simm.s32 $_size__tile_overlayer_lowered;
	s8 =	simm.s32 $_tile_overlayer_lowered  }
0xa1: {  	s22 =	simm.s32 $0x1BFF;
	s21 =	sshll.u32 s8, $0x1;
	s5 =	sadd.s32 s6, s19  }
0xa2: {  	s9 =	simm.s32 $0x0;
	s20 =	sshll.u32 s7, $0x1;
	s7 =	sadd.s32 s21, s5  }
0xa3: {  	[timem:s9], [sflag:s22] =	dma.local [hbm:s7], s20  }
0xa4: {  	_ =	swait.ge [sflag:s22], s20  }
0xa5: {  	s6 =	ssub.s32 $0x0, s20;
	[sflag:s22] =	ssyncset.done $0x0  }
0xa6: {  	[sflag:s22] =	ssyncadd.s32 s6;
	_ =	sdelay $0x1  }
0xa7: {  	s23 =	simm.s32 $0x1B8B  }
0xa8: {  	_ =	swait.ge [sflag:s23], $0x1  }
0xa9: {  	[sflag:s23] =	ssyncset.done $0x0  }
0xaa: {  	s25 =	simm.s32 $0x1B8E;
	s24 =	sld [smem:$0x3FFE];
	[sflag:s23] =	ssyncadd.s32 $0xFFFFFFFF  }
0xab: {  	s26 =	simm.s32 $execute0_lowered;
	[smem:$0x3FD2] =	sst s25  }
0xac: {  	s7 =	sshll.u32 s26, $0x1;
	_ =	strace $0x80000046;
	[dreg:$0x1] =	wrdreg $0xFFFFFFFF  }
0xad: {  	s28 =	simm.s32 $_size_execute0_lowered;
	s5 =	sadd.s32 s5, s7;
	[dreg:$0x0] =	wrdreg $0x0  }
0xae: {  	s7 =	sshll.u32 s28, $0x1;
	[dreg:$0x2] =	wrdreg s5  }
0xaf: {  	[dreg:$0x3] =	wrdreg s7  }
0xb0: {  	[dreg:$0x4] =	wrdreg $0xC0  }
0xb1: {  	_ =	task [dreg:s9], $0x5FFFF  }
0xb2: {  	[dreg:$0x1] =	wrdreg $0xFFFFFFFF  }
0xb3: {  	[dreg:$0x0] =	wrdreg $0x60  }
0xb4: {  	[dreg:$0x2] =	wrdreg s15  }
0xb5: {  	[dreg:$0x3] =	wrdreg s24  }
0xb6: {  	[dreg:$0x4] =	wrdreg s17  }
0xb7: {  	[dreg:$0x5] =	wrdreg s16  }
0xb8: {  	[dreg:$0x6] =	wrdreg $0x9  }
0xb9: {  	_ =	task.clear_ibuf [dreg:s9], $0x7FFFF;
	_ =	strace $0x90000046  }
0xba: {  	s29 =	simm.s32 $0x9;
	_ =	strace $0x80000048  }
0xbb: {  	_ =	swait.ge [sflag:s29], $0x1  }
0xbc: {  	[sflag:s29] =	ssyncadd.s32 $0xFFFFFFFF  }
0xbd: {  	_ =	strace $0x90000048  }
0xbe: {  	_ =	sfence  }
0xbf: {  	s30 =	sld [smem:$0x0];
	_ =	sdelay $0x2  }
0xc0: {  	s31 =	sshll.u32 s1, $0xD;
	s1 =	sshrl.u32 s1, $0x2  }
0xc1: {  	s3 =	sand.u32 $0x4000, s31;
	s1 =	sadd.s32 s1, s30  }
0xc2: {  	s0 =	sor.u32 s3, s0;
	s1 =	sshll.u32 s1, $0x11  }
0xc3: {  	s0 =	sor.u32 s1, s0  }
0xc4: {  	s0 =	sadd.s32 $0x8F2B, s0  }
0xc5: {  	[sflag:s0] =	ssyncadd.remote.s32 $0x1  }
0xc6: {  	_ =	sfence.sel $0xFFFF  }
0xc7: {  	[dreg:$0x0] =	wrdreg $0xFFFFFFFF;
	(pc) =	sbr.abs _section_cstart, $3  }
0xc8: {  	[dreg:$0x1] =	wrdreg $0xFFFFFFFF  }
0xc9: {  	_ =	task.clear_ibuf [dreg:s9], $0x2FFFF;
	_ =	strace $0x9FFFFFFF  }
0xca: {  	(tm) =	ssettm $0x7FFFFFFF  }
0xcb: {  	_ =	shalt  }
tec
execute0_lowered:
.L_overlay_start_1:
0x0: {  	(tag) =	ssettag $0x1  }
0x1: {  	v0 =	vlaneseq.u32  }
0x2: {  	v1 =	vmul.u32 $0x4, v0;
	v7 =	vor.u32 $0x10, v0  }
0x3: {  	s0 =	srdreg.scid;
	s11 =	rddreg [dreg:$0x1];
	v10 =	vor.u32 $0x20, v0;
	v13 =	vor.u32 $0x30, v0;
	v16 =	vor.u32 $0x40, v0  }
0x4: {  	s7 =	stileid.u32;
	s3 =	simm.s32 $0x500;
	s4 =	rddreg [dreg:$0x3];
	v19 =	vor.u32 $0x50, v0;
	v22 =	vor.u32 $0x60, v0;
	v50 =	vshrl.u32 v0, $0x2  }
0x5: {  	s5 =	simm.s32 $0x0;
	s17 =	simm.s32 $0x7;
	s18 =	simm.s32 $0x2800;
	v25 =	vor.u32 $0x70, v0;
	v51 =	vand.u32 $0x3, v0;
	v52 =	vor.u32 $0x4, v50  }
0x6: {  	s19 =	simm.s32 $0xC480;
	s20 =	simm.s32 $0xC880;
	s21 =	simm.s32 $0x80;
	v53 =	vor.u32 $0x8, v50;
	v54 =	vor.u32 $0xC, v50;
	v5 =	vor.u32 $0x40, v1  }
0x7: {  	s22 =	simm.s32 $0x200;
	s23 =	simm.s32 $0x5;
	s24 =	simm.s32 $0x6;
	v8 =	vor.u32 $0x80, v1;
	v9 =	vor.u32 $0x280, v1;
	v11 =	vor.u32 $0xC0, v1  }
0x8: {  	s25 =	simm.s32 $0x0;
	s0 =	sand.u32 $0x1, s0;
	s14 =	smul.u32 $0x140000, s7;
	v12 =	vor.u32 $0x2C0, v1;
	v14 =	vor.u32 $0x100, v1;
	v15 =	vor.u32 $0x300, v1  }
0x9: {  	s1 =	sshll.u32 s7, $0x1;
	s6 =	sadd.s32 $0x4E2C00, s11;
	s16 =	smul.u32 $0x2800, s7;
	v17 =	vor.u32 $0x140, v1;
	v18 =	vor.u32 $0x340, v1;
	v20 =	vor.u32 $0x180, v1  }
0xa: {  	[smem:$0x7FF] =	sst s5;
	s8 =	sadd.s32 $0xC00, s11;
	s15 =	smul.u32 $0xA0000, s0;
	v21 =	vor.u32 $0x380, v1;
	v23 =	vor.u32 $0x1C0, v1;
	v24 =	vor.u32 $0x3C0, v1  }
0xb: {  	s1 =	sor.u32 s0, s1;
	s12 =	ssub.s32 $0x2, s0;
	s0 =	smul.u32 $0x1400, s0;
	v26 =	vor.u32 $0x1, v1;
	v27 =	vor.u32 $0x41, v1;
	v28 =	vor.u32 $0x81, v1  }
0xc: {  	s9 =	sadd.s32 $0xAE00, s11;
	s10 =	sadd.s32 $0x5E00, s11;
	s2 =	smul.u32 $0x1400, s1;
	v29 =	vor.u32 $0xC1, v1;
	v30 =	vor.u32 $0x101, v1;
	v31 =	vor.u32 $0x141, v1  }
0xd: {  	p0 =	seq.s32 s1, $0x1F;
	s1 =	rddreg [dreg:$0x0];
	v32 =	vor.u32 $0x181, v1;
	v33 =	vor.u32 $0x1C1, v1;
	s13 =	sshrl.u32 s12, $0x1;
	v34 =	vor.u32 $0x2, v1  }
0xe: {  	v35 =	vor.u32 $0x42, v1;
	v36 =	vor.u32 $0x82, v1;
	v37 =	vor.u32 $0xC2, v1;
	s3 =	simm.s32 @!p0 $0x1400;
	s13 =	ssub.s32 s12, s13;
	s31 =	sadd.s32 s15, s14  }
.Ltmp0:
0xf: {  	v38 =	vor.u32 $0x102, v1;
	v39 =	vor.u32 $0x142, v1;
	v40 =	vor.u32 $0x182, v1;
	[tilespmem:$0x1FFF0] =	vst v5;
	s0 =	sadd.s32 s0, s16;
	s28 =	sadd.s32 s2, s3;
	(pc) =	sbr.rel .LBB2_1-.Ltmp0, $4  }
0x10: {  	v41 =	vor.u32 $0x1C2, v1;
	v42 =	vor.u32 $0x3, v1;
	v2 =	vmov s2;
	s29 =	sadd.s32 $0xFFFFFFFF, s3;
	s2 =	rddreg [dreg:$0x2];
	_ =	strace $0x80000047  }
0x11: {  	v43 =	vor.u32 $0x43, v1;
	v44 =	vor.u32 $0x83, v1;
	v45 =	vor.u32 $0xC3, v1;
	[dreg:$0x5] =	wrdreg s8;
	s8 =	sadd.s32 $0xFE00, s11;
	s30 =	smax.u32 s13, $0x1  }
0x12: {  	v46 =	vor.u32 $0x103, v1;
	v47 =	vor.u32 $0x143, v1;
	v48 =	vor.u32 $0x183, v1;
	s12 =	sshrl.u32 s3, $0x7;
	s3 =	sadd.s32 $0xFFFFC000, s31;
	[dreg:$0x6] =	wrdreg s30  }
0x13: {  	v49 =	vor.u32 $0x1C3, v1;
	s11 =	sadd.s32 $0xE00, s11;
	s15 =	sadd.s32 $0xFFFFFF00, s0;
	v3 =	vmov s28;
	v4 =	vmov s29;
	[dreg:$0x7] =	wrdreg s3  }
.LBB2_12:
0x14: {  	_ =	swait.ge [sflag:s23], $0x80  }
0x15: {  	[sflag:s23] =	ssyncset.done $0x0  }
0x16: {  	[sflag:s23] =	ssyncadd.s32 $0xFFFFFF80  }
0x17: {  	_ =	swait.ge [sflag:s23], $0x80  }
0x18: {  	[sflag:s23] =	ssyncset.done $0x0  }
0x19: {  	[sflag:s23] =	ssyncadd.s32 $0xFFFFFF80  }
0x1a: {  	_ =	swait.ge [sflag:s23], $0x80  }
0x1b: {  	[sflag:s23] =	ssyncset.done $0x0  }
0x1c: {  	[sflag:s23] =	ssyncadd.s32 $0xFFFFFF80  }
0x1d: {  	_ =	swait.ge [sflag:s23], $0x80  }
0x1e: {  	[sflag:s23] =	ssyncset.done $0x0  }
0x1f: {  	[sflag:s23] =	ssyncadd.s32 $0xFFFFFF80  }
0x20: {  	_ =	swait.ge [sflag:s24], $0x80  }
0x21: {  	[sflag:s24] =	ssyncset.done $0x0  }
0x22: {  	[sflag:s24] =	ssyncadd.s32 $0xFFFFFF80  }
0x23: {  	_ =	swait.ge [sflag:s24], $0x80  }
0x24: {  	[sflag:s24] =	ssyncset.done $0x0  }
0x25: {  	[sflag:s24] =	ssyncadd.s32 $0xFFFFFF80  }
0x26: {  	_ =	swait.ge [sflag:s24], $0x80  }
0x27: {  	[sflag:s24] =	ssyncset.done $0x0  }
0x28: {  	[sflag:s24] =	ssyncadd.s32 $0xFFFFFF80  }
0x29: {  	_ =	swait.ge [sflag:s24], $0x80  }
0x2a: {  	s25 =	sadd.s32 $0x1, s25;
	s0 =	rddreg [dreg:$0x6]  }
0x2b: {  	p0 =	sne.s32 s25, s0  }
.Ltmp1:
0x2c: {  	_ = 	snop;
	(pc) =	sbr.rel @!p0 .LBB2_13-.Ltmp1, $3  }
0x2d: {  	_ =	sdelay $0x1  }
0x2e: {  	[sflag:s24] =	ssyncset.done $0x0  }
0x2f: {  	[sflag:s24] =	ssyncadd.s32 $0xFFFFFF80  }
.LBB2_1:
0x30: {  	s0 =	rddreg [dreg:$0x5];
	s3 =	simm.s32 $0x3C00  }
0x31: {  	[tilespmem:s3], [sflag:$0x7] =	stream.linear.gather [hbm4b:s0+s5], $0x80, $0x38;
	[tilespmem:$0xCC80] =	vst v63  }
0x32: {  	_ =	swait.ge [sflag:s17], $0x80  }
0x33: {  	[sflag:s17] =	ssyncset.done $0x0  }
0x34: {  	[sflag:s17] =	ssyncadd.s32 $0xFFFFFF80  }
0x35: {  	v55 =	vld [tilespmem:$0x3C00]  }
0x36: {  	v56 =	vld [tilespmem:$0x3C10];
	_ =	sdelay $0x3  }
0x37: {  	v5 =	vimm.s32 $0x0;
	vm0 =	vle.s32 v55, v2  }
0x38: {  	vm13 =	vle.s32 v56, v2;
	v57 =	vsel vm0, $0x1, v5  }
0x39: {  	vm14 =	vlt.s32 v55, v3;
	v63 =	vsel vm13, $0x1, v5;
	(xrf0) =	vadd.scan.msk.s32 $0xffff, v57  }
0x3a: {  	vm15 =	vlt.s32 v56, v3;
	v55 =	vsel vm14, $0x1, v5;
	(xrf0) =	vadd.scan.msk.s32 $0xffff, v63  }
0x3b: {  	v59 =	vsel vm15, $0x1, v5;
	(xrf0) =	vadd.scan.msk.s32 $0xffff, v55  }
0x3c: {  	(xrf0) =	vadd.scan.msk.s32 $0xffff, v59;
	_ =	sdelay $0x2  }
0x3d: {  	v60, _, _ =	vpop (xrf0)  }
0x3e: {  	v61, _, _ =	vpop (xrf0);
	(v2sf) =	vpush v60, $0xF  }
0x3f: {  	v62, _, _ =	vpop (xrf0);
	(v2sf) =	vpush v61, $0xF  }
0x40: {  	(v2sf) =	vpush v62, $0xF;
	v63, _, _ =	vpop (xrf0)  }
0x41: {  	(v2sf) =	vpush v63, $0xF;
	_ =	sdelay $0xb  }
0x42: {  	s29 =	spop (v2sf)  }
0x43: {  	s30 =	spop (v2sf)  }
0x44: {  	s26 =	spop (v2sf)  }
0x45: {  	s0 =	sadd.s32 s30, s29;
	s31 =	spop (v2sf)  }
0x46: {  	s0 =	sadd.s32 $0xFFFFFFFF, s0;
	s3 =	sadd.s32 s26, s31  }
0x47: {  	p0 =	sge.s32 s0, s3  }
.Ltmp2:
0x48: {  	_ = 	snop;
	(pc) =	sbr.rel @p0 .LBB2_6-.Ltmp2, $1  }
0x49: {  	_ =	sdelay $0x3  }
0x4a: {  	s26 =	smul.u32 $0x2800, s0  }
.LBB2_3:
0x4b: {  	s28 =	smul.u32 $0x2800, s0;
	_ =	sdelay $0x1  }
0x4c: {  	s28 =	sshrl.u32 s28, $0x3  }
0x4d: {  	s29 =	simm.s32 $0x0;
	s28 =	sadd.s32 s2, s28  }
0x4e: {  	[tilespmem:s29], [sflag:$0x7] =	stream.linear.gather [hbm4b:s28+s29], $0x2800, $0x38;
	[tilespmem:$0xCC80] =	vst v63  }
0x4f: {  	_ =	swait.ge [sflag:s17], $0x2800  }
0x50: {  	[sflag:s17] =	ssyncset.done $0x0  }
0x51: {  	s28 =	simm.s32 $0x0;
	[sflag:s17] =	ssyncadd.s32 $0xFFFFD800  }
0x52: {  	v55 =	vld [tilespmem:s28+$0x0];
	_ =	sdelay $0x4  }
0x53: {  	v56 =	vsub.s32 v55, v2  }
0x54: {  	vm0 =	vge.s32 v55, v2;
	vm1 =	vlt.s32 v55, v3;
	vm2 =	vgt.s32 v56, $0x0  }
0x55: {  	vm0 =	vmand vm0, vm1;
	v62 =	vnsel vm2, $0x0, v56  }
0x56: {  	v55 =	vmin.u32 v4, v62;
	_ =	sdelay $0x3  }
0x57: {  	v63 =	vor.u32 s26, v0  }
0x58: {  	s30 =	simm.s32 $0x10;
	s29 =	simm.s32 $0x80;
	s28 =	smov.u32 s26;
	[tilespmem:v55+s18+$0x0] =	vst.idx.msk vm0, v63  }
.LBB2_4:
0x59: {  	p0 =	sne.s32 s29, $0x9FC0;
	v55 =	vld [tilespmem:s30+$0x0];
	_ =	sdelay $0x4  }
0x5a: {  	v56 =	vsub.s32 v55, v2  }
0x5b: {  	vm0 =	vge.s32 v55, v2;
	vm1 =	vlt.s32 v55, v3;
	vm2 =	vgt.s32 v56, $0x0  }
0x5c: {  	vm0 =	vmand vm0, vm1;
	v55 =	vnsel vm2, $0x0, v56  }
0x5d: {  	v55 =	vmin.u32 v4, v55  }
.Ltmp3:
0x5e: {  	(pc) =	sbr.rel @p0 .LBB2_4-.Ltmp3, $4  }
0x5f: {  	_ = 	snop  }
0x60: {  	s28 =	sadd.s32 $0x10, s28  }
0x61: {  	v56 =	vor.u32 s28, v0  }
0x62: {  	s30 =	sshra.s32 s29, $0x2;
	s29 =	sadd.s32 $0x40, s29;
	[tilespmem:v55+s18+$0x0] =	vst.idx.msk vm0, v56  }
0x63: {  	v55 =	vld [tilespmem:s30+$0x0];
	_ =	sdelay $0x4  }
0x64: {  	v56 =	vsub.s32 v55, v2  }
0x65: {  	vm0 =	vge.s32 v55, v2;
	vm1 =	vlt.s32 v55, v3;
	vm2 =	vgt.s32 v56, $0x0  }
0x66: {  	s0 =	sadd.s32 $0x1, s0;
	vm0 =	vmand vm0, vm1;
	v62 =	vnsel vm2, $0x0, v56  }
0x67: {  	p0 =	sne.s32 s0, s3;
	v55 =	vmin.u32 v4, v62  }
.Ltmp4:
0x68: {  	_ = 	snop;
	(pc) =	sbr.rel @p0 .LBB2_3-.Ltmp4, $4  }
0x69: {  	_ = 	snop  }
0x6a: {  	s28 =	sadd.s32 $0x10, s28  }
0x6b: {  	v63 =	vor.u32 s28, v0  }
0x6c: {  	s26 =	sadd.s32 $0x2800, s26;
	[tilespmem:v55+s18+$0x0] =	vst.idx.msk vm0, v63  }
.LBB2_6:
.Ltmp5:
0x6d: {  	(pc) =	sbr.rel .LBB2_7-.Ltmp5, $3  }
0x6e: {  	_ =	sdelay $0x1  }
0x6f: {  	s26 =	simm.s32 $0xFFFFFFFE  }
0x70: {  	s28 =	simm.s32 $0x2800;
	s29 =	smov.u32 s15;
	s30 =	rddreg [dreg:$0x7]  }
.LBB2_11:
0x71: {  	p0 =	sne.s32 s12, s26  }
.Ltmp6:
0x72: {  	_ = 	snop;
	(pc) =	sbr.rel @!p0 .LBB2_12-.Ltmp6, $2  }
0x73: {  	_ =	sdelay $0x2  }
0x74: {  	s28 =	sadd.s32 $0x80, s28;
	s30 =	sadd.s32 $0x4000, s30;
	s29 =	sadd.s32 $0x80, s29  }
.LBB2_7:
0x75: {  	p0 =	sge.u32 s26, s12  }
.Ltmp7:
0x76: {  	_ = 	snop;
	(pc) =	sbr.rel @p0 .LBB2_9-.Ltmp7, $3  }
0x77: {  	_ =	sdelay $0x1  }
0x78: {  	s3 =	sadd.s32 $0x2, s26  }
0x79: {  	s31 =	sand.u32 $0x1, s3  }
0x7a: {  	s0 =	sadd.s32 $0x3, s31  }
0x7b: {  	_ =	swait.ge [sflag:s0], $0x4000  }
0x7c: {  	[sflag:s0] =	ssyncset.done $0x0  }
0x7d: {  	[sflag:s0] =	ssyncadd.s32 $0xFFFFC000  }
0x7e: {  	_ =	swait.ge [sflag:s0], $0x200  }
0x7f: {  	p0 =	slt.u32 s3, $0x4;
	[sflag:s0] =	ssyncset.done $0x0  }
0x80: {  	s16 =	sadd.s32 @!p0 $0x5, s31;
	[sflag:s0] =	ssyncadd.s32 $0xFFFFFE00  }
0x81: {  	_ =	swait.ge @!p0 [sflag:s16], $0x80  }
0x82: {  	[sflag:s16] =	ssyncset.done @!p0 $0x0  }
0x83: {  	[sflag:s16] =	ssyncadd.s32 @!p0 $0xFFFFFF80  }
0x84: {  	_ =	swait.ge @!p0 [sflag:s16], $0x80  }
0x85: {  	[sflag:s16] =	ssyncset.done @!p0 $0x0  }
0x86: {  	[sflag:s16] =	ssyncadd.s32 @!p0 $0xFFFFFF80  }
0x87: {  	s0 =	sshll.u32 s31, $0x9;
	_ =	swait.ge @!p0 [sflag:s16], $0x80  }
0x88: {  	v55 =	vor.u32 s0, v1;
	[sflag:s16] =	ssyncset.done @!p0 $0x0  }
0x89: {  	[sflag:s16] =	ssyncadd.s32 @!p0 $0xFFFFFF80  }
0x8a: {  	_ =	swait.ge @!p0 [sflag:s16], $0x80  }
0x8b: {  	[sflag:s16] =	ssyncset.done @!p0 $0x0;
	v5 =	vld [tilespmem:$0x1FFF0]  }
0x8c: {  	[sflag:s16] =	ssyncadd.s32 @!p0 $0xFFFFFF80  }
0x8d: {  	v56 =	vld.idx.msk [tilespmem:v55+s19+$0x0], $0xffff;
	_ =	sdelay $0x1  }
0x8e: {  	v57 =	vor.u32 s0, v0  }
0x8f: {  	v58 =	vor.u32 s0, v5;
	_ =	sdelay $0x1  }
0x90: {  	v55 =	vor.u32 s29, v0;
	vm0 =	vlt.s32 v56, $0x0  }
0x91: {  	v56 =	vsel vm0, v55, v56  }
0x92: {  	[tilespmem:v57+s20+$0x0] =	vst.idx.msk $0xffff, v56  }
0x93: {  	v57 =	vld.idx.msk [tilespmem:v58+s19+$0x0], $0xffff;
	_ =	sdelay $0x1  }
0x94: {  	v62 =	vor.u32 s0, v7;
	v63 =	vor.u32 s0, v8  }
0x95: {  	v59 =	vand.u32 v9, v63;
	_ =	sdelay $0x1  }
0x96: {  	v56 =	vor.u32 s29, v7;
	vm9 =	vlt.s32 v57, $0x0  }
0x97: {  	v57 =	vsel vm9, v56, v57  }
0x98: {  	[tilespmem:v62+s20+$0x0] =	vst.idx.msk $0xffff, v57  }
0x99: {  	v58 =	vld.idx.msk [tilespmem:v59+s19+$0x0], $0xffff;
	_ =	sdelay $0x1  }
0x9a: {  	v60 =	vor.u32 s0, v11;
	v59 =	vor.u32 s0, v10  }
0x9b: {  	v60 =	vand.u32 v12, v60;
	_ =	sdelay $0x1  }
0x9c: {  	v57 =	vor.u32 s29, v10;
	vm10 =	vlt.s32 v58, $0x0  }
0x9d: {  	v58 =	vsel vm10, v57, v58  }
0x9e: {  	[tilespmem:v59+s20+$0x0] =	vst.idx.msk $0xffff, v58  }
0x9f: {  	v59 =	vld.idx.msk [tilespmem:v60+s19+$0x0], $0xffff;
	_ =	sdelay $0x1  }
0xa0: {  	v61 =	vor.u32 s0, v14;
	v60 =	vor.u32 s0, v13  }
0xa1: {  	v61 =	vand.u32 v15, v61;
	_ =	sdelay $0x1  }
0xa2: {  	v58 =	vor.u32 s29, v13;
	vm11 =	vlt.s32 v59, $0x0  }
0xa3: {  	v59 =	vsel vm11, v58, v59  }
0xa4: {  	[tilespmem:v60+s20+$0x0] =	vst.idx.msk $0xffff, v59  }
0xa5: {  	v60 =	vld.idx.msk [tilespmem:v61+s19+$0x0], $0xffff;
	_ =	sdelay $0x1  }
0xa6: {  	v62 =	vor.u32 s0, v17;
	v61 =	vor.u32 s0, v16  }
0xa7: {  	v62 =	vand.u32 v18, v62;
	_ =	sdelay $0x1  }
0xa8: {  	v59 =	vor.u32 s29, v16;
	vm12 =	vlt.s32 v60, $0x0  }
0xa9: {  	v60 =	vsel vm12, v59, v60  }
0xaa: {  	[tilespmem:v61+s20+$0x0] =	vst.idx.msk $0xffff, v60  }
0xab: {  	v61 =	vld.idx.msk [tilespmem:v62+s19+$0x0], $0xffff;
	_ =	sdelay $0x1  }
0xac: {  	v60 =	vor.u32 s0, v20;
	v62 =	vor.u32 s0, v19  }
0xad: {  	v63 =	vand.u32 v21, v60;
	_ =	sdelay $0x1  }
0xae: {  	v60 =	vor.u32 s29, v19;
	vm13 =	vlt.s32 v61, $0x0  }
0xaf: {  	v61 =	vsel vm13, v60, v61  }
0xb0: {  	[tilespmem:v62+s20+$0x0] =	vst.idx.msk $0xffff, v61  }
0xb1: {  	v62 =	vld.idx.msk [tilespmem:v63+s19+$0x0], $0xffff;
	_ =	sdelay $0x1  }
0xb2: {  	v61 =	vor.u32 s0, v23;
	v63 =	vor.u32 s0, v22  }
0xb3: {  	v5 =	vand.u32 v24, v61;
	_ =	sdelay $0x1  }
0xb4: {  	v61 =	vor.u32 s29, v22;
	vm14 =	vlt.s32 v62, $0x0  }
0xb5: {  	v62 =	vsel vm14, v61, v62  }
0xb6: {  	[tilespmem:v63+s20+$0x0] =	vst.idx.msk $0xffff, v62  }
0xb7: {  	v5 =	vld.idx.msk [tilespmem:v5+s19+$0x0], $0xffff;
	_ =	sdelay $0x1  }
0xb8: {  	v63 =	vor.u32 s0, v25  }
0xb9: {  	v6 =	vor.u32 s0, v26;
	_ =	sdelay $0x1  }
0xba: {  	v62 =	vor.u32 s29, v25;
	vm15 =	vlt.s32 v5, $0x0  }
0xbb: {  	v5 =	vsel vm15, v62, v5  }
0xbc: {  	[tilespmem:v63+s20+$0x0] =	vst.idx.msk $0xffff, v5  }
0xbd: {  	v5 =	vld.idx.msk [tilespmem:v6+s19+$0x0], $0xffff  }
0xbe: {  	s7 =	sor.u32 $0x80, s0  }
0xbf: {  	v6 =	vor.u32 s7, v0  }
0xc0: {  	v63 =	vor.u32 s0, v27;
	_ =	sdelay $0x1  }
0xc1: {  	vm4 =	vlt.s32 v5, $0x0  }
0xc2: {  	v5 =	vsel vm4, v55, v5  }
0xc3: {  	[tilespmem:v6+s20+$0x0] =	vst.idx.msk $0xffff, v5  }
0xc4: {  	v5 =	vld.idx.msk [tilespmem:v63+s19+$0x0], $0xffff;
	_ =	sdelay $0x1  }
0xc5: {  	v6 =	vor.u32 s7, v7  }
0xc6: {  	v63 =	vor.u32 s0, v28;
	_ =	sdelay $0x1  }
0xc7: {  	vm5 =	vlt.s32 v5, $0x0  }
0xc8: {  	v5 =	vsel vm5, v56, v5  }
0xc9: {  	[tilespmem:v6+s20+$0x0] =	vst.idx.msk $0xffff, v5  }
0xca: {  	v5 =	vld.idx.msk [tilespmem:v63+s19+$0x0], $0xffff;
	_ =	sdelay $0x1  }
0xcb: {  	v6 =	vor.u32 s7, v10  }
0xcc: {  	v63 =	vor.u32 s0, v29;
	_ =	sdelay $0x1  }
0xcd: {  	vm6 =	vlt.s32 v5, $0x0  }
0xce: {  	v5 =	vsel vm6, v57, v5  }
0xcf: {  	[tilespmem:v6+s20+$0x0] =	vst.idx.msk $0xffff, v5  }
0xd0: {  	v5 =	vld.idx.msk [tilespmem:v63+s19+$0x0], $0xffff;
	_ =	sdelay $0x1  }
0xd1: {  	v6 =	vor.u32 s7, v13  }
0xd2: {  	v63 =	vor.u32 s0, v30;
	_ =	sdelay $0x1  }
0xd3: {  	vm7 =	vlt.s32 v5, $0x0  }
0xd4: {  	v5 =	vsel vm7, v58, v5  }
0xd5: {  	[tilespmem:v6+s20+$0x0] =	vst.idx.msk $0xffff, v5  }
0xd6: {  	v5 =	vld.idx.msk [tilespmem:v63+s19+$0x0], $0xffff;
	_ =	sdelay $0x1  }
0xd7: {  	v6 =	vor.u32 s7, v16  }
0xd8: {  	v63 =	vor.u32 s0, v31;
	_ =	sdelay $0x1  }
0xd9: {  	vm8 =	vlt.s32 v5, $0x0  }
0xda: {  	v5 =	vsel vm8, v59, v5  }
0xdb: {  	[tilespmem:v6+s20+$0x0] =	vst.idx.msk $0xffff, v5  }
0xdc: {  	v5 =	vld.idx.msk [tilespmem:v63+s19+$0x0], $0xffff;
	_ =	sdelay $0x1  }
0xdd: {  	v6 =	vor.u32 s7, v19  }
0xde: {  	v63 =	vor.u32 s0, v32;
	_ =	sdelay $0x1  }
0xdf: {  	vm9 =	vlt.s32 v5, $0x0  }
0xe0: {  	v5 =	vsel vm9, v60, v5  }
0xe1: {  	[tilespmem:v6+s20+$0x0] =	vst.idx.msk $0xffff, v5  }
0xe2: {  	v5 =	vld.idx.msk [tilespmem:v63+s19+$0x0], $0xffff;
	_ =	sdelay $0x1  }
0xe3: {  	v6 =	vor.u32 s7, v22  }
0xe4: {  	v63 =	vor.u32 s0, v33;
	_ =	sdelay $0x1  }
0xe5: {  	vm10 =	vlt.s32 v5, $0x0  }
0xe6: {  	v5 =	vsel vm10, v61, v5  }
0xe7: {  	[tilespmem:v6+s20+$0x0] =	vst.idx.msk $0xffff, v5  }
0xe8: {  	v5 =	vld.idx.msk [tilespmem:v63+s19+$0x0], $0xffff;
	_ =	sdelay $0x1  }
0xe9: {  	v6 =	vor.u32 s7, v25  }
0xea: {  	v63 =	vor.u32 s0, v34;
	_ =	sdelay $0x1  }
0xeb: {  	vm11 =	vlt.s32 v5, $0x0  }
0xec: {  	v5 =	vsel vm11, v62, v5  }
0xed: {  	[tilespmem:v6+s20+$0x0] =	vst.idx.msk $0xffff, v5  }
0xee: {  	v5 =	vld.idx.msk [tilespmem:v63+s19+$0x0], $0xffff  }
0xef: {  	s13 =	sor.u32 $0x100, s0  }
0xf0: {  	v6 =	vor.u32 s13, v0  }
0xf1: {  	v63 =	vor.u32 s0, v35;
	_ =	sdelay $0x1  }
0xf2: {  	vm12 =	vlt.s32 v5, $0x0  }
0xf3: {  	v5 =	vsel vm12, v55, v5  }
0xf4: {  	[tilespmem:v6+s20+$0x0] =	vst.idx.msk $0xffff, v5  }
0xf5: {  	v5 =	vld.idx.msk [tilespmem:v63+s19+$0x0], $0xffff;
	_ =	sdelay $0x1  }
0xf6: {  	v6 =	vor.u32 s13, v7  }
0xf7: {  	v63 =	vor.u32 s0, v36;
	_ =	sdelay $0x1  }
0xf8: {  	vm13 =	vlt.s32 v5, $0x0  }
0xf9: {  	v5 =	vsel vm13, v56, v5  }
0xfa: {  	[tilespmem:v6+s20+$0x0] =	vst.idx.msk $0xffff, v5  }
0xfb: {  	v5 =	vld.idx.msk [tilespmem:v63+s19+$0x0], $0xffff;
	_ =	sdelay $0x1  }
0xfc: {  	v6 =	vor.u32 s13, v10  }
0xfd: {  	v63 =	vor.u32 s0, v37;
	_ =	sdelay $0x1  }
0xfe: {  	vm14 =	vlt.s32 v5, $0x0  }
0xff: {  	v5 =	vsel vm14, v57, v5  }
0x100: {  	[tilespmem:v6+s20+$0x0] =	vst.idx.msk $0xffff, v5  }
0x101: {  	v5 =	vld.idx.msk [tilespmem:v63+s19+$0x0], $0xffff;
	_ =	sdelay $0x1  }
0x102: {  	v6 =	vor.u32 s13, v13  }
0x103: {  	v63 =	vor.u32 s0, v38;
	_ =	sdelay $0x1  }
0x104: {  	vm15 =	vlt.s32 v5, $0x0  }
0x105: {  	v5 =	vsel vm15, v58, v5  }
0x106: {  	[tilespmem:v6+s20+$0x0] =	vst.idx.msk $0xffff, v5  }
0x107: {  	v5 =	vld.idx.msk [tilespmem:v63+s19+$0x0], $0xffff;
	_ =	sdelay $0x1  }
0x108: {  	v6 =	vor.u32 s13, v16  }
0x109: {  	v63 =	vor.u32 s0, v39;
	_ =	sdelay $0x1  }
0x10a: {  	vm4 =	vlt.s32 v5, $0x0  }
0x10b: {  	v5 =	vsel vm4, v59, v5  }
0x10c: {  	[tilespmem:v6+s20+$0x0] =	vst.idx.msk $0xffff, v5  }
0x10d: {  	v5 =	vld.idx.msk [tilespmem:v63+s19+$0x0], $0xffff;
	_ =	sdelay $0x1  }
0x10e: {  	v6 =	vor.u32 s13, v19  }
0x10f: {  	v63 =	vor.u32 s0, v40;
	_ =	sdelay $0x1  }
0x110: {  	vm5 =	vlt.s32 v5, $0x0  }
0x111: {  	v5 =	vsel vm5, v60, v5  }
0x112: {  	[tilespmem:v6+s20+$0x0] =	vst.idx.msk $0xffff, v5  }
0x113: {  	v5 =	vld.idx.msk [tilespmem:v63+s19+$0x0], $0xffff;
	_ =	sdelay $0x1  }
0x114: {  	v6 =	vor.u32 s13, v22  }
0x115: {  	v63 =	vor.u32 s0, v41;
	_ =	sdelay $0x1  }
0x116: {  	vm6 =	vlt.s32 v5, $0x0  }
0x117: {  	v5 =	vsel vm6, v61, v5  }
0x118: {  	[tilespmem:v6+s20+$0x0] =	vst.idx.msk $0xffff, v5  }
0x119: {  	v5 =	vld.idx.msk [tilespmem:v63+s19+$0x0], $0xffff;
	_ =	sdelay $0x1  }
0x11a: {  	v6 =	vor.u32 s13, v25  }
0x11b: {  	v63 =	vor.u32 s0, v42;
	_ =	sdelay $0x1  }
0x11c: {  	vm7 =	vlt.s32 v5, $0x0  }
0x11d: {  	v5 =	vsel vm7, v62, v5  }
0x11e: {  	[tilespmem:v6+s20+$0x0] =	vst.idx.msk $0xffff, v5  }
0x11f: {  	v5 =	vld.idx.msk [tilespmem:v63+s19+$0x0], $0xffff  }
0x120: {  	s14 =	sor.u32 $0x180, s0  }
0x121: {  	v6 =	vor.u32 s14, v0  }
0x122: {  	v63 =	vor.u32 s0, v43;
	_ =	sdelay $0x1  }
0x123: {  	vm8 =	vlt.s32 v5, $0x0  }
0x124: {  	v5 =	vsel vm8, v55, v5  }
0x125: {  	[tilespmem:v6+s20+$0x0] =	vst.idx.msk $0xffff, v5  }
0x126: {  	v5 =	vld.idx.msk [tilespmem:v63+s19+$0x0], $0xffff;
	_ =	sdelay $0x1  }
0x127: {  	v6 =	vor.u32 s14, v7  }
0x128: {  	v63 =	vor.u32 s0, v44;
	_ =	sdelay $0x1  }
0x129: {  	vm9 =	vlt.s32 v5, $0x0  }
0x12a: {  	v5 =	vsel vm9, v56, v5  }
0x12b: {  	[tilespmem:v6+s20+$0x0] =	vst.idx.msk $0xffff, v5  }
0x12c: {  	v5 =	vld.idx.msk [tilespmem:v63+s19+$0x0], $0xffff;
	_ =	sdelay $0x1  }
0x12d: {  	v6 =	vor.u32 s14, v10  }
0x12e: {  	v63 =	vor.u32 s0, v45;
	_ =	sdelay $0x1  }
0x12f: {  	vm10 =	vlt.s32 v5, $0x0  }
0x130: {  	v5 =	vsel vm10, v57, v5  }
0x131: {  	[tilespmem:v6+s20+$0x0] =	vst.idx.msk $0xffff, v5  }
0x132: {  	v5 =	vld.idx.msk [tilespmem:v63+s19+$0x0], $0xffff;
	_ =	sdelay $0x1  }
0x133: {  	v6 =	vor.u32 s14, v13  }
0x134: {  	v57 =	vor.u32 s0, v46;
	_ =	sdelay $0x1  }
0x135: {  	vm11 =	vlt.s32 v5, $0x0  }
0x136: {  	v5 =	vsel vm11, v58, v5  }
0x137: {  	[tilespmem:v6+s20+$0x0] =	vst.idx.msk $0xffff, v5  }
0x138: {  	v5 =	vld.idx.msk [tilespmem:v57+s19+$0x0], $0xffff;
	_ =	sdelay $0x1  }
0x139: {  	v6 =	vor.u32 s14, v16  }
0x13a: {  	v58 =	vor.u32 s0, v47;
	_ =	sdelay $0x1  }
0x13b: {  	vm12 =	vlt.s32 v5, $0x0  }
0x13c: {  	v5 =	vsel vm12, v59, v5  }
0x13d: {  	[tilespmem:v6+s20+$0x0] =	vst.idx.msk $0xffff, v5  }
0x13e: {  	v5 =	vld.idx.msk [tilespmem:v58+s19+$0x0], $0xffff;
	_ =	sdelay $0x1  }
0x13f: {  	v6 =	vor.u32 s14, v19  }
0x140: {  	v59 =	vor.u32 s0, v48;
	_ =	sdelay $0x1  }
0x141: {  	vm13 =	vlt.s32 v5, $0x0  }
0x142: {  	v5 =	vsel vm13, v60, v5  }
0x143: {  	[tilespmem:v6+s20+$0x0] =	vst.idx.msk $0xffff, v5  }
0x144: {  	v5 =	vld.idx.msk [tilespmem:v59+s19+$0x0], $0xffff;
	_ =	sdelay $0x1  }
0x145: {  	v6 =	vor.u32 s14, v22  }
0x146: {  	v63 =	vor.u32 s0, v49;
	_ =	sdelay $0x1  }
0x147: {  	vm14 =	vlt.s32 v5, $0x0  }
0x148: {  	v5 =	vsel vm14, v61, v5  }
0x149: {  	[tilespmem:v6+s20+$0x0] =	vst.idx.msk $0xffff, v5  }
0x14a: {  	v5 =	vld.idx.msk [tilespmem:v63+s19+$0x0], $0xffff;
	_ =	sdelay $0x1  }
0x14b: {  	v6 =	vor.u32 s14, v25;
	_ =	sdelay $0x2  }
0x14c: {  	vm15 =	vlt.s32 v5, $0x0  }
0x14d: {  	s16 =	sshrl.u32 s29, $0x3;
	v5 =	vsel vm15, v62, v5  }
0x14e: {  	s7 =	sadd.s32 $0x5, s31;
	s13 =	sadd.s32 s8, s16;
	s14 =	sor.u32 $0xC880, s0;
	[tilespmem:v6+s20+$0x0] =	vst.idx.msk $0xffff, v5  }
0x14f: {  	[hbm4b:s13+s5] =	stream.linear.scatter [tilespmem:s14], [sflag:s7], $0x80, $0x38;
	[tilespmem:$0xCC80] =	vst v63  }
0x150: {  	s13 =	sadd.s32 s9, s16;
	s14 =	sor.u32 $0xC900, s0  }
0x151: {  	[hbm4b:s13+s5] =	stream.linear.scatter [tilespmem:s14], [sflag:s7], $0x80, $0x38;
	[tilespmem:$0xCC80] =	vst v63  }
0x152: {  	s13 =	sadd.s32 s10, s16;
	s14 =	sor.u32 $0xC980, s0  }
0x153: {  	[hbm4b:s13+s5] =	stream.linear.scatter [tilespmem:s14], [sflag:s7], $0x80, $0x38;
	[tilespmem:$0xCC80] =	vst v63  }
0x154: {  	s16 =	sadd.s32 s11, s16;
	s0 =	sadd.s32 $0xCA00, s0  }
0x155: {  	[hbm4b:s16+s5] =	stream.linear.scatter [tilespmem:s0], [sflag:s7], $0x80, $0x38;
	[tilespmem:$0xCC80] =	vst v63  }
.LBB2_9:
0x156: {  	s26 =	sadd.s32 $0x1, s26  }
0x157: {  	p0 =	sge.u32 s26, s12  }
0x158: {  	s0 =	sand.u32 @!p0 $0x1, s26  }
0x159: {  	s7 =	sadd.s32 @!p0 $0x1, s0  }
0x15a: {  	_ =	swait.ge @!p0 [sflag:s7], $0x4000  }
0x15b: {  	[sflag:s7] =	ssyncset.done @!p0 $0x0  }
0x15c: {  	[sflag:s7] =	ssyncadd.s32 @!p0 $0xFFFFC000  }
0x15d: {  	_ =	swait.ge @!p0 [sflag:s7], $0x200  }
0x15e: {  	s16 =	simm.s32 @!p0 $0x0;
	s13 =	sshll.u32 @!p0 s0, $0xE;
	[sflag:s7] =	ssyncset.done @!p0 $0x0  }
0x15f: {  	[sflag:s7] =	ssyncadd.s32 @!p0 $0xFFFFFE00;
	s7 =	sor.u32 @!p0 $0x3C80, s13;
	s13 =	sshrl.u32 @!p0 s30, $0x3  }
0x160: {  	s14 =	sadd.s32 @!p0 $0x3, s0;
	s0 =	sshll.u32 @!p0 s0, $0x9;
	s13 =	sadd.s32 @!p0 s4, s13  }
0x161: {  	[hbm4b:s13+s16] =	stream.linear.scatter @!p0 [tilespmem:s7], [sflag:s14], $0x4000, $0x38;
	[tilespmem:$0xCC80] =	vst v63  }
0x162: {  	s7 =	sor.u32 @!p0 $0xC480, s0;
	s0 =	sor.u32 @!p0 $0xC080, s0;
	s13 =	simm.s32 @!p0 $0x200  }
0x163: {  	[tilespmem:s7], [sflag:s14] =	stream.indirect.gather @!p0 [hbm4b:s2+s13], $0x1, s0, s13, $0xb8;
	[tilespmem:$0xCC80] =	vst v63  }
0x164: {  	p0 =	sge.u32 s3, s12  }
.Ltmp8:
0x165: {  	_ = 	snop;
	(pc) =	sbr.rel @p0 .LBB2_11-.Ltmp8, $1  }
0x166: {  	_ =	sdelay $0x3  }
0x167: {  	s3 =	sshll.u32 s3, $0x7  }
0x168: {  	v5 =	vor.u32 s3, v50;
	_ =	sdelay $0x4  }
0x169: {  	v5 =	vld.idx.msk [tilespmem:v5+s18+$0x0], $0xffff;
	_ =	sdelay $0x2  }
0x16a: {  	v6 =	vor.u32 s3, v52;
	_ =	sdelay $0x1  }
0x16b: {  	v5 =	vshll.u32 v5, $0x2  }
0x16c: {  	s0 =	sshll.u32 s31, $0x9;
	v5 =	vor.u32 v51, v5  }
0x16d: {  	[tilespmem:s0+$0xBC80] =	vst v5  }
0x16e: {  	v5 =	vld.idx.msk [tilespmem:v6+s18+$0x0], $0xffff;
	_ =	sdelay $0x2  }
0x16f: {  	v6 =	vor.u32 s3, v53;
	_ =	sdelay $0x1  }
0x170: {  	v5 =	vshll.u32 v5, $0x2  }
0x171: {  	v5 =	vor.u32 v51, v5  }
0x172: {  	[tilespmem:s0+$0xBC90] =	vst v5  }
0x173: {  	v5 =	vld.idx.msk [tilespmem:v6+s18+$0x0], $0xffff;
	_ =	sdelay $0x2  }
0x174: {  	v6 =	vor.u32 s3, v54;
	_ =	sdelay $0x1  }
0x175: {  	v5 =	vshll.u32 v5, $0x2  }
0x176: {  	v5 =	vor.u32 v51, v5  }
0x177: {  	[tilespmem:s0+$0xBCA0] =	vst v5  }
0x178: {  	v5 =	vld.idx.msk [tilespmem:v6+s18+$0x0], $0xffff;
	_ =	sdelay $0x1  }
0x179: {  	v6 =	vor.u32 $0x10, v50  }
0x17a: {  	v6 =	vor.u32 s3, v6;
	_ =	sdelay $0x1  }
0x17b: {  	v5 =	vshll.u32 v5, $0x2  }
0x17c: {  	v5 =	vor.u32 v51, v5  }
0x17d: {  	[tilespmem:s0+$0xBCB0] =	vst v5  }
0x17e: {  	v5 =	vld.idx.msk [tilespmem:v6+s18+$0x0], $0xffff;
	_ =	sdelay $0x1  }
0x17f: {  	v6 =	vor.u32 $0x14, v50  }
0x180: {  	v6 =	vor.u32 s3, v6;
	_ =	sdelay $0x1  }
0x181: {  	v5 =	vshll.u32 v5, $0x2  }
0x182: {  	v5 =	vor.u32 v51, v5  }
0x183: {  	[tilespmem:s0+$0xBCC0] =	vst v5  }
0x184: {  	v5 =	vld.idx.msk [tilespmem:v6+s18+$0x0], $0xffff;
	_ =	sdelay $0x1  }
0x185: {  	v6 =	vor.u32 $0x18, v50  }
0x186: {  	v6 =	vor.u32 s3, v6;
	_ =	sdelay $0x1  }
0x187: {  	v5 =	vshll.u32 v5, $0x2  }
0x188: {  	v5 =	vor.u32 v51, v5  }
0x189: {  	[tilespmem:s0+$0xBCD0] =	vst v5  }
0x18a: {  	v5 =	vld.idx.msk [tilespmem:v6+s18+$0x0], $0xffff;
	_ =	sdelay $0x1  }
0x18b: {  	v6 =	vor.u32 $0x1C, v50  }
0x18c: {  	v6 =	vor.u32 s3, v6;
	_ =	sdelay $0x1  }
0x18d: {  	v5 =	vshll.u32 v5, $0x2  }
0x18e: {  	v5 =	vor.u32 v51, v5  }
0x18f: {  	[tilespmem:s0+$0xBCE0] =	vst v5  }
0x190: {  	v5 =	vld.idx.msk [tilespmem:v6+s18+$0x0], $0xffff;
	_ =	sdelay $0x1  }
0x191: {  	v6 =	vor.u32 $0x20, v50  }
0x192: {  	v6 =	vor.u32 s3, v6;
	_ =	sdelay $0x1  }
0x193: {  	v5 =	vshll.u32 v5, $0x2  }
0x194: {  	v5 =	vor.u32 v51, v5  }
0x195: {  	[tilespmem:s0+$0xBCF0] =	vst v5  }
0x196: {  	v5 =	vld.idx.msk [tilespmem:v6+s18+$0x0], $0xffff;
	_ =	sdelay $0x1  }
0x197: {  	v6 =	vor.u32 $0x24, v50  }
0x198: {  	v6 =	vor.u32 s3, v6;
	_ =	sdelay $0x1  }
0x199: {  	v5 =	vshll.u32 v5, $0x2  }
0x19a: {  	v5 =	vor.u32 v51, v5  }
0x19b: {  	[tilespmem:s0+$0xBD00] =	vst v5  }
0x19c: {  	v5 =	vld.idx.msk [tilespmem:v6+s18+$0x0], $0xffff;
	_ =	sdelay $0x1  }
0x19d: {  	v6 =	vor.u32 $0x28, v50  }
0x19e: {  	v6 =	vor.u32 s3, v6;
	_ =	sdelay $0x1  }
0x19f: {  	v5 =	vshll.u32 v5, $0x2  }
0x1a0: {  	v5 =	vor.u32 v51, v5  }
0x1a1: {  	[tilespmem:s0+$0xBD10] =	vst v5  }
0x1a2: {  	v5 =	vld.idx.msk [tilespmem:v6+s18+$0x0], $0xffff;
	_ =	sdelay $0x1  }
0x1a3: {  	v6 =	vor.u32 $0x2C, v50  }
0x1a4: {  	v6 =	vor.u32 s3, v6;
	_ =	sdelay $0x1  }
0x1a5: {  	v5 =	vshll.u32 v5, $0x2  }
0x1a6: {  	v5 =	vor.u32 v51, v5  }
0x1a7: {  	[tilespmem:s0+$0xBD20] =	vst v5  }
0x1a8: {  	v5 =	vld.idx.msk [tilespmem:v6+s18+$0x0], $0xffff;
	_ =	sdelay $0x1  }
0x1a9: {  	v6 =	vor.u32 $0x30, v50  }
0x1aa: {  	v6 =	vor.u32 s3, v6;
	_ =	sdelay $0x1  }
0x1ab: {  	v5 =	vshll.u32 v5, $0x2  }
0x1ac: {  	v5 =	vor.u32 v51, v5  }
0x1ad: {  	[tilespmem:s0+$0xBD30] =	vst v5  }
0x1ae: {  	v5 =	vld.idx.msk [tilespmem:v6+s18+$0x0], $0xffff;
	_ =	sdelay $0x1  }
0x1af: {  	v6 =	vor.u32 $0x34, v50  }
0x1b0: {  	v6 =	vor.u32 s3, v6;
	_ =	sdelay $0x1  }
0x1b1: {  	v5 =	vshll.u32 v5, $0x2  }
0x1b2: {  	v5 =	vor.u32 v51, v5  }
0x1b3: {  	[tilespmem:s0+$0xBD40] =	vst v5  }
0x1b4: {  	v5 =	vld.idx.msk [tilespmem:v6+s18+$0x0], $0xffff;
	_ =	sdelay $0x1  }
0x1b5: {  	v6 =	vor.u32 $0x38, v50  }
0x1b6: {  	v6 =	vor.u32 s3, v6;
	_ =	sdelay $0x1  }
0x1b7: {  	v5 =	vshll.u32 v5, $0x2  }
0x1b8: {  	v5 =	vor.u32 v51, v5  }
0x1b9: {  	[tilespmem:s0+$0xBD50] =	vst v5  }
0x1ba: {  	v5 =	vld.idx.msk [tilespmem:v6+s18+$0x0], $0xffff;
	_ =	sdelay $0x1  }
0x1bb: {  	v6 =	vor.u32 $0x3C, v50  }
0x1bc: {  	v6 =	vor.u32 s3, v6;
	_ =	sdelay $0x1  }
0x1bd: {  	v5 =	vshll.u32 v5, $0x2  }
0x1be: {  	v5 =	vor.u32 v51, v5  }
0x1bf: {  	[tilespmem:s0+$0xBD60] =	vst v5  }
0x1c0: {  	v5 =	vld.idx.msk [tilespmem:v6+s18+$0x0], $0xffff;
	_ =	sdelay $0x1  }
0x1c1: {  	v6 =	vor.u32 $0x40, v50  }
0x1c2: {  	v6 =	vor.u32 s3, v6;
	_ =	sdelay $0x1  }
0x1c3: {  	v5 =	vshll.u32 v5, $0x2  }
0x1c4: {  	v5 =	vor.u32 v51, v5  }
0x1c5: {  	[tilespmem:s0+$0xBD70] =	vst v5  }
0x1c6: {  	v5 =	vld.idx.msk [tilespmem:v6+s18+$0x0], $0xffff;
	_ =	sdelay $0x1  }
0x1c7: {  	v6 =	vor.u32 $0x44, v50  }
0x1c8: {  	v6 =	vor.u32 s3, v6;
	_ =	sdelay $0x1  }
0x1c9: {  	v5 =	vshll.u32 v5, $0x2  }
0x1ca: {  	v5 =	vor.u32 v51, v5  }
0x1cb: {  	[tilespmem:s0+$0xBD80] =	vst v5  }
0x1cc: {  	v5 =	vld.idx.msk [tilespmem:v6+s18+$0x0], $0xffff;
	_ =	sdelay $0x1  }
0x1cd: {  	v6 =	vor.u32 $0x48, v50  }
0x1ce: {  	v6 =	vor.u32 s3, v6;
	_ =	sdelay $0x1  }
0x1cf: {  	v5 =	vshll.u32 v5, $0x2  }
0x1d0: {  	v5 =	vor.u32 v51, v5  }
0x1d1: {  	[tilespmem:s0+$0xBD90] =	vst v5  }
0x1d2: {  	v5 =	vld.idx.msk [tilespmem:v6+s18+$0x0], $0xffff;
	_ =	sdelay $0x1  }
0x1d3: {  	v6 =	vor.u32 $0x4C, v50  }
0x1d4: {  	v6 =	vor.u32 s3, v6;
	_ =	sdelay $0x1  }
0x1d5: {  	v5 =	vshll.u32 v5, $0x2  }
0x1d6: {  	v5 =	vor.u32 v51, v5  }
0x1d7: {  	[tilespmem:s0+$0xBDA0] =	vst v5  }
0x1d8: {  	v5 =	vld.idx.msk [tilespmem:v6+s18+$0x0], $0xffff;
	_ =	sdelay $0x1  }
0x1d9: {  	v6 =	vor.u32 $0x50, v50  }
0x1da: {  	v6 =	vor.u32 s3, v6;
	_ =	sdelay $0x1  }
0x1db: {  	v5 =	vshll.u32 v5, $0x2  }
0x1dc: {  	v5 =	vor.u32 v51, v5  }
0x1dd: {  	[tilespmem:s0+$0xBDB0] =	vst v5  }
0x1de: {  	v5 =	vld.idx.msk [tilespmem:v6+s18+$0x0], $0xffff;
	_ =	sdelay $0x1  }
0x1df: {  	v6 =	vor.u32 $0x54, v50  }
0x1e0: {  	v6 =	vor.u32 s3, v6;
	_ =	sdelay $0x1  }
0x1e1: {  	v5 =	vshll.u32 v5, $0x2  }
0x1e2: {  	v5 =	vor.u32 v51, v5  }
0x1e3: {  	[tilespmem:s0+$0xBDC0] =	vst v5  }
0x1e4: {  	v5 =	vld.idx.msk [tilespmem:v6+s18+$0x0], $0xffff;
	_ =	sdelay $0x1  }
0x1e5: {  	v6 =	vor.u32 $0x58, v50  }
0x1e6: {  	v6 =	vor.u32 s3, v6;
	_ =	sdelay $0x1  }
0x1e7: {  	v5 =	vshll.u32 v5, $0x2  }
0x1e8: {  	v5 =	vor.u32 v51, v5  }
0x1e9: {  	[tilespmem:s0+$0xBDD0] =	vst v5  }
0x1ea: {  	v5 =	vld.idx.msk [tilespmem:v6+s18+$0x0], $0xffff;
	_ =	sdelay $0x1  }
0x1eb: {  	v6 =	vor.u32 $0x5C, v50  }
0x1ec: {  	v6 =	vor.u32 s3, v6;
	_ =	sdelay $0x1  }
0x1ed: {  	v5 =	vshll.u32 v5, $0x2  }
0x1ee: {  	v5 =	vor.u32 v51, v5  }
0x1ef: {  	[tilespmem:s0+$0xBDE0] =	vst v5  }
0x1f0: {  	v5 =	vld.idx.msk [tilespmem:v6+s18+$0x0], $0xffff;
	_ =	sdelay $0x1  }
0x1f1: {  	v6 =	vor.u32 $0x60, v50  }
0x1f2: {  	v6 =	vor.u32 s3, v6;
	_ =	sdelay $0x1  }
0x1f3: {  	v5 =	vshll.u32 v5, $0x2  }
0x1f4: {  	v5 =	vor.u32 v51, v5  }
0x1f5: {  	[tilespmem:s0+$0xBDF0] =	vst v5  }
0x1f6: {  	v5 =	vld.idx.msk [tilespmem:v6+s18+$0x0], $0xffff;
	_ =	sdelay $0x1  }
0x1f7: {  	v6 =	vor.u32 $0x64, v50  }
0x1f8: {  	v6 =	vor.u32 s3, v6;
	_ =	sdelay $0x1  }
0x1f9: {  	v5 =	vshll.u32 v5, $0x2  }
0x1fa: {  	v5 =	vor.u32 v51, v5  }
0x1fb: {  	[tilespmem:s0+$0xBE00] =	vst v5  }
0x1fc: {  	v5 =	vld.idx.msk [tilespmem:v6+s18+$0x0], $0xffff;
	_ =	sdelay $0x1  }
0x1fd: {  	v6 =	vor.u32 $0x68, v50  }
0x1fe: {  	v6 =	vor.u32 s3, v6;
	_ =	sdelay $0x1  }
0x1ff: {  	v5 =	vshll.u32 v5, $0x2  }
0x200: {  	v5 =	vor.u32 v51, v5  }
0x201: {  	[tilespmem:s0+$0xBE10] =	vst v5  }
0x202: {  	v5 =	vld.idx.msk [tilespmem:v6+s18+$0x0], $0xffff;
	_ =	sdelay $0x1  }
0x203: {  	v6 =	vor.u32 $0x6C, v50  }
0x204: {  	v6 =	vor.u32 s3, v6;
	_ =	sdelay $0x1  }
0x205: {  	v5 =	vshll.u32 v5, $0x2  }
0x206: {  	v5 =	vor.u32 v51, v5  }
0x207: {  	[tilespmem:s0+$0xBE20] =	vst v5  }
0x208: {  	v5 =	vld.idx.msk [tilespmem:v6+s18+$0x0], $0xffff;
	_ =	sdelay $0x1  }
0x209: {  	v6 =	vor.u32 $0x70, v50  }
0x20a: {  	v6 =	vor.u32 s3, v6;
	_ =	sdelay $0x1  }
0x20b: {  	v5 =	vshll.u32 v5, $0x2  }
0x20c: {  	v5 =	vor.u32 v51, v5  }
0x20d: {  	[tilespmem:s0+$0xBE30] =	vst v5  }
0x20e: {  	v5 =	vld.idx.msk [tilespmem:v6+s18+$0x0], $0xffff;
	_ =	sdelay $0x1  }
0x20f: {  	v6 =	vor.u32 $0x74, v50  }
0x210: {  	v6 =	vor.u32 s3, v6;
	_ =	sdelay $0x1  }
0x211: {  	v5 =	vshll.u32 v5, $0x2  }
0x212: {  	v5 =	vor.u32 v51, v5  }
0x213: {  	[tilespmem:s0+$0xBE40] =	vst v5  }
0x214: {  	v5 =	vld.idx.msk [tilespmem:v6+s18+$0x0], $0xffff;
	_ =	sdelay $0x1  }
0x215: {  	v6 =	vor.u32 $0x78, v50  }
0x216: {  	v6 =	vor.u32 s3, v6;
	_ =	sdelay $0x1  }
0x217: {  	v5 =	vshll.u32 v5, $0x2  }
0x218: {  	v5 =	vor.u32 v51, v5  }
0x219: {  	[tilespmem:s0+$0xBE50] =	vst v5  }
0x21a: {  	v5 =	vld.idx.msk [tilespmem:v6+s18+$0x0], $0xffff;
	_ =	sdelay $0x1  }
0x21b: {  	v6 =	vor.u32 $0x7C, v50  }
0x21c: {  	v6 =	vor.u32 s3, v6;
	_ =	sdelay $0x1  }
0x21d: {  	v5 =	vshll.u32 v5, $0x2  }
0x21e: {  	v5 =	vor.u32 v51, v5  }
0x21f: {  	[tilespmem:s0+$0xBE60] =	vst v5  }
0x220: {  	v5 =	vld.idx.msk [tilespmem:v6+s18+$0x0], $0xffff;
	_ =	sdelay $0x4  }
0x221: {  	v5 =	vshll.u32 v5, $0x2  }
.Ltmp9:
0x222: {  	s16 =	sshll.u32 s31, $0xE;
	v5 =	vor.u32 v51, v5;
	(pc) =	sbr.rel .LBB2_11-.Ltmp9, $4  }
0x223: {  	s7 =	sadd.s32 $0x1, s31;
	s3 =	sor.u32 $0x3C80, s16;
	[tilespmem:s0+$0xBE70] =	vst v5  }
0x224: {  	[tilespmem:s3], [sflag:s7] =	stream.indirect.gather [hbm4b:s1+s21], $0x80, s28, s21, $0xb8;
	[tilespmem:$0xCC80] =	vst v63  }
0x225: {  	s31 =	sor.u32 $0xBC80, s0;
	s0 =	sor.u32 $0xC080, s0  }
0x226: {  	[tilespmem:s0], [sflag:s7] =	stream.indirect.gather [hbm4b:s6+s22], $0x1, s31, s22, $0xb8;
	[tilespmem:$0xCC80] =	vst v63  }
.LBB2_13:
0x227: {  	_ =	sfence.sel $0x180000  }
0x228: {  	[bflag:$0x0] =	sbarrier.arrive $0xFFFF  }
0x229: {  	_ =	strace $0x90000047  }
0x22a: {  	s0 =	stileid.u32;
	[bflag:$0x2] =	sbarrier.arrive $0xFFFF  }
0x22b: {  	p0 =	sne.s32 s0, $0x0;
	s0 =	rddreg [dreg:$0x4]  }
0x22c: {  	s0 =	sadd.s32 @!p0 $0x100000, s0  }
0x22d: {  	[sflag:s0] =	ssyncadd.tile.s32 @!p0 $0x1;
	_ =	shalt  }
.Lfunc_end2:
_tile_overlayer_lowered:
.L_overlay_start_2:
0x22e: {  	(tag) =	ssettag $0x2  }
0x22f: {  	s0 =	rddreg [dreg:$0x0];
	s2 =	stileid.u32  }
0x230: {  	s1 =	rddreg [dreg:$0x1];
	p0 =	sne.s32 s2, $0x0  }
0x231: {  	s3 =	rddreg [dreg:$0x2];
	[bflag:$0x3] =	sbarrier.arrive $0xFFFF;
	s2 =	simm.s32 @!p0 $0x1C07  }
0x232: {  	[timem:s3], [sflag:s2] =	dma.local @!p0 [hbm:s0], s1  }
0x233: {  	s0 =	simm.s32 @!p0 $0x7  }
0x234: {  	_ =	swait.ge @!p0 [sflag:s0], s1  }
0x235: {  	s1 =	ssub.s32 @!p0 $0x0, s1;
	[sflag:s0] =	ssyncset.done @!p0 $0x0  }
0x236: {  	[sflag:s0] =	ssyncadd.s32 @!p0 s1  }
0x237: {  	[bflag:$0x3] =	sbarrier.arrive $0xFFFF  }
0x238: {  	_ =	shalt  }

</sc_bundles>
